<compile_context>
chip_gen: v7x
topology: tpu7x:2x2x1
jax: 0.10.2.dev20260603
libtpu: 0.0.44.dev20260713+nightly
codegen_flags: <defaults>
</compile_context>

<pallas_src>
import functools

import numpy as np

import jax
import jax.numpy as jnp
from jax import lax
from jax.experimental import pallas as pl
from jax.experimental.pallas import tpu as pltpu
from jax.experimental.pallas import tpu_sc as plsc

N = 10000
E = 320000
NFEAT = 128
NHID = 64
NCLASS = 16

NC = 2
NS = 16
NW = NC * NS
CH = 128
GPW = 80
D = 8
PRE = 16
CHR = GPW + D // 2
NREAL = E // CH
LASTW = NREAL - (NW - 1) * GPW
NPADC = CHR - LASTW
NPAD = 10112
RPT = NPAD // NS
SRPT = N // NS
FH = 32
GF = 160
CHRF = GF + D // 2
LASTF = NREAL - (NS - 1) * GF

_PAD_NP = np.stack([
    (np.arange(NPADC * CH, dtype=np.int32) * 997) % N,
    N + (np.arange(NPADC * CH, dtype=np.int32) % 8),
]).reshape(2, NPADC, CH)

_ZERO_NP = np.zeros((NPAD, NHID), np.float32)


def _make_spmm(feat):
    mesh = plsc.VectorSubcoreMesh(core_axis_name="c", subcore_axis_name="s")

    @functools.partial(
        pl.kernel,
        mesh=mesh,
        out_type=jax.ShapeDtypeStruct((NC, NPAD, feat), jnp.float32),
        scratch_types=[
            pltpu.VMEM((CHR, CH), jnp.int32),
            pltpu.VMEM((CHR, CH), jnp.int32),
            pltpu.VMEM((D, CH, feat), jnp.float32),
            pltpu.VMEM_SHARED((NPAD, feat), jnp.float32),
            pltpu.VMEM_SHARED((N, feat), jnp.float32),
        ] + [pltpu.SemaphoreType.DMA] * (2 * D + 2),
        compiler_params=pltpu.CompilerParams(use_tc_tiling_on_sc=False),
    )
    def spmm(sup_hbm, adj2_hbm, padc_hbm, zero_hbm, out_hbm,
             src_v, dst_v, rows_v, acc_sh, sup_sh, *sems):
        gsems = sems[:D]
        ssems = sems[D:2 * D]
        isems = sems[2 * D:]
        c = lax.axis_index("c")
        s = lax.axis_index("s")
        w = s * NC + c
        first = w * GPW

        zrow = s * RPT
        srow = s * SRPT
        pltpu.async_copy(zero_hbm.at[pl.ds(zrow, RPT), pl.ds(0, feat)],
                         acc_sh.at[pl.ds(zrow, RPT)], ssems[0])
        pltpu.async_copy(sup_hbm.at[pl.ds(srow, SRPT)],
                         sup_sh.at[pl.ds(srow, SRPT)], ssems[1])

        pltpu.sync_copy(adj2_hbm.at[0, pl.ds(first, PRE)],
                        src_v.at[pl.ds(0, PRE)])
        pltpu.sync_copy(adj2_hbm.at[1, pl.ds(first, PRE)],
                        dst_v.at[pl.ds(0, PRE)])

        @pl.when(w < NW - 1)
        def _stage():
            pltpu.async_copy(adj2_hbm.at[0, pl.ds(first + PRE, CHR - PRE)],
                             src_v.at[pl.ds(PRE, CHR - PRE)], isems[0])
            pltpu.async_copy(adj2_hbm.at[1, pl.ds(first + PRE, CHR - PRE)],
                             dst_v.at[pl.ds(PRE, CHR - PRE)], isems[1])

        @pl.when(w == NW - 1)
        def _stage_last():
            pltpu.async_copy(adj2_hbm.at[0, pl.ds(first + PRE, LASTW - PRE)],
                             src_v.at[pl.ds(PRE, LASTW - PRE)], isems[0])
            pltpu.async_copy(adj2_hbm.at[1, pl.ds(first + PRE, LASTW - PRE)],
                             dst_v.at[pl.ds(PRE, LASTW - PRE)], isems[1])
            pltpu.async_copy(padc_hbm.at[0], src_v.at[pl.ds(LASTW, NPADC)],
                             isems[0])
            pltpu.async_copy(padc_hbm.at[1], dst_v.at[pl.ds(LASTW, NPADC)],
                             isems[1])

        pltpu.make_async_copy(zero_hbm.at[pl.ds(zrow, RPT), pl.ds(0, feat)],
                              acc_sh.at[pl.ds(zrow, RPT)], ssems[0]).wait()
        pltpu.make_async_copy(sup_hbm.at[pl.ds(srow, SRPT)],
                              sup_sh.at[pl.ds(srow, SRPT)], ssems[1]).wait()
        plsc.subcore_barrier()

        def fire_g(i, b):
            pltpu.async_copy(sup_sh.at[src_v.at[i]], rows_v.at[b], gsems[b])

        def wait_g(b):
            pltpu.make_async_copy(sup_sh.at[src_v.at[0]], rows_v.at[b],
                                  gsems[b]).wait()

        def fire_s(i, b):
            pltpu.async_copy(rows_v.at[b], acc_sh.at[dst_v.at[i]], ssems[b],
                             add=True)

        def wait_s(b):
            pltpu.make_async_copy(rows_v.at[b], acc_sh.at[dst_v.at[0]],
                                  ssems[b]).wait()

        for i in range(4):
            fire_g(i, i)
        for i in range(4):
            wait_g(i)
            fire_s(i, i)
            fire_g(i + 4, i + 4)
        for i in range(4, 8):
            wait_g(i)
            fire_s(i, i)
            wait_s(i - 4)
            fire_g(i + 4, i - 4)

        @pl.when(w < NW - 1)
        def _wait_stage():
            pltpu.make_async_copy(
                adj2_hbm.at[0, pl.ds(first + PRE, CHR - PRE)],
                src_v.at[pl.ds(PRE, CHR - PRE)], isems[0]).wait()
            pltpu.make_async_copy(
                adj2_hbm.at[1, pl.ds(first + PRE, CHR - PRE)],
                dst_v.at[pl.ds(PRE, CHR - PRE)], isems[1]).wait()

        @pl.when(w == NW - 1)
        def _wait_stage_last():
            pltpu.make_async_copy(
                adj2_hbm.at[0, pl.ds(first + PRE, LASTW - PRE)],
                src_v.at[pl.ds(PRE, LASTW - PRE)], isems[0]).wait()
            pltpu.make_async_copy(
                adj2_hbm.at[1, pl.ds(first + PRE, LASTW - PRE)],
                dst_v.at[pl.ds(PRE, LASTW - PRE)], isems[1]).wait()
            pltpu.make_async_copy(padc_hbm.at[0],
                                  src_v.at[pl.ds(LASTW, NPADC)],
                                  isems[0]).wait()
            pltpu.make_async_copy(padc_hbm.at[1],
                                  dst_v.at[pl.ds(LASTW, NPADC)],
                                  isems[1]).wait()

        def body(j, carry):
            for k in range(D):
                i = D * j + D + k
                wait_g(k)
                fire_s(i, k)
                wait_s((k + 4) % D)
                fire_g(i + 4, (k + 4) % D)
            return carry

        lax.fori_loop(0, (GPW - D) // D, body, 0)
        for b in range(4):
            wait_g(b)
        for b in range(4, 8):
            wait_s(b)
        plsc.subcore_barrier()

        pltpu.sync_copy(acc_sh.at[pl.ds(zrow, RPT)],
                        out_hbm.at[c].at[pl.ds(zrow, RPT)])

    return spmm


def _make_spmm_fsplit():
    mesh = plsc.VectorSubcoreMesh(core_axis_name="c", subcore_axis_name="s")

    @functools.partial(
        pl.kernel,
        mesh=mesh,
        out_type=jax.ShapeDtypeStruct((NC, NPAD, FH), jnp.float32),
        scratch_types=[
            pltpu.VMEM((CHRF, CH), jnp.int32),
            pltpu.VMEM((CHRF, CH), jnp.int32),
            pltpu.VMEM((D, CH, FH), jnp.float32),
            pltpu.VMEM_SHARED((NPAD, FH), jnp.float32),
            pltpu.VMEM_SHARED((N, FH), jnp.float32),
        ] + [pltpu.SemaphoreType.DMA] * (2 * D + 2),
        compiler_params=pltpu.CompilerParams(use_tc_tiling_on_sc=False),
    )
    def spmm(sup_hbm, adj2_hbm, padc_hbm, zero_hbm, out_hbm,
             src_v, dst_v, rows_v, acc_sh, sup_sh, *sems):
        gsems = sems[:D]
        ssems = sems[D:2 * D]
        isems = sems[2 * D:]
        c = lax.axis_index("c")
        s = lax.axis_index("s")
        first = s * GF

        zrow = s * RPT
        srow = s * SRPT
        pltpu.async_copy(zero_hbm.at[pl.ds(zrow, RPT), pl.ds(0, FH)],
                         acc_sh.at[pl.ds(zrow, RPT)], ssems[0])
        pltpu.async_copy(sup_hbm.at[pl.ds(srow, SRPT), pl.ds(c * FH, FH)],
                         sup_sh.at[pl.ds(srow, SRPT)], ssems[1])

        pltpu.sync_copy(adj2_hbm.at[0, pl.ds(first, PRE)],
                        src_v.at[pl.ds(0, PRE)])
        pltpu.sync_copy(adj2_hbm.at[1, pl.ds(first, PRE)],
                        dst_v.at[pl.ds(0, PRE)])

        @pl.when(s < NS - 1)
        def _stage():
            pltpu.async_copy(adj2_hbm.at[0, pl.ds(first + PRE, CHRF - PRE)],
                             src_v.at[pl.ds(PRE, CHRF - PRE)], isems[0])
            pltpu.async_copy(adj2_hbm.at[1, pl.ds(first + PRE, CHRF - PRE)],
                             dst_v.at[pl.ds(PRE, CHRF - PRE)], isems[1])

        @pl.when(s == NS - 1)
        def _stage_last():
            pltpu.async_copy(adj2_hbm.at[0, pl.ds(first + PRE, LASTF - PRE)],
                             src_v.at[pl.ds(PRE, LASTF - PRE)], isems[0])
            pltpu.async_copy(adj2_hbm.at[1, pl.ds(first + PRE, LASTF - PRE)],
                             dst_v.at[pl.ds(PRE, LASTF - PRE)], isems[1])
            pltpu.async_copy(padc_hbm.at[0], src_v.at[pl.ds(LASTF, NPADC)],
                             isems[0])
            pltpu.async_copy(padc_hbm.at[1], dst_v.at[pl.ds(LASTF, NPADC)],
                             isems[1])

        pltpu.make_async_copy(zero_hbm.at[pl.ds(zrow, RPT), pl.ds(0, FH)],
                              acc_sh.at[pl.ds(zrow, RPT)], ssems[0]).wait()
        pltpu.make_async_copy(sup_hbm.at[pl.ds(srow, SRPT),
                                         pl.ds(c * FH, FH)],
                              sup_sh.at[pl.ds(srow, SRPT)], ssems[1]).wait()
        plsc.subcore_barrier()

        def fire_g(i, b):
            pltpu.async_copy(sup_sh.at[src_v.at[i]], rows_v.at[b], gsems[b])

        def wait_g(b):
            pltpu.make_async_copy(sup_sh.at[src_v.at[0]], rows_v.at[b],
                                  gsems[b]).wait()

        def fire_s(i, b):
            pltpu.async_copy(rows_v.at[b], acc_sh.at[dst_v.at[i]], ssems[b],
                             add=True)

        def wait_s(b):
            pltpu.make_async_copy(rows_v.at[b], acc_sh.at[dst_v.at[0]],
                                  ssems[b]).wait()

        for i in range(4):
            fire_g(i, i)
        for i in range(4):
            wait_g(i)
            fire_s(i, i)
            fire_g(i + 4, i + 4)
        for i in range(4, 8):
            wait_g(i)
            fire_s(i, i)
            wait_s(i - 4)
            fire_g(i + 4, i - 4)

        @pl.when(s < NS - 1)
        def _wait_stage():
            pltpu.make_async_copy(
                adj2_hbm.at[0, pl.ds(first + PRE, CHRF - PRE)],
                src_v.at[pl.ds(PRE, CHRF - PRE)], isems[0]).wait()
            pltpu.make_async_copy(
                adj2_hbm.at[1, pl.ds(first + PRE, CHRF - PRE)],
                dst_v.at[pl.ds(PRE, CHRF - PRE)], isems[1]).wait()

        @pl.when(s == NS - 1)
        def _wait_stage_last():
            pltpu.make_async_copy(
                adj2_hbm.at[0, pl.ds(first + PRE, LASTF - PRE)],
                src_v.at[pl.ds(PRE, LASTF - PRE)], isems[0]).wait()
            pltpu.make_async_copy(
                adj2_hbm.at[1, pl.ds(first + PRE, LASTF - PRE)],
                dst_v.at[pl.ds(PRE, LASTF - PRE)], isems[1]).wait()
            pltpu.make_async_copy(padc_hbm.at[0],
                                  src_v.at[pl.ds(LASTF, NPADC)],
                                  isems[0]).wait()
            pltpu.make_async_copy(padc_hbm.at[1],
                                  dst_v.at[pl.ds(LASTF, NPADC)],
                                  isems[1]).wait()

        def body(j, carry):
            for k in range(D):
                i = D * j + D + k
                wait_g(k)
                fire_s(i, k)
                wait_s((k + 4) % D)
                fire_g(i + 4, (k + 4) % D)
            return carry

        lax.fori_loop(0, (GF - D) // D, body, 0)
        for b in range(4):
            wait_g(b)
        for b in range(4, 8):
            wait_s(b)
        plsc.subcore_barrier()

        pltpu.sync_copy(acc_sh.at[pl.ds(zrow, RPT)],
                        out_hbm.at[c].at[pl.ds(zrow, RPT)])

    return spmm


_spmm64 = _make_spmm_fsplit()
_spmm16 = _make_spmm(NCLASS)


def _tc_matmul(x, w):
    blk = 2000

    def body(x_ref, w_ref, o_ref):
        o_ref[...] = jnp.dot(x_ref[...], w_ref[...],
                             preferred_element_type=jnp.float32)

    return pl.pallas_call(
        body,
        grid=(N // blk,),
        in_specs=[pl.BlockSpec((blk, NFEAT), lambda i: (i, 0)),
                  pl.BlockSpec((NFEAT, NHID), lambda i: (0, 0))],
        out_specs=pl.BlockSpec((blk, NHID), lambda i: (i, 0)),
        out_shape=jax.ShapeDtypeStruct((N, NHID), jnp.float32),
    )(x, w)


def _tc_layer2(pv, b1, w2lo4, w2hi4):
    vin = NPAD * FH // 128
    blk = vin // 2

    def body(p_ref, b_ref, wlo_ref, whi_ref, o_ref):
        blo = jnp.tile(b_ref[:, 0:FH], (1, 4))
        bhi = jnp.tile(b_ref[:, FH:NHID], (1, 4))
        hlo = jnp.maximum(p_ref[0] + blo, 0.0)
        hhi = jnp.maximum(p_ref[1] + bhi, 0.0)
        o_ref[...] = (
            jnp.dot(hlo, wlo_ref[...], preferred_element_type=jnp.float32)
            + jnp.dot(hhi, whi_ref[...], preferred_element_type=jnp.float32))

    return pl.pallas_call(
        body,
        grid=(2,),
        in_specs=[pl.BlockSpec((2, blk, 128), lambda i: (0, i, 0)),
                  pl.BlockSpec((1, NHID), lambda i: (0, 0)),
                  pl.BlockSpec((128, 4 * NCLASS), lambda i: (0, 0)),
                  pl.BlockSpec((128, 4 * NCLASS), lambda i: (0, 0))],
        out_specs=pl.BlockSpec((blk, 4 * NCLASS), lambda i: (i, 0)),
        out_shape=jax.ShapeDtypeStruct((vin, 4 * NCLASS), jnp.float32),
    )(pv, b1, w2lo4, w2hi4)


def _tc_tail(pv, b2t, sub_fea, fc1_wT, fc1_b, att_W, att_b, att_a):
    nreal = N * NCLASS // 128

    def body(p_ref, b2_ref, sub_ref, fwT_ref, fb_ref, aW_ref, ab_ref,
             aa_ref, o_ref):
        b2t = jnp.tile(b2_ref[...], (1, 8))
        h = jnp.maximum(p_ref[0, :nreal, :] + p_ref[1, :nreal, :]
                        + b2t, 0.0)
        s128 = jnp.sum(h, axis=0, keepdims=True)
        mean = (s128[:, 0:16] + s128[:, 16:32] + s128[:, 32:48]
                + s128[:, 48:64] + s128[:, 64:80] + s128[:, 80:96]
                + s128[:, 96:112] + s128[:, 112:128]) * (1.0 / N)
        pooled = 1.0507009873554805 * jnp.where(
            mean > 0, mean, 1.6732632423543772 * (jnp.exp(mean) - 1.0))
        x_ext = jnp.dot(sub_ref[...], fwT_ref[...],
                        preferred_element_type=jnp.float32) + fb_ref[...]
        xc = jnp.concatenate([pooled, x_ext], axis=1)
        heads = []
        for hh in range(4):
            heads.append(jnp.dot(xc, aW_ref[hh],
                                 preferred_element_type=jnp.float32)
                         + ab_ref[hh:hh + 1])
        hm = jnp.concatenate(heads, axis=0)
        scores = jnp.sum(hm * aa_ref[...], axis=1, keepdims=True)
        mx = jnp.max(scores, axis=0, keepdims=True)
        ex = jnp.exp(scores - mx)
        alpha = ex / jnp.sum(ex, axis=0, keepdims=True)
        out = jnp.sum(alpha * hm, axis=0, keepdims=True)
        m2 = jnp.max(out, axis=1, keepdims=True)
        lse = jnp.log(jnp.sum(jnp.exp(out - m2), axis=1, keepdims=True)) + m2
        o_ref[...] = out - lse

    return pl.pallas_call(
        body,
        out_shape=jax.ShapeDtypeStruct((1, NCLASS), jnp.float32),
    )(pv, b2t, sub_fea, fc1_wT, fc1_b, att_W, att_b, att_a)


def kernel(x, adj, sub_fea, W1, b1, W2, b2, fc1_w, fc1_b, att_W, att_b, att_a):
    adj2 = adj.reshape(2, NREAL, CH)
    padc = jnp.asarray(_PAD_NP)
    zeros = jnp.asarray(_ZERO_NP)

    w2lo4 = jax.scipy.linalg.block_diag(*([W2[:FH]] * 4))
    w2hi4 = jax.scipy.linalg.block_diag(*([W2[FH:]] * 4))
    support1 = _tc_matmul(x, W1)
    p1 = _spmm64(support1, adj2, padc, zeros)
    p1v = p1.reshape(NC, NPAD * FH // 128, 128)
    support2 = _tc_layer2(p1v, b1.reshape(1, -1), w2lo4, w2hi4)
    p2 = _spmm16(support2.reshape(NPAD, NCLASS), adj2, padc, zeros)
    p2v = p2.reshape(NC, NPAD * NCLASS // 128, 128)
    return _tc_tail(p2v, b2.reshape(1, -1), sub_fea,
                    fc1_w.T, fc1_b.reshape(1, -1), att_W, att_b, att_a)

# --- scband reference (transcript-rebuilt; emitter-appended) ---
"""Pipeline reference for scband-gcn-fusion7-91036126806366 (READ-ONLY COPY).

The authoritative reference and input builder live on the scoring server;
editing this copy changes nothing except your own understanding.
"""

import jax, jax.numpy as jnp
import numpy as np

N = 10000
E = 320000
NFEAT = 128
NFEAT_EXT = 64
NHID = 64
NCLASS = 16
NHEADS = 4


def setup_inputs(seed: int = 0) -> dict:
    key = jax.random.key(seed)
    ks = jax.random.split(key, 12)
    x = jax.random.normal(ks[0], (N, NFEAT), dtype=jnp.float32)
    adj = jax.random.randint(ks[1], (2, E), 0, N, dtype=jnp.int32)
    sub_fea = jax.random.normal(ks[2], (1, NFEAT_EXT), dtype=jnp.float32)
    # GraphConvolution gc1 params
    W1 = jax.random.normal(ks[3], (NFEAT, NHID), dtype=jnp.float32) * (1.0 / np.sqrt(NFEAT))
    b1 = jnp.zeros((NHID,), dtype=jnp.float32)
    # GraphConvolution gc2 params
    W2 = jax.random.normal(ks[4], (NHID, NCLASS), dtype=jnp.float32) * (1.0 / np.sqrt(NHID))
    b2 = jnp.zeros((NCLASS,), dtype=jnp.float32)
    # fc1: Linear(nfeat_ext -> nclass)
    fc1_w = jax.random.normal(ks[5], (NCLASS, NFEAT_EXT), dtype=jnp.float32) * (1.0 / np.sqrt(NFEAT_EXT))
    fc1_b = jnp.zeros((NCLASS,), dtype=jnp.float32)
    # AttentionLayer(nclass*2 -> nclass, nheads): per-head linear + per-head score vector
    att_W = jax.random.normal(ks[6], (NHEADS, 2 * NCLASS, NCLASS), dtype=jnp.float32) * (1.0 / np.sqrt(2 * NCLASS))
    att_b = jnp.zeros((NHEADS, NCLASS), dtype=jnp.float32)
    att_a = jax.random.normal(ks[7], (NHEADS, NCLASS), dtype=jnp.float32) * 0.1
    return {"x": x, "adj": adj, "sub_fea": sub_fea, "W1": W1, "b1": b1, "W2": W2, "b2": b2, "fc1_w": fc1_w, "fc1_b": fc1_b, "att_W": att_W, "att_b": att_b, "att_a": att_a}


def _gcn_layer(h, src, dst, W, b):
    # GraphConvolution: support = x @ W ; out = adj @ support + b (spmm as gather + scatter-add)
    support = h @ W
    agg = jax.ops.segment_sum(support[src], dst, num_segments=N)
    return agg + b


def reference(x, adj, sub_fea, W1, b1, W2, b2, fc1_w, fc1_b, att_W, att_b, att_a):
    src = adj[0]
    dst = adj[1]
    h = jax.nn.relu(_gcn_layer(x, src, dst, W1, b1))
    h = jax.nn.relu(_gcn_layer(h, src, dst, W2, b2))
    # global_mean_pool(x, batch=None) -> [1, nclass]
    pooled = jax.nn.selu(jnp.mean(h, axis=0, keepdims=True))
    # dropout in eval mode: identity
    x_ext = sub_fea @ fc1_w.T + fc1_b
    xc = jnp.concatenate([pooled, x_ext], axis=1)  # [1, 2*nclass]
    # AttentionLayer: per-head projection, softmax-weighted head mixture
    heads = jnp.einsum('nd,hdo->hno', xc, att_W) + att_b[:, None, :]  # [H, 1, nclass]
    scores = jnp.einsum('hno,ho->hn', heads, att_a)  # [H, 1]
    alpha = jax.nn.softmax(scores, axis=0)
    out = jnp.sum(alpha[:, :, None] * heads, axis=0)  # [1, nclass]
    return jax.nn.log_softmax(out, axis=1)

if __name__ == "__main__":
    import jax
    _d = setup_inputs()
    print(jax.jit(kernel)(*tuple(_d.values())))

</pallas_src>

<mosaic_0001>
#map = affine_map<(d0, d1) -> (0, 0)>
#map1 = affine_map<(d0, d1) -> (0, 0, 0)>
module attributes {stable_mosaic.version = 14 : i64} {
  func.func @spmm(%arg0: i32, %arg1: i32, %arg2: memref<10000x64xf32, #tpu.memory_space<hbm>>, %arg3: memref<2x2500x128xi32, #tpu.memory_space<hbm>>, %arg4: memref<2x64x128xi32, #tpu.memory_space<hbm>>, %arg5: memref<10112x64xf32, #tpu.memory_space<hbm>>, %arg6: memref<2x10112x32xf32, #tpu.memory_space<hbm>>, %arg7: memref<164x128xi32, #tpu.memory_space<vmem>>, %arg8: memref<164x128xi32, #tpu.memory_space<vmem>>, %arg9: memref<8x128x32xf32, #tpu.memory_space<vmem>>, %arg10: memref<10112x32xf32, #tpu.memory_space<vmem_shared>>, %arg11: memref<10000x32xf32, #tpu.memory_space<vmem_shared>>, %arg12: memref<!tpu.dma_semaphore, #tpu.memory_space<semaphore_mem>>, %arg13: memref<!tpu.dma_semaphore, #tpu.memory_space<semaphore_mem>>, %arg14: memref<!tpu.dma_semaphore, #tpu.memory_space<semaphore_mem>>, %arg15: memref<!tpu.dma_semaphore, #tpu.memory_space<semaphore_mem>>, %arg16: memref<!tpu.dma_semaphore, #tpu.memory_space<semaphore_mem>>, %arg17: memref<!tpu.dma_semaphore, #tpu.memory_space<semaphore_mem>>, %arg18: memref<!tpu.dma_semaphore, #tpu.memory_space<semaphore_mem>>, %arg19: memref<!tpu.dma_semaphore, #tpu.memory_space<semaphore_mem>>, %arg20: memref<!tpu.dma_semaphore, #tpu.memory_space<semaphore_mem>>, %arg21: memref<!tpu.dma_semaphore, #tpu.memory_space<semaphore_mem>>, %arg22: memref<!tpu.dma_semaphore, #tpu.memory_space<semaphore_mem>>, %arg23: memref<!tpu.dma_semaphore, #tpu.memory_space<semaphore_mem>>, %arg24: memref<!tpu.dma_semaphore, #tpu.memory_space<semaphore_mem>>, %arg25: memref<!tpu.dma_semaphore, #tpu.memory_space<semaphore_mem>>, %arg26: memref<!tpu.dma_semaphore, #tpu.memory_space<semaphore_mem>>, %arg27: memref<!tpu.dma_semaphore, #tpu.memory_space<semaphore_mem>>, %arg28: memref<!tpu.dma_semaphore, #tpu.memory_space<semaphore_mem>>, %arg29: memref<!tpu.dma_semaphore, #tpu.memory_space<semaphore_mem>>) attributes {dimension_semantics = [#tpu.dimension_semantics<core_parallel>, #tpu.dimension_semantics<subcore_parallel>], iteration_bounds = array<i64: 2, 16>, scalar_prefetch = 0 : i64, scratch_operands = 23 : i64, tpu.core_type = #tpu.core_type<sc_vector_subcore>, window_params = [{transform_indices = #map}, {transform_indices = #map1}, {transform_indices = #map1}, {transform_indices = #map}, {transform_indices = #map1}]} {
    %mul3A = arith.constant 160 : i32
    %mul3A_0 = arith.muli %arg1, %mul3A : i32
    %mul3A_1 = arith.constant 632 : i32
    %mul3A_2 = arith.muli %arg1, %mul3A_1 : i32
    %mul3A_3 = arith.constant 625 : i32
    %mul3A_4 = arith.muli %arg1, %mul3A_3 : i32
    %dma_start3A = arith.constant 0 : i32
    %dma_start3A_5 = tpu.memref_slice %arg10[%mul3A_2, %dma_start3A] : memref<10112x32xf32, #tpu.memory_space<vmem_shared>> -> memref<632x32xf32, #tpu.memory_space<vmem_shared>>
    %dma_start3A_6 = arith.constant 0 : i32
    %dma_start3A_7 = tpu.memref_slice %arg5[%mul3A_2, %dma_start3A_6] : memref<10112x64xf32, #tpu.memory_space<hbm>> -> memref<632x32xf32, #tpu.memory_space<hbm>>
    tpu.enqueue_dma source(%dma_start3A_7 : memref<632x32xf32, #tpu.memory_space<hbm>>) target(%dma_start3A_5 : memref<632x32xf32, #tpu.memory_space<vmem_shared>>) target_semaphore(%arg20 : memref<!tpu.dma_semaphore, #tpu.memory_space<semaphore_mem>>)
    %mul3A_8 = arith.constant 32 : i32
    %mul3A_9 = arith.muli %arg0, %mul3A_8 : i32
    %dma_start3A_10 = arith.constant 0 : i32
    %dma_start3A_11 = tpu.memref_slice %arg11[%mul3A_4, %dma_start3A_10] : memref<10000x32xf32, #tpu.memory_space<vmem_shared>> -> memref<625x32xf32, #tpu.memory_space<vmem_shared>>
    %dma_start3A_12 = tpu.memref_slice %arg2[%mul3A_4, %mul3A_9] : memref<10000x64xf32, #tpu.memory_space<hbm>> -> memref<625x32xf32, #tpu.memory_space<hbm>>
    tpu.enqueue_dma source(%dma_start3A_12 : memref<625x32xf32, #tpu.memory_space<hbm>>) target(%dma_start3A_11 : memref<625x32xf32, #tpu.memory_space<vmem_shared>>) target_semaphore(%arg21 : memref<!tpu.dma_semaphore, #tpu.memory_space<semaphore_mem>>)
    %run_scoped3A = arith.constant 0 : i32
    "tpu.region"() ({
      %run_scoped3A_524 = tpu.sem_alloc : memref<!tpu.dma_semaphore, #tpu.memory_space<semaphore_mem>>
      %dma_start3A_525 = arith.constant 0 : i32
      %dma_start3A_526 = arith.constant 0 : i32
      %dma_start3A_527 = tpu.memref_slice %arg7[%dma_start3A_525, %dma_start3A_526] : memref<164x128xi32, #tpu.memory_space<vmem>> -> memref<16x128xi32, #tpu.memory_space<vmem>>
      %dma_start3A_528 = arith.constant 0 : i32
      %dma_start3A_529 = tpu.memref_slice %arg3[%run_scoped3A, %mul3A_0, %dma_start3A_528] : memref<2x2500x128xi32, #tpu.memory_space<hbm>> -> memref<1x16x128xi32, #tpu.memory_space<hbm>>
      %dma_start3A_530 = tpu.memref_squeeze %dma_start3A_529 : memref<1x16x128xi32, #tpu.memory_space<hbm>> -> memref<16x128xi32, #tpu.memory_space<hbm>>
      %dma_start3A_531 = arith.constant 0 : i32
      %dma_start3A_532 = arith.constant 0 : i32
      %dma_start3A_533 = tpu.memref_slice %arg7[%dma_start3A_531, %dma_start3A_532] : memref<164x128xi32, #tpu.memory_space<vmem>> -> memref<16x128xi32, #tpu.memory_space<vmem>>
      %dma_start3A_534 = arith.constant 0 : i32
      %dma_start3A_535 = tpu.memref_slice %arg3[%run_scoped3A, %mul3A_0, %dma_start3A_534] : memref<2x2500x128xi32, #tpu.memory_space<hbm>> -> memref<1x16x128xi32, #tpu.memory_space<hbm>>
      %dma_start3A_536 = tpu.memref_squeeze %dma_start3A_535 : memref<1x16x128xi32, #tpu.memory_space<hbm>> -> memref<16x128xi32, #tpu.memory_space<hbm>>
      tpu.enqueue_dma source(%dma_start3A_536 : memref<16x128xi32, #tpu.memory_space<hbm>>) target(%dma_start3A_533 : memref<16x128xi32, #tpu.memory_space<vmem>>) target_semaphore(%run_scoped3A_524 : memref<!tpu.dma_semaphore, #tpu.memory_space<semaphore_mem>>)
      %dma_wait3A_537 = arith.constant 0 : i32
      %dma_wait3A_538 = arith.constant 0 : i32
      %dma_wait3A_539 = tpu.memref_slice %arg7[%dma_wait3A_537, %dma_wait3A_538] : memref<164x128xi32, #tpu.memory_space<vmem>> -> memref<16x128xi32, #tpu.memory_space<vmem>>
      %dma_wait3A_540 = arith.constant 0 : i32
      %dma_wait3A_541 = tpu.memref_slice %arg3[%run_scoped3A, %mul3A_0, %dma_wait3A_540] : memref<2x2500x128xi32, #tpu.memory_space<hbm>> -> memref<1x16x128xi32, #tpu.memory_space<hbm>>
      %dma_wait3A_542 = tpu.memref_squeeze %dma_wait3A_541 : memref<1x16x128xi32, #tpu.memory_space<hbm>> -> memref<16x128xi32, #tpu.memory_space<hbm>>
      %dma_wait3A_543 = arith.constant 0 : i32
      %dma_wait3A_544 = arith.constant 0 : i32
      %dma_wait3A_545 = tpu.memref_slice %arg7[%dma_wait3A_543, %dma_wait3A_544] : memref<164x128xi32, #tpu.memory_space<vmem>> -> memref<16x128xi32, #tpu.memory_space<vmem>>
      %dma_wait3A_546 = arith.constant 0 : i32
      %dma_wait3A_547 = tpu.memref_slice %arg3[%run_scoped3A, %mul3A_0, %dma_wait3A_546] : memref<2x2500x128xi32, #tpu.memory_space<hbm>> -> memref<1x16x128xi32, #tpu.memory_space<hbm>>
      %dma_wait3A_548 = tpu.memref_squeeze %dma_wait3A_547 : memref<1x16x128xi32, #tpu.memory_space<hbm>> -> memref<16x128xi32, #tpu.memory_space<hbm>>
      tpu.wait_dma2 semaphore(%run_scoped3A_524 : memref<!tpu.dma_semaphore, #tpu.memory_space<semaphore_mem>>) src(%dma_wait3A_548 : memref<16x128xi32, #tpu.memory_space<hbm>>) dst(%dma_wait3A_545 : memref<16x128xi32, #tpu.memory_space<vmem>>)
      tpu.yield
    }) : () -> ()
    %run_scoped3A_13 = arith.constant 1 : i32
    "tpu.region"() ({
      %run_scoped3A_524 = tpu.sem_alloc : memref<!tpu.dma_semaphore, #tpu.memory_space<semaphore_mem>>
      %dma_start3A_525 = arith.constant 0 : i32
      %dma_start3A_526 = arith.constant 0 : i32
      %dma_start3A_527 = tpu.memref_slice %arg8[%dma_start3A_525, %dma_start3A_526] : memref<164x128xi32, #tpu.memory_space<vmem>> -> memref<16x128xi32, #tpu.memory_space<vmem>>
      %dma_start3A_528 = arith.constant 0 : i32
      %dma_start3A_529 = tpu.memref_slice %arg3[%run_scoped3A_13, %mul3A_0, %dma_start3A_528] : memref<2x2500x128xi32, #tpu.memory_space<hbm>> -> memref<1x16x128xi32, #tpu.memory_space<hbm>>
      %dma_start3A_530 = tpu.memref_squeeze %dma_start3A_529 : memref<1x16x128xi32, #tpu.memory_space<hbm>> -> memref<16x128xi32, #tpu.memory_space<hbm>>
      %dma_start3A_531 = arith.constant 0 : i32
      %dma_start3A_532 = arith.constant 0 : i32
      %dma_start3A_533 = tpu.memref_slice %arg8[%dma_start3A_531, %dma_start3A_532] : memref<164x128xi32, #tpu.memory_space<vmem>> -> memref<16x128xi32, #tpu.memory_space<vmem>>
      %dma_start3A_534 = arith.constant 0 : i32
      %dma_start3A_535 = tpu.memref_slice %arg3[%run_scoped3A_13, %mul3A_0, %dma_start3A_534] : memref<2x2500x128xi32, #tpu.memory_space<hbm>> -> memref<1x16x128xi32, #tpu.memory_space<hbm>>
      %dma_start3A_536 = tpu.memref_squeeze %dma_start3A_535 : memref<1x16x128xi32, #tpu.memory_space<hbm>> -> memref<16x128xi32, #tpu.memory_space<hbm>>
      tpu.enqueue_dma source(%dma_start3A_536 : memref<16x128xi32, #tpu.memory_space<hbm>>) target(%dma_start3A_533 : memref<16x128xi32, #tpu.memory_space<vmem>>) target_semaphore(%run_scoped3A_524 : memref<!tpu.dma_semaphore, #tpu.memory_space<semaphore_mem>>)
      %dma_wait3A_537 = arith.constant 0 : i32
      %dma_wait3A_538 = arith.constant 0 : i32
      %dma_wait3A_539 = tpu.memref_slice %arg8[%dma_wait3A_537, %dma_wait3A_538] : memref<164x128xi32, #tpu.memory_space<vmem>> -> memref<16x128xi32, #tpu.memory_space<vmem>>
      %dma_wait3A_540 = arith.constant 0 : i32
      %dma_wait3A_541 = tpu.memref_slice %arg3[%run_scoped3A_13, %mul3A_0, %dma_wait3A_540] : memref<2x2500x128xi32, #tpu.memory_space<hbm>> -> memref<1x16x128xi32, #tpu.memory_space<hbm>>
      %dma_wait3A_542 = tpu.memref_squeeze %dma_wait3A_541 : memref<1x16x128xi32, #tpu.memory_space<hbm>> -> memref<16x128xi32, #tpu.memory_space<hbm>>
      %dma_wait3A_543 = arith.constant 0 : i32
      %dma_wait3A_544 = arith.constant 0 : i32
      %dma_wait3A_545 = tpu.memref_slice %arg8[%dma_wait3A_543, %dma_wait3A_544] : memref<164x128xi32, #tpu.memory_space<vmem>> -> memref<16x128xi32, #tpu.memory_space<vmem>>
      %dma_wait3A_546 = arith.constant 0 : i32
      %dma_wait3A_547 = tpu.memref_slice %arg3[%run_scoped3A_13, %mul3A_0, %dma_wait3A_546] : memref<2x2500x128xi32, #tpu.memory_space<hbm>> -> memref<1x16x128xi32, #tpu.memory_space<hbm>>
      %dma_wait3A_548 = tpu.memref_squeeze %dma_wait3A_547 : memref<1x16x128xi32, #tpu.memory_space<hbm>> -> memref<16x128xi32, #tpu.memory_space<hbm>>
      tpu.wait_dma2 semaphore(%run_scoped3A_524 : memref<!tpu.dma_semaphore, #tpu.memory_space<semaphore_mem>>) src(%dma_wait3A_548 : memref<16x128xi32, #tpu.memory_space<hbm>>) dst(%dma_wait3A_545 : memref<16x128xi32, #tpu.memory_space<vmem>>)
      tpu.yield
    }) : () -> ()
    %lt3A = arith.constant 15 : i32
    %lt3A_14 = arith.cmpi slt, %arg1, %lt3A : i32
    %convert_element_type3A = arith.extui %lt3A_14 : i1 to i32
    %cond3A = arith.constant 0 : i32
    %cond3A_15 = arith.cmpi ne, %convert_element_type3A, %cond3A : i32
    scf.if %cond3A_15 {
      %add3A = arith.constant 16 : i32
      %add3A_524 = arith.addi %mul3A_0, %add3A : i32
      %dma_start3A_525 = arith.constant 0 : i32
      %dma_start3A_526 = arith.constant 16 : i32
      %dma_start3A_527 = arith.constant 0 : i32
      %dma_start3A_528 = tpu.memref_slice %arg7[%dma_start3A_526, %dma_start3A_527] : memref<164x128xi32, #tpu.memory_space<vmem>> -> memref<148x128xi32, #tpu.memory_space<vmem>>
      %dma_start3A_529 = arith.constant 0 : i32
      %dma_start3A_530 = tpu.memref_slice %arg3[%dma_start3A_525, %add3A_524, %dma_start3A_529] : memref<2x2500x128xi32, #tpu.memory_space<hbm>> -> memref<1x148x128xi32, #tpu.memory_space<hbm>>
      %dma_start3A_531 = tpu.memref_squeeze %dma_start3A_530 : memref<1x148x128xi32, #tpu.memory_space<hbm>> -> memref<148x128xi32, #tpu.memory_space<hbm>>
      %dma_start3A_532 = arith.constant 16 : i32
      %dma_start3A_533 = arith.constant 0 : i32
      %dma_start3A_534 = tpu.memref_slice %arg7[%dma_start3A_532, %dma_start3A_533] : memref<164x128xi32, #tpu.memory_space<vmem>> -> memref<148x128xi32, #tpu.memory_space<vmem>>
      %dma_start3A_535 = arith.constant 0 : i32
      %dma_start3A_536 = tpu.memref_slice %arg3[%dma_start3A_525, %add3A_524, %dma_start3A_535] : memref<2x2500x128xi32, #tpu.memory_space<hbm>> -> memref<1x148x128xi32, #tpu.memory_space<hbm>>
      %dma_start3A_537 = tpu.memref_squeeze %dma_start3A_536 : memref<1x148x128xi32, #tpu.memory_space<hbm>> -> memref<148x128xi32, #tpu.memory_space<hbm>>
      tpu.enqueue_dma source(%dma_start3A_537 : memref<148x128xi32, #tpu.memory_space<hbm>>) target(%dma_start3A_534 : memref<148x128xi32, #tpu.memory_space<vmem>>) target_semaphore(%arg28 : memref<!tpu.dma_semaphore, #tpu.memory_space<semaphore_mem>>)
      %add3A_538 = arith.constant 16 : i32
      %add3A_539 = arith.addi %mul3A_0, %add3A_538 : i32
      %dma_start3A_540 = arith.constant 1 : i32
      %dma_start3A_541 = arith.constant 16 : i32
      %dma_start3A_542 = arith.constant 0 : i32
      %dma_start3A_543 = tpu.memref_slice %arg8[%dma_start3A_541, %dma_start3A_542] : memref<164x128xi32, #tpu.memory_space<vmem>> -> memref<148x128xi32, #tpu.memory_space<vmem>>
      %dma_start3A_544 = arith.constant 0 : i32
      %dma_start3A_545 = tpu.memref_slice %arg3[%dma_start3A_540, %add3A_539, %dma_start3A_544] : memref<2x2500x128xi32, #tpu.memory_space<hbm>> -> memref<1x148x128xi32, #tpu.memory_space<hbm>>
      %dma_start3A_546 = tpu.memref_squeeze %dma_start3A_545 : memref<1x148x128xi32, #tpu.memory_space<hbm>> -> memref<148x128xi32, #tpu.memory_space<hbm>>
      %dma_start3A_547 = arith.constant 16 : i32
      %dma_start3A_548 = arith.constant 0 : i32
      %dma_start3A_549 = tpu.memref_slice %arg8[%dma_start3A_547, %dma_start3A_548] : memref<164x128xi32, #tpu.memory_space<vmem>> -> memref<148x128xi32, #tpu.memory_space<vmem>>
      %dma_start3A_550 = arith.constant 0 : i32
      %dma_start3A_551 = tpu.memref_slice %arg3[%dma_start3A_540, %add3A_539, %dma_start3A_550] : memref<2x2500x128xi32, #tpu.memory_space<hbm>> -> memref<1x148x128xi32, #tpu.memory_space<hbm>>
      %dma_start3A_552 = tpu.memref_squeeze %dma_start3A_551 : memref<1x148x128xi32, #tpu.memory_space<hbm>> -> memref<148x128xi32, #tpu.memory_space<hbm>>
      tpu.enqueue_dma source(%dma_start3A_552 : memref<148x128xi32, #tpu.memory_space<hbm>>) target(%dma_start3A_549 : memref<148x128xi32, #tpu.memory_space<vmem>>) target_semaphore(%arg29 : memref<!tpu.dma_semaphore, #tpu.memory_space<semaphore_mem>>)
    } else {
    }
    %eq3A = arith.constant 15 : i32
    %eq3A_16 = arith.cmpi eq, %arg1, %eq3A : i32
    %convert_element_type3A_17 = arith.extui %eq3A_16 : i1 to i32
    %cond3A_18 = arith.constant 0 : i32
    %cond3A_19 = arith.cmpi ne, %convert_element_type3A_17, %cond3A_18 : i32
    scf.if %cond3A_19 {
      %add3A = arith.constant 16 : i32
      %add3A_524 = arith.addi %mul3A_0, %add3A : i32
      %dma_start3A_525 = arith.constant 0 : i32
      %dma_start3A_526 = arith.constant 16 : i32
      %dma_start3A_527 = arith.constant 0 : i32
      %dma_start3A_528 = tpu.memref_slice %arg7[%dma_start3A_526, %dma_start3A_527] : memref<164x128xi32, #tpu.memory_space<vmem>> -> memref<84x128xi32, #tpu.memory_space<vmem>>
      %dma_start3A_529 = arith.constant 0 : i32
      %dma_start3A_530 = tpu.memref_slice %arg3[%dma_start3A_525, %add3A_524, %dma_start3A_529] : memref<2x2500x128xi32, #tpu.memory_space<hbm>> -> memref<1x84x128xi32, #tpu.memory_space<hbm>>
      %dma_start3A_531 = tpu.memref_squeeze %dma_start3A_530 : memref<1x84x128xi32, #tpu.memory_space<hbm>> -> memref<84x128xi32, #tpu.memory_space<hbm>>
      %dma_start3A_532 = arith.constant 16 : i32
      %dma_start3A_533 = arith.constant 0 : i32
      %dma_start3A_534 = tpu.memref_slice %arg7[%dma_start3A_532, %dma_start3A_533] : memref<164x128xi32, #tpu.memory_space<vmem>> -> memref<84x128xi32, #tpu.memory_space<vmem>>
      %dma_start3A_535 = arith.constant 0 : i32
      %dma_start3A_536 = tpu.memref_slice %arg3[%dma_start3A_525, %add3A_524, %dma_start3A_535] : memref<2x2500x128xi32, #tpu.memory_space<hbm>> -> memref<1x84x128xi32, #tpu.memory_space<hbm>>
      %dma_start3A_537 = tpu.memref_squeeze %dma_start3A_536 : memref<1x84x128xi32, #tpu.memory_space<hbm>> -> memref<84x128xi32, #tpu.memory_space<hbm>>
      tpu.enqueue_dma source(%dma_start3A_537 : memref<84x128xi32, #tpu.memory_space<hbm>>) target(%dma_start3A_534 : memref<84x128xi32, #tpu.memory_space<vmem>>) target_semaphore(%arg28 : memref<!tpu.dma_semaphore, #tpu.memory_space<semaphore_mem>>)
      %add3A_538 = arith.constant 16 : i32
      %add3A_539 = arith.addi %mul3A_0, %add3A_538 : i32
      %dma_start3A_540 = arith.constant 1 : i32
      %dma_start3A_541 = arith.constant 16 : i32
      %dma_start3A_542 = arith.constant 0 : i32
      %dma_start3A_543 = tpu.memref_slice %arg8[%dma_start3A_541, %dma_start3A_542] : memref<164x128xi32, #tpu.memory_space<vmem>> -> memref<84x128xi32, #tpu.memory_space<vmem>>
      %dma_start3A_544 = arith.constant 0 : i32
      %dma_start3A_545 = tpu.memref_slice %arg3[%dma_start3A_540, %add3A_539, %dma_start3A_544] : memref<2x2500x128xi32, #tpu.memory_space<hbm>> -> memref<1x84x128xi32, #tpu.memory_space<hbm>>
      %dma_start3A_546 = tpu.memref_squeeze %dma_start3A_545 : memref<1x84x128xi32, #tpu.memory_space<hbm>> -> memref<84x128xi32, #tpu.memory_space<hbm>>
      %dma_start3A_547 = arith.constant 16 : i32
      %dma_start3A_548 = arith.constant 0 : i32
      %dma_start3A_549 = tpu.memref_slice %arg8[%dma_start3A_547, %dma_start3A_548] : memref<164x128xi32, #tpu.memory_space<vmem>> -> memref<84x128xi32, #tpu.memory_space<vmem>>
      %dma_start3A_550 = arith.constant 0 : i32
      %dma_start3A_551 = tpu.memref_slice %arg3[%dma_start3A_540, %add3A_539, %dma_start3A_550] : memref<2x2500x128xi32, #tpu.memory_space<hbm>> -> memref<1x84x128xi32, #tpu.memory_space<hbm>>
      %dma_start3A_552 = tpu.memref_squeeze %dma_start3A_551 : memref<1x84x128xi32, #tpu.memory_space<hbm>> -> memref<84x128xi32, #tpu.memory_space<hbm>>
      tpu.enqueue_dma source(%dma_start3A_552 : memref<84x128xi32, #tpu.memory_space<hbm>>) target(%dma_start3A_549 : memref<84x128xi32, #tpu.memory_space<vmem>>) target_semaphore(%arg29 : memref<!tpu.dma_semaphore, #tpu.memory_space<semaphore_mem>>)
      %dma_start3A_553 = arith.constant 0 : i32
      %dma_start3A_554 = arith.constant 100 : i32
      %dma_start3A_555 = arith.constant 0 : i32
      %dma_start3A_556 = tpu.memref_slice %arg7[%dma_start3A_554, %dma_start3A_555] : memref<164x128xi32, #tpu.memory_space<vmem>> -> memref<64x128xi32, #tpu.memory_space<vmem>>
      %dma_start3A_557 = arith.constant 0 : i32
      %dma_start3A_558 = arith.constant 0 : i32
      %dma_start3A_559 = tpu.memref_slice %arg4[%dma_start3A_553, %dma_start3A_557, %dma_start3A_558] : memref<2x64x128xi32, #tpu.memory_space<hbm>> -> memref<1x64x128xi32, #tpu.memory_space<hbm>>
      %dma_start3A_560 = tpu.memref_squeeze %dma_start3A_559 : memref<1x64x128xi32, #tpu.memory_space<hbm>> -> memref<64x128xi32, #tpu.memory_space<hbm>>
      %dma_start3A_561 = arith.constant 100 : i32
      %dma_start3A_562 = arith.constant 0 : i32
      %dma_start3A_563 = tpu.memref_slice %arg7[%dma_start3A_561, %dma_start3A_562] : memref<164x128xi32, #tpu.memory_space<vmem>> -> memref<64x128xi32, #tpu.memory_space<vmem>>
      %dma_start3A_564 = arith.constant 0 : i32
      %dma_start3A_565 = arith.constant 0 : i32
      %dma_start3A_566 = tpu.memref_slice %arg4[%dma_start3A_553, %dma_start3A_564, %dma_start3A_565] : memref<2x64x128xi32, #tpu.memory_space<hbm>> -> memref<1x64x128xi32, #tpu.memory_space<hbm>>
      %dma_start3A_567 = tpu.memref_squeeze %dma_start3A_566 : memref<1x64x128xi32, #tpu.memory_space<hbm>> -> memref<64x128xi32, #tpu.memory_space<hbm>>
      tpu.enqueue_dma source(%dma_start3A_567 : memref<64x128xi32, #tpu.memory_space<hbm>>) target(%dma_start3A_563 : memref<64x128xi32, #tpu.memory_space<vmem>>) target_semaphore(%arg28 : memref<!tpu.dma_semaphore, #tpu.memory_space<semaphore_mem>>)
      %dma_start3A_568 = arith.constant 1 : i32
      %dma_start3A_569 = arith.constant 100 : i32
      %dma_start3A_570 = arith.constant 0 : i32
      %dma_start3A_571 = tpu.memref_slice %arg8[%dma_start3A_569, %dma_start3A_570] : memref<164x128xi32, #tpu.memory_space<vmem>> -> memref<64x128xi32, #tpu.memory_space<vmem>>
      %dma_start3A_572 = arith.constant 0 : i32
      %dma_start3A_573 = arith.constant 0 : i32
      %dma_start3A_574 = tpu.memref_slice %arg4[%dma_start3A_568, %dma_start3A_572, %dma_start3A_573] : memref<2x64x128xi32, #tpu.memory_space<hbm>> -> memref<1x64x128xi32, #tpu.memory_space<hbm>>
      %dma_start3A_575 = tpu.memref_squeeze %dma_start3A_574 : memref<1x64x128xi32, #tpu.memory_space<hbm>> -> memref<64x128xi32, #tpu.memory_space<hbm>>
      %dma_start3A_576 = arith.constant 100 : i32
      %dma_start3A_577 = arith.constant 0 : i32
      %dma_start3A_578 = tpu.memref_slice %arg8[%dma_start3A_576, %dma_start3A_577] : memref<164x128xi32, #tpu.memory_space<vmem>> -> memref<64x128xi32, #tpu.memory_space<vmem>>
      %dma_start3A_579 = arith.constant 0 : i32
      %dma_start3A_580 = arith.constant 0 : i32
      %dma_start3A_581 = tpu.memref_slice %arg4[%dma_start3A_568, %dma_start3A_579, %dma_start3A_580] : memref<2x64x128xi32, #tpu.memory_space<hbm>> -> memref<1x64x128xi32, #tpu.memory_space<hbm>>
      %dma_start3A_582 = tpu.memref_squeeze %dma_start3A_581 : memref<1x64x128xi32, #tpu.memory_space<hbm>> -> memref<64x128xi32, #tpu.memory_space<hbm>>
      tpu.enqueue_dma source(%dma_start3A_582 : memref<64x128xi32, #tpu.memory_space<hbm>>) target(%dma_start3A_578 : memref<64x128xi32, #tpu.memory_space<vmem>>) target_semaphore(%arg29 : memref<!tpu.dma_semaphore, #tpu.memory_space<semaphore_mem>>)
    } else {
    }
    %dma_wait3A = arith.constant 0 : i32
    %dma_wait3A_20 = tpu.memref_slice %arg10[%mul3A_2, %dma_wait3A] : memref<10112x32xf32, #tpu.memory_space<vmem_shared>> -> memref<632x32xf32, #tpu.memory_space<vmem_shared>>
    %dma_wait3A_21 = arith.constant 0 : i32
    %dma_wait3A_22 = tpu.memref_slice %arg5[%mul3A_2, %dma_wait3A_21] : memref<10112x64xf32, #tpu.memory_space<hbm>> -> memref<632x32xf32, #tpu.memory_space<hbm>>
    tpu.wait_dma2 semaphore(%arg20 : memref<!tpu.dma_semaphore, #tpu.memory_space<semaphore_mem>>) src(%dma_wait3A_22 : memref<632x32xf32, #tpu.memory_space<hbm>>) dst(%dma_wait3A_20 : memref<632x32xf32, #tpu.memory_space<vmem_shared>>)
    %mul3A_23 = arith.constant 32 : i32
    %mul3A_24 = arith.muli %arg0, %mul3A_23 : i32
    %dma_wait3A_25 = arith.constant 0 : i32
    %dma_wait3A_26 = tpu.memref_slice %arg11[%mul3A_4, %dma_wait3A_25] : memref<10000x32xf32, #tpu.memory_space<vmem_shared>> -> memref<625x32xf32, #tpu.memory_space<vmem_shared>>
    %dma_wait3A_27 = tpu.memref_slice %arg2[%mul3A_4, %mul3A_24] : memref<10000x64xf32, #tpu.memory_space<hbm>> -> memref<625x32xf32, #tpu.memory_space<hbm>>
    tpu.wait_dma2 semaphore(%arg21 : memref<!tpu.dma_semaphore, #tpu.memory_space<semaphore_mem>>) src(%dma_wait3A_27 : memref<625x32xf32, #tpu.memory_space<hbm>>) dst(%dma_wait3A_26 : memref<625x32xf32, #tpu.memory_space<vmem_shared>>)
    %barrier3A = arith.constant 0 : index
    tpu.barrier barrier_id(%barrier3A)
    %dma_start3A_28 = arith.constant 0 : i32
    %dma_start3A_29 = arith.constant 0 : i32
    %dma_start3A_30 = arith.constant 0 : i32
    %dma_start3A_31 = arith.constant 0 : i32
    %dma_start3A_32 = tpu.memref_slice %arg9[%dma_start3A_29, %dma_start3A_30, %dma_start3A_31] : memref<8x128x32xf32, #tpu.memory_space<vmem>> -> memref<1x128x32xf32, #tpu.memory_space<vmem>>
    %dma_start3A_33 = tpu.memref_squeeze %dma_start3A_32 : memref<1x128x32xf32, #tpu.memory_space<vmem>> -> memref<128x32xf32, #tpu.memory_space<vmem>>
    %dma_start3A_34 = arith.constant 0 : i32
    %dma_start3A_35 = tpu.memref_slice %arg7[%dma_start3A_28, %dma_start3A_34] : memref<164x128xi32, #tpu.memory_space<vmem>> -> memref<1x128xi32, #tpu.memory_space<vmem>>
    %dma_start3A_36 = tpu.memref_squeeze %dma_start3A_35 : memref<1x128xi32, #tpu.memory_space<vmem>> -> memref<128xi32, #tpu.memory_space<vmem>>
    %dma_start3A_37 = arith.constant 0 : i32
    %dma_start3A_38 = arith.constant 0 : i32
    %dma_start3A_39 = tpu.memref_slice %arg11[%dma_start3A_37, %dma_start3A_38] : memref<10000x32xf32, #tpu.memory_space<vmem_shared>> -> memref<10000x32xf32, #tpu.memory_space<vmem_shared>>
    tpu.enqueue_indirect_dma source(%dma_start3A_39 : memref<10000x32xf32, #tpu.memory_space<vmem_shared>>) target(%dma_start3A_33 : memref<128x32xf32, #tpu.memory_space<vmem>>) offsets(%dma_start3A_36 : memref<128xi32, #tpu.memory_space<vmem>>) semaphore(%arg12 : memref<!tpu.dma_semaphore, #tpu.memory_space<semaphore_mem>>)
    %dma_start3A_40 = arith.constant 1 : i32
    %dma_start3A_41 = arith.constant 1 : i32
    %dma_start3A_42 = arith.constant 0 : i32
    %dma_start3A_43 = arith.constant 0 : i32
    %dma_start3A_44 = tpu.memref_slice %arg9[%dma_start3A_41, %dma_start3A_42, %dma_start3A_43] : memref<8x128x32xf32, #tpu.memory_space<vmem>> -> memref<1x128x32xf32, #tpu.memory_space<vmem>>
    %dma_start3A_45 = tpu.memref_squeeze %dma_start3A_44 : memref<1x128x32xf32, #tpu.memory_space<vmem>> -> memref<128x32xf32, #tpu.memory_space<vmem>>
    %dma_start3A_46 = arith.constant 0 : i32
    %dma_start3A_47 = tpu.memref_slice %arg7[%dma_start3A_40, %dma_start3A_46] : memref<164x128xi32, #tpu.memory_space<vmem>> -> memref<1x128xi32, #tpu.memory_space<vmem>>
    %dma_start3A_48 = tpu.memref_squeeze %dma_start3A_47 : memref<1x128xi32, #tpu.memory_space<vmem>> -> memref<128xi32, #tpu.memory_space<vmem>>
    %dma_start3A_49 = arith.constant 0 : i32
    %dma_start3A_50 = arith.constant 0 : i32
    %dma_start3A_51 = tpu.memref_slice %arg11[%dma_start3A_49, %dma_start3A_50] : memref<10000x32xf32, #tpu.memory_space<vmem_shared>> -> memref<10000x32xf32, #tpu.memory_space<vmem_shared>>
    tpu.enqueue_indirect_dma source(%dma_start3A_51 : memref<10000x32xf32, #tpu.memory_space<vmem_shared>>) target(%dma_start3A_45 : memref<128x32xf32, #tpu.memory_space<vmem>>) offsets(%dma_start3A_48 : memref<128xi32, #tpu.memory_space<vmem>>) semaphore(%arg13 : memref<!tpu.dma_semaphore, #tpu.memory_space<semaphore_mem>>)
    %dma_start3A_52 = arith.constant 2 : i32
    %dma_start3A_53 = arith.constant 2 : i32
    %dma_start3A_54 = arith.constant 0 : i32
    %dma_start3A_55 = arith.constant 0 : i32
    %dma_start3A_56 = tpu.memref_slice %arg9[%dma_start3A_53, %dma_start3A_54, %dma_start3A_55] : memref<8x128x32xf32, #tpu.memory_space<vmem>> -> memref<1x128x32xf32, #tpu.memory_space<vmem>>
    %dma_start3A_57 = tpu.memref_squeeze %dma_start3A_56 : memref<1x128x32xf32, #tpu.memory_space<vmem>> -> memref<128x32xf32, #tpu.memory_space<vmem>>
    %dma_start3A_58 = arith.constant 0 : i32
    %dma_start3A_59 = tpu.memref_slice %arg7[%dma_start3A_52, %dma_start3A_58] : memref<164x128xi32, #tpu.memory_space<vmem>> -> memref<1x128xi32, #tpu.memory_space<vmem>>
    %dma_start3A_60 = tpu.memref_squeeze %dma_start3A_59 : memref<1x128xi32, #tpu.memory_space<vmem>> -> memref<128xi32, #tpu.memory_space<vmem>>
    %dma_start3A_61 = arith.constant 0 : i32
    %dma_start3A_62 = arith.constant 0 : i32
    %dma_start3A_63 = tpu.memref_slice %arg11[%dma_start3A_61, %dma_start3A_62] : memref<10000x32xf32, #tpu.memory_space<vmem_shared>> -> memref<10000x32xf32, #tpu.memory_space<vmem_shared>>
    tpu.enqueue_indirect_dma source(%dma_start3A_63 : memref<10000x32xf32, #tpu.memory_space<vmem_shared>>) target(%dma_start3A_57 : memref<128x32xf32, #tpu.memory_space<vmem>>) offsets(%dma_start3A_60 : memref<128xi32, #tpu.memory_space<vmem>>) semaphore(%arg14 : memref<!tpu.dma_semaphore, #tpu.memory_space<semaphore_mem>>)
    %dma_start3A_64 = arith.constant 3 : i32
    %dma_start3A_65 = arith.constant 3 : i32
    %dma_start3A_66 = arith.constant 0 : i32
    %dma_start3A_67 = arith.constant 0 : i32
    %dma_start3A_68 = tpu.memref_slice %arg9[%dma_start3A_65, %dma_start3A_66, %dma_start3A_67] : memref<8x128x32xf32, #tpu.memory_space<vmem>> -> memref<1x128x32xf32, #tpu.memory_space<vmem>>
    %dma_start3A_69 = tpu.memref_squeeze %dma_start3A_68 : memref<1x128x32xf32, #tpu.memory_space<vmem>> -> memref<128x32xf32, #tpu.memory_space<vmem>>
    %dma_start3A_70 = arith.constant 0 : i32
    %dma_start3A_71 = tpu.memref_slice %arg7[%dma_start3A_64, %dma_start3A_70] : memref<164x128xi32, #tpu.memory_space<vmem>> -> memref<1x128xi32, #tpu.memory_space<vmem>>
    %dma_start3A_72 = tpu.memref_squeeze %dma_start3A_71 : memref<1x128xi32, #tpu.memory_space<vmem>> -> memref<128xi32, #tpu.memory_space<vmem>>
    %dma_start3A_73 = arith.constant 0 : i32
    %dma_start3A_74 = arith.constant 0 : i32
    %dma_start3A_75 = tpu.memref_slice %arg11[%dma_start3A_73, %dma_start3A_74] : memref<10000x32xf32, #tpu.memory_space<vmem_shared>> -> memref<10000x32xf32, #tpu.memory_space<vmem_shared>>
    tpu.enqueue_indirect_dma source(%dma_start3A_75 : memref<10000x32xf32, #tpu.memory_space<vmem_shared>>) target(%dma_start3A_69 : memref<128x32xf32, #tpu.memory_space<vmem>>) offsets(%dma_start3A_72 : memref<128xi32, #tpu.memory_space<vmem>>) semaphore(%arg15 : memref<!tpu.dma_semaphore, #tpu.memory_space<semaphore_mem>>)
    %dma_wait3A_76 = arith.constant 0 : i32
    %dma_wait3A_77 = arith.constant 0 : i32
    %dma_wait3A_78 = arith.constant 0 : i32
    %dma_wait3A_79 = arith.constant 0 : i32
    %dma_wait3A_80 = tpu.memref_slice %arg9[%dma_wait3A_77, %dma_wait3A_78, %dma_wait3A_79] : memref<8x128x32xf32, #tpu.memory_space<vmem>> -> memref<1x128x32xf32, #tpu.memory_space<vmem>>
    %dma_wait3A_81 = tpu.memref_squeeze %dma_wait3A_80 : memref<1x128x32xf32, #tpu.memory_space<vmem>> -> memref<128x32xf32, #tpu.memory_space<vmem>>
    %dma_wait3A_82 = arith.constant 0 : i32
    %dma_wait3A_83 = tpu.memref_slice %arg7[%dma_wait3A_76, %dma_wait3A_82] : memref<164x128xi32, #tpu.memory_space<vmem>> -> memref<1x128xi32, #tpu.memory_space<vmem>>
    %dma_wait3A_84 = tpu.memref_squeeze %dma_wait3A_83 : memref<1x128xi32, #tpu.memory_space<vmem>> -> memref<128xi32, #tpu.memory_space<vmem>>
    %dma_wait3A_85 = arith.constant 0 : i32
    %dma_wait3A_86 = arith.constant 0 : i32
    %dma_wait3A_87 = tpu.memref_slice %arg11[%dma_wait3A_85, %dma_wait3A_86] : memref<10000x32xf32, #tpu.memory_space<vmem_shared>> -> memref<10000x32xf32, #tpu.memory_space<vmem_shared>>
    tpu.wait_indirect_dma semaphore(%arg12 : memref<!tpu.dma_semaphore, #tpu.memory_space<semaphore_mem>>) src(%dma_wait3A_87 : memref<10000x32xf32, #tpu.memory_space<vmem_shared>>) dst(%dma_wait3A_81 : memref<128x32xf32, #tpu.memory_space<vmem>>)
    %dma_start3A_88 = arith.constant 0 : i32
    %dma_start3A_89 = arith.constant 0 : i32
    %dma_start3A_90 = arith.constant 0 : i32
    %dma_start3A_91 = arith.constant 0 : i32
    %dma_start3A_92 = tpu.memref_slice %arg9[%dma_start3A_88, %dma_start3A_90, %dma_start3A_91] : memref<8x128x32xf32, #tpu.memory_space<vmem>> -> memref<1x128x32xf32, #tpu.memory_space<vmem>>
    %dma_start3A_93 = tpu.memref_squeeze %dma_start3A_92 : memref<1x128x32xf32, #tpu.memory_space<vmem>> -> memref<128x32xf32, #tpu.memory_space<vmem>>
    %dma_start3A_94 = arith.constant 0 : i32
    %dma_start3A_95 = tpu.memref_slice %arg8[%dma_start3A_89, %dma_start3A_94] : memref<164x128xi32, #tpu.memory_space<vmem>> -> memref<1x128xi32, #tpu.memory_space<vmem>>
    %dma_start3A_96 = tpu.memref_squeeze %dma_start3A_95 : memref<1x128xi32, #tpu.memory_space<vmem>> -> memref<128xi32, #tpu.memory_space<vmem>>
    %dma_start3A_97 = arith.constant 0 : i32
    %dma_start3A_98 = arith.constant 0 : i32
    %dma_start3A_99 = tpu.memref_slice %arg10[%dma_start3A_97, %dma_start3A_98] : memref<10112x32xf32, #tpu.memory_space<vmem_shared>> -> memref<10112x32xf32, #tpu.memory_space<vmem_shared>>
    tpu.enqueue_indirect_dma source(%dma_start3A_93 : memref<128x32xf32, #tpu.memory_space<vmem>>) target(%dma_start3A_99 : memref<10112x32xf32, #tpu.memory_space<vmem_shared>>) offsets(%dma_start3A_96 : memref<128xi32, #tpu.memory_space<vmem>>) semaphore(%arg20 : memref<!tpu.dma_semaphore, #tpu.memory_space<semaphore_mem>>) {add = true}
    %dma_start3A_100 = arith.constant 4 : i32
    %dma_start3A_101 = arith.constant 4 : i32
    %dma_start3A_102 = arith.constant 0 : i32
    %dma_start3A_103 = arith.constant 0 : i32
    %dma_start3A_104 = tpu.memref_slice %arg9[%dma_start3A_101, %dma_start3A_102, %dma_start3A_103] : memref<8x128x32xf32, #tpu.memory_space<vmem>> -> memref<1x128x32xf32, #tpu.memory_space<vmem>>
    %dma_start3A_105 = tpu.memref_squeeze %dma_start3A_104 : memref<1x128x32xf32, #tpu.memory_space<vmem>> -> memref<128x32xf32, #tpu.memory_space<vmem>>
    %dma_start3A_106 = arith.constant 0 : i32
    %dma_start3A_107 = tpu.memref_slice %arg7[%dma_start3A_100, %dma_start3A_106] : memref<164x128xi32, #tpu.memory_space<vmem>> -> memref<1x128xi32, #tpu.memory_space<vmem>>
    %dma_start3A_108 = tpu.memref_squeeze %dma_start3A_107 : memref<1x128xi32, #tpu.memory_space<vmem>> -> memref<128xi32, #tpu.memory_space<vmem>>
    %dma_start3A_109 = arith.constant 0 : i32
    %dma_start3A_110 = arith.constant 0 : i32
    %dma_start3A_111 = tpu.memref_slice %arg11[%dma_start3A_109, %dma_start3A_110] : memref<10000x32xf32, #tpu.memory_space<vmem_shared>> -> memref<10000x32xf32, #tpu.memory_space<vmem_shared>>
    tpu.enqueue_indirect_dma source(%dma_start3A_111 : memref<10000x32xf32, #tpu.memory_space<vmem_shared>>) target(%dma_start3A_105 : memref<128x32xf32, #tpu.memory_space<vmem>>) offsets(%dma_start3A_108 : memref<128xi32, #tpu.memory_space<vmem>>) semaphore(%arg16 : memref<!tpu.dma_semaphore, #tpu.memory_space<semaphore_mem>>)
    %dma_wait3A_112 = arith.constant 0 : i32
    %dma_wait3A_113 = arith.constant 1 : i32
    %dma_wait3A_114 = arith.constant 0 : i32
    %dma_wait3A_115 = arith.constant 0 : i32
    %dma_wait3A_116 = tpu.memref_slice %arg9[%dma_wait3A_113, %dma_wait3A_114, %dma_wait3A_115] : memref<8x128x32xf32, #tpu.memory_space<vmem>> -> memref<1x128x32xf32, #tpu.memory_space<vmem>>
    %dma_wait3A_117 = tpu.memref_squeeze %dma_wait3A_116 : memref<1x128x32xf32, #tpu.memory_space<vmem>> -> memref<128x32xf32, #tpu.memory_space<vmem>>
    %dma_wait3A_118 = arith.constant 0 : i32
    %dma_wait3A_119 = tpu.memref_slice %arg7[%dma_wait3A_112, %dma_wait3A_118] : memref<164x128xi32, #tpu.memory_space<vmem>> -> memref<1x128xi32, #tpu.memory_space<vmem>>
    %dma_wait3A_120 = tpu.memref_squeeze %dma_wait3A_119 : memref<1x128xi32, #tpu.memory_space<vmem>> -> memref<128xi32, #tpu.memory_space<vmem>>
    %dma_wait3A_121 = arith.constant 0 : i32
    %dma_wait3A_122 = arith.constant 0 : i32
    %dma_wait3A_123 = tpu.memref_slice %arg11[%dma_wait3A_121, %dma_wait3A_122] : memref<10000x32xf32, #tpu.memory_space<vmem_shared>> -> memref<10000x32xf32, #tpu.memory_space<vmem_shared>>
    tpu.wait_indirect_dma semaphore(%arg13 : memref<!tpu.dma_semaphore, #tpu.memory_space<semaphore_mem>>) src(%dma_wait3A_123 : memref<10000x32xf32, #tpu.memory_space<vmem_shared>>) dst(%dma_wait3A_117 : memref<128x32xf32, #tpu.memory_space<vmem>>)
    %dma_start3A_124 = arith.constant 1 : i32
    %dma_start3A_125 = arith.constant 1 : i32
    %dma_start3A_126 = arith.constant 0 : i32
    %dma_start3A_127 = arith.constant 0 : i32
    %dma_start3A_128 = tpu.memref_slice %arg9[%dma_start3A_124, %dma_start3A_126, %dma_start3A_127] : memref<8x128x32xf32, #tpu.memory_space<vmem>> -> memref<1x128x32xf32, #tpu.memory_space<vmem>>
    %dma_start3A_129 = tpu.memref_squeeze %dma_start3A_128 : memref<1x128x32xf32, #tpu.memory_space<vmem>> -> memref<128x32xf32, #tpu.memory_space<vmem>>
    %dma_start3A_130 = arith.constant 0 : i32
    %dma_start3A_131 = tpu.memref_slice %arg8[%dma_start3A_125, %dma_start3A_130] : memref<164x128xi32, #tpu.memory_space<vmem>> -> memref<1x128xi32, #tpu.memory_space<vmem>>
    %dma_start3A_132 = tpu.memref_squeeze %dma_start3A_131 : memref<1x128xi32, #tpu.memory_space<vmem>> -> memref<128xi32, #tpu.memory_space<vmem>>
    %dma_start3A_133 = arith.constant 0 : i32
    %dma_start3A_134 = arith.constant 0 : i32
    %dma_start3A_135 = tpu.memref_slice %arg10[%dma_start3A_133, %dma_start3A_134] : memref<10112x32xf32, #tpu.memory_space<vmem_shared>> -> memref<10112x32xf32, #tpu.memory_space<vmem_shared>>
    tpu.enqueue_indirect_dma source(%dma_start3A_129 : memref<128x32xf32, #tpu.memory_space<vmem>>) target(%dma_start3A_135 : memref<10112x32xf32, #tpu.memory_space<vmem_shared>>) offsets(%dma_start3A_132 : memref<128xi32, #tpu.memory_space<vmem>>) semaphore(%arg21 : memref<!tpu.dma_semaphore, #tpu.memory_space<semaphore_mem>>) {add = true}
    %dma_start3A_136 = arith.constant 5 : i32
    %dma_start3A_137 = arith.constant 5 : i32
    %dma_start3A_138 = arith.constant 0 : i32
    %dma_start3A_139 = arith.constant 0 : i32
    %dma_start3A_140 = tpu.memref_slice %arg9[%dma_start3A_137, %dma_start3A_138, %dma_start3A_139] : memref<8x128x32xf32, #tpu.memory_space<vmem>> -> memref<1x128x32xf32, #tpu.memory_space<vmem>>
    %dma_start3A_141 = tpu.memref_squeeze %dma_start3A_140 : memref<1x128x32xf32, #tpu.memory_space<vmem>> -> memref<128x32xf32, #tpu.memory_space<vmem>>
    %dma_start3A_142 = arith.constant 0 : i32
    %dma_start3A_143 = tpu.memref_slice %arg7[%dma_start3A_136, %dma_start3A_142] : memref<164x128xi32, #tpu.memory_space<vmem>> -> memref<1x128xi32, #tpu.memory_space<vmem>>
    %dma_start3A_144 = tpu.memref_squeeze %dma_start3A_143 : memref<1x128xi32, #tpu.memory_space<vmem>> -> memref<128xi32, #tpu.memory_space<vmem>>
    %dma_start3A_145 = arith.constant 0 : i32
    %dma_start3A_146 = arith.constant 0 : i32
    %dma_start3A_147 = tpu.memref_slice %arg11[%dma_start3A_145, %dma_start3A_146] : memref<10000x32xf32, #tpu.memory_space<vmem_shared>> -> memref<10000x32xf32, #tpu.memory_space<vmem_shared>>
    tpu.enqueue_indirect_dma source(%dma_start3A_147 : memref<10000x32xf32, #tpu.memory_space<vmem_shared>>) target(%dma_start3A_141 : memref<128x32xf32, #tpu.memory_space<vmem>>) offsets(%dma_start3A_144 : memref<128xi32, #tpu.memory_space<vmem>>) semaphore(%arg17 : memref<!tpu.dma_semaphore, #tpu.memory_space<semaphore_mem>>)
    %dma_wait3A_148 = arith.constant 0 : i32
    %dma_wait3A_149 = arith.constant 2 : i32
    %dma_wait3A_150 = arith.constant 0 : i32
    %dma_wait3A_151 = arith.constant 0 : i32
    %dma_wait3A_152 = tpu.memref_slice %arg9[%dma_wait3A_149, %dma_wait3A_150, %dma_wait3A_151] : memref<8x128x32xf32, #tpu.memory_space<vmem>> -> memref<1x128x32xf32, #tpu.memory_space<vmem>>
    %dma_wait3A_153 = tpu.memref_squeeze %dma_wait3A_152 : memref<1x128x32xf32, #tpu.memory_space<vmem>> -> memref<128x32xf32, #tpu.memory_space<vmem>>
    %dma_wait3A_154 = arith.constant 0 : i32
    %dma_wait3A_155 = tpu.memref_slice %arg7[%dma_wait3A_148, %dma_wait3A_154] : memref<164x128xi32, #tpu.memory_space<vmem>> -> memref<1x128xi32, #tpu.memory_space<vmem>>
    %dma_wait3A_156 = tpu.memref_squeeze %dma_wait3A_155 : memref<1x128xi32, #tpu.memory_space<vmem>> -> memref<128xi32, #tpu.memory_space<vmem>>
    %dma_wait3A_157 = arith.constant 0 : i32
    %dma_wait3A_158 = arith.constant 0 : i32
    %dma_wait3A_159 = tpu.memref_slice %arg11[%dma_wait3A_157, %dma_wait3A_158] : memref<10000x32xf32, #tpu.memory_space<vmem_shared>> -> memref<10000x32xf32, #tpu.memory_space<vmem_shared>>
    tpu.wait_indirect_dma semaphore(%arg14 : memref<!tpu.dma_semaphore, #tpu.memory_space<semaphore_mem>>) src(%dma_wait3A_159 : memref<10000x32xf32, #tpu.memory_space<vmem_shared>>) dst(%dma_wait3A_153 : memref<128x32xf32, #tpu.memory_space<vmem>>)
    %dma_start3A_160 = arith.constant 2 : i32
    %dma_start3A_161 = arith.constant 2 : i32
    %dma_start3A_162 = arith.constant 0 : i32
    %dma_start3A_163 = arith.constant 0 : i32
    %dma_start3A_164 = tpu.memref_slice %arg9[%dma_start3A_160, %dma_start3A_162, %dma_start3A_163] : memref<8x128x32xf32, #tpu.memory_space<vmem>> -> memref<1x128x32xf32, #tpu.memory_space<vmem>>
    %dma_start3A_165 = tpu.memref_squeeze %dma_start3A_164 : memref<1x128x32xf32, #tpu.memory_space<vmem>> -> memref<128x32xf32, #tpu.memory_space<vmem>>
    %dma_start3A_166 = arith.constant 0 : i32
    %dma_start3A_167 = tpu.memref_slice %arg8[%dma_start3A_161, %dma_start3A_166] : memref<164x128xi32, #tpu.memory_space<vmem>> -> memref<1x128xi32, #tpu.memory_space<vmem>>
    %dma_start3A_168 = tpu.memref_squeeze %dma_start3A_167 : memref<1x128xi32, #tpu.memory_space<vmem>> -> memref<128xi32, #tpu.memory_space<vmem>>
    %dma_start3A_169 = arith.constant 0 : i32
    %dma_start3A_170 = arith.constant 0 : i32
    %dma_start3A_171 = tpu.memref_slice %arg10[%dma_start3A_169, %dma_start3A_170] : memref<10112x32xf32, #tpu.memory_space<vmem_shared>> -> memref<10112x32xf32, #tpu.memory_space<vmem_shared>>
    tpu.enqueue_indirect_dma source(%dma_start3A_165 : memref<128x32xf32, #tpu.memory_space<vmem>>) target(%dma_start3A_171 : memref<10112x32xf32, #tpu.memory_space<vmem_shared>>) offsets(%dma_start3A_168 : memref<128xi32, #tpu.memory_space<vmem>>) semaphore(%arg22 : memref<!tpu.dma_semaphore, #tpu.memory_space<semaphore_mem>>) {add = true}
    %dma_start3A_172 = arith.constant 6 : i32
    %dma_start3A_173 = arith.constant 6 : i32
    %dma_start3A_174 = arith.constant 0 : i32
    %dma_start3A_175 = arith.constant 0 : i32
    %dma_start3A_176 = tpu.memref_slice %arg9[%dma_start3A_173, %dma_start3A_174, %dma_start3A_175] : memref<8x128x32xf32, #tpu.memory_space<vmem>> -> memref<1x128x32xf32, #tpu.memory_space<vmem>>
    %dma_start3A_177 = tpu.memref_squeeze %dma_start3A_176 : memref<1x128x32xf32, #tpu.memory_space<vmem>> -> memref<128x32xf32, #tpu.memory_space<vmem>>
    %dma_start3A_178 = arith.constant 0 : i32
    %dma_start3A_179 = tpu.memref_slice %arg7[%dma_start3A_172, %dma_start3A_178] : memref<164x128xi32, #tpu.memory_space<vmem>> -> memref<1x128xi32, #tpu.memory_space<vmem>>
    %dma_start3A_180 = tpu.memref_squeeze %dma_start3A_179 : memref<1x128xi32, #tpu.memory_space<vmem>> -> memref<128xi32, #tpu.memory_space<vmem>>
    %dma_start3A_181 = arith.constant 0 : i32
    %dma_start3A_182 = arith.constant 0 : i32
    %dma_start3A_183 = tpu.memref_slice %arg11[%dma_start3A_181, %dma_start3A_182] : memref<10000x32xf32, #tpu.memory_space<vmem_shared>> -> memref<10000x32xf32, #tpu.memory_space<vmem_shared>>
    tpu.enqueue_indirect_dma source(%dma_start3A_183 : memref<10000x32xf32, #tpu.memory_space<vmem_shared>>) target(%dma_start3A_177 : memref<128x32xf32, #tpu.memory_space<vmem>>) offsets(%dma_start3A_180 : memref<128xi32, #tpu.memory_space<vmem>>) semaphore(%arg18 : memref<!tpu.dma_semaphore, #tpu.memory_space<semaphore_mem>>)
    %dma_wait3A_184 = arith.constant 0 : i32
    %dma_wait3A_185 = arith.constant 3 : i32
    %dma_wait3A_186 = arith.constant 0 : i32
    %dma_wait3A_187 = arith.constant 0 : i32
    %dma_wait3A_188 = tpu.memref_slice %arg9[%dma_wait3A_185, %dma_wait3A_186, %dma_wait3A_187] : memref<8x128x32xf32, #tpu.memory_space<vmem>> -> memref<1x128x32xf32, #tpu.memory_space<vmem>>
    %dma_wait3A_189 = tpu.memref_squeeze %dma_wait3A_188 : memref<1x128x32xf32, #tpu.memory_space<vmem>> -> memref<128x32xf32, #tpu.memory_space<vmem>>
    %dma_wait3A_190 = arith.constant 0 : i32
    %dma_wait3A_191 = tpu.memref_slice %arg7[%dma_wait3A_184, %dma_wait3A_190] : memref<164x128xi32, #tpu.memory_space<vmem>> -> memref<1x128xi32, #tpu.memory_space<vmem>>
    %dma_wait3A_192 = tpu.memref_squeeze %dma_wait3A_191 : memref<1x128xi32, #tpu.memory_space<vmem>> -> memref<128xi32, #tpu.memory_space<vmem>>
    %dma_wait3A_193 = arith.constant 0 : i32
    %dma_wait3A_194 = arith.constant 0 : i32
    %dma_wait3A_195 = tpu.memref_slice %arg11[%dma_wait3A_193, %dma_wait3A_194] : memref<10000x32xf32, #tpu.memory_space<vmem_shared>> -> memref<10000x32xf32, #tpu.memory_space<vmem_shared>>
    tpu.wait_indirect_dma semaphore(%arg15 : memref<!tpu.dma_semaphore, #tpu.memory_space<semaphore_mem>>) src(%dma_wait3A_195 : memref<10000x32xf32, #tpu.memory_space<vmem_shared>>) dst(%dma_wait3A_189 : memref<128x32xf32, #tpu.memory_space<vmem>>)
    %dma_start3A_196 = arith.constant 3 : i32
    %dma_start3A_197 = arith.constant 3 : i32
    %dma_start3A_198 = arith.constant 0 : i32
    %dma_start3A_199 = arith.constant 0 : i32
    %dma_start3A_200 = tpu.memref_slice %arg9[%dma_start3A_196, %dma_start3A_198, %dma_start3A_199] : memref<8x128x32xf32, #tpu.memory_space<vmem>> -> memref<1x128x32xf32, #tpu.memory_space<vmem>>
    %dma_start3A_201 = tpu.memref_squeeze %dma_start3A_200 : memref<1x128x32xf32, #tpu.memory_space<vmem>> -> memref<128x32xf32, #tpu.memory_space<vmem>>
    %dma_start3A_202 = arith.constant 0 : i32
    %dma_start3A_203 = tpu.memref_slice %arg8[%dma_start3A_197, %dma_start3A_202] : memref<164x128xi32, #tpu.memory_space<vmem>> -> memref<1x128xi32, #tpu.memory_space<vmem>>
    %dma_start3A_204 = tpu.memref_squeeze %dma_start3A_203 : memref<1x128xi32, #tpu.memory_space<vmem>> -> memref<128xi32, #tpu.memory_space<vmem>>
    %dma_start3A_205 = arith.constant 0 : i32
    %dma_start3A_206 = arith.constant 0 : i32
    %dma_start3A_207 = tpu.memref_slice %arg10[%dma_start3A_205, %dma_start3A_206] : memref<10112x32xf32, #tpu.memory_space<vmem_shared>> -> memref<10112x32xf32, #tpu.memory_space<vmem_shared>>
    tpu.enqueue_indirect_dma source(%dma_start3A_201 : memref<128x32xf32, #tpu.memory_space<vmem>>) target(%dma_start3A_207 : memref<10112x32xf32, #tpu.memory_space<vmem_shared>>) offsets(%dma_start3A_204 : memref<128xi32, #tpu.memory_space<vmem>>) semaphore(%arg23 : memref<!tpu.dma_semaphore, #tpu.memory_space<semaphore_mem>>) {add = true}
    %dma_start3A_208 = arith.constant 7 : i32
    %dma_start3A_209 = arith.constant 7 : i32
    %dma_start3A_210 = arith.constant 0 : i32
    %dma_start3A_211 = arith.constant 0 : i32
    %dma_start3A_212 = tpu.memref_slice %arg9[%dma_start3A_209, %dma_start3A_210, %dma_start3A_211] : memref<8x128x32xf32, #tpu.memory_space<vmem>> -> memref<1x128x32xf32, #tpu.memory_space<vmem>>
    %dma_start3A_213 = tpu.memref_squeeze %dma_start3A_212 : memref<1x128x32xf32, #tpu.memory_space<vmem>> -> memref<128x32xf32, #tpu.memory_space<vmem>>
    %dma_start3A_214 = arith.constant 0 : i32
    %dma_start3A_215 = tpu.memref_slice %arg7[%dma_start3A_208, %dma_start3A_214] : memref<164x128xi32, #tpu.memory_space<vmem>> -> memref<1x128xi32, #tpu.memory_space<vmem>>
    %dma_start3A_216 = tpu.memref_squeeze %dma_start3A_215 : memref<1x128xi32, #tpu.memory_space<vmem>> -> memref<128xi32, #tpu.memory_space<vmem>>
    %dma_start3A_217 = arith.constant 0 : i32
    %dma_start3A_218 = arith.constant 0 : i32
    %dma_start3A_219 = tpu.memref_slice %arg11[%dma_start3A_217, %dma_start3A_218] : memref<10000x32xf32, #tpu.memory_space<vmem_shared>> -> memref<10000x32xf32, #tpu.memory_space<vmem_shared>>
    tpu.enqueue_indirect_dma source(%dma_start3A_219 : memref<10000x32xf32, #tpu.memory_space<vmem_shared>>) target(%dma_start3A_213 : memref<128x32xf32, #tpu.memory_space<vmem>>) offsets(%dma_start3A_216 : memref<128xi32, #tpu.memory_space<vmem>>) semaphore(%arg19 : memref<!tpu.dma_semaphore, #tpu.memory_space<semaphore_mem>>)
    %dma_wait3A_220 = arith.constant 0 : i32
    %dma_wait3A_221 = arith.constant 4 : i32
    %dma_wait3A_222 = arith.constant 0 : i32
    %dma_wait3A_223 = arith.constant 0 : i32
    %dma_wait3A_224 = tpu.memref_slice %arg9[%dma_wait3A_221, %dma_wait3A_222, %dma_wait3A_223] : memref<8x128x32xf32, #tpu.memory_space<vmem>> -> memref<1x128x32xf32, #tpu.memory_space<vmem>>
    %dma_wait3A_225 = tpu.memref_squeeze %dma_wait3A_224 : memref<1x128x32xf32, #tpu.memory_space<vmem>> -> memref<128x32xf32, #tpu.memory_space<vmem>>
    %dma_wait3A_226 = arith.constant 0 : i32
    %dma_wait3A_227 = tpu.memref_slice %arg7[%dma_wait3A_220, %dma_wait3A_226] : memref<164x128xi32, #tpu.memory_space<vmem>> -> memref<1x128xi32, #tpu.memory_space<vmem>>
    %dma_wait3A_228 = tpu.memref_squeeze %dma_wait3A_227 : memref<1x128xi32, #tpu.memory_space<vmem>> -> memref<128xi32, #tpu.memory_space<vmem>>
    %dma_wait3A_229 = arith.constant 0 : i32
    %dma_wait3A_230 = arith.constant 0 : i32
    %dma_wait3A_231 = tpu.memref_slice %arg11[%dma_wait3A_229, %dma_wait3A_230] : memref<10000x32xf32, #tpu.memory_space<vmem_shared>> -> memref<10000x32xf32, #tpu.memory_space<vmem_shared>>
    tpu.wait_indirect_dma semaphore(%arg16 : memref<!tpu.dma_semaphore, #tpu.memory_space<semaphore_mem>>) src(%dma_wait3A_231 : memref<10000x32xf32, #tpu.memory_space<vmem_shared>>) dst(%dma_wait3A_225 : memref<128x32xf32, #tpu.memory_space<vmem>>)
    %dma_start3A_232 = arith.constant 4 : i32
    %dma_start3A_233 = arith.constant 4 : i32
    %dma_start3A_234 = arith.constant 0 : i32
    %dma_start3A_235 = arith.constant 0 : i32
    %dma_start3A_236 = tpu.memref_slice %arg9[%dma_start3A_232, %dma_start3A_234, %dma_start3A_235] : memref<8x128x32xf32, #tpu.memory_space<vmem>> -> memref<1x128x32xf32, #tpu.memory_space<vmem>>
    %dma_start3A_237 = tpu.memref_squeeze %dma_start3A_236 : memref<1x128x32xf32, #tpu.memory_space<vmem>> -> memref<128x32xf32, #tpu.memory_space<vmem>>
    %dma_start3A_238 = arith.constant 0 : i32
    %dma_start3A_239 = tpu.memref_slice %arg8[%dma_start3A_233, %dma_start3A_238] : memref<164x128xi32, #tpu.memory_space<vmem>> -> memref<1x128xi32, #tpu.memory_space<vmem>>
    %dma_start3A_240 = tpu.memref_squeeze %dma_start3A_239 : memref<1x128xi32, #tpu.memory_space<vmem>> -> memref<128xi32, #tpu.memory_space<vmem>>
    %dma_start3A_241 = arith.constant 0 : i32
    %dma_start3A_242 = arith.constant 0 : i32
    %dma_start3A_243 = tpu.memref_slice %arg10[%dma_start3A_241, %dma_start3A_242] : memref<10112x32xf32, #tpu.memory_space<vmem_shared>> -> memref<10112x32xf32, #tpu.memory_space<vmem_shared>>
    tpu.enqueue_indirect_dma source(%dma_start3A_237 : memref<128x32xf32, #tpu.memory_space<vmem>>) target(%dma_start3A_243 : memref<10112x32xf32, #tpu.memory_space<vmem_shared>>) offsets(%dma_start3A_240 : memref<128xi32, #tpu.memory_space<vmem>>) semaphore(%arg24 : memref<!tpu.dma_semaphore, #tpu.memory_space<semaphore_mem>>) {add = true}
    %dma_wait3A_244 = arith.constant 0 : i32
    %dma_wait3A_245 = arith.constant 0 : i32
    %dma_wait3A_246 = arith.constant 0 : i32
    %dma_wait3A_247 = arith.constant 0 : i32
    %dma_wait3A_248 = tpu.memref_slice %arg9[%dma_wait3A_244, %dma_wait3A_246, %dma_wait3A_247] : memref<8x128x32xf32, #tpu.memory_space<vmem>> -> memref<1x128x32xf32, #tpu.memory_space<vmem>>
    %dma_wait3A_249 = tpu.memref_squeeze %dma_wait3A_248 : memref<1x128x32xf32, #tpu.memory_space<vmem>> -> memref<128x32xf32, #tpu.memory_space<vmem>>
    %dma_wait3A_250 = arith.constant 0 : i32
    %dma_wait3A_251 = tpu.memref_slice %arg8[%dma_wait3A_245, %dma_wait3A_250] : memref<164x128xi32, #tpu.memory_space<vmem>> -> memref<1x128xi32, #tpu.memory_space<vmem>>
    %dma_wait3A_252 = tpu.memref_squeeze %dma_wait3A_251 : memref<1x128xi32, #tpu.memory_space<vmem>> -> memref<128xi32, #tpu.memory_space<vmem>>
    %dma_wait3A_253 = arith.constant 0 : i32
    %dma_wait3A_254 = arith.constant 0 : i32
    %dma_wait3A_255 = tpu.memref_slice %arg10[%dma_wait3A_253, %dma_wait3A_254] : memref<10112x32xf32, #tpu.memory_space<vmem_shared>> -> memref<10112x32xf32, #tpu.memory_space<vmem_shared>>
    tpu.wait_indirect_dma semaphore(%arg20 : memref<!tpu.dma_semaphore, #tpu.memory_space<semaphore_mem>>) src(%dma_wait3A_249 : memref<128x32xf32, #tpu.memory_space<vmem>>) dst(%dma_wait3A_255 : memref<10112x32xf32, #tpu.memory_space<vmem_shared>>)
    %dma_start3A_256 = arith.constant 8 : i32
    %dma_start3A_257 = arith.constant 0 : i32
    %dma_start3A_258 = arith.constant 0 : i32
    %dma_start3A_259 = arith.constant 0 : i32
    %dma_start3A_260 = tpu.memref_slice %arg9[%dma_start3A_257, %dma_start3A_258, %dma_start3A_259] : memref<8x128x32xf32, #tpu.memory_space<vmem>> -> memref<1x128x32xf32, #tpu.memory_space<vmem>>
    %dma_start3A_261 = tpu.memref_squeeze %dma_start3A_260 : memref<1x128x32xf32, #tpu.memory_space<vmem>> -> memref<128x32xf32, #tpu.memory_space<vmem>>
    %dma_start3A_262 = arith.constant 0 : i32
    %dma_start3A_263 = tpu.memref_slice %arg7[%dma_start3A_256, %dma_start3A_262] : memref<164x128xi32, #tpu.memory_space<vmem>> -> memref<1x128xi32, #tpu.memory_space<vmem>>
    %dma_start3A_264 = tpu.memref_squeeze %dma_start3A_263 : memref<1x128xi32, #tpu.memory_space<vmem>> -> memref<128xi32, #tpu.memory_space<vmem>>
    %dma_start3A_265 = arith.constant 0 : i32
    %dma_start3A_266 = arith.constant 0 : i32
    %dma_start3A_267 = tpu.memref_slice %arg11[%dma_start3A_265, %dma_start3A_266] : memref<10000x32xf32, #tpu.memory_space<vmem_shared>> -> memref<10000x32xf32, #tpu.memory_space<vmem_shared>>
    tpu.enqueue_indirect_dma source(%dma_start3A_267 : memref<10000x32xf32, #tpu.memory_space<vmem_shared>>) target(%dma_start3A_261 : memref<128x32xf32, #tpu.memory_space<vmem>>) offsets(%dma_start3A_264 : memref<128xi32, #tpu.memory_space<vmem>>) semaphore(%arg12 : memref<!tpu.dma_semaphore, #tpu.memory_space<semaphore_mem>>)
    %dma_wait3A_268 = arith.constant 0 : i32
    %dma_wait3A_269 = arith.constant 5 : i32
    %dma_wait3A_270 = arith.constant 0 : i32
    %dma_wait3A_271 = arith.constant 0 : i32
    %dma_wait3A_272 = tpu.memref_slice %arg9[%dma_wait3A_269, %dma_wait3A_270, %dma_wait3A_271] : memref<8x128x32xf32, #tpu.memory_space<vmem>> -> memref<1x128x32xf32, #tpu.memory_space<vmem>>
    %dma_wait3A_273 = tpu.memref_squeeze %dma_wait3A_272 : memref<1x128x32xf32, #tpu.memory_space<vmem>> -> memref<128x32xf32, #tpu.memory_space<vmem>>
    %dma_wait3A_274 = arith.constant 0 : i32
    %dma_wait3A_275 = tpu.memref_slice %arg7[%dma_wait3A_268, %dma_wait3A_274] : memref<164x128xi32, #tpu.memory_space<vmem>> -> memref<1x128xi32, #tpu.memory_space<vmem>>
    %dma_wait3A_276 = tpu.memref_squeeze %dma_wait3A_275 : memref<1x128xi32, #tpu.memory_space<vmem>> -> memref<128xi32, #tpu.memory_space<vmem>>
    %dma_wait3A_277 = arith.constant 0 : i32
    %dma_wait3A_278 = arith.constant 0 : i32
    %dma_wait3A_279 = tpu.memref_slice %arg11[%dma_wait3A_277, %dma_wait3A_278] : memref<10000x32xf32, #tpu.memory_space<vmem_shared>> -> memref<10000x32xf32, #tpu.memory_space<vmem_shared>>
    tpu.wait_indirect_dma semaphore(%arg17 : memref<!tpu.dma_semaphore, #tpu.memory_space<semaphore_mem>>) src(%dma_wait3A_279 : memref<10000x32xf32, #tpu.memory_space<vmem_shared>>) dst(%dma_wait3A_273 : memref<128x32xf32, #tpu.memory_space<vmem>>)
    %dma_start3A_280 = arith.constant 5 : i32
    %dma_start3A_281 = arith.constant 5 : i32
    %dma_start3A_282 = arith.constant 0 : i32
    %dma_start3A_283 = arith.constant 0 : i32
    %dma_start3A_284 = tpu.memref_slice %arg9[%dma_start3A_280, %dma_start3A_282, %dma_start3A_283] : memref<8x128x32xf32, #tpu.memory_space<vmem>> -> memref<1x128x32xf32, #tpu.memory_space<vmem>>
    %dma_start3A_285 = tpu.memref_squeeze %dma_start3A_284 : memref<1x128x32xf32, #tpu.memory_space<vmem>> -> memref<128x32xf32, #tpu.memory_space<vmem>>
    %dma_start3A_286 = arith.constant 0 : i32
    %dma_start3A_287 = tpu.memref_slice %arg8[%dma_start3A_281, %dma_start3A_286] : memref<164x128xi32, #tpu.memory_space<vmem>> -> memref<1x128xi32, #tpu.memory_space<vmem>>
    %dma_start3A_288 = tpu.memref_squeeze %dma_start3A_287 : memref<1x128xi32, #tpu.memory_space<vmem>> -> memref<128xi32, #tpu.memory_space<vmem>>
    %dma_start3A_289 = arith.constant 0 : i32
    %dma_start3A_290 = arith.constant 0 : i32
    %dma_start3A_291 = tpu.memref_slice %arg10[%dma_start3A_289, %dma_start3A_290] : memref<10112x32xf32, #tpu.memory_space<vmem_shared>> -> memref<10112x32xf32, #tpu.memory_space<vmem_shared>>
    tpu.enqueue_indirect_dma source(%dma_start3A_285 : memref<128x32xf32, #tpu.memory_space<vmem>>) target(%dma_start3A_291 : memref<10112x32xf32, #tpu.memory_space<vmem_shared>>) offsets(%dma_start3A_288 : memref<128xi32, #tpu.memory_space<vmem>>) semaphore(%arg25 : memref<!tpu.dma_semaphore, #tpu.memory_space<semaphore_mem>>) {add = true}
    %dma_wait3A_292 = arith.constant 1 : i32
    %dma_wait3A_293 = arith.constant 0 : i32
    %dma_wait3A_294 = arith.constant 0 : i32
    %dma_wait3A_295 = arith.constant 0 : i32
    %dma_wait3A_296 = tpu.memref_slice %arg9[%dma_wait3A_292, %dma_wait3A_294, %dma_wait3A_295] : memref<8x128x32xf32, #tpu.memory_space<vmem>> -> memref<1x128x32xf32, #tpu.memory_space<vmem>>
    %dma_wait3A_297 = tpu.memref_squeeze %dma_wait3A_296 : memref<1x128x32xf32, #tpu.memory_space<vmem>> -> memref<128x32xf32, #tpu.memory_space<vmem>>
    %dma_wait3A_298 = arith.constant 0 : i32
    %dma_wait3A_299 = tpu.memref_slice %arg8[%dma_wait3A_293, %dma_wait3A_298] : memref<164x128xi32, #tpu.memory_space<vmem>> -> memref<1x128xi32, #tpu.memory_space<vmem>>
    %dma_wait3A_300 = tpu.memref_squeeze %dma_wait3A_299 : memref<1x128xi32, #tpu.memory_space<vmem>> -> memref<128xi32, #tpu.memory_space<vmem>>
    %dma_wait3A_301 = arith.constant 0 : i32
    %dma_wait3A_302 = arith.constant 0 : i32
    %dma_wait3A_303 = tpu.memref_slice %arg10[%dma_wait3A_301, %dma_wait3A_302] : memref<10112x32xf32, #tpu.memory_space<vmem_shared>> -> memref<10112x32xf32, #tpu.memory_space<vmem_shared>>
    tpu.wait_indirect_dma semaphore(%arg21 : memref<!tpu.dma_semaphore, #tpu.memory_space<semaphore_mem>>) src(%dma_wait3A_297 : memref<128x32xf32, #tpu.memory_space<vmem>>) dst(%dma_wait3A_303 : memref<10112x32xf32, #tpu.memory_space<vmem_shared>>)
    %dma_start3A_304 = arith.constant 9 : i32
    %dma_start3A_305 = arith.constant 1 : i32
    %dma_start3A_306 = arith.constant 0 : i32
    %dma_start3A_307 = arith.constant 0 : i32
    %dma_start3A_308 = tpu.memref_slice %arg9[%dma_start3A_305, %dma_start3A_306, %dma_start3A_307] : memref<8x128x32xf32, #tpu.memory_space<vmem>> -> memref<1x128x32xf32, #tpu.memory_space<vmem>>
    %dma_start3A_309 = tpu.memref_squeeze %dma_start3A_308 : memref<1x128x32xf32, #tpu.memory_space<vmem>> -> memref<128x32xf32, #tpu.memory_space<vmem>>
    %dma_start3A_310 = arith.constant 0 : i32
    %dma_start3A_311 = tpu.memref_slice %arg7[%dma_start3A_304, %dma_start3A_310] : memref<164x128xi32, #tpu.memory_space<vmem>> -> memref<1x128xi32, #tpu.memory_space<vmem>>
    %dma_start3A_312 = tpu.memref_squeeze %dma_start3A_311 : memref<1x128xi32, #tpu.memory_space<vmem>> -> memref<128xi32, #tpu.memory_space<vmem>>
    %dma_start3A_313 = arith.constant 0 : i32
    %dma_start3A_314 = arith.constant 0 : i32
    %dma_start3A_315 = tpu.memref_slice %arg11[%dma_start3A_313, %dma_start3A_314] : memref<10000x32xf32, #tpu.memory_space<vmem_shared>> -> memref<10000x32xf32, #tpu.memory_space<vmem_shared>>
    tpu.enqueue_indirect_dma source(%dma_start3A_315 : memref<10000x32xf32, #tpu.memory_space<vmem_shared>>) target(%dma_start3A_309 : memref<128x32xf32, #tpu.memory_space<vmem>>) offsets(%dma_start3A_312 : memref<128xi32, #tpu.memory_space<vmem>>) semaphore(%arg13 : memref<!tpu.dma_semaphore, #tpu.memory_space<semaphore_mem>>)
    %dma_wait3A_316 = arith.constant 0 : i32
    %dma_wait3A_317 = arith.constant 6 : i32
    %dma_wait3A_318 = arith.constant 0 : i32
    %dma_wait3A_319 = arith.constant 0 : i32
    %dma_wait3A_320 = tpu.memref_slice %arg9[%dma_wait3A_317, %dma_wait3A_318, %dma_wait3A_319] : memref<8x128x32xf32, #tpu.memory_space<vmem>> -> memref<1x128x32xf32, #tpu.memory_space<vmem>>
    %dma_wait3A_321 = tpu.memref_squeeze %dma_wait3A_320 : memref<1x128x32xf32, #tpu.memory_space<vmem>> -> memref<128x32xf32, #tpu.memory_space<vmem>>
    %dma_wait3A_322 = arith.constant 0 : i32
    %dma_wait3A_323 = tpu.memref_slice %arg7[%dma_wait3A_316, %dma_wait3A_322] : memref<164x128xi32, #tpu.memory_space<vmem>> -> memref<1x128xi32, #tpu.memory_space<vmem>>
    %dma_wait3A_324 = tpu.memref_squeeze %dma_wait3A_323 : memref<1x128xi32, #tpu.memory_space<vmem>> -> memref<128xi32, #tpu.memory_space<vmem>>
    %dma_wait3A_325 = arith.constant 0 : i32
    %dma_wait3A_326 = arith.constant 0 : i32
    %dma_wait3A_327 = tpu.memref_slice %arg11[%dma_wait3A_325, %dma_wait3A_326] : memref<10000x32xf32, #tpu.memory_space<vmem_shared>> -> memref<10000x32xf32, #tpu.memory_space<vmem_shared>>
    tpu.wait_indirect_dma semaphore(%arg18 : memref<!tpu.dma_semaphore, #tpu.memory_space<semaphore_mem>>) src(%dma_wait3A_327 : memref<10000x32xf32, #tpu.memory_space<vmem_shared>>) dst(%dma_wait3A_321 : memref<128x32xf32, #tpu.memory_space<vmem>>)
    %dma_start3A_328 = arith.constant 6 : i32
    %dma_start3A_329 = arith.constant 6 : i32
    %dma_start3A_330 = arith.constant 0 : i32
    %dma_start3A_331 = arith.constant 0 : i32
    %dma_start3A_332 = tpu.memref_slice %arg9[%dma_start3A_328, %dma_start3A_330, %dma_start3A_331] : memref<8x128x32xf32, #tpu.memory_space<vmem>> -> memref<1x128x32xf32, #tpu.memory_space<vmem>>
    %dma_start3A_333 = tpu.memref_squeeze %dma_start3A_332 : memref<1x128x32xf32, #tpu.memory_space<vmem>> -> memref<128x32xf32, #tpu.memory_space<vmem>>
    %dma_start3A_334 = arith.constant 0 : i32
    %dma_start3A_335 = tpu.memref_slice %arg8[%dma_start3A_329, %dma_start3A_334] : memref<164x128xi32, #tpu.memory_space<vmem>> -> memref<1x128xi32, #tpu.memory_space<vmem>>
    %dma_start3A_336 = tpu.memref_squeeze %dma_start3A_335 : memref<1x128xi32, #tpu.memory_space<vmem>> -> memref<128xi32, #tpu.memory_space<vmem>>
    %dma_start3A_337 = arith.constant 0 : i32
    %dma_start3A_338 = arith.constant 0 : i32
    %dma_start3A_339 = tpu.memref_slice %arg10[%dma_start3A_337, %dma_start3A_338] : memref<10112x32xf32, #tpu.memory_space<vmem_shared>> -> memref<10112x32xf32, #tpu.memory_space<vmem_shared>>
    tpu.enqueue_indirect_dma source(%dma_start3A_333 : memref<128x32xf32, #tpu.memory_space<vmem>>) target(%dma_start3A_339 : memref<10112x32xf32, #tpu.memory_space<vmem_shared>>) offsets(%dma_start3A_336 : memref<128xi32, #tpu.memory_space<vmem>>) semaphore(%arg26 : memref<!tpu.dma_semaphore, #tpu.memory_space<semaphore_mem>>) {add = true}
    %dma_wait3A_340 = arith.constant 2 : i32
    %dma_wait3A_341 = arith.constant 0 : i32
    %dma_wait3A_342 = arith.constant 0 : i32
    %dma_wait3A_343 = arith.constant 0 : i32
    %dma_wait3A_344 = tpu.memref_slice %arg9[%dma_wait3A_340, %dma_wait3A_342, %dma_wait3A_343] : memref<8x128x32xf32, #tpu.memory_space<vmem>> -> memref<1x128x32xf32, #tpu.memory_space<vmem>>
    %dma_wait3A_345 = tpu.memref_squeeze %dma_wait3A_344 : memref<1x128x32xf32, #tpu.memory_space<vmem>> -> memref<128x32xf32, #tpu.memory_space<vmem>>
    %dma_wait3A_346 = arith.constant 0 : i32
    %dma_wait3A_347 = tpu.memref_slice %arg8[%dma_wait3A_341, %dma_wait3A_346] : memref<164x128xi32, #tpu.memory_space<vmem>> -> memref<1x128xi32, #tpu.memory_space<vmem>>
    %dma_wait3A_348 = tpu.memref_squeeze %dma_wait3A_347 : memref<1x128xi32, #tpu.memory_space<vmem>> -> memref<128xi32, #tpu.memory_space<vmem>>
    %dma_wait3A_349 = arith.constant 0 : i32
    %dma_wait3A_350 = arith.constant 0 : i32
    %dma_wait3A_351 = tpu.memref_slice %arg10[%dma_wait3A_349, %dma_wait3A_350] : memref<10112x32xf32, #tpu.memory_space<vmem_shared>> -> memref<10112x32xf32, #tpu.memory_space<vmem_shared>>
    tpu.wait_indirect_dma semaphore(%arg22 : memref<!tpu.dma_semaphore, #tpu.memory_space<semaphore_mem>>) src(%dma_wait3A_345 : memref<128x32xf32, #tpu.memory_space<vmem>>) dst(%dma_wait3A_351 : memref<10112x32xf32, #tpu.memory_space<vmem_shared>>)
    %dma_start3A_352 = arith.constant 10 : i32
    %dma_start3A_353 = arith.constant 2 : i32
    %dma_start3A_354 = arith.constant 0 : i32
    %dma_start3A_355 = arith.constant 0 : i32
    %dma_start3A_356 = tpu.memref_slice %arg9[%dma_start3A_353, %dma_start3A_354, %dma_start3A_355] : memref<8x128x32xf32, #tpu.memory_space<vmem>> -> memref<1x128x32xf32, #tpu.memory_space<vmem>>
    %dma_start3A_357 = tpu.memref_squeeze %dma_start3A_356 : memref<1x128x32xf32, #tpu.memory_space<vmem>> -> memref<128x32xf32, #tpu.memory_space<vmem>>
    %dma_start3A_358 = arith.constant 0 : i32
    %dma_start3A_359 = tpu.memref_slice %arg7[%dma_start3A_352, %dma_start3A_358] : memref<164x128xi32, #tpu.memory_space<vmem>> -> memref<1x128xi32, #tpu.memory_space<vmem>>
    %dma_start3A_360 = tpu.memref_squeeze %dma_start3A_359 : memref<1x128xi32, #tpu.memory_space<vmem>> -> memref<128xi32, #tpu.memory_space<vmem>>
    %dma_start3A_361 = arith.constant 0 : i32
    %dma_start3A_362 = arith.constant 0 : i32
    %dma_start3A_363 = tpu.memref_slice %arg11[%dma_start3A_361, %dma_start3A_362] : memref<10000x32xf32, #tpu.memory_space<vmem_shared>> -> memref<10000x32xf32, #tpu.memory_space<vmem_shared>>
    tpu.enqueue_indirect_dma source(%dma_start3A_363 : memref<10000x32xf32, #tpu.memory_space<vmem_shared>>) target(%dma_start3A_357 : memref<128x32xf32, #tpu.memory_space<vmem>>) offsets(%dma_start3A_360 : memref<128xi32, #tpu.memory_space<vmem>>) semaphore(%arg14 : memref<!tpu.dma_semaphore, #tpu.memory_space<semaphore_mem>>)
    %dma_wait3A_364 = arith.constant 0 : i32
    %dma_wait3A_365 = arith.constant 7 : i32
    %dma_wait3A_366 = arith.constant 0 : i32
    %dma_wait3A_367 = arith.constant 0 : i32
    %dma_wait3A_368 = tpu.memref_slice %arg9[%dma_wait3A_365, %dma_wait3A_366, %dma_wait3A_367] : memref<8x128x32xf32, #tpu.memory_space<vmem>> -> memref<1x128x32xf32, #tpu.memory_space<vmem>>
    %dma_wait3A_369 = tpu.memref_squeeze %dma_wait3A_368 : memref<1x128x32xf32, #tpu.memory_space<vmem>> -> memref<128x32xf32, #tpu.memory_space<vmem>>
    %dma_wait3A_370 = arith.constant 0 : i32
    %dma_wait3A_371 = tpu.memref_slice %arg7[%dma_wait3A_364, %dma_wait3A_370] : memref<164x128xi32, #tpu.memory_space<vmem>> -> memref<1x128xi32, #tpu.memory_space<vmem>>
    %dma_wait3A_372 = tpu.memref_squeeze %dma_wait3A_371 : memref<1x128xi32, #tpu.memory_space<vmem>> -> memref<128xi32, #tpu.memory_space<vmem>>
    %dma_wait3A_373 = arith.constant 0 : i32
    %dma_wait3A_374 = arith.constant 0 : i32
    %dma_wait3A_375 = tpu.memref_slice %arg11[%dma_wait3A_373, %dma_wait3A_374] : memref<10000x32xf32, #tpu.memory_space<vmem_shared>> -> memref<10000x32xf32, #tpu.memory_space<vmem_shared>>
    tpu.wait_indirect_dma semaphore(%arg19 : memref<!tpu.dma_semaphore, #tpu.memory_space<semaphore_mem>>) src(%dma_wait3A_375 : memref<10000x32xf32, #tpu.memory_space<vmem_shared>>) dst(%dma_wait3A_369 : memref<128x32xf32, #tpu.memory_space<vmem>>)
    %dma_start3A_376 = arith.constant 7 : i32
    %dma_start3A_377 = arith.constant 7 : i32
    %dma_start3A_378 = arith.constant 0 : i32
    %dma_start3A_379 = arith.constant 0 : i32
    %dma_start3A_380 = tpu.memref_slice %arg9[%dma_start3A_376, %dma_start3A_378, %dma_start3A_379] : memref<8x128x32xf32, #tpu.memory_space<vmem>> -> memref<1x128x32xf32, #tpu.memory_space<vmem>>
    %dma_start3A_381 = tpu.memref_squeeze %dma_start3A_380 : memref<1x128x32xf32, #tpu.memory_space<vmem>> -> memref<128x32xf32, #tpu.memory_space<vmem>>
    %dma_start3A_382 = arith.constant 0 : i32
    %dma_start3A_383 = tpu.memref_slice %arg8[%dma_start3A_377, %dma_start3A_382] : memref<164x128xi32, #tpu.memory_space<vmem>> -> memref<1x128xi32, #tpu.memory_space<vmem>>
    %dma_start3A_384 = tpu.memref_squeeze %dma_start3A_383 : memref<1x128xi32, #tpu.memory_space<vmem>> -> memref<128xi32, #tpu.memory_space<vmem>>
    %dma_start3A_385 = arith.constant 0 : i32
    %dma_start3A_386 = arith.constant 0 : i32
    %dma_start3A_387 = tpu.memref_slice %arg10[%dma_start3A_385, %dma_start3A_386] : memref<10112x32xf32, #tpu.memory_space<vmem_shared>> -> memref<10112x32xf32, #tpu.memory_space<vmem_shared>>
    tpu.enqueue_indirect_dma source(%dma_start3A_381 : memref<128x32xf32, #tpu.memory_space<vmem>>) target(%dma_start3A_387 : memref<10112x32xf32, #tpu.memory_space<vmem_shared>>) offsets(%dma_start3A_384 : memref<128xi32, #tpu.memory_space<vmem>>) semaphore(%arg27 : memref<!tpu.dma_semaphore, #tpu.memory_space<semaphore_mem>>) {add = true}
    %dma_wait3A_388 = arith.constant 3 : i32
    %dma_wait3A_389 = arith.constant 0 : i32
    %dma_wait3A_390 = arith.constant 0 : i32
    %dma_wait3A_391 = arith.constant 0 : i32
    %dma_wait3A_392 = tpu.memref_slice %arg9[%dma_wait3A_388, %dma_wait3A_390, %dma_wait3A_391] : memref<8x128x32xf32, #tpu.memory_space<vmem>> -> memref<1x128x32xf32, #tpu.memory_space<vmem>>
    %dma_wait3A_393 = tpu.memref_squeeze %dma_wait3A_392 : memref<1x128x32xf32, #tpu.memory_space<vmem>> -> memref<128x32xf32, #tpu.memory_space<vmem>>
    %dma_wait3A_394 = arith.constant 0 : i32
    %dma_wait3A_395 = tpu.memref_slice %arg8[%dma_wait3A_389, %dma_wait3A_394] : memref<164x128xi32, #tpu.memory_space<vmem>> -> memref<1x128xi32, #tpu.memory_space<vmem>>
    %dma_wait3A_396 = tpu.memref_squeeze %dma_wait3A_395 : memref<1x128xi32, #tpu.memory_space<vmem>> -> memref<128xi32, #tpu.memory_space<vmem>>
    %dma_wait3A_397 = arith.constant 0 : i32
    %dma_wait3A_398 = arith.constant 0 : i32
    %dma_wait3A_399 = tpu.memref_slice %arg10[%dma_wait3A_397, %dma_wait3A_398] : memref<10112x32xf32, #tpu.memory_space<vmem_shared>> -> memref<10112x32xf32, #tpu.memory_space<vmem_shared>>
    tpu.wait_indirect_dma semaphore(%arg23 : memref<!tpu.dma_semaphore, #tpu.memory_space<semaphore_mem>>) src(%dma_wait3A_393 : memref<128x32xf32, #tpu.memory_space<vmem>>) dst(%dma_wait3A_399 : memref<10112x32xf32, #tpu.memory_space<vmem_shared>>)
    %dma_start3A_400 = arith.constant 11 : i32
    %dma_start3A_401 = arith.constant 3 : i32
    %dma_start3A_402 = arith.constant 0 : i32
    %dma_start3A_403 = arith.constant 0 : i32
    %dma_start3A_404 = tpu.memref_slice %arg9[%dma_start3A_401, %dma_start3A_402, %dma_start3A_403] : memref<8x128x32xf32, #tpu.memory_space<vmem>> -> memref<1x128x32xf32, #tpu.memory_space<vmem>>
    %dma_start3A_405 = tpu.memref_squeeze %dma_start3A_404 : memref<1x128x32xf32, #tpu.memory_space<vmem>> -> memref<128x32xf32, #tpu.memory_space<vmem>>
    %dma_start3A_406 = arith.constant 0 : i32
    %dma_start3A_407 = tpu.memref_slice %arg7[%dma_start3A_400, %dma_start3A_406] : memref<164x128xi32, #tpu.memory_space<vmem>> -> memref<1x128xi32, #tpu.memory_space<vmem>>
    %dma_start3A_408 = tpu.memref_squeeze %dma_start3A_407 : memref<1x128xi32, #tpu.memory_space<vmem>> -> memref<128xi32, #tpu.memory_space<vmem>>
    %dma_start3A_409 = arith.constant 0 : i32
    %dma_start3A_410 = arith.constant 0 : i32
    %dma_start3A_411 = tpu.memref_slice %arg11[%dma_start3A_409, %dma_start3A_410] : memref<10000x32xf32, #tpu.memory_space<vmem_shared>> -> memref<10000x32xf32, #tpu.memory_space<vmem_shared>>
    tpu.enqueue_indirect_dma source(%dma_start3A_411 : memref<10000x32xf32, #tpu.memory_space<vmem_shared>>) target(%dma_start3A_405 : memref<128x32xf32, #tpu.memory_space<vmem>>) offsets(%dma_start3A_408 : memref<128xi32, #tpu.memory_space<vmem>>) semaphore(%arg15 : memref<!tpu.dma_semaphore, #tpu.memory_space<semaphore_mem>>)
    %lt3A_412 = arith.constant 15 : i32
    %lt3A_413 = arith.cmpi slt, %arg1, %lt3A_412 : i32
    %convert_element_type3A_414 = arith.extui %lt3A_413 : i1 to i32
    %cond3A_415 = arith.constant 0 : i32
    %cond3A_416 = arith.cmpi ne, %convert_element_type3A_414, %cond3A_415 : i32
    scf.if %cond3A_416 {
      %add3A = arith.constant 16 : i32
      %add3A_524 = arith.addi %mul3A_0, %add3A : i32
      %dma_wait3A_525 = arith.constant 0 : i32
      %dma_wait3A_526 = arith.constant 16 : i32
      %dma_wait3A_527 = arith.constant 0 : i32
      %dma_wait3A_528 = tpu.memref_slice %arg7[%dma_wait3A_526, %dma_wait3A_527] : memref<164x128xi32, #tpu.memory_space<vmem>> -> memref<148x128xi32, #tpu.memory_space<vmem>>
      %dma_wait3A_529 = arith.constant 0 : i32
      %dma_wait3A_530 = tpu.memref_slice %arg3[%dma_wait3A_525, %add3A_524, %dma_wait3A_529] : memref<2x2500x128xi32, #tpu.memory_space<hbm>> -> memref<1x148x128xi32, #tpu.memory_space<hbm>>
      %dma_wait3A_531 = tpu.memref_squeeze %dma_wait3A_530 : memref<1x148x128xi32, #tpu.memory_space<hbm>> -> memref<148x128xi32, #tpu.memory_space<hbm>>
      %dma_wait3A_532 = arith.constant 16 : i32
      %dma_wait3A_533 = arith.constant 0 : i32
      %dma_wait3A_534 = tpu.memref_slice %arg7[%dma_wait3A_532, %dma_wait3A_533] : memref<164x128xi32, #tpu.memory_space<vmem>> -> memref<148x128xi32, #tpu.memory_space<vmem>>
      %dma_wait3A_535 = arith.constant 0 : i32
      %dma_wait3A_536 = tpu.memref_slice %arg3[%dma_wait3A_525, %add3A_524, %dma_wait3A_535] : memref<2x2500x128xi32, #tpu.memory_space<hbm>> -> memref<1x148x128xi32, #tpu.memory_space<hbm>>
      %dma_wait3A_537 = tpu.memref_squeeze %dma_wait3A_536 : memref<1x148x128xi32, #tpu.memory_space<hbm>> -> memref<148x128xi32, #tpu.memory_space<hbm>>
      tpu.wait_dma2 semaphore(%arg28 : memref<!tpu.dma_semaphore, #tpu.memory_space<semaphore_mem>>) src(%dma_wait3A_537 : memref<148x128xi32, #tpu.memory_space<hbm>>) dst(%dma_wait3A_534 : memref<148x128xi32, #tpu.memory_space<vmem>>)
      %add3A_538 = arith.constant 16 : i32
      %add3A_539 = arith.addi %mul3A_0, %add3A_538 : i32
      %dma_wait3A_540 = arith.constant 1 : i32
      %dma_wait3A_541 = arith.constant 16 : i32
      %dma_wait3A_542 = arith.constant 0 : i32
      %dma_wait3A_543 = tpu.memref_slice %arg8[%dma_wait3A_541, %dma_wait3A_542] : memref<164x128xi32, #tpu.memory_space<vmem>> -> memref<148x128xi32, #tpu.memory_space<vmem>>
      %dma_wait3A_544 = arith.constant 0 : i32
      %dma_wait3A_545 = tpu.memref_slice %arg3[%dma_wait3A_540, %add3A_539, %dma_wait3A_544] : memref<2x2500x128xi32, #tpu.memory_space<hbm>> -> memref<1x148x128xi32, #tpu.memory_space<hbm>>
      %dma_wait3A_546 = tpu.memref_squeeze %dma_wait3A_545 : memref<1x148x128xi32, #tpu.memory_space<hbm>> -> memref<148x128xi32, #tpu.memory_space<hbm>>
      %dma_wait3A_547 = arith.constant 16 : i32
      %dma_wait3A_548 = arith.constant 0 : i32
      %dma_wait3A_549 = tpu.memref_slice %arg8[%dma_wait3A_547, %dma_wait3A_548] : memref<164x128xi32, #tpu.memory_space<vmem>> -> memref<148x128xi32, #tpu.memory_space<vmem>>
      %dma_wait3A_550 = arith.constant 0 : i32
      %dma_wait3A_551 = tpu.memref_slice %arg3[%dma_wait3A_540, %add3A_539, %dma_wait3A_550] : memref<2x2500x128xi32, #tpu.memory_space<hbm>> -> memref<1x148x128xi32, #tpu.memory_space<hbm>>
      %dma_wait3A_552 = tpu.memref_squeeze %dma_wait3A_551 : memref<1x148x128xi32, #tpu.memory_space<hbm>> -> memref<148x128xi32, #tpu.memory_space<hbm>>
      tpu.wait_dma2 semaphore(%arg29 : memref<!tpu.dma_semaphore, #tpu.memory_space<semaphore_mem>>) src(%dma_wait3A_552 : memref<148x128xi32, #tpu.memory_space<hbm>>) dst(%dma_wait3A_549 : memref<148x128xi32, #tpu.memory_space<vmem>>)
    } else {
    }
    %eq3A_417 = arith.constant 15 : i32
    %eq3A_418 = arith.cmpi eq, %arg1, %eq3A_417 : i32
    %convert_element_type3A_419 = arith.extui %eq3A_418 : i1 to i32
    %cond3A_420 = arith.constant 0 : i32
    %cond3A_421 = arith.cmpi ne, %convert_element_type3A_419, %cond3A_420 : i32
    scf.if %cond3A_421 {
      %add3A = arith.constant 16 : i32
      %add3A_524 = arith.addi %mul3A_0, %add3A : i32
      %dma_wait3A_525 = arith.constant 0 : i32
      %dma_wait3A_526 = arith.constant 16 : i32
      %dma_wait3A_527 = arith.constant 0 : i32
      %dma_wait3A_528 = tpu.memref_slice %arg7[%dma_wait3A_526, %dma_wait3A_527] : memref<164x128xi32, #tpu.memory_space<vmem>> -> memref<84x128xi32, #tpu.memory_space<vmem>>
      %dma_wait3A_529 = arith.constant 0 : i32
      %dma_wait3A_530 = tpu.memref_slice %arg3[%dma_wait3A_525, %add3A_524, %dma_wait3A_529] : memref<2x2500x128xi32, #tpu.memory_space<hbm>> -> memref<1x84x128xi32, #tpu.memory_space<hbm>>
      %dma_wait3A_531 = tpu.memref_squeeze %dma_wait3A_530 : memref<1x84x128xi32, #tpu.memory_space<hbm>> -> memref<84x128xi32, #tpu.memory_space<hbm>>
      %dma_wait3A_532 = arith.constant 16 : i32
      %dma_wait3A_533 = arith.constant 0 : i32
      %dma_wait3A_534 = tpu.memref_slice %arg7[%dma_wait3A_532, %dma_wait3A_533] : memref<164x128xi32, #tpu.memory_space<vmem>> -> memref<84x128xi32, #tpu.memory_space<vmem>>
      %dma_wait3A_535 = arith.constant 0 : i32
      %dma_wait3A_536 = tpu.memref_slice %arg3[%dma_wait3A_525, %add3A_524, %dma_wait3A_535] : memref<2x2500x128xi32, #tpu.memory_space<hbm>> -> memref<1x84x128xi32, #tpu.memory_space<hbm>>
      %dma_wait3A_537 = tpu.memref_squeeze %dma_wait3A_536 : memref<1x84x128xi32, #tpu.memory_space<hbm>> -> memref<84x128xi32, #tpu.memory_space<hbm>>
      tpu.wait_dma2 semaphore(%arg28 : memref<!tpu.dma_semaphore, #tpu.memory_space<semaphore_mem>>) src(%dma_wait3A_537 : memref<84x128xi32, #tpu.memory_space<hbm>>) dst(%dma_wait3A_534 : memref<84x128xi32, #tpu.memory_space<vmem>>)
      %add3A_538 = arith.constant 16 : i32
      %add3A_539 = arith.addi %mul3A_0, %add3A_538 : i32
      %dma_wait3A_540 = arith.constant 1 : i32
      %dma_wait3A_541 = arith.constant 16 : i32
      %dma_wait3A_542 = arith.constant 0 : i32
      %dma_wait3A_543 = tpu.memref_slice %arg8[%dma_wait3A_541, %dma_wait3A_542] : memref<164x128xi32, #tpu.memory_space<vmem>> -> memref<84x128xi32, #tpu.memory_space<vmem>>
      %dma_wait3A_544 = arith.constant 0 : i32
      %dma_wait3A_545 = tpu.memref_slice %arg3[%dma_wait3A_540, %add3A_539, %dma_wait3A_544] : memref<2x2500x128xi32, #tpu.memory_space<hbm>> -> memref<1x84x128xi32, #tpu.memory_space<hbm>>
      %dma_wait3A_546 = tpu.memref_squeeze %dma_wait3A_545 : memref<1x84x128xi32, #tpu.memory_space<hbm>> -> memref<84x128xi32, #tpu.memory_space<hbm>>
      %dma_wait3A_547 = arith.constant 16 : i32
      %dma_wait3A_548 = arith.constant 0 : i32
      %dma_wait3A_549 = tpu.memref_slice %arg8[%dma_wait3A_547, %dma_wait3A_548] : memref<164x128xi32, #tpu.memory_space<vmem>> -> memref<84x128xi32, #tpu.memory_space<vmem>>
      %dma_wait3A_550 = arith.constant 0 : i32
      %dma_wait3A_551 = tpu.memref_slice %arg3[%dma_wait3A_540, %add3A_539, %dma_wait3A_550] : memref<2x2500x128xi32, #tpu.memory_space<hbm>> -> memref<1x84x128xi32, #tpu.memory_space<hbm>>
      %dma_wait3A_552 = tpu.memref_squeeze %dma_wait3A_551 : memref<1x84x128xi32, #tpu.memory_space<hbm>> -> memref<84x128xi32, #tpu.memory_space<hbm>>
      tpu.wait_dma2 semaphore(%arg29 : memref<!tpu.dma_semaphore, #tpu.memory_space<semaphore_mem>>) src(%dma_wait3A_552 : memref<84x128xi32, #tpu.memory_space<hbm>>) dst(%dma_wait3A_549 : memref<84x128xi32, #tpu.memory_space<vmem>>)
      %dma_wait3A_553 = arith.constant 0 : i32
      %dma_wait3A_554 = arith.constant 100 : i32
      %dma_wait3A_555 = arith.constant 0 : i32
      %dma_wait3A_556 = tpu.memref_slice %arg7[%dma_wait3A_554, %dma_wait3A_555] : memref<164x128xi32, #tpu.memory_space<vmem>> -> memref<64x128xi32, #tpu.memory_space<vmem>>
      %dma_wait3A_557 = arith.constant 0 : i32
      %dma_wait3A_558 = arith.constant 0 : i32
      %dma_wait3A_559 = tpu.memref_slice %arg4[%dma_wait3A_553, %dma_wait3A_557, %dma_wait3A_558] : memref<2x64x128xi32, #tpu.memory_space<hbm>> -> memref<1x64x128xi32, #tpu.memory_space<hbm>>
      %dma_wait3A_560 = tpu.memref_squeeze %dma_wait3A_559 : memref<1x64x128xi32, #tpu.memory_space<hbm>> -> memref<64x128xi32, #tpu.memory_space<hbm>>
      %dma_wait3A_561 = arith.constant 100 : i32
      %dma_wait3A_562 = arith.constant 0 : i32
      %dma_wait3A_563 = tpu.memref_slice %arg7[%dma_wait3A_561, %dma_wait3A_562] : memref<164x128xi32, #tpu.memory_space<vmem>> -> memref<64x128xi32, #tpu.memory_space<vmem>>
      %dma_wait3A_564 = arith.constant 0 : i32
      %dma_wait3A_565 = arith.constant 0 : i32
      %dma_wait3A_566 = tpu.memref_slice %arg4[%dma_wait3A_553, %dma_wait3A_564, %dma_wait3A_565] : memref<2x64x128xi32, #tpu.memory_space<hbm>> -> memref<1x64x128xi32, #tpu.memory_space<hbm>>
      %dma_wait3A_567 = tpu.memref_squeeze %dma_wait3A_566 : memref<1x64x128xi32, #tpu.memory_space<hbm>> -> memref<64x128xi32, #tpu.memory_space<hbm>>
      tpu.wait_dma2 semaphore(%arg28 : memref<!tpu.dma_semaphore, #tpu.memory_space<semaphore_mem>>) src(%dma_wait3A_567 : memref<64x128xi32, #tpu.memory_space<hbm>>) dst(%dma_wait3A_563 : memref<64x128xi32, #tpu.memory_space<vmem>>)
      %dma_wait3A_568 = arith.constant 1 : i32
      %dma_wait3A_569 = arith.constant 100 : i32
      %dma_wait3A_570 = arith.constant 0 : i32
      %dma_wait3A_571 = tpu.memref_slice %arg8[%dma_wait3A_569, %dma_wait3A_570] : memref<164x128xi32, #tpu.memory_space<vmem>> -> memref<64x128xi32, #tpu.memory_space<vmem>>
      %dma_wait3A_572 = arith.constant 0 : i32
      %dma_wait3A_573 = arith.constant 0 : i32
      %dma_wait3A_574 = tpu.memref_slice %arg4[%dma_wait3A_568, %dma_wait3A_572, %dma_wait3A_573] : memref<2x64x128xi32, #tpu.memory_space<hbm>> -> memref<1x64x128xi32, #tpu.memory_space<hbm>>
      %dma_wait3A_575 = tpu.memref_squeeze %dma_wait3A_574 : memref<1x64x128xi32, #tpu.memory_space<hbm>> -> memref<64x128xi32, #tpu.memory_space<hbm>>
      %dma_wait3A_576 = arith.constant 100 : i32
      %dma_wait3A_577 = arith.constant 0 : i32
      %dma_wait3A_578 = tpu.memref_slice %arg8[%dma_wait3A_576, %dma_wait3A_577] : memref<164x128xi32, #tpu.memory_space<vmem>> -> memref<64x128xi32, #tpu.memory_space<vmem>>
      %dma_wait3A_579 = arith.constant 0 : i32
      %dma_wait3A_580 = arith.constant 0 : i32
      %dma_wait3A_581 = tpu.memref_slice %arg4[%dma_wait3A_568, %dma_wait3A_579, %dma_wait3A_580] : memref<2x64x128xi32, #tpu.memory_space<hbm>> -> memref<1x64x128xi32, #tpu.memory_space<hbm>>
      %dma_wait3A_582 = tpu.memref_squeeze %dma_wait3A_581 : memref<1x64x128xi32, #tpu.memory_space<hbm>> -> memref<64x128xi32, #tpu.memory_space<hbm>>
      tpu.wait_dma2 semaphore(%arg29 : memref<!tpu.dma_semaphore, #tpu.memory_space<semaphore_mem>>) src(%dma_wait3A_582 : memref<64x128xi32, #tpu.memory_space<hbm>>) dst(%dma_wait3A_578 : memref<64x128xi32, #tpu.memory_space<vmem>>)
    } else {
    }
    %scan3A = arith.constant 0 : i32
    %scan3A_422 = arith.constant 0 : i32
    %scan3A_423 = arith.constant 19 : i32
    %scan3A_424 = arith.addi %scan3A_422, %scan3A_423 : i32
    %scan3A_425 = arith.constant 1 : i32
    scf.for %scan3A_524 = %scan3A_422 to %scan3A_424 step %scan3A_425  : i32 {
      %mul3A_525 = arith.constant 8 : i32
      %mul3A_526 = arith.muli %mul3A_525, %scan3A_524 : i32
      %add3A = arith.constant 8 : i32
      %add3A_527 = arith.addi %mul3A_526, %add3A : i32
      %add3A_528 = arith.constant 0 : i32
      %add3A_529 = arith.addi %add3A_527, %add3A_528 : i32
      %dma_wait3A_530 = arith.constant 0 : i32
      %dma_wait3A_531 = arith.constant 0 : i32
      %dma_wait3A_532 = arith.constant 0 : i32
      %dma_wait3A_533 = arith.constant 0 : i32
      %dma_wait3A_534 = tpu.memref_slice %arg9[%dma_wait3A_531, %dma_wait3A_532, %dma_wait3A_533] : memref<8x128x32xf32, #tpu.memory_space<vmem>> -> memref<1x128x32xf32, #tpu.memory_space<vmem>>
      %dma_wait3A_535 = tpu.memref_squeeze %dma_wait3A_534 : memref<1x128x32xf32, #tpu.memory_space<vmem>> -> memref<128x32xf32, #tpu.memory_space<vmem>>
      %dma_wait3A_536 = arith.constant 0 : i32
      %dma_wait3A_537 = tpu.memref_slice %arg7[%dma_wait3A_530, %dma_wait3A_536] : memref<164x128xi32, #tpu.memory_space<vmem>> -> memref<1x128xi32, #tpu.memory_space<vmem>>
      %dma_wait3A_538 = tpu.memref_squeeze %dma_wait3A_537 : memref<1x128xi32, #tpu.memory_space<vmem>> -> memref<128xi32, #tpu.memory_space<vmem>>
      %dma_wait3A_539 = arith.constant 0 : i32
      %dma_wait3A_540 = arith.constant 0 : i32
      %dma_wait3A_541 = tpu.memref_slice %arg11[%dma_wait3A_539, %dma_wait3A_540] : memref<10000x32xf32, #tpu.memory_space<vmem_shared>> -> memref<10000x32xf32, #tpu.memory_space<vmem_shared>>
      tpu.wait_indirect_dma semaphore(%arg12 : memref<!tpu.dma_semaphore, #tpu.memory_space<semaphore_mem>>) src(%dma_wait3A_541 : memref<10000x32xf32, #tpu.memory_space<vmem_shared>>) dst(%dma_wait3A_535 : memref<128x32xf32, #tpu.memory_space<vmem>>)
      %dma_start3A_542 = arith.constant 0 : i32
      %dma_start3A_543 = arith.constant 0 : i32
      %dma_start3A_544 = arith.constant 0 : i32
      %dma_start3A_545 = tpu.memref_slice %arg9[%dma_start3A_542, %dma_start3A_543, %dma_start3A_544] : memref<8x128x32xf32, #tpu.memory_space<vmem>> -> memref<1x128x32xf32, #tpu.memory_space<vmem>>
      %dma_start3A_546 = tpu.memref_squeeze %dma_start3A_545 : memref<1x128x32xf32, #tpu.memory_space<vmem>> -> memref<128x32xf32, #tpu.memory_space<vmem>>
      %dma_start3A_547 = arith.constant 0 : i32
      %dma_start3A_548 = tpu.memref_slice %arg8[%add3A_529, %dma_start3A_547] : memref<164x128xi32, #tpu.memory_space<vmem>> -> memref<1x128xi32, #tpu.memory_space<vmem>>
      %dma_start3A_549 = tpu.memref_squeeze %dma_start3A_548 : memref<1x128xi32, #tpu.memory_space<vmem>> -> memref<128xi32, #tpu.memory_space<vmem>>
      %dma_start3A_550 = arith.constant 0 : i32
      %dma_start3A_551 = arith.constant 0 : i32
      %dma_start3A_552 = tpu.memref_slice %arg10[%dma_start3A_550, %dma_start3A_551] : memref<10112x32xf32, #tpu.memory_space<vmem_shared>> -> memref<10112x32xf32, #tpu.memory_space<vmem_shared>>
      tpu.enqueue_indirect_dma source(%dma_start3A_546 : memref<128x32xf32, #tpu.memory_space<vmem>>) target(%dma_start3A_552 : memref<10112x32xf32, #tpu.memory_space<vmem_shared>>) offsets(%dma_start3A_549 : memref<128xi32, #tpu.memory_space<vmem>>) semaphore(%arg20 : memref<!tpu.dma_semaphore, #tpu.memory_space<semaphore_mem>>) {add = true}
      %dma_wait3A_553 = arith.constant 4 : i32
      %dma_wait3A_554 = arith.constant 0 : i32
      %dma_wait3A_555 = arith.constant 0 : i32
      %dma_wait3A_556 = arith.constant 0 : i32
      %dma_wait3A_557 = tpu.memref_slice %arg9[%dma_wait3A_553, %dma_wait3A_555, %dma_wait3A_556] : memref<8x128x32xf32, #tpu.memory_space<vmem>> -> memref<1x128x32xf32, #tpu.memory_space<vmem>>
      %dma_wait3A_558 = tpu.memref_squeeze %dma_wait3A_557 : memref<1x128x32xf32, #tpu.memory_space<vmem>> -> memref<128x32xf32, #tpu.memory_space<vmem>>
      %dma_wait3A_559 = arith.constant 0 : i32
      %dma_wait3A_560 = tpu.memref_slice %arg8[%dma_wait3A_554, %dma_wait3A_559] : memref<164x128xi32, #tpu.memory_space<vmem>> -> memref<1x128xi32, #tpu.memory_space<vmem>>
      %dma_wait3A_561 = tpu.memref_squeeze %dma_wait3A_560 : memref<1x128xi32, #tpu.memory_space<vmem>> -> memref<128xi32, #tpu.memory_space<vmem>>
      %dma_wait3A_562 = arith.constant 0 : i32
      %dma_wait3A_563 = arith.constant 0 : i32
      %dma_wait3A_564 = tpu.memref_slice %arg10[%dma_wait3A_562, %dma_wait3A_563] : memref<10112x32xf32, #tpu.memory_space<vmem_shared>> -> memref<10112x32xf32, #tpu.memory_space<vmem_shared>>
      tpu.wait_indirect_dma semaphore(%arg24 : memref<!tpu.dma_semaphore, #tpu.memory_space<semaphore_mem>>) src(%dma_wait3A_558 : memref<128x32xf32, #tpu.memory_space<vmem>>) dst(%dma_wait3A_564 : memref<10112x32xf32, #tpu.memory_space<vmem_shared>>)
      %add3A_565 = arith.constant 4 : i32
      %add3A_566 = arith.addi %add3A_529, %add3A_565 : i32
      %dma_start3A_567 = arith.constant 4 : i32
      %dma_start3A_568 = arith.constant 0 : i32
      %dma_start3A_569 = arith.constant 0 : i32
      %dma_start3A_570 = tpu.memref_slice %arg9[%dma_start3A_567, %dma_start3A_568, %dma_start3A_569] : memref<8x128x32xf32, #tpu.memory_space<vmem>> -> memref<1x128x32xf32, #tpu.memory_space<vmem>>
      %dma_start3A_571 = tpu.memref_squeeze %dma_start3A_570 : memref<1x128x32xf32, #tpu.memory_space<vmem>> -> memref<128x32xf32, #tpu.memory_space<vmem>>
      %dma_start3A_572 = arith.constant 0 : i32
      %dma_start3A_573 = tpu.memref_slice %arg7[%add3A_566, %dma_start3A_572] : memref<164x128xi32, #tpu.memory_space<vmem>> -> memref<1x128xi32, #tpu.memory_space<vmem>>
      %dma_start3A_574 = tpu.memref_squeeze %dma_start3A_573 : memref<1x128xi32, #tpu.memory_space<vmem>> -> memref<128xi32, #tpu.memory_space<vmem>>
      %dma_start3A_575 = arith.constant 0 : i32
      %dma_start3A_576 = arith.constant 0 : i32
      %dma_start3A_577 = tpu.memref_slice %arg11[%dma_start3A_575, %dma_start3A_576] : memref<10000x32xf32, #tpu.memory_space<vmem_shared>> -> memref<10000x32xf32, #tpu.memory_space<vmem_shared>>
      tpu.enqueue_indirect_dma source(%dma_start3A_577 : memref<10000x32xf32, #tpu.memory_space<vmem_shared>>) target(%dma_start3A_571 : memref<128x32xf32, #tpu.memory_space<vmem>>) offsets(%dma_start3A_574 : memref<128xi32, #tpu.memory_space<vmem>>) semaphore(%arg16 : memref<!tpu.dma_semaphore, #tpu.memory_space<semaphore_mem>>)
      %mul3A_578 = arith.constant 8 : i32
      %mul3A_579 = arith.muli %mul3A_578, %scan3A_524 : i32
      %add3A_580 = arith.constant 8 : i32
      %add3A_581 = arith.addi %mul3A_579, %add3A_580 : i32
      %add3A_582 = arith.constant 1 : i32
      %add3A_583 = arith.addi %add3A_581, %add3A_582 : i32
      %dma_wait3A_584 = arith.constant 0 : i32
      %dma_wait3A_585 = arith.constant 1 : i32
      %dma_wait3A_586 = arith.constant 0 : i32
      %dma_wait3A_587 = arith.constant 0 : i32
      %dma_wait3A_588 = tpu.memref_slice %arg9[%dma_wait3A_585, %dma_wait3A_586, %dma_wait3A_587] : memref<8x128x32xf32, #tpu.memory_space<vmem>> -> memref<1x128x32xf32, #tpu.memory_space<vmem>>
      %dma_wait3A_589 = tpu.memref_squeeze %dma_wait3A_588 : memref<1x128x32xf32, #tpu.memory_space<vmem>> -> memref<128x32xf32, #tpu.memory_space<vmem>>
      %dma_wait3A_590 = arith.constant 0 : i32
      %dma_wait3A_591 = tpu.memref_slice %arg7[%dma_wait3A_584, %dma_wait3A_590] : memref<164x128xi32, #tpu.memory_space<vmem>> -> memref<1x128xi32, #tpu.memory_space<vmem>>
      %dma_wait3A_592 = tpu.memref_squeeze %dma_wait3A_591 : memref<1x128xi32, #tpu.memory_space<vmem>> -> memref<128xi32, #tpu.memory_space<vmem>>
      %dma_wait3A_593 = arith.constant 0 : i32
      %dma_wait3A_594 = arith.constant 0 : i32
      %dma_wait3A_595 = tpu.memref_slice %arg11[%dma_wait3A_593, %dma_wait3A_594] : memref<10000x32xf32, #tpu.memory_space<vmem_shared>> -> memref<10000x32xf32, #tpu.memory_space<vmem_shared>>
      tpu.wait_indirect_dma semaphore(%arg13 : memref<!tpu.dma_semaphore, #tpu.memory_space<semaphore_mem>>) src(%dma_wait3A_595 : memref<10000x32xf32, #tpu.memory_space<vmem_shared>>) dst(%dma_wait3A_589 : memref<128x32xf32, #tpu.memory_space<vmem>>)
      %dma_start3A_596 = arith.constant 1 : i32
      %dma_start3A_597 = arith.constant 0 : i32
      %dma_start3A_598 = arith.constant 0 : i32
      %dma_start3A_599 = tpu.memref_slice %arg9[%dma_start3A_596, %dma_start3A_597, %dma_start3A_598] : memref<8x128x32xf32, #tpu.memory_space<vmem>> -> memref<1x128x32xf32, #tpu.memory_space<vmem>>
      %dma_start3A_600 = tpu.memref_squeeze %dma_start3A_599 : memref<1x128x32xf32, #tpu.memory_space<vmem>> -> memref<128x32xf32, #tpu.memory_space<vmem>>
      %dma_start3A_601 = arith.constant 0 : i32
      %dma_start3A_602 = tpu.memref_slice %arg8[%add3A_583, %dma_start3A_601] : memref<164x128xi32, #tpu.memory_space<vmem>> -> memref<1x128xi32, #tpu.memory_space<vmem>>
      %dma_start3A_603 = tpu.memref_squeeze %dma_start3A_602 : memref<1x128xi32, #tpu.memory_space<vmem>> -> memref<128xi32, #tpu.memory_space<vmem>>
      %dma_start3A_604 = arith.constant 0 : i32
      %dma_start3A_605 = arith.constant 0 : i32
      %dma_start3A_606 = tpu.memref_slice %arg10[%dma_start3A_604, %dma_start3A_605] : memref<10112x32xf32, #tpu.memory_space<vmem_shared>> -> memref<10112x32xf32, #tpu.memory_space<vmem_shared>>
      tpu.enqueue_indirect_dma source(%dma_start3A_600 : memref<128x32xf32, #tpu.memory_space<vmem>>) target(%dma_start3A_606 : memref<10112x32xf32, #tpu.memory_space<vmem_shared>>) offsets(%dma_start3A_603 : memref<128xi32, #tpu.memory_space<vmem>>) semaphore(%arg21 : memref<!tpu.dma_semaphore, #tpu.memory_space<semaphore_mem>>) {add = true}
      %dma_wait3A_607 = arith.constant 5 : i32
      %dma_wait3A_608 = arith.constant 0 : i32
      %dma_wait3A_609 = arith.constant 0 : i32
      %dma_wait3A_610 = arith.constant 0 : i32
      %dma_wait3A_611 = tpu.memref_slice %arg9[%dma_wait3A_607, %dma_wait3A_609, %dma_wait3A_610] : memref<8x128x32xf32, #tpu.memory_space<vmem>> -> memref<1x128x32xf32, #tpu.memory_space<vmem>>
      %dma_wait3A_612 = tpu.memref_squeeze %dma_wait3A_611 : memref<1x128x32xf32, #tpu.memory_space<vmem>> -> memref<128x32xf32, #tpu.memory_space<vmem>>
      %dma_wait3A_613 = arith.constant 0 : i32
      %dma_wait3A_614 = tpu.memref_slice %arg8[%dma_wait3A_608, %dma_wait3A_613] : memref<164x128xi32, #tpu.memory_space<vmem>> -> memref<1x128xi32, #tpu.memory_space<vmem>>
      %dma_wait3A_615 = tpu.memref_squeeze %dma_wait3A_614 : memref<1x128xi32, #tpu.memory_space<vmem>> -> memref<128xi32, #tpu.memory_space<vmem>>
      %dma_wait3A_616 = arith.constant 0 : i32
      %dma_wait3A_617 = arith.constant 0 : i32
      %dma_wait3A_618 = tpu.memref_slice %arg10[%dma_wait3A_616, %dma_wait3A_617] : memref<10112x32xf32, #tpu.memory_space<vmem_shared>> -> memref<10112x32xf32, #tpu.memory_space<vmem_shared>>
      tpu.wait_indirect_dma semaphore(%arg25 : memref<!tpu.dma_semaphore, #tpu.memory_space<semaphore_mem>>) src(%dma_wait3A_612 : memref<128x32xf32, #tpu.memory_space<vmem>>) dst(%dma_wait3A_618 : memref<10112x32xf32, #tpu.memory_space<vmem_shared>>)
      %add3A_619 = arith.constant 4 : i32
      %add3A_620 = arith.addi %add3A_583, %add3A_619 : i32
      %dma_start3A_621 = arith.constant 5 : i32
      %dma_start3A_622 = arith.constant 0 : i32
      %dma_start3A_623 = arith.constant 0 : i32
      %dma_start3A_624 = tpu.memref_slice %arg9[%dma_start3A_621, %dma_start3A_622, %dma_start3A_623] : memref<8x128x32xf32, #tpu.memory_space<vmem>> -> memref<1x128x32xf32, #tpu.memory_space<vmem>>
      %dma_start3A_625 = tpu.memref_squeeze %dma_start3A_624 : memref<1x128x32xf32, #tpu.memory_space<vmem>> -> memref<128x32xf32, #tpu.memory_space<vmem>>
      %dma_start3A_626 = arith.constant 0 : i32
      %dma_start3A_627 = tpu.memref_slice %arg7[%add3A_620, %dma_start3A_626] : memref<164x128xi32, #tpu.memory_space<vmem>> -> memref<1x128xi32, #tpu.memory_space<vmem>>
      %dma_start3A_628 = tpu.memref_squeeze %dma_start3A_627 : memref<1x128xi32, #tpu.memory_space<vmem>> -> memref<128xi32, #tpu.memory_space<vmem>>
      %dma_start3A_629 = arith.constant 0 : i32
      %dma_start3A_630 = arith.constant 0 : i32
      %dma_start3A_631 = tpu.memref_slice %arg11[%dma_start3A_629, %dma_start3A_630] : memref<10000x32xf32, #tpu.memory_space<vmem_shared>> -> memref<10000x32xf32, #tpu.memory_space<vmem_shared>>
      tpu.enqueue_indirect_dma source(%dma_start3A_631 : memref<10000x32xf32, #tpu.memory_space<vmem_shared>>) target(%dma_start3A_625 : memref<128x32xf32, #tpu.memory_space<vmem>>) offsets(%dma_start3A_628 : memref<128xi32, #tpu.memory_space<vmem>>) semaphore(%arg17 : memref<!tpu.dma_semaphore, #tpu.memory_space<semaphore_mem>>)
      %mul3A_632 = arith.constant 8 : i32
      %mul3A_633 = arith.muli %mul3A_632, %scan3A_524 : i32
      %add3A_634 = arith.constant 8 : i32
      %add3A_635 = arith.addi %mul3A_633, %add3A_634 : i32
      %add3A_636 = arith.constant 2 : i32
      %add3A_637 = arith.addi %add3A_635, %add3A_636 : i32
      %dma_wait3A_638 = arith.constant 0 : i32
      %dma_wait3A_639 = arith.constant 2 : i32
      %dma_wait3A_640 = arith.constant 0 : i32
      %dma_wait3A_641 = arith.constant 0 : i32
      %dma_wait3A_642 = tpu.memref_slice %arg9[%dma_wait3A_639, %dma_wait3A_640, %dma_wait3A_641] : memref<8x128x32xf32, #tpu.memory_space<vmem>> -> memref<1x128x32xf32, #tpu.memory_space<vmem>>
      %dma_wait3A_643 = tpu.memref_squeeze %dma_wait3A_642 : memref<1x128x32xf32, #tpu.memory_space<vmem>> -> memref<128x32xf32, #tpu.memory_space<vmem>>
      %dma_wait3A_644 = arith.constant 0 : i32
      %dma_wait3A_645 = tpu.memref_slice %arg7[%dma_wait3A_638, %dma_wait3A_644] : memref<164x128xi32, #tpu.memory_space<vmem>> -> memref<1x128xi32, #tpu.memory_space<vmem>>
      %dma_wait3A_646 = tpu.memref_squeeze %dma_wait3A_645 : memref<1x128xi32, #tpu.memory_space<vmem>> -> memref<128xi32, #tpu.memory_space<vmem>>
      %dma_wait3A_647 = arith.constant 0 : i32
      %dma_wait3A_648 = arith.constant 0 : i32
      %dma_wait3A_649 = tpu.memref_slice %arg11[%dma_wait3A_647, %dma_wait3A_648] : memref<10000x32xf32, #tpu.memory_space<vmem_shared>> -> memref<10000x32xf32, #tpu.memory_space<vmem_shared>>
      tpu.wait_indirect_dma semaphore(%arg14 : memref<!tpu.dma_semaphore, #tpu.memory_space<semaphore_mem>>) src(%dma_wait3A_649 : memref<10000x32xf32, #tpu.memory_space<vmem_shared>>) dst(%dma_wait3A_643 : memref<128x32xf32, #tpu.memory_space<vmem>>)
      %dma_start3A_650 = arith.constant 2 : i32
      %dma_start3A_651 = arith.constant 0 : i32
      %dma_start3A_652 = arith.constant 0 : i32
      %dma_start3A_653 = tpu.memref_slice %arg9[%dma_start3A_650, %dma_start3A_651, %dma_start3A_652] : memref<8x128x32xf32, #tpu.memory_space<vmem>> -> memref<1x128x32xf32, #tpu.memory_space<vmem>>
      %dma_start3A_654 = tpu.memref_squeeze %dma_start3A_653 : memref<1x128x32xf32, #tpu.memory_space<vmem>> -> memref<128x32xf32, #tpu.memory_space<vmem>>
      %dma_start3A_655 = arith.constant 0 : i32
      %dma_start3A_656 = tpu.memref_slice %arg8[%add3A_637, %dma_start3A_655] : memref<164x128xi32, #tpu.memory_space<vmem>> -> memref<1x128xi32, #tpu.memory_space<vmem>>
      %dma_start3A_657 = tpu.memref_squeeze %dma_start3A_656 : memref<1x128xi32, #tpu.memory_space<vmem>> -> memref<128xi32, #tpu.memory_space<vmem>>
      %dma_start3A_658 = arith.constant 0 : i32
      %dma_start3A_659 = arith.constant 0 : i32
      %dma_start3A_660 = tpu.memref_slice %arg10[%dma_start3A_658, %dma_start3A_659] : memref<10112x32xf32, #tpu.memory_space<vmem_shared>> -> memref<10112x32xf32, #tpu.memory_space<vmem_shared>>
      tpu.enqueue_indirect_dma source(%dma_start3A_654 : memref<128x32xf32, #tpu.memory_space<vmem>>) target(%dma_start3A_660 : memref<10112x32xf32, #tpu.memory_space<vmem_shared>>) offsets(%dma_start3A_657 : memref<128xi32, #tpu.memory_space<vmem>>) semaphore(%arg22 : memref<!tpu.dma_semaphore, #tpu.memory_space<semaphore_mem>>) {add = true}
      %dma_wait3A_661 = arith.constant 6 : i32
      %dma_wait3A_662 = arith.constant 0 : i32
      %dma_wait3A_663 = arith.constant 0 : i32
      %dma_wait3A_664 = arith.constant 0 : i32
      %dma_wait3A_665 = tpu.memref_slice %arg9[%dma_wait3A_661, %dma_wait3A_663, %dma_wait3A_664] : memref<8x128x32xf32, #tpu.memory_space<vmem>> -> memref<1x128x32xf32, #tpu.memory_space<vmem>>
      %dma_wait3A_666 = tpu.memref_squeeze %dma_wait3A_665 : memref<1x128x32xf32, #tpu.memory_space<vmem>> -> memref<128x32xf32, #tpu.memory_space<vmem>>
      %dma_wait3A_667 = arith.constant 0 : i32
      %dma_wait3A_668 = tpu.memref_slice %arg8[%dma_wait3A_662, %dma_wait3A_667] : memref<164x128xi32, #tpu.memory_space<vmem>> -> memref<1x128xi32, #tpu.memory_space<vmem>>
      %dma_wait3A_669 = tpu.memref_squeeze %dma_wait3A_668 : memref<1x128xi32, #tpu.memory_space<vmem>> -> memref<128xi32, #tpu.memory_space<vmem>>
      %dma_wait3A_670 = arith.constant 0 : i32
      %dma_wait3A_671 = arith.constant 0 : i32
      %dma_wait3A_672 = tpu.memref_slice %arg10[%dma_wait3A_670, %dma_wait3A_671] : memref<10112x32xf32, #tpu.memory_space<vmem_shared>> -> memref<10112x32xf32, #tpu.memory_space<vmem_shared>>
      tpu.wait_indirect_dma semaphore(%arg26 : memref<!tpu.dma_semaphore, #tpu.memory_space<semaphore_mem>>) src(%dma_wait3A_666 : memref<128x32xf32, #tpu.memory_space<vmem>>) dst(%dma_wait3A_672 : memref<10112x32xf32, #tpu.memory_space<vmem_shared>>)
      %add3A_673 = arith.constant 4 : i32
      %add3A_674 = arith.addi %add3A_637, %add3A_673 : i32
      %dma_start3A_675 = arith.constant 6 : i32
      %dma_start3A_676 = arith.constant 0 : i32
      %dma_start3A_677 = arith.constant 0 : i32
      %dma_start3A_678 = tpu.memref_slice %arg9[%dma_start3A_675, %dma_start3A_676, %dma_start3A_677] : memref<8x128x32xf32, #tpu.memory_space<vmem>> -> memref<1x128x32xf32, #tpu.memory_space<vmem>>
      %dma_start3A_679 = tpu.memref_squeeze %dma_start3A_678 : memref<1x128x32xf32, #tpu.memory_space<vmem>> -> memref<128x32xf32, #tpu.memory_space<vmem>>
      %dma_start3A_680 = arith.constant 0 : i32
      %dma_start3A_681 = tpu.memref_slice %arg7[%add3A_674, %dma_start3A_680] : memref<164x128xi32, #tpu.memory_space<vmem>> -> memref<1x128xi32, #tpu.memory_space<vmem>>
      %dma_start3A_682 = tpu.memref_squeeze %dma_start3A_681 : memref<1x128xi32, #tpu.memory_space<vmem>> -> memref<128xi32, #tpu.memory_space<vmem>>
      %dma_start3A_683 = arith.constant 0 : i32
      %dma_start3A_684 = arith.constant 0 : i32
      %dma_start3A_685 = tpu.memref_slice %arg11[%dma_start3A_683, %dma_start3A_684] : memref<10000x32xf32, #tpu.memory_space<vmem_shared>> -> memref<10000x32xf32, #tpu.memory_space<vmem_shared>>
      tpu.enqueue_indirect_dma source(%dma_start3A_685 : memref<10000x32xf32, #tpu.memory_space<vmem_shared>>) target(%dma_start3A_679 : memref<128x32xf32, #tpu.memory_space<vmem>>) offsets(%dma_start3A_682 : memref<128xi32, #tpu.memory_space<vmem>>) semaphore(%arg18 : memref<!tpu.dma_semaphore, #tpu.memory_space<semaphore_mem>>)
      %mul3A_686 = arith.constant 8 : i32
      %mul3A_687 = arith.muli %mul3A_686, %scan3A_524 : i32
      %add3A_688 = arith.constant 8 : i32
      %add3A_689 = arith.addi %mul3A_687, %add3A_688 : i32
      %add3A_690 = arith.constant 3 : i32
      %add3A_691 = arith.addi %add3A_689, %add3A_690 : i32
      %dma_wait3A_692 = arith.constant 0 : i32
      %dma_wait3A_693 = arith.constant 3 : i32
      %dma_wait3A_694 = arith.constant 0 : i32
      %dma_wait3A_695 = arith.constant 0 : i32
      %dma_wait3A_696 = tpu.memref_slice %arg9[%dma_wait3A_693, %dma_wait3A_694, %dma_wait3A_695] : memref<8x128x32xf32, #tpu.memory_space<vmem>> -> memref<1x128x32xf32, #tpu.memory_space<vmem>>
      %dma_wait3A_697 = tpu.memref_squeeze %dma_wait3A_696 : memref<1x128x32xf32, #tpu.memory_space<vmem>> -> memref<128x32xf32, #tpu.memory_space<vmem>>
      %dma_wait3A_698 = arith.constant 0 : i32
      %dma_wait3A_699 = tpu.memref_slice %arg7[%dma_wait3A_692, %dma_wait3A_698] : memref<164x128xi32, #tpu.memory_space<vmem>> -> memref<1x128xi32, #tpu.memory_space<vmem>>
      %dma_wait3A_700 = tpu.memref_squeeze %dma_wait3A_699 : memref<1x128xi32, #tpu.memory_space<vmem>> -> memref<128xi32, #tpu.memory_space<vmem>>
      %dma_wait3A_701 = arith.constant 0 : i32
      %dma_wait3A_702 = arith.constant 0 : i32
      %dma_wait3A_703 = tpu.memref_slice %arg11[%dma_wait3A_701, %dma_wait3A_702] : memref<10000x32xf32, #tpu.memory_space<vmem_shared>> -> memref<10000x32xf32, #tpu.memory_space<vmem_shared>>
      tpu.wait_indirect_dma semaphore(%arg15 : memref<!tpu.dma_semaphore, #tpu.memory_space<semaphore_mem>>) src(%dma_wait3A_703 : memref<10000x32xf32, #tpu.memory_space<vmem_shared>>) dst(%dma_wait3A_697 : memref<128x32xf32, #tpu.memory_space<vmem>>)
      %dma_start3A_704 = arith.constant 3 : i32
      %dma_start3A_705 = arith.constant 0 : i32
      %dma_start3A_706 = arith.constant 0 : i32
      %dma_start3A_707 = tpu.memref_slice %arg9[%dma_start3A_704, %dma_start3A_705, %dma_start3A_706] : memref<8x128x32xf32, #tpu.memory_space<vmem>> -> memref<1x128x32xf32, #tpu.memory_space<vmem>>
      %dma_start3A_708 = tpu.memref_squeeze %dma_start3A_707 : memref<1x128x32xf32, #tpu.memory_space<vmem>> -> memref<128x32xf32, #tpu.memory_space<vmem>>
      %dma_start3A_709 = arith.constant 0 : i32
      %dma_start3A_710 = tpu.memref_slice %arg8[%add3A_691, %dma_start3A_709] : memref<164x128xi32, #tpu.memory_space<vmem>> -> memref<1x128xi32, #tpu.memory_space<vmem>>
      %dma_start3A_711 = tpu.memref_squeeze %dma_start3A_710 : memref<1x128xi32, #tpu.memory_space<vmem>> -> memref<128xi32, #tpu.memory_space<vmem>>
      %dma_start3A_712 = arith.constant 0 : i32
      %dma_start3A_713 = arith.constant 0 : i32
      %dma_start3A_714 = tpu.memref_slice %arg10[%dma_start3A_712, %dma_start3A_713] : memref<10112x32xf32, #tpu.memory_space<vmem_shared>> -> memref<10112x32xf32, #tpu.memory_space<vmem_shared>>
      tpu.enqueue_indirect_dma source(%dma_start3A_708 : memref<128x32xf32, #tpu.memory_space<vmem>>) target(%dma_start3A_714 : memref<10112x32xf32, #tpu.memory_space<vmem_shared>>) offsets(%dma_start3A_711 : memref<128xi32, #tpu.memory_space<vmem>>) semaphore(%arg23 : memref<!tpu.dma_semaphore, #tpu.memory_space<semaphore_mem>>) {add = true}
      %dma_wait3A_715 = arith.constant 7 : i32
      %dma_wait3A_716 = arith.constant 0 : i32
      %dma_wait3A_717 = arith.constant 0 : i32
      %dma_wait3A_718 = arith.constant 0 : i32
      %dma_wait3A_719 = tpu.memref_slice %arg9[%dma_wait3A_715, %dma_wait3A_717, %dma_wait3A_718] : memref<8x128x32xf32, #tpu.memory_space<vmem>> -> memref<1x128x32xf32, #tpu.memory_space<vmem>>
      %dma_wait3A_720 = tpu.memref_squeeze %dma_wait3A_719 : memref<1x128x32xf32, #tpu.memory_space<vmem>> -> memref<128x32xf32, #tpu.memory_space<vmem>>
      %dma_wait3A_721 = arith.constant 0 : i32
      %dma_wait3A_722 = tpu.memref_slice %arg8[%dma_wait3A_716, %dma_wait3A_721] : memref<164x128xi32, #tpu.memory_space<vmem>> -> memref<1x128xi32, #tpu.memory_space<vmem>>
      %dma_wait3A_723 = tpu.memref_squeeze %dma_wait3A_722 : memref<1x128xi32, #tpu.memory_space<vmem>> -> memref<128xi32, #tpu.memory_space<vmem>>
      %dma_wait3A_724 = arith.constant 0 : i32
      %dma_wait3A_725 = arith.constant 0 : i32
      %dma_wait3A_726 = tpu.memref_slice %arg10[%dma_wait3A_724, %dma_wait3A_725] : memref<10112x32xf32, #tpu.memory_space<vmem_shared>> -> memref<10112x32xf32, #tpu.memory_space<vmem_shared>>
      tpu.wait_indirect_dma semaphore(%arg27 : memref<!tpu.dma_semaphore, #tpu.memory_space<semaphore_mem>>) src(%dma_wait3A_720 : memref<128x32xf32, #tpu.memory_space<vmem>>) dst(%dma_wait3A_726 : memref<10112x32xf32, #tpu.memory_space<vmem_shared>>)
      %add3A_727 = arith.constant 4 : i32
      %add3A_728 = arith.addi %add3A_691, %add3A_727 : i32
      %dma_start3A_729 = arith.constant 7 : i32
      %dma_start3A_730 = arith.constant 0 : i32
      %dma_start3A_731 = arith.constant 0 : i32
      %dma_start3A_732 = tpu.memref_slice %arg9[%dma_start3A_729, %dma_start3A_730, %dma_start3A_731] : memref<8x128x32xf32, #tpu.memory_space<vmem>> -> memref<1x128x32xf32, #tpu.memory_space<vmem>>
      %dma_start3A_733 = tpu.memref_squeeze %dma_start3A_732 : memref<1x128x32xf32, #tpu.memory_space<vmem>> -> memref<128x32xf32, #tpu.memory_space<vmem>>
      %dma_start3A_734 = arith.constant 0 : i32
      %dma_start3A_735 = tpu.memref_slice %arg7[%add3A_728, %dma_start3A_734] : memref<164x128xi32, #tpu.memory_space<vmem>> -> memref<1x128xi32, #tpu.memory_space<vmem>>
      %dma_start3A_736 = tpu.memref_squeeze %dma_start3A_735 : memref<1x128xi32, #tpu.memory_space<vmem>> -> memref<128xi32, #tpu.memory_space<vmem>>
      %dma_start3A_737 = arith.constant 0 : i32
      %dma_start3A_738 = arith.constant 0 : i32
      %dma_start3A_739 = tpu.memref_slice %arg11[%dma_start3A_737, %dma_start3A_738] : memref<10000x32xf32, #tpu.memory_space<vmem_shared>> -> memref<10000x32xf32, #tpu.memory_space<vmem_shared>>
      tpu.enqueue_indirect_dma source(%dma_start3A_739 : memref<10000x32xf32, #tpu.memory_space<vmem_shared>>) target(%dma_start3A_733 : memref<128x32xf32, #tpu.memory_space<vmem>>) offsets(%dma_start3A_736 : memref<128xi32, #tpu.memory_space<vmem>>) semaphore(%arg19 : memref<!tpu.dma_semaphore, #tpu.memory_space<semaphore_mem>>)
      %mul3A_740 = arith.constant 8 : i32
      %mul3A_741 = arith.muli %mul3A_740, %scan3A_524 : i32
      %add3A_742 = arith.constant 8 : i32
      %add3A_743 = arith.addi %mul3A_741, %add3A_742 : i32
      %add3A_744 = arith.constant 4 : i32
      %add3A_745 = arith.addi %add3A_743, %add3A_744 : i32
      %dma_wait3A_746 = arith.constant 0 : i32
      %dma_wait3A_747 = arith.constant 4 : i32
      %dma_wait3A_748 = arith.constant 0 : i32
      %dma_wait3A_749 = arith.constant 0 : i32
      %dma_wait3A_750 = tpu.memref_slice %arg9[%dma_wait3A_747, %dma_wait3A_748, %dma_wait3A_749] : memref<8x128x32xf32, #tpu.memory_space<vmem>> -> memref<1x128x32xf32, #tpu.memory_space<vmem>>
      %dma_wait3A_751 = tpu.memref_squeeze %dma_wait3A_750 : memref<1x128x32xf32, #tpu.memory_space<vmem>> -> memref<128x32xf32, #tpu.memory_space<vmem>>
      %dma_wait3A_752 = arith.constant 0 : i32
      %dma_wait3A_753 = tpu.memref_slice %arg7[%dma_wait3A_746, %dma_wait3A_752] : memref<164x128xi32, #tpu.memory_space<vmem>> -> memref<1x128xi32, #tpu.memory_space<vmem>>
      %dma_wait3A_754 = tpu.memref_squeeze %dma_wait3A_753 : memref<1x128xi32, #tpu.memory_space<vmem>> -> memref<128xi32, #tpu.memory_space<vmem>>
      %dma_wait3A_755 = arith.constant 0 : i32
      %dma_wait3A_756 = arith.constant 0 : i32
      %dma_wait3A_757 = tpu.memref_slice %arg11[%dma_wait3A_755, %dma_wait3A_756] : memref<10000x32xf32, #tpu.memory_space<vmem_shared>> -> memref<10000x32xf32, #tpu.memory_space<vmem_shared>>
      tpu.wait_indirect_dma semaphore(%arg16 : memref<!tpu.dma_semaphore, #tpu.memory_space<semaphore_mem>>) src(%dma_wait3A_757 : memref<10000x32xf32, #tpu.memory_space<vmem_shared>>) dst(%dma_wait3A_751 : memref<128x32xf32, #tpu.memory_space<vmem>>)
      %dma_start3A_758 = arith.constant 4 : i32
      %dma_start3A_759 = arith.constant 0 : i32
      %dma_start3A_760 = arith.constant 0 : i32
      %dma_start3A_761 = tpu.memref_slice %arg9[%dma_start3A_758, %dma_start3A_759, %dma_start3A_760] : memref<8x128x32xf32, #tpu.memory_space<vmem>> -> memref<1x128x32xf32, #tpu.memory_space<vmem>>
      %dma_start3A_762 = tpu.memref_squeeze %dma_start3A_761 : memref<1x128x32xf32, #tpu.memory_space<vmem>> -> memref<128x32xf32, #tpu.memory_space<vmem>>
      %dma_start3A_763 = arith.constant 0 : i32
      %dma_start3A_764 = tpu.memref_slice %arg8[%add3A_745, %dma_start3A_763] : memref<164x128xi32, #tpu.memory_space<vmem>> -> memref<1x128xi32, #tpu.memory_space<vmem>>
      %dma_start3A_765 = tpu.memref_squeeze %dma_start3A_764 : memref<1x128xi32, #tpu.memory_space<vmem>> -> memref<128xi32, #tpu.memory_space<vmem>>
      %dma_start3A_766 = arith.constant 0 : i32
      %dma_start3A_767 = arith.constant 0 : i32
      %dma_start3A_768 = tpu.memref_slice %arg10[%dma_start3A_766, %dma_start3A_767] : memref<10112x32xf32, #tpu.memory_space<vmem_shared>> -> memref<10112x32xf32, #tpu.memory_space<vmem_shared>>
      tpu.enqueue_indirect_dma source(%dma_start3A_762 : memref<128x32xf32, #tpu.memory_space<vmem>>) target(%dma_start3A_768 : memref<10112x32xf32, #tpu.memory_space<vmem_shared>>) offsets(%dma_start3A_765 : memref<128xi32, #tpu.memory_space<vmem>>) semaphore(%arg24 : memref<!tpu.dma_semaphore, #tpu.memory_space<semaphore_mem>>) {add = true}
      %dma_wait3A_769 = arith.constant 0 : i32
      %dma_wait3A_770 = arith.constant 0 : i32
      %dma_wait3A_771 = arith.constant 0 : i32
      %dma_wait3A_772 = arith.constant 0 : i32
      %dma_wait3A_773 = tpu.memref_slice %arg9[%dma_wait3A_769, %dma_wait3A_771, %dma_wait3A_772] : memref<8x128x32xf32, #tpu.memory_space<vmem>> -> memref<1x128x32xf32, #tpu.memory_space<vmem>>
      %dma_wait3A_774 = tpu.memref_squeeze %dma_wait3A_773 : memref<1x128x32xf32, #tpu.memory_space<vmem>> -> memref<128x32xf32, #tpu.memory_space<vmem>>
      %dma_wait3A_775 = arith.constant 0 : i32
      %dma_wait3A_776 = tpu.memref_slice %arg8[%dma_wait3A_770, %dma_wait3A_775] : memref<164x128xi32, #tpu.memory_space<vmem>> -> memref<1x128xi32, #tpu.memory_space<vmem>>
      %dma_wait3A_777 = tpu.memref_squeeze %dma_wait3A_776 : memref<1x128xi32, #tpu.memory_space<vmem>> -> memref<128xi32, #tpu.memory_space<vmem>>
      %dma_wait3A_778 = arith.constant 0 : i32
      %dma_wait3A_779 = arith.constant 0 : i32
      %dma_wait3A_780 = tpu.memref_slice %arg10[%dma_wait3A_778, %dma_wait3A_779] : memref<10112x32xf32, #tpu.memory_space<vmem_shared>> -> memref<10112x32xf32, #tpu.memory_space<vmem_shared>>
      tpu.wait_indirect_dma semaphore(%arg20 : memref<!tpu.dma_semaphore, #tpu.memory_space<semaphore_mem>>) src(%dma_wait3A_774 : memref<128x32xf32, #tpu.memory_space<vmem>>) dst(%dma_wait3A_780 : memref<10112x32xf32, #tpu.memory_space<vmem_shared>>)
      %add3A_781 = arith.constant 4 : i32
      %add3A_782 = arith.addi %add3A_745, %add3A_781 : i32
      %dma_start3A_783 = arith.constant 0 : i32
      %dma_start3A_784 = arith.constant 0 : i32
      %dma_start3A_785 = arith.constant 0 : i32
      %dma_start3A_786 = tpu.memref_slice %arg9[%dma_start3A_783, %dma_start3A_784, %dma_start3A_785] : memref<8x128x32xf32, #tpu.memory_space<vmem>> -> memref<1x128x32xf32, #tpu.memory_space<vmem>>
      %dma_start3A_787 = tpu.memref_squeeze %dma_start3A_786 : memref<1x128x32xf32, #tpu.memory_space<vmem>> -> memref<128x32xf32, #tpu.memory_space<vmem>>
      %dma_start3A_788 = arith.constant 0 : i32
      %dma_start3A_789 = tpu.memref_slice %arg7[%add3A_782, %dma_start3A_788] : memref<164x128xi32, #tpu.memory_space<vmem>> -> memref<1x128xi32, #tpu.memory_space<vmem>>
      %dma_start3A_790 = tpu.memref_squeeze %dma_start3A_789 : memref<1x128xi32, #tpu.memory_space<vmem>> -> memref<128xi32, #tpu.memory_space<vmem>>
      %dma_start3A_791 = arith.constant 0 : i32
      %dma_start3A_792 = arith.constant 0 : i32
      %dma_start3A_793 = tpu.memref_slice %arg11[%dma_start3A_791, %dma_start3A_792] : memref<10000x32xf32, #tpu.memory_space<vmem_shared>> -> memref<10000x32xf32, #tpu.memory_space<vmem_shared>>
      tpu.enqueue_indirect_dma source(%dma_start3A_793 : memref<10000x32xf32, #tpu.memory_space<vmem_shared>>) target(%dma_start3A_787 : memref<128x32xf32, #tpu.memory_space<vmem>>) offsets(%dma_start3A_790 : memref<128xi32, #tpu.memory_space<vmem>>) semaphore(%arg12 : memref<!tpu.dma_semaphore, #tpu.memory_space<semaphore_mem>>)
      %mul3A_794 = arith.constant 8 : i32
      %mul3A_795 = arith.muli %mul3A_794, %scan3A_524 : i32
      %add3A_796 = arith.constant 8 : i32
      %add3A_797 = arith.addi %mul3A_795, %add3A_796 : i32
      %add3A_798 = arith.constant 5 : i32
      %add3A_799 = arith.addi %add3A_797, %add3A_798 : i32
      %dma_wait3A_800 = arith.constant 0 : i32
      %dma_wait3A_801 = arith.constant 5 : i32
      %dma_wait3A_802 = arith.constant 0 : i32
      %dma_wait3A_803 = arith.constant 0 : i32
      %dma_wait3A_804 = tpu.memref_slice %arg9[%dma_wait3A_801, %dma_wait3A_802, %dma_wait3A_803] : memref<8x128x32xf32, #tpu.memory_space<vmem>> -> memref<1x128x32xf32, #tpu.memory_space<vmem>>
      %dma_wait3A_805 = tpu.memref_squeeze %dma_wait3A_804 : memref<1x128x32xf32, #tpu.memory_space<vmem>> -> memref<128x32xf32, #tpu.memory_space<vmem>>
      %dma_wait3A_806 = arith.constant 0 : i32
      %dma_wait3A_807 = tpu.memref_slice %arg7[%dma_wait3A_800, %dma_wait3A_806] : memref<164x128xi32, #tpu.memory_space<vmem>> -> memref<1x128xi32, #tpu.memory_space<vmem>>
      %dma_wait3A_808 = tpu.memref_squeeze %dma_wait3A_807 : memref<1x128xi32, #tpu.memory_space<vmem>> -> memref<128xi32, #tpu.memory_space<vmem>>
      %dma_wait3A_809 = arith.constant 0 : i32
      %dma_wait3A_810 = arith.constant 0 : i32
      %dma_wait3A_811 = tpu.memref_slice %arg11[%dma_wait3A_809, %dma_wait3A_810] : memref<10000x32xf32, #tpu.memory_space<vmem_shared>> -> memref<10000x32xf32, #tpu.memory_space<vmem_shared>>
      tpu.wait_indirect_dma semaphore(%arg17 : memref<!tpu.dma_semaphore, #tpu.memory_space<semaphore_mem>>) src(%dma_wait3A_811 : memref<10000x32xf32, #tpu.memory_space<vmem_shared>>) dst(%dma_wait3A_805 : memref<128x32xf32, #tpu.memory_space<vmem>>)
      %dma_start3A_812 = arith.constant 5 : i32
      %dma_start3A_813 = arith.constant 0 : i32
      %dma_start3A_814 = arith.constant 0 : i32
      %dma_start3A_815 = tpu.memref_slice %arg9[%dma_start3A_812, %dma_start3A_813, %dma_start3A_814] : memref<8x128x32xf32, #tpu.memory_space<vmem>> -> memref<1x128x32xf32, #tpu.memory_space<vmem>>
      %dma_start3A_816 = tpu.memref_squeeze %dma_start3A_815 : memref<1x128x32xf32, #tpu.memory_space<vmem>> -> memref<128x32xf32, #tpu.memory_space<vmem>>
      %dma_start3A_817 = arith.constant 0 : i32
      %dma_start3A_818 = tpu.memref_slice %arg8[%add3A_799, %dma_start3A_817] : memref<164x128xi32, #tpu.memory_space<vmem>> -> memref<1x128xi32, #tpu.memory_space<vmem>>
      %dma_start3A_819 = tpu.memref_squeeze %dma_start3A_818 : memref<1x128xi32, #tpu.memory_space<vmem>> -> memref<128xi32, #tpu.memory_space<vmem>>
      %dma_start3A_820 = arith.constant 0 : i32
      %dma_start3A_821 = arith.constant 0 : i32
      %dma_start3A_822 = tpu.memref_slice %arg10[%dma_start3A_820, %dma_start3A_821] : memref<10112x32xf32, #tpu.memory_space<vmem_shared>> -> memref<10112x32xf32, #tpu.memory_space<vmem_shared>>
      tpu.enqueue_indirect_dma source(%dma_start3A_816 : memref<128x32xf32, #tpu.memory_space<vmem>>) target(%dma_start3A_822 : memref<10112x32xf32, #tpu.memory_space<vmem_shared>>) offsets(%dma_start3A_819 : memref<128xi32, #tpu.memory_space<vmem>>) semaphore(%arg25 : memref<!tpu.dma_semaphore, #tpu.memory_space<semaphore_mem>>) {add = true}
      %dma_wait3A_823 = arith.constant 1 : i32
      %dma_wait3A_824 = arith.constant 0 : i32
      %dma_wait3A_825 = arith.constant 0 : i32
      %dma_wait3A_826 = arith.constant 0 : i32
      %dma_wait3A_827 = tpu.memref_slice %arg9[%dma_wait3A_823, %dma_wait3A_825, %dma_wait3A_826] : memref<8x128x32xf32, #tpu.memory_space<vmem>> -> memref<1x128x32xf32, #tpu.memory_space<vmem>>
      %dma_wait3A_828 = tpu.memref_squeeze %dma_wait3A_827 : memref<1x128x32xf32, #tpu.memory_space<vmem>> -> memref<128x32xf32, #tpu.memory_space<vmem>>
      %dma_wait3A_829 = arith.constant 0 : i32
      %dma_wait3A_830 = tpu.memref_slice %arg8[%dma_wait3A_824, %dma_wait3A_829] : memref<164x128xi32, #tpu.memory_space<vmem>> -> memref<1x128xi32, #tpu.memory_space<vmem>>
      %dma_wait3A_831 = tpu.memref_squeeze %dma_wait3A_830 : memref<1x128xi32, #tpu.memory_space<vmem>> -> memref<128xi32, #tpu.memory_space<vmem>>
      %dma_wait3A_832 = arith.constant 0 : i32
      %dma_wait3A_833 = arith.constant 0 : i32
      %dma_wait3A_834 = tpu.memref_slice %arg10[%dma_wait3A_832, %dma_wait3A_833] : memref<10112x32xf32, #tpu.memory_space<vmem_shared>> -> memref<10112x32xf32, #tpu.memory_space<vmem_shared>>
      tpu.wait_indirect_dma semaphore(%arg21 : memref<!tpu.dma_semaphore, #tpu.memory_space<semaphore_mem>>) src(%dma_wait3A_828 : memref<128x32xf32, #tpu.memory_space<vmem>>) dst(%dma_wait3A_834 : memref<10112x32xf32, #tpu.memory_space<vmem_shared>>)
      %add3A_835 = arith.constant 4 : i32
      %add3A_836 = arith.addi %add3A_799, %add3A_835 : i32
      %dma_start3A_837 = arith.constant 1 : i32
      %dma_start3A_838 = arith.constant 0 : i32
      %dma_start3A_839 = arith.constant 0 : i32
      %dma_start3A_840 = tpu.memref_slice %arg9[%dma_start3A_837, %dma_start3A_838, %dma_start3A_839] : memref<8x128x32xf32, #tpu.memory_space<vmem>> -> memref<1x128x32xf32, #tpu.memory_space<vmem>>
      %dma_start3A_841 = tpu.memref_squeeze %dma_start3A_840 : memref<1x128x32xf32, #tpu.memory_space<vmem>> -> memref<128x32xf32, #tpu.memory_space<vmem>>
      %dma_start3A_842 = arith.constant 0 : i32
      %dma_start3A_843 = tpu.memref_slice %arg7[%add3A_836, %dma_start3A_842] : memref<164x128xi32, #tpu.memory_space<vmem>> -> memref<1x128xi32, #tpu.memory_space<vmem>>
      %dma_start3A_844 = tpu.memref_squeeze %dma_start3A_843 : memref<1x128xi32, #tpu.memory_space<vmem>> -> memref<128xi32, #tpu.memory_space<vmem>>
      %dma_start3A_845 = arith.constant 0 : i32
      %dma_start3A_846 = arith.constant 0 : i32
      %dma_start3A_847 = tpu.memref_slice %arg11[%dma_start3A_845, %dma_start3A_846] : memref<10000x32xf32, #tpu.memory_space<vmem_shared>> -> memref<10000x32xf32, #tpu.memory_space<vmem_shared>>
      tpu.enqueue_indirect_dma source(%dma_start3A_847 : memref<10000x32xf32, #tpu.memory_space<vmem_shared>>) target(%dma_start3A_841 : memref<128x32xf32, #tpu.memory_space<vmem>>) offsets(%dma_start3A_844 : memref<128xi32, #tpu.memory_space<vmem>>) semaphore(%arg13 : memref<!tpu.dma_semaphore, #tpu.memory_space<semaphore_mem>>)
      %mul3A_848 = arith.constant 8 : i32
      %mul3A_849 = arith.muli %mul3A_848, %scan3A_524 : i32
      %add3A_850 = arith.constant 8 : i32
      %add3A_851 = arith.addi %mul3A_849, %add3A_850 : i32
      %add3A_852 = arith.constant 6 : i32
      %add3A_853 = arith.addi %add3A_851, %add3A_852 : i32
      %dma_wait3A_854 = arith.constant 0 : i32
      %dma_wait3A_855 = arith.constant 6 : i32
      %dma_wait3A_856 = arith.constant 0 : i32
      %dma_wait3A_857 = arith.constant 0 : i32
      %dma_wait3A_858 = tpu.memref_slice %arg9[%dma_wait3A_855, %dma_wait3A_856, %dma_wait3A_857] : memref<8x128x32xf32, #tpu.memory_space<vmem>> -> memref<1x128x32xf32, #tpu.memory_space<vmem>>
      %dma_wait3A_859 = tpu.memref_squeeze %dma_wait3A_858 : memref<1x128x32xf32, #tpu.memory_space<vmem>> -> memref<128x32xf32, #tpu.memory_space<vmem>>
      %dma_wait3A_860 = arith.constant 0 : i32
      %dma_wait3A_861 = tpu.memref_slice %arg7[%dma_wait3A_854, %dma_wait3A_860] : memref<164x128xi32, #tpu.memory_space<vmem>> -> memref<1x128xi32, #tpu.memory_space<vmem>>
      %dma_wait3A_862 = tpu.memref_squeeze %dma_wait3A_861 : memref<1x128xi32, #tpu.memory_space<vmem>> -> memref<128xi32, #tpu.memory_space<vmem>>
      %dma_wait3A_863 = arith.constant 0 : i32
      %dma_wait3A_864 = arith.constant 0 : i32
      %dma_wait3A_865 = tpu.memref_slice %arg11[%dma_wait3A_863, %dma_wait3A_864] : memref<10000x32xf32, #tpu.memory_space<vmem_shared>> -> memref<10000x32xf32, #tpu.memory_space<vmem_shared>>
      tpu.wait_indirect_dma semaphore(%arg18 : memref<!tpu.dma_semaphore, #tpu.memory_space<semaphore_mem>>) src(%dma_wait3A_865 : memref<10000x32xf32, #tpu.memory_space<vmem_shared>>) dst(%dma_wait3A_859 : memref<128x32xf32, #tpu.memory_space<vmem>>)
      %dma_start3A_866 = arith.constant 6 : i32
      %dma_start3A_867 = arith.constant 0 : i32
      %dma_start3A_868 = arith.constant 0 : i32
      %dma_start3A_869 = tpu.memref_slice %arg9[%dma_start3A_866, %dma_start3A_867, %dma_start3A_868] : memref<8x128x32xf32, #tpu.memory_space<vmem>> -> memref<1x128x32xf32, #tpu.memory_space<vmem>>
      %dma_start3A_870 = tpu.memref_squeeze %dma_start3A_869 : memref<1x128x32xf32, #tpu.memory_space<vmem>> -> memref<128x32xf32, #tpu.memory_space<vmem>>
      %dma_start3A_871 = arith.constant 0 : i32
      %dma_start3A_872 = tpu.memref_slice %arg8[%add3A_853, %dma_start3A_871] : memref<164x128xi32, #tpu.memory_space<vmem>> -> memref<1x128xi32, #tpu.memory_space<vmem>>
      %dma_start3A_873 = tpu.memref_squeeze %dma_start3A_872 : memref<1x128xi32, #tpu.memory_space<vmem>> -> memref<128xi32, #tpu.memory_space<vmem>>
      %dma_start3A_874 = arith.constant 0 : i32
      %dma_start3A_875 = arith.constant 0 : i32
      %dma_start3A_876 = tpu.memref_slice %arg10[%dma_start3A_874, %dma_start3A_875] : memref<10112x32xf32, #tpu.memory_space<vmem_shared>> -> memref<10112x32xf32, #tpu.memory_space<vmem_shared>>
      tpu.enqueue_indirect_dma source(%dma_start3A_870 : memref<128x32xf32, #tpu.memory_space<vmem>>) target(%dma_start3A_876 : memref<10112x32xf32, #tpu.memory_space<vmem_shared>>) offsets(%dma_start3A_873 : memref<128xi32, #tpu.memory_space<vmem>>) semaphore(%arg26 : memref<!tpu.dma_semaphore, #tpu.memory_space<semaphore_mem>>) {add = true}
      %dma_wait3A_877 = arith.constant 2 : i32
      %dma_wait3A_878 = arith.constant 0 : i32
      %dma_wait3A_879 = arith.constant 0 : i32
      %dma_wait3A_880 = arith.constant 0 : i32
      %dma_wait3A_881 = tpu.memref_slice %arg9[%dma_wait3A_877, %dma_wait3A_879, %dma_wait3A_880] : memref<8x128x32xf32, #tpu.memory_space<vmem>> -> memref<1x128x32xf32, #tpu.memory_space<vmem>>
      %dma_wait3A_882 = tpu.memref_squeeze %dma_wait3A_881 : memref<1x128x32xf32, #tpu.memory_space<vmem>> -> memref<128x32xf32, #tpu.memory_space<vmem>>
      %dma_wait3A_883 = arith.constant 0 : i32
      %dma_wait3A_884 = tpu.memref_slice %arg8[%dma_wait3A_878, %dma_wait3A_883] : memref<164x128xi32, #tpu.memory_space<vmem>> -> memref<1x128xi32, #tpu.memory_space<vmem>>
      %dma_wait3A_885 = tpu.memref_squeeze %dma_wait3A_884 : memref<1x128xi32, #tpu.memory_space<vmem>> -> memref<128xi32, #tpu.memory_space<vmem>>
      %dma_wait3A_886 = arith.constant 0 : i32
      %dma_wait3A_887 = arith.constant 0 : i32
      %dma_wait3A_888 = tpu.memref_slice %arg10[%dma_wait3A_886, %dma_wait3A_887] : memref<10112x32xf32, #tpu.memory_space<vmem_shared>> -> memref<10112x32xf32, #tpu.memory_space<vmem_shared>>
      tpu.wait_indirect_dma semaphore(%arg22 : memref<!tpu.dma_semaphore, #tpu.memory_space<semaphore_mem>>) src(%dma_wait3A_882 : memref<128x32xf32, #tpu.memory_space<vmem>>) dst(%dma_wait3A_888 : memref<10112x32xf32, #tpu.memory_space<vmem_shared>>)
      %add3A_889 = arith.constant 4 : i32
      %add3A_890 = arith.addi %add3A_853, %add3A_889 : i32
      %dma_start3A_891 = arith.constant 2 : i32
      %dma_start3A_892 = arith.constant 0 : i32
      %dma_start3A_893 = arith.constant 0 : i32
      %dma_start3A_894 = tpu.memref_slice %arg9[%dma_start3A_891, %dma_start3A_892, %dma_start3A_893] : memref<8x128x32xf32, #tpu.memory_space<vmem>> -> memref<1x128x32xf32, #tpu.memory_space<vmem>>
      %dma_start3A_895 = tpu.memref_squeeze %dma_start3A_894 : memref<1x128x32xf32, #tpu.memory_space<vmem>> -> memref<128x32xf32, #tpu.memory_space<vmem>>
      %dma_start3A_896 = arith.constant 0 : i32
      %dma_start3A_897 = tpu.memref_slice %arg7[%add3A_890, %dma_start3A_896] : memref<164x128xi32, #tpu.memory_space<vmem>> -> memref<1x128xi32, #tpu.memory_space<vmem>>
      %dma_start3A_898 = tpu.memref_squeeze %dma_start3A_897 : memref<1x128xi32, #tpu.memory_space<vmem>> -> memref<128xi32, #tpu.memory_space<vmem>>
      %dma_start3A_899 = arith.constant 0 : i32
      %dma_start3A_900 = arith.constant 0 : i32
      %dma_start3A_901 = tpu.memref_slice %arg11[%dma_start3A_899, %dma_start3A_900] : memref<10000x32xf32, #tpu.memory_space<vmem_shared>> -> memref<10000x32xf32, #tpu.memory_space<vmem_shared>>
      tpu.enqueue_indirect_dma source(%dma_start3A_901 : memref<10000x32xf32, #tpu.memory_space<vmem_shared>>) target(%dma_start3A_895 : memref<128x32xf32, #tpu.memory_space<vmem>>) offsets(%dma_start3A_898 : memref<128xi32, #tpu.memory_space<vmem>>) semaphore(%arg14 : memref<!tpu.dma_semaphore, #tpu.memory_space<semaphore_mem>>)
      %mul3A_902 = arith.constant 8 : i32
      %mul3A_903 = arith.muli %mul3A_902, %scan3A_524 : i32
      %add3A_904 = arith.constant 8 : i32
      %add3A_905 = arith.addi %mul3A_903, %add3A_904 : i32
      %add3A_906 = arith.constant 7 : i32
      %add3A_907 = arith.addi %add3A_905, %add3A_906 : i32
      %dma_wait3A_908 = arith.constant 0 : i32
      %dma_wait3A_909 = arith.constant 7 : i32
      %dma_wait3A_910 = arith.constant 0 : i32
      %dma_wait3A_911 = arith.constant 0 : i32
      %dma_wait3A_912 = tpu.memref_slice %arg9[%dma_wait3A_909, %dma_wait3A_910, %dma_wait3A_911] : memref<8x128x32xf32, #tpu.memory_space<vmem>> -> memref<1x128x32xf32, #tpu.memory_space<vmem>>
      %dma_wait3A_913 = tpu.memref_squeeze %dma_wait3A_912 : memref<1x128x32xf32, #tpu.memory_space<vmem>> -> memref<128x32xf32, #tpu.memory_space<vmem>>
      %dma_wait3A_914 = arith.constant 0 : i32
      %dma_wait3A_915 = tpu.memref_slice %arg7[%dma_wait3A_908, %dma_wait3A_914] : memref<164x128xi32, #tpu.memory_space<vmem>> -> memref<1x128xi32, #tpu.memory_space<vmem>>
      %dma_wait3A_916 = tpu.memref_squeeze %dma_wait3A_915 : memref<1x128xi32, #tpu.memory_space<vmem>> -> memref<128xi32, #tpu.memory_space<vmem>>
      %dma_wait3A_917 = arith.constant 0 : i32
      %dma_wait3A_918 = arith.constant 0 : i32
      %dma_wait3A_919 = tpu.memref_slice %arg11[%dma_wait3A_917, %dma_wait3A_918] : memref<10000x32xf32, #tpu.memory_space<vmem_shared>> -> memref<10000x32xf32, #tpu.memory_space<vmem_shared>>
      tpu.wait_indirect_dma semaphore(%arg19 : memref<!tpu.dma_semaphore, #tpu.memory_space<semaphore_mem>>) src(%dma_wait3A_919 : memref<10000x32xf32, #tpu.memory_space<vmem_shared>>) dst(%dma_wait3A_913 : memref<128x32xf32, #tpu.memory_space<vmem>>)
      %dma_start3A_920 = arith.constant 7 : i32
      %dma_start3A_921 = arith.constant 0 : i32
      %dma_start3A_922 = arith.constant 0 : i32
      %dma_start3A_923 = tpu.memref_slice %arg9[%dma_start3A_920, %dma_start3A_921, %dma_start3A_922] : memref<8x128x32xf32, #tpu.memory_space<vmem>> -> memref<1x128x32xf32, #tpu.memory_space<vmem>>
      %dma_start3A_924 = tpu.memref_squeeze %dma_start3A_923 : memref<1x128x32xf32, #tpu.memory_space<vmem>> -> memref<128x32xf32, #tpu.memory_space<vmem>>
      %dma_start3A_925 = arith.constant 0 : i32
      %dma_start3A_926 = tpu.memref_slice %arg8[%add3A_907, %dma_start3A_925] : memref<164x128xi32, #tpu.memory_space<vmem>> -> memref<1x128xi32, #tpu.memory_space<vmem>>
      %dma_start3A_927 = tpu.memref_squeeze %dma_start3A_926 : memref<1x128xi32, #tpu.memory_space<vmem>> -> memref<128xi32, #tpu.memory_space<vmem>>
      %dma_start3A_928 = arith.constant 0 : i32
      %dma_start3A_929 = arith.constant 0 : i32
      %dma_start3A_930 = tpu.memref_slice %arg10[%dma_start3A_928, %dma_start3A_929] : memref<10112x32xf32, #tpu.memory_space<vmem_shared>> -> memref<10112x32xf32, #tpu.memory_space<vmem_shared>>
      tpu.enqueue_indirect_dma source(%dma_start3A_924 : memref<128x32xf32, #tpu.memory_space<vmem>>) target(%dma_start3A_930 : memref<10112x32xf32, #tpu.memory_space<vmem_shared>>) offsets(%dma_start3A_927 : memref<128xi32, #tpu.memory_space<vmem>>) semaphore(%arg27 : memref<!tpu.dma_semaphore, #tpu.memory_space<semaphore_mem>>) {add = true}
      %dma_wait3A_931 = arith.constant 3 : i32
      %dma_wait3A_932 = arith.constant 0 : i32
      %dma_wait3A_933 = arith.constant 0 : i32
      %dma_wait3A_934 = arith.constant 0 : i32
      %dma_wait3A_935 = tpu.memref_slice %arg9[%dma_wait3A_931, %dma_wait3A_933, %dma_wait3A_934] : memref<8x128x32xf32, #tpu.memory_space<vmem>> -> memref<1x128x32xf32, #tpu.memory_space<vmem>>
      %dma_wait3A_936 = tpu.memref_squeeze %dma_wait3A_935 : memref<1x128x32xf32, #tpu.memory_space<vmem>> -> memref<128x32xf32, #tpu.memory_space<vmem>>
      %dma_wait3A_937 = arith.constant 0 : i32
      %dma_wait3A_938 = tpu.memref_slice %arg8[%dma_wait3A_932, %dma_wait3A_937] : memref<164x128xi32, #tpu.memory_space<vmem>> -> memref<1x128xi32, #tpu.memory_space<vmem>>
      %dma_wait3A_939 = tpu.memref_squeeze %dma_wait3A_938 : memref<1x128xi32, #tpu.memory_space<vmem>> -> memref<128xi32, #tpu.memory_space<vmem>>
      %dma_wait3A_940 = arith.constant 0 : i32
      %dma_wait3A_941 = arith.constant 0 : i32
      %dma_wait3A_942 = tpu.memref_slice %arg10[%dma_wait3A_940, %dma_wait3A_941] : memref<10112x32xf32, #tpu.memory_space<vmem_shared>> -> memref<10112x32xf32, #tpu.memory_space<vmem_shared>>
      tpu.wait_indirect_dma semaphore(%arg23 : memref<!tpu.dma_semaphore, #tpu.memory_space<semaphore_mem>>) src(%dma_wait3A_936 : memref<128x32xf32, #tpu.memory_space<vmem>>) dst(%dma_wait3A_942 : memref<10112x32xf32, #tpu.memory_space<vmem_shared>>)
      %add3A_943 = arith.constant 4 : i32
      %add3A_944 = arith.addi %add3A_907, %add3A_943 : i32
      %dma_start3A_945 = arith.constant 3 : i32
      %dma_start3A_946 = arith.constant 0 : i32
      %dma_start3A_947 = arith.constant 0 : i32
      %dma_start3A_948 = tpu.memref_slice %arg9[%dma_start3A_945, %dma_start3A_946, %dma_start3A_947] : memref<8x128x32xf32, #tpu.memory_space<vmem>> -> memref<1x128x32xf32, #tpu.memory_space<vmem>>
      %dma_start3A_949 = tpu.memref_squeeze %dma_start3A_948 : memref<1x128x32xf32, #tpu.memory_space<vmem>> -> memref<128x32xf32, #tpu.memory_space<vmem>>
      %dma_start3A_950 = arith.constant 0 : i32
      %dma_start3A_951 = tpu.memref_slice %arg7[%add3A_944, %dma_start3A_950] : memref<164x128xi32, #tpu.memory_space<vmem>> -> memref<1x128xi32, #tpu.memory_space<vmem>>
      %dma_start3A_952 = tpu.memref_squeeze %dma_start3A_951 : memref<1x128xi32, #tpu.memory_space<vmem>> -> memref<128xi32, #tpu.memory_space<vmem>>
      %dma_start3A_953 = arith.constant 0 : i32
      %dma_start3A_954 = arith.constant 0 : i32
      %dma_start3A_955 = tpu.memref_slice %arg11[%dma_start3A_953, %dma_start3A_954] : memref<10000x32xf32, #tpu.memory_space<vmem_shared>> -> memref<10000x32xf32, #tpu.memory_space<vmem_shared>>
      tpu.enqueue_indirect_dma source(%dma_start3A_955 : memref<10000x32xf32, #tpu.memory_space<vmem_shared>>) target(%dma_start3A_949 : memref<128x32xf32, #tpu.memory_space<vmem>>) offsets(%dma_start3A_952 : memref<128xi32, #tpu.memory_space<vmem>>) semaphore(%arg15 : memref<!tpu.dma_semaphore, #tpu.memory_space<semaphore_mem>>)
    }
    %scan3A_426 = arith.constant 19 : i32
    %dma_wait3A_427 = arith.constant 0 : i32
    %dma_wait3A_428 = arith.constant 0 : i32
    %dma_wait3A_429 = arith.constant 0 : i32
    %dma_wait3A_430 = arith.constant 0 : i32
    %dma_wait3A_431 = tpu.memref_slice %arg9[%dma_wait3A_428, %dma_wait3A_429, %dma_wait3A_430] : memref<8x128x32xf32, #tpu.memory_space<vmem>> -> memref<1x128x32xf32, #tpu.memory_space<vmem>>
    %dma_wait3A_432 = tpu.memref_squeeze %dma_wait3A_431 : memref<1x128x32xf32, #tpu.memory_space<vmem>> -> memref<128x32xf32, #tpu.memory_space<vmem>>
    %dma_wait3A_433 = arith.constant 0 : i32
    %dma_wait3A_434 = tpu.memref_slice %arg7[%dma_wait3A_427, %dma_wait3A_433] : memref<164x128xi32, #tpu.memory_space<vmem>> -> memref<1x128xi32, #tpu.memory_space<vmem>>
    %dma_wait3A_435 = tpu.memref_squeeze %dma_wait3A_434 : memref<1x128xi32, #tpu.memory_space<vmem>> -> memref<128xi32, #tpu.memory_space<vmem>>
    %dma_wait3A_436 = arith.constant 0 : i32
    %dma_wait3A_437 = arith.constant 0 : i32
    %dma_wait3A_438 = tpu.memref_slice %arg11[%dma_wait3A_436, %dma_wait3A_437] : memref<10000x32xf32, #tpu.memory_space<vmem_shared>> -> memref<10000x32xf32, #tpu.memory_space<vmem_shared>>
    tpu.wait_indirect_dma semaphore(%arg12 : memref<!tpu.dma_semaphore, #tpu.memory_space<semaphore_mem>>) src(%dma_wait3A_438 : memref<10000x32xf32, #tpu.memory_space<vmem_shared>>) dst(%dma_wait3A_432 : memref<128x32xf32, #tpu.memory_space<vmem>>)
    %dma_wait3A_439 = arith.constant 0 : i32
    %dma_wait3A_440 = arith.constant 1 : i32
    %dma_wait3A_441 = arith.constant 0 : i32
    %dma_wait3A_442 = arith.constant 0 : i32
    %dma_wait3A_443 = tpu.memref_slice %arg9[%dma_wait3A_440, %dma_wait3A_441, %dma_wait3A_442] : memref<8x128x32xf32, #tpu.memory_space<vmem>> -> memref<1x128x32xf32, #tpu.memory_space<vmem>>
    %dma_wait3A_444 = tpu.memref_squeeze %dma_wait3A_443 : memref<1x128x32xf32, #tpu.memory_space<vmem>> -> memref<128x32xf32, #tpu.memory_space<vmem>>
    %dma_wait3A_445 = arith.constant 0 : i32
    %dma_wait3A_446 = tpu.memref_slice %arg7[%dma_wait3A_439, %dma_wait3A_445] : memref<164x128xi32, #tpu.memory_space<vmem>> -> memref<1x128xi32, #tpu.memory_space<vmem>>
    %dma_wait3A_447 = tpu.memref_squeeze %dma_wait3A_446 : memref<1x128xi32, #tpu.memory_space<vmem>> -> memref<128xi32, #tpu.memory_space<vmem>>
    %dma_wait3A_448 = arith.constant 0 : i32
    %dma_wait3A_449 = arith.constant 0 : i32
    %dma_wait3A_450 = tpu.memref_slice %arg11[%dma_wait3A_448, %dma_wait3A_449] : memref<10000x32xf32, #tpu.memory_space<vmem_shared>> -> memref<10000x32xf32, #tpu.memory_space<vmem_shared>>
    tpu.wait_indirect_dma semaphore(%arg13 : memref<!tpu.dma_semaphore, #tpu.memory_space<semaphore_mem>>) src(%dma_wait3A_450 : memref<10000x32xf32, #tpu.memory_space<vmem_shared>>) dst(%dma_wait3A_444 : memref<128x32xf32, #tpu.memory_space<vmem>>)
    %dma_wait3A_451 = arith.constant 0 : i32
    %dma_wait3A_452 = arith.constant 2 : i32
    %dma_wait3A_453 = arith.constant 0 : i32
    %dma_wait3A_454 = arith.constant 0 : i32
    %dma_wait3A_455 = tpu.memref_slice %arg9[%dma_wait3A_452, %dma_wait3A_453, %dma_wait3A_454] : memref<8x128x32xf32, #tpu.memory_space<vmem>> -> memref<1x128x32xf32, #tpu.memory_space<vmem>>
    %dma_wait3A_456 = tpu.memref_squeeze %dma_wait3A_455 : memref<1x128x32xf32, #tpu.memory_space<vmem>> -> memref<128x32xf32, #tpu.memory_space<vmem>>
    %dma_wait3A_457 = arith.constant 0 : i32
    %dma_wait3A_458 = tpu.memref_slice %arg7[%dma_wait3A_451, %dma_wait3A_457] : memref<164x128xi32, #tpu.memory_space<vmem>> -> memref<1x128xi32, #tpu.memory_space<vmem>>
    %dma_wait3A_459 = tpu.memref_squeeze %dma_wait3A_458 : memref<1x128xi32, #tpu.memory_space<vmem>> -> memref<128xi32, #tpu.memory_space<vmem>>
    %dma_wait3A_460 = arith.constant 0 : i32
    %dma_wait3A_461 = arith.constant 0 : i32
    %dma_wait3A_462 = tpu.memref_slice %arg11[%dma_wait3A_460, %dma_wait3A_461] : memref<10000x32xf32, #tpu.memory_space<vmem_shared>> -> memref<10000x32xf32, #tpu.memory_space<vmem_shared>>
    tpu.wait_indirect_dma semaphore(%arg14 : memref<!tpu.dma_semaphore, #tpu.memory_space<semaphore_mem>>) src(%dma_wait3A_462 : memref<10000x32xf32, #tpu.memory_space<vmem_shared>>) dst(%dma_wait3A_456 : memref<128x32xf32, #tpu.memory_space<vmem>>)
    %dma_wait3A_463 = arith.constant 0 : i32
    %dma_wait3A_464 = arith.constant 3 : i32
    %dma_wait3A_465 = arith.constant 0 : i32
    %dma_wait3A_466 = arith.constant 0 : i32
    %dma_wait3A_467 = tpu.memref_slice %arg9[%dma_wait3A_464, %dma_wait3A_465, %dma_wait3A_466] : memref<8x128x32xf32, #tpu.memory_space<vmem>> -> memref<1x128x32xf32, #tpu.memory_space<vmem>>
    %dma_wait3A_468 = tpu.memref_squeeze %dma_wait3A_467 : memref<1x128x32xf32, #tpu.memory_space<vmem>> -> memref<128x32xf32, #tpu.memory_space<vmem>>
    %dma_wait3A_469 = arith.constant 0 : i32
    %dma_wait3A_470 = tpu.memref_slice %arg7[%dma_wait3A_463, %dma_wait3A_469] : memref<164x128xi32, #tpu.memory_space<vmem>> -> memref<1x128xi32, #tpu.memory_space<vmem>>
    %dma_wait3A_471 = tpu.memref_squeeze %dma_wait3A_470 : memref<1x128xi32, #tpu.memory_space<vmem>> -> memref<128xi32, #tpu.memory_space<vmem>>
    %dma_wait3A_472 = arith.constant 0 : i32
    %dma_wait3A_473 = arith.constant 0 : i32
    %dma_wait3A_474 = tpu.memref_slice %arg11[%dma_wait3A_472, %dma_wait3A_473] : memref<10000x32xf32, #tpu.memory_space<vmem_shared>> -> memref<10000x32xf32, #tpu.memory_space<vmem_shared>>
    tpu.wait_indirect_dma semaphore(%arg15 : memref<!tpu.dma_semaphore, #tpu.memory_space<semaphore_mem>>) src(%dma_wait3A_474 : memref<10000x32xf32, #tpu.memory_space<vmem_shared>>) dst(%dma_wait3A_468 : memref<128x32xf32, #tpu.memory_space<vmem>>)
    %dma_wait3A_475 = arith.constant 4 : i32
    %dma_wait3A_476 = arith.constant 0 : i32
    %dma_wait3A_477 = arith.constant 0 : i32
    %dma_wait3A_478 = arith.constant 0 : i32
    %dma_wait3A_479 = tpu.memref_slice %arg9[%dma_wait3A_475, %dma_wait3A_477, %dma_wait3A_478] : memref<8x128x32xf32, #tpu.memory_space<vmem>> -> memref<1x128x32xf32, #tpu.memory_space<vmem>>
    %dma_wait3A_480 = tpu.memref_squeeze %dma_wait3A_479 : memref<1x128x32xf32, #tpu.memory_space<vmem>> -> memref<128x32xf32, #tpu.memory_space<vmem>>
    %dma_wait3A_481 = arith.constant 0 : i32
    %dma_wait3A_482 = tpu.memref_slice %arg8[%dma_wait3A_476, %dma_wait3A_481] : memref<164x128xi32, #tpu.memory_space<vmem>> -> memref<1x128xi32, #tpu.memory_space<vmem>>
    %dma_wait3A_483 = tpu.memref_squeeze %dma_wait3A_482 : memref<1x128xi32, #tpu.memory_space<vmem>> -> memref<128xi32, #tpu.memory_space<vmem>>
    %dma_wait3A_484 = arith.constant 0 : i32
    %dma_wait3A_485 = arith.constant 0 : i32
    %dma_wait3A_486 = tpu.memref_slice %arg10[%dma_wait3A_484, %dma_wait3A_485] : memref<10112x32xf32, #tpu.memory_space<vmem_shared>> -> memref<10112x32xf32, #tpu.memory_space<vmem_shared>>
    tpu.wait_indirect_dma semaphore(%arg24 : memref<!tpu.dma_semaphore, #tpu.memory_space<semaphore_mem>>) src(%dma_wait3A_480 : memref<128x32xf32, #tpu.memory_space<vmem>>) dst(%dma_wait3A_486 : memref<10112x32xf32, #tpu.memory_space<vmem_shared>>)
    %dma_wait3A_487 = arith.constant 5 : i32
    %dma_wait3A_488 = arith.constant 0 : i32
    %dma_wait3A_489 = arith.constant 0 : i32
    %dma_wait3A_490 = arith.constant 0 : i32
    %dma_wait3A_491 = tpu.memref_slice %arg9[%dma_wait3A_487, %dma_wait3A_489, %dma_wait3A_490] : memref<8x128x32xf32, #tpu.memory_space<vmem>> -> memref<1x128x32xf32, #tpu.memory_space<vmem>>
    %dma_wait3A_492 = tpu.memref_squeeze %dma_wait3A_491 : memref<1x128x32xf32, #tpu.memory_space<vmem>> -> memref<128x32xf32, #tpu.memory_space<vmem>>
    %dma_wait3A_493 = arith.constant 0 : i32
    %dma_wait3A_494 = tpu.memref_slice %arg8[%dma_wait3A_488, %dma_wait3A_493] : memref<164x128xi32, #tpu.memory_space<vmem>> -> memref<1x128xi32, #tpu.memory_space<vmem>>
    %dma_wait3A_495 = tpu.memref_squeeze %dma_wait3A_494 : memref<1x128xi32, #tpu.memory_space<vmem>> -> memref<128xi32, #tpu.memory_space<vmem>>
    %dma_wait3A_496 = arith.constant 0 : i32
    %dma_wait3A_497 = arith.constant 0 : i32
    %dma_wait3A_498 = tpu.memref_slice %arg10[%dma_wait3A_496, %dma_wait3A_497] : memref<10112x32xf32, #tpu.memory_space<vmem_shared>> -> memref<10112x32xf32, #tpu.memory_space<vmem_shared>>
    tpu.wait_indirect_dma semaphore(%arg25 : memref<!tpu.dma_semaphore, #tpu.memory_space<semaphore_mem>>) src(%dma_wait3A_492 : memref<128x32xf32, #tpu.memory_space<vmem>>) dst(%dma_wait3A_498 : memref<10112x32xf32, #tpu.memory_space<vmem_shared>>)
    %dma_wait3A_499 = arith.constant 6 : i32
    %dma_wait3A_500 = arith.constant 0 : i32
    %dma_wait3A_501 = arith.constant 0 : i32
    %dma_wait3A_502 = arith.constant 0 : i32
    %dma_wait3A_503 = tpu.memref_slice %arg9[%dma_wait3A_499, %dma_wait3A_501, %dma_wait3A_502] : memref<8x128x32xf32, #tpu.memory_space<vmem>> -> memref<1x128x32xf32, #tpu.memory_space<vmem>>
    %dma_wait3A_504 = tpu.memref_squeeze %dma_wait3A_503 : memref<1x128x32xf32, #tpu.memory_space<vmem>> -> memref<128x32xf32, #tpu.memory_space<vmem>>
    %dma_wait3A_505 = arith.constant 0 : i32
    %dma_wait3A_506 = tpu.memref_slice %arg8[%dma_wait3A_500, %dma_wait3A_505] : memref<164x128xi32, #tpu.memory_space<vmem>> -> memref<1x128xi32, #tpu.memory_space<vmem>>
    %dma_wait3A_507 = tpu.memref_squeeze %dma_wait3A_506 : memref<1x128xi32, #tpu.memory_space<vmem>> -> memref<128xi32, #tpu.memory_space<vmem>>
    %dma_wait3A_508 = arith.constant 0 : i32
    %dma_wait3A_509 = arith.constant 0 : i32
    %dma_wait3A_510 = tpu.memref_slice %arg10[%dma_wait3A_508, %dma_wait3A_509] : memref<10112x32xf32, #tpu.memory_space<vmem_shared>> -> memref<10112x32xf32, #tpu.memory_space<vmem_shared>>
    tpu.wait_indirect_dma semaphore(%arg26 : memref<!tpu.dma_semaphore, #tpu.memory_space<semaphore_mem>>) src(%dma_wait3A_504 : memref<128x32xf32, #tpu.memory_space<vmem>>) dst(%dma_wait3A_510 : memref<10112x32xf32, #tpu.memory_space<vmem_shared>>)
    %dma_wait3A_511 = arith.constant 7 : i32
    %dma_wait3A_512 = arith.constant 0 : i32
    %dma_wait3A_513 = arith.constant 0 : i32
    %dma_wait3A_514 = arith.constant 0 : i32
    %dma_wait3A_515 = tpu.memref_slice %arg9[%dma_wait3A_511, %dma_wait3A_513, %dma_wait3A_514] : memref<8x128x32xf32, #tpu.memory_space<vmem>> -> memref<1x128x32xf32, #tpu.memory_space<vmem>>
    %dma_wait3A_516 = tpu.memref_squeeze %dma_wait3A_515 : memref<1x128x32xf32, #tpu.memory_space<vmem>> -> memref<128x32xf32, #tpu.memory_space<vmem>>
    %dma_wait3A_517 = arith.constant 0 : i32
    %dma_wait3A_518 = tpu.memref_slice %arg8[%dma_wait3A_512, %dma_wait3A_517] : memref<164x128xi32, #tpu.memory_space<vmem>> -> memref<1x128xi32, #tpu.memory_space<vmem>>
    %dma_wait3A_519 = tpu.memref_squeeze %dma_wait3A_518 : memref<1x128xi32, #tpu.memory_space<vmem>> -> memref<128xi32, #tpu.memory_space<vmem>>
    %dma_wait3A_520 = arith.constant 0 : i32
    %dma_wait3A_521 = arith.constant 0 : i32
    %dma_wait3A_522 = tpu.memref_slice %arg10[%dma_wait3A_520, %dma_wait3A_521] : memref<10112x32xf32, #tpu.memory_space<vmem_shared>> -> memref<10112x32xf32, #tpu.memory_space<vmem_shared>>
    tpu.wait_indirect_dma semaphore(%arg27 : memref<!tpu.dma_semaphore, #tpu.memory_space<semaphore_mem>>) src(%dma_wait3A_516 : memref<128x32xf32, #tpu.memory_space<vmem>>) dst(%dma_wait3A_522 : memref<10112x32xf32, #tpu.memory_space<vmem_shared>>)
    %barrier3A_523 = arith.constant 0 : index
    tpu.barrier barrier_id(%barrier3A_523)
    "tpu.region"() ({
      %run_scoped3A_524 = tpu.sem_alloc : memref<!tpu.dma_semaphore, #tpu.memory_space<semaphore_mem>>
      %dma_start3A_525 = arith.constant 0 : i32
      %dma_start3A_526 = arith.constant 0 : i32
      %dma_start3A_527 = tpu.memref_slice %arg6[%arg0, %dma_start3A_525, %dma_start3A_526] : memref<2x10112x32xf32, #tpu.memory_space<hbm>> -> memref<1x10112x32xf32, #tpu.memory_space<hbm>>
      %dma_start3A_528 = tpu.memref_squeeze %dma_start3A_527 : memref<1x10112x32xf32, #tpu.memory_space<hbm>> -> memref<10112x32xf32, #tpu.memory_space<hbm>>
      %dma_start3A_529 = arith.constant 0 : i32
      %dma_start3A_530 = tpu.memref_slice %dma_start3A_528[%mul3A_2, %dma_start3A_529] : memref<10112x32xf32, #tpu.memory_space<hbm>> -> memref<632x32xf32, #tpu.memory_space<hbm>>
      %dma_start3A_531 = arith.constant 0 : i32
      %dma_start3A_532 = tpu.memref_slice %arg10[%mul3A_2, %dma_start3A_531] : memref<10112x32xf32, #tpu.memory_space<vmem_shared>> -> memref<632x32xf32, #tpu.memory_space<vmem_shared>>
      tpu.enqueue_dma source(%dma_start3A_532 : memref<632x32xf32, #tpu.memory_space<vmem_shared>>) target(%dma_start3A_530 : memref<632x32xf32, #tpu.memory_space<hbm>>) target_semaphore(%run_scoped3A_524 : memref<!tpu.dma_semaphore, #tpu.memory_space<semaphore_mem>>)
      %dma_wait3A_533 = arith.constant 0 : i32
      %dma_wait3A_534 = arith.constant 0 : i32
      %dma_wait3A_535 = tpu.memref_slice %arg6[%arg0, %dma_wait3A_533, %dma_wait3A_534] : memref<2x10112x32xf32, #tpu.memory_space<hbm>> -> memref<1x10112x32xf32, #tpu.memory_space<hbm>>
      %dma_wait3A_536 = tpu.memref_squeeze %dma_wait3A_535 : memref<1x10112x32xf32, #tpu.memory_space<hbm>> -> memref<10112x32xf32, #tpu.memory_space<hbm>>
      %dma_wait3A_537 = arith.constant 0 : i32
      %dma_wait3A_538 = tpu.memref_slice %dma_wait3A_536[%mul3A_2, %dma_wait3A_537] : memref<10112x32xf32, #tpu.memory_space<hbm>> -> memref<632x32xf32, #tpu.memory_space<hbm>>
      %dma_wait3A_539 = arith.constant 0 : i32
      %dma_wait3A_540 = tpu.memref_slice %arg10[%mul3A_2, %dma_wait3A_539] : memref<10112x32xf32, #tpu.memory_space<vmem_shared>> -> memref<632x32xf32, #tpu.memory_space<vmem_shared>>
      tpu.wait_dma2 semaphore(%run_scoped3A_524 : memref<!tpu.dma_semaphore, #tpu.memory_space<semaphore_mem>>) src(%dma_wait3A_540 : memref<632x32xf32, #tpu.memory_space<vmem_shared>>) dst(%dma_wait3A_538 : memref<632x32xf32, #tpu.memory_space<hbm>>)
      tpu.yield
    }) : () -> ()
    return
  }
}

#map = affine_map<(d0, d1) -> (0, 0)>
#map1 = affine_map<(d0, d1) -> (0, 0, 0)>
module attributes {stable_mosaic.version = 14 : i64} {
  func.func @spmm(%arg0: i32, %arg1: i32, %arg2: memref<10112x16xf32, #tpu.memory_space<hbm>>, %arg3: memref<2x2500x128xi32, #tpu.memory_space<hbm>>, %arg4: memref<2x64x128xi32, #tpu.memory_space<hbm>>, %arg5: memref<10112x64xf32, #tpu.memory_space<hbm>>, %arg6: memref<2x10112x16xf32, #tpu.memory_space<hbm>>, %arg7: memref<84x128xi32, #tpu.memory_space<vmem>>, %arg8: memref<84x128xi32, #tpu.memory_space<vmem>>, %arg9: memref<8x128x16xf32, #tpu.memory_space<vmem>>, %arg10: memref<10112x16xf32, #tpu.memory_space<vmem_shared>>, %arg11: memref<10000x16xf32, #tpu.memory_space<vmem_shared>>, %arg12: memref<!tpu.dma_semaphore, #tpu.memory_space<semaphore_mem>>, %arg13: memref<!tpu.dma_semaphore, #tpu.memory_space<semaphore_mem>>, %arg14: memref<!tpu.dma_semaphore, #tpu.memory_space<semaphore_mem>>, %arg15: memref<!tpu.dma_semaphore, #tpu.memory_space<semaphore_mem>>, %arg16: memref<!tpu.dma_semaphore, #tpu.memory_space<semaphore_mem>>, %arg17: memref<!tpu.dma_semaphore, #tpu.memory_space<semaphore_mem>>, %arg18: memref<!tpu.dma_semaphore, #tpu.memory_space<semaphore_mem>>, %arg19: memref<!tpu.dma_semaphore, #tpu.memory_space<semaphore_mem>>, %arg20: memref<!tpu.dma_semaphore, #tpu.memory_space<semaphore_mem>>, %arg21: memref<!tpu.dma_semaphore, #tpu.memory_space<semaphore_mem>>, %arg22: memref<!tpu.dma_semaphore, #tpu.memory_space<semaphore_mem>>, %arg23: memref<!tpu.dma_semaphore, #tpu.memory_space<semaphore_mem>>, %arg24: memref<!tpu.dma_semaphore, #tpu.memory_space<semaphore_mem>>, %arg25: memref<!tpu.dma_semaphore, #tpu.memory_space<semaphore_mem>>, %arg26: memref<!tpu.dma_semaphore, #tpu.memory_space<semaphore_mem>>, %arg27: memref<!tpu.dma_semaphore, #tpu.memory_space<semaphore_mem>>, %arg28: memref<!tpu.dma_semaphore, #tpu.memory_space<semaphore_mem>>, %arg29: memref<!tpu.dma_semaphore, #tpu.memory_space<semaphore_mem>>) attributes {dimension_semantics = [#tpu.dimension_semantics<core_parallel>, #tpu.dimension_semantics<subcore_parallel>], iteration_bounds = array<i64: 2, 16>, scalar_prefetch = 0 : i64, scratch_operands = 23 : i64, tpu.core_type = #tpu.core_type<sc_vector_subcore>, window_params = [{transform_indices = #map}, {transform_indices = #map1}, {transform_indices = #map1}, {transform_indices = #map}, {transform_indices = #map1}]} {
    %mul3A = arith.constant 2 : i32
    %mul3A_0 = arith.muli %arg1, %mul3A : i32
    %add3A = arith.addi %mul3A_0, %arg0 : i32
    %mul3A_1 = arith.constant 80 : i32
    %mul3A_2 = arith.muli %add3A, %mul3A_1 : i32
    %mul3A_3 = arith.constant 632 : i32
    %mul3A_4 = arith.muli %arg1, %mul3A_3 : i32
    %mul3A_5 = arith.constant 625 : i32
    %mul3A_6 = arith.muli %arg1, %mul3A_5 : i32
    %dma_start3A = arith.constant 0 : i32
    %dma_start3A_7 = tpu.memref_slice %arg10[%mul3A_4, %dma_start3A] : memref<10112x16xf32, #tpu.memory_space<vmem_shared>> -> memref<632x16xf32, #tpu.memory_space<vmem_shared>>
    %dma_start3A_8 = arith.constant 0 : i32
    %dma_start3A_9 = tpu.memref_slice %arg5[%mul3A_4, %dma_start3A_8] : memref<10112x64xf32, #tpu.memory_space<hbm>> -> memref<632x16xf32, #tpu.memory_space<hbm>>
    tpu.enqueue_dma source(%dma_start3A_9 : memref<632x16xf32, #tpu.memory_space<hbm>>) target(%dma_start3A_7 : memref<632x16xf32, #tpu.memory_space<vmem_shared>>) target_semaphore(%arg20 : memref<!tpu.dma_semaphore, #tpu.memory_space<semaphore_mem>>)
    %dma_start3A_10 = arith.constant 0 : i32
    %dma_start3A_11 = tpu.memref_slice %arg11[%mul3A_6, %dma_start3A_10] : memref<10000x16xf32, #tpu.memory_space<vmem_shared>> -> memref<625x16xf32, #tpu.memory_space<vmem_shared>>
    %dma_start3A_12 = arith.constant 0 : i32
    %dma_start3A_13 = tpu.memref_slice %arg2[%mul3A_6, %dma_start3A_12] : memref<10112x16xf32, #tpu.memory_space<hbm>> -> memref<625x16xf32, #tpu.memory_space<hbm>>
    tpu.enqueue_dma source(%dma_start3A_13 : memref<625x16xf32, #tpu.memory_space<hbm>>) target(%dma_start3A_11 : memref<625x16xf32, #tpu.memory_space<vmem_shared>>) target_semaphore(%arg21 : memref<!tpu.dma_semaphore, #tpu.memory_space<semaphore_mem>>)
    %run_scoped3A = arith.constant 0 : i32
    "tpu.region"() ({
      %run_scoped3A_524 = tpu.sem_alloc : memref<!tpu.dma_semaphore, #tpu.memory_space<semaphore_mem>>
      %dma_start3A_525 = arith.constant 0 : i32
      %dma_start3A_526 = arith.constant 0 : i32
      %dma_start3A_527 = tpu.memref_slice %arg7[%dma_start3A_525, %dma_start3A_526] : memref<84x128xi32, #tpu.memory_space<vmem>> -> memref<16x128xi32, #tpu.memory_space<vmem>>
      %dma_start3A_528 = arith.constant 0 : i32
      %dma_start3A_529 = tpu.memref_slice %arg3[%run_scoped3A, %mul3A_2, %dma_start3A_528] : memref<2x2500x128xi32, #tpu.memory_space<hbm>> -> memref<1x16x128xi32, #tpu.memory_space<hbm>>
      %dma_start3A_530 = tpu.memref_squeeze %dma_start3A_529 : memref<1x16x128xi32, #tpu.memory_space<hbm>> -> memref<16x128xi32, #tpu.memory_space<hbm>>
      %dma_start3A_531 = arith.constant 0 : i32
      %dma_start3A_532 = arith.constant 0 : i32
      %dma_start3A_533 = tpu.memref_slice %arg7[%dma_start3A_531, %dma_start3A_532] : memref<84x128xi32, #tpu.memory_space<vmem>> -> memref<16x128xi32, #tpu.memory_space<vmem>>
      %dma_start3A_534 = arith.constant 0 : i32
      %dma_start3A_535 = tpu.memref_slice %arg3[%run_scoped3A, %mul3A_2, %dma_start3A_534] : memref<2x2500x128xi32, #tpu.memory_space<hbm>> -> memref<1x16x128xi32, #tpu.memory_space<hbm>>
      %dma_start3A_536 = tpu.memref_squeeze %dma_start3A_535 : memref<1x16x128xi32, #tpu.memory_space<hbm>> -> memref<16x128xi32, #tpu.memory_space<hbm>>
      tpu.enqueue_dma source(%dma_start3A_536 : memref<16x128xi32, #tpu.memory_space<hbm>>) target(%dma_start3A_533 : memref<16x128xi32, #tpu.memory_space<vmem>>) target_semaphore(%run_scoped3A_524 : memref<!tpu.dma_semaphore, #tpu.memory_space<semaphore_mem>>)
      %dma_wait3A_537 = arith.constant 0 : i32
      %dma_wait3A_538 = arith.constant 0 : i32
      %dma_wait3A_539 = tpu.memref_slice %arg7[%dma_wait3A_537, %dma_wait3A_538] : memref<84x128xi32, #tpu.memory_space<vmem>> -> memref<16x128xi32, #tpu.memory_space<vmem>>
      %dma_wait3A_540 = arith.constant 0 : i32
      %dma_wait3A_541 = tpu.memref_slice %arg3[%run_scoped3A, %mul3A_2, %dma_wait3A_540] : memref<2x2500x128xi32, #tpu.memory_space<hbm>> -> memref<1x16x128xi32, #tpu.memory_space<hbm>>
      %dma_wait3A_542 = tpu.memref_squeeze %dma_wait3A_541 : memref<1x16x128xi32, #tpu.memory_space<hbm>> -> memref<16x128xi32, #tpu.memory_space<hbm>>
      %dma_wait3A_543 = arith.constant 0 : i32
      %dma_wait3A_544 = arith.constant 0 : i32
      %dma_wait3A_545 = tpu.memref_slice %arg7[%dma_wait3A_543, %dma_wait3A_544] : memref<84x128xi32, #tpu.memory_space<vmem>> -> memref<16x128xi32, #tpu.memory_space<vmem>>
      %dma_wait3A_546 = arith.constant 0 : i32
      %dma_wait3A_547 = tpu.memref_slice %arg3[%run_scoped3A, %mul3A_2, %dma_wait3A_546] : memref<2x2500x128xi32, #tpu.memory_space<hbm>> -> memref<1x16x128xi32, #tpu.memory_space<hbm>>
      %dma_wait3A_548 = tpu.memref_squeeze %dma_wait3A_547 : memref<1x16x128xi32, #tpu.memory_space<hbm>> -> memref<16x128xi32, #tpu.memory_space<hbm>>
      tpu.wait_dma2 semaphore(%run_scoped3A_524 : memref<!tpu.dma_semaphore, #tpu.memory_space<semaphore_mem>>) src(%dma_wait3A_548 : memref<16x128xi32, #tpu.memory_space<hbm>>) dst(%dma_wait3A_545 : memref<16x128xi32, #tpu.memory_space<vmem>>)
      tpu.yield
    }) : () -> ()
    %run_scoped3A_14 = arith.constant 1 : i32
    "tpu.region"() ({
      %run_scoped3A_524 = tpu.sem_alloc : memref<!tpu.dma_semaphore, #tpu.memory_space<semaphore_mem>>
      %dma_start3A_525 = arith.constant 0 : i32
      %dma_start3A_526 = arith.constant 0 : i32
      %dma_start3A_527 = tpu.memref_slice %arg8[%dma_start3A_525, %dma_start3A_526] : memref<84x128xi32, #tpu.memory_space<vmem>> -> memref<16x128xi32, #tpu.memory_space<vmem>>
      %dma_start3A_528 = arith.constant 0 : i32
      %dma_start3A_529 = tpu.memref_slice %arg3[%run_scoped3A_14, %mul3A_2, %dma_start3A_528] : memref<2x2500x128xi32, #tpu.memory_space<hbm>> -> memref<1x16x128xi32, #tpu.memory_space<hbm>>
      %dma_start3A_530 = tpu.memref_squeeze %dma_start3A_529 : memref<1x16x128xi32, #tpu.memory_space<hbm>> -> memref<16x128xi32, #tpu.memory_space<hbm>>
      %dma_start3A_531 = arith.constant 0 : i32
      %dma_start3A_532 = arith.constant 0 : i32
      %dma_start3A_533 = tpu.memref_slice %arg8[%dma_start3A_531, %dma_start3A_532] : memref<84x128xi32, #tpu.memory_space<vmem>> -> memref<16x128xi32, #tpu.memory_space<vmem>>
      %dma_start3A_534 = arith.constant 0 : i32
      %dma_start3A_535 = tpu.memref_slice %arg3[%run_scoped3A_14, %mul3A_2, %dma_start3A_534] : memref<2x2500x128xi32, #tpu.memory_space<hbm>> -> memref<1x16x128xi32, #tpu.memory_space<hbm>>
      %dma_start3A_536 = tpu.memref_squeeze %dma_start3A_535 : memref<1x16x128xi32, #tpu.memory_space<hbm>> -> memref<16x128xi32, #tpu.memory_space<hbm>>
      tpu.enqueue_dma source(%dma_start3A_536 : memref<16x128xi32, #tpu.memory_space<hbm>>) target(%dma_start3A_533 : memref<16x128xi32, #tpu.memory_space<vmem>>) target_semaphore(%run_scoped3A_524 : memref<!tpu.dma_semaphore, #tpu.memory_space<semaphore_mem>>)
      %dma_wait3A_537 = arith.constant 0 : i32
      %dma_wait3A_538 = arith.constant 0 : i32
      %dma_wait3A_539 = tpu.memref_slice %arg8[%dma_wait3A_537, %dma_wait3A_538] : memref<84x128xi32, #tpu.memory_space<vmem>> -> memref<16x128xi32, #tpu.memory_space<vmem>>
      %dma_wait3A_540 = arith.constant 0 : i32
      %dma_wait3A_541 = tpu.memref_slice %arg3[%run_scoped3A_14, %mul3A_2, %dma_wait3A_540] : memref<2x2500x128xi32, #tpu.memory_space<hbm>> -> memref<1x16x128xi32, #tpu.memory_space<hbm>>
      %dma_wait3A_542 = tpu.memref_squeeze %dma_wait3A_541 : memref<1x16x128xi32, #tpu.memory_space<hbm>> -> memref<16x128xi32, #tpu.memory_space<hbm>>
      %dma_wait3A_543 = arith.constant 0 : i32
      %dma_wait3A_544 = arith.constant 0 : i32
      %dma_wait3A_545 = tpu.memref_slice %arg8[%dma_wait3A_543, %dma_wait3A_544] : memref<84x128xi32, #tpu.memory_space<vmem>> -> memref<16x128xi32, #tpu.memory_space<vmem>>
      %dma_wait3A_546 = arith.constant 0 : i32
      %dma_wait3A_547 = tpu.memref_slice %arg3[%run_scoped3A_14, %mul3A_2, %dma_wait3A_546] : memref<2x2500x128xi32, #tpu.memory_space<hbm>> -> memref<1x16x128xi32, #tpu.memory_space<hbm>>
      %dma_wait3A_548 = tpu.memref_squeeze %dma_wait3A_547 : memref<1x16x128xi32, #tpu.memory_space<hbm>> -> memref<16x128xi32, #tpu.memory_space<hbm>>
      tpu.wait_dma2 semaphore(%run_scoped3A_524 : memref<!tpu.dma_semaphore, #tpu.memory_space<semaphore_mem>>) src(%dma_wait3A_548 : memref<16x128xi32, #tpu.memory_space<hbm>>) dst(%dma_wait3A_545 : memref<16x128xi32, #tpu.memory_space<vmem>>)
      tpu.yield
    }) : () -> ()
    %lt3A = arith.constant 31 : i32
    %lt3A_15 = arith.cmpi slt, %add3A, %lt3A : i32
    %convert_element_type3A = arith.extui %lt3A_15 : i1 to i32
    %cond3A = arith.constant 0 : i32
    %cond3A_16 = arith.cmpi ne, %convert_element_type3A, %cond3A : i32
    scf.if %cond3A_16 {
      %add3A_524 = arith.constant 16 : i32
      %add3A_525 = arith.addi %mul3A_2, %add3A_524 : i32
      %dma_start3A_526 = arith.constant 0 : i32
      %dma_start3A_527 = arith.constant 16 : i32
      %dma_start3A_528 = arith.constant 0 : i32
      %dma_start3A_529 = tpu.memref_slice %arg7[%dma_start3A_527, %dma_start3A_528] : memref<84x128xi32, #tpu.memory_space<vmem>> -> memref<68x128xi32, #tpu.memory_space<vmem>>
      %dma_start3A_530 = arith.constant 0 : i32
      %dma_start3A_531 = tpu.memref_slice %arg3[%dma_start3A_526, %add3A_525, %dma_start3A_530] : memref<2x2500x128xi32, #tpu.memory_space<hbm>> -> memref<1x68x128xi32, #tpu.memory_space<hbm>>
      %dma_start3A_532 = tpu.memref_squeeze %dma_start3A_531 : memref<1x68x128xi32, #tpu.memory_space<hbm>> -> memref<68x128xi32, #tpu.memory_space<hbm>>
      %dma_start3A_533 = arith.constant 16 : i32
      %dma_start3A_534 = arith.constant 0 : i32
      %dma_start3A_535 = tpu.memref_slice %arg7[%dma_start3A_533, %dma_start3A_534] : memref<84x128xi32, #tpu.memory_space<vmem>> -> memref<68x128xi32, #tpu.memory_space<vmem>>
      %dma_start3A_536 = arith.constant 0 : i32
      %dma_start3A_537 = tpu.memref_slice %arg3[%dma_start3A_526, %add3A_525, %dma_start3A_536] : memref<2x2500x128xi32, #tpu.memory_space<hbm>> -> memref<1x68x128xi32, #tpu.memory_space<hbm>>
      %dma_start3A_538 = tpu.memref_squeeze %dma_start3A_537 : memref<1x68x128xi32, #tpu.memory_space<hbm>> -> memref<68x128xi32, #tpu.memory_space<hbm>>
      tpu.enqueue_dma source(%dma_start3A_538 : memref<68x128xi32, #tpu.memory_space<hbm>>) target(%dma_start3A_535 : memref<68x128xi32, #tpu.memory_space<vmem>>) target_semaphore(%arg28 : memref<!tpu.dma_semaphore, #tpu.memory_space<semaphore_mem>>)
      %add3A_539 = arith.constant 16 : i32
      %add3A_540 = arith.addi %mul3A_2, %add3A_539 : i32
      %dma_start3A_541 = arith.constant 1 : i32
      %dma_start3A_542 = arith.constant 16 : i32
      %dma_start3A_543 = arith.constant 0 : i32
      %dma_start3A_544 = tpu.memref_slice %arg8[%dma_start3A_542, %dma_start3A_543] : memref<84x128xi32, #tpu.memory_space<vmem>> -> memref<68x128xi32, #tpu.memory_space<vmem>>
      %dma_start3A_545 = arith.constant 0 : i32
      %dma_start3A_546 = tpu.memref_slice %arg3[%dma_start3A_541, %add3A_540, %dma_start3A_545] : memref<2x2500x128xi32, #tpu.memory_space<hbm>> -> memref<1x68x128xi32, #tpu.memory_space<hbm>>
      %dma_start3A_547 = tpu.memref_squeeze %dma_start3A_546 : memref<1x68x128xi32, #tpu.memory_space<hbm>> -> memref<68x128xi32, #tpu.memory_space<hbm>>
      %dma_start3A_548 = arith.constant 16 : i32
      %dma_start3A_549 = arith.constant 0 : i32
      %dma_start3A_550 = tpu.memref_slice %arg8[%dma_start3A_548, %dma_start3A_549] : memref<84x128xi32, #tpu.memory_space<vmem>> -> memref<68x128xi32, #tpu.memory_space<vmem>>
      %dma_start3A_551 = arith.constant 0 : i32
      %dma_start3A_552 = tpu.memref_slice %arg3[%dma_start3A_541, %add3A_540, %dma_start3A_551] : memref<2x2500x128xi32, #tpu.memory_space<hbm>> -> memref<1x68x128xi32, #tpu.memory_space<hbm>>
      %dma_start3A_553 = tpu.memref_squeeze %dma_start3A_552 : memref<1x68x128xi32, #tpu.memory_space<hbm>> -> memref<68x128xi32, #tpu.memory_space<hbm>>
      tpu.enqueue_dma source(%dma_start3A_553 : memref<68x128xi32, #tpu.memory_space<hbm>>) target(%dma_start3A_550 : memref<68x128xi32, #tpu.memory_space<vmem>>) target_semaphore(%arg29 : memref<!tpu.dma_semaphore, #tpu.memory_space<semaphore_mem>>)
    } else {
    }
    %eq3A = arith.constant 31 : i32
    %eq3A_17 = arith.cmpi eq, %add3A, %eq3A : i32
    %convert_element_type3A_18 = arith.extui %eq3A_17 : i1 to i32
    %cond3A_19 = arith.constant 0 : i32
    %cond3A_20 = arith.cmpi ne, %convert_element_type3A_18, %cond3A_19 : i32
    scf.if %cond3A_20 {
      %add3A_524 = arith.constant 16 : i32
      %add3A_525 = arith.addi %mul3A_2, %add3A_524 : i32
      %dma_start3A_526 = arith.constant 0 : i32
      %dma_start3A_527 = arith.constant 16 : i32
      %dma_start3A_528 = arith.constant 0 : i32
      %dma_start3A_529 = tpu.memref_slice %arg7[%dma_start3A_527, %dma_start3A_528] : memref<84x128xi32, #tpu.memory_space<vmem>> -> memref<4x128xi32, #tpu.memory_space<vmem>>
      %dma_start3A_530 = arith.constant 0 : i32
      %dma_start3A_531 = tpu.memref_slice %arg3[%dma_start3A_526, %add3A_525, %dma_start3A_530] : memref<2x2500x128xi32, #tpu.memory_space<hbm>> -> memref<1x4x128xi32, #tpu.memory_space<hbm>>
      %dma_start3A_532 = tpu.memref_squeeze %dma_start3A_531 : memref<1x4x128xi32, #tpu.memory_space<hbm>> -> memref<4x128xi32, #tpu.memory_space<hbm>>
      %dma_start3A_533 = arith.constant 16 : i32
      %dma_start3A_534 = arith.constant 0 : i32
      %dma_start3A_535 = tpu.memref_slice %arg7[%dma_start3A_533, %dma_start3A_534] : memref<84x128xi32, #tpu.memory_space<vmem>> -> memref<4x128xi32, #tpu.memory_space<vmem>>
      %dma_start3A_536 = arith.constant 0 : i32
      %dma_start3A_537 = tpu.memref_slice %arg3[%dma_start3A_526, %add3A_525, %dma_start3A_536] : memref<2x2500x128xi32, #tpu.memory_space<hbm>> -> memref<1x4x128xi32, #tpu.memory_space<hbm>>
      %dma_start3A_538 = tpu.memref_squeeze %dma_start3A_537 : memref<1x4x128xi32, #tpu.memory_space<hbm>> -> memref<4x128xi32, #tpu.memory_space<hbm>>
      tpu.enqueue_dma source(%dma_start3A_538 : memref<4x128xi32, #tpu.memory_space<hbm>>) target(%dma_start3A_535 : memref<4x128xi32, #tpu.memory_space<vmem>>) target_semaphore(%arg28 : memref<!tpu.dma_semaphore, #tpu.memory_space<semaphore_mem>>)
      %add3A_539 = arith.constant 16 : i32
      %add3A_540 = arith.addi %mul3A_2, %add3A_539 : i32
      %dma_start3A_541 = arith.constant 1 : i32
      %dma_start3A_542 = arith.constant 16 : i32
      %dma_start3A_543 = arith.constant 0 : i32
      %dma_start3A_544 = tpu.memref_slice %arg8[%dma_start3A_542, %dma_start3A_543] : memref<84x128xi32, #tpu.memory_space<vmem>> -> memref<4x128xi32, #tpu.memory_space<vmem>>
      %dma_start3A_545 = arith.constant 0 : i32
      %dma_start3A_546 = tpu.memref_slice %arg3[%dma_start3A_541, %add3A_540, %dma_start3A_545] : memref<2x2500x128xi32, #tpu.memory_space<hbm>> -> memref<1x4x128xi32, #tpu.memory_space<hbm>>
      %dma_start3A_547 = tpu.memref_squeeze %dma_start3A_546 : memref<1x4x128xi32, #tpu.memory_space<hbm>> -> memref<4x128xi32, #tpu.memory_space<hbm>>
      %dma_start3A_548 = arith.constant 16 : i32
      %dma_start3A_549 = arith.constant 0 : i32
      %dma_start3A_550 = tpu.memref_slice %arg8[%dma_start3A_548, %dma_start3A_549] : memref<84x128xi32, #tpu.memory_space<vmem>> -> memref<4x128xi32, #tpu.memory_space<vmem>>
      %dma_start3A_551 = arith.constant 0 : i32
      %dma_start3A_552 = tpu.memref_slice %arg3[%dma_start3A_541, %add3A_540, %dma_start3A_551] : memref<2x2500x128xi32, #tpu.memory_space<hbm>> -> memref<1x4x128xi32, #tpu.memory_space<hbm>>
      %dma_start3A_553 = tpu.memref_squeeze %dma_start3A_552 : memref<1x4x128xi32, #tpu.memory_space<hbm>> -> memref<4x128xi32, #tpu.memory_space<hbm>>
      tpu.enqueue_dma source(%dma_start3A_553 : memref<4x128xi32, #tpu.memory_space<hbm>>) target(%dma_start3A_550 : memref<4x128xi32, #tpu.memory_space<vmem>>) target_semaphore(%arg29 : memref<!tpu.dma_semaphore, #tpu.memory_space<semaphore_mem>>)
      %dma_start3A_554 = arith.constant 0 : i32
      %dma_start3A_555 = arith.constant 20 : i32
      %dma_start3A_556 = arith.constant 0 : i32
      %dma_start3A_557 = tpu.memref_slice %arg7[%dma_start3A_555, %dma_start3A_556] : memref<84x128xi32, #tpu.memory_space<vmem>> -> memref<64x128xi32, #tpu.memory_space<vmem>>
      %dma_start3A_558 = arith.constant 0 : i32
      %dma_start3A_559 = arith.constant 0 : i32
      %dma_start3A_560 = tpu.memref_slice %arg4[%dma_start3A_554, %dma_start3A_558, %dma_start3A_559] : memref<2x64x128xi32, #tpu.memory_space<hbm>> -> memref<1x64x128xi32, #tpu.memory_space<hbm>>
      %dma_start3A_561 = tpu.memref_squeeze %dma_start3A_560 : memref<1x64x128xi32, #tpu.memory_space<hbm>> -> memref<64x128xi32, #tpu.memory_space<hbm>>
      %dma_start3A_562 = arith.constant 20 : i32
      %dma_start3A_563 = arith.constant 0 : i32
      %dma_start3A_564 = tpu.memref_slice %arg7[%dma_start3A_562, %dma_start3A_563] : memref<84x128xi32, #tpu.memory_space<vmem>> -> memref<64x128xi32, #tpu.memory_space<vmem>>
      %dma_start3A_565 = arith.constant 0 : i32
      %dma_start3A_566 = arith.constant 0 : i32
      %dma_start3A_567 = tpu.memref_slice %arg4[%dma_start3A_554, %dma_start3A_565, %dma_start3A_566] : memref<2x64x128xi32, #tpu.memory_space<hbm>> -> memref<1x64x128xi32, #tpu.memory_space<hbm>>
      %dma_start3A_568 = tpu.memref_squeeze %dma_start3A_567 : memref<1x64x128xi32, #tpu.memory_space<hbm>> -> memref<64x128xi32, #tpu.memory_space<hbm>>
      tpu.enqueue_dma source(%dma_start3A_568 : memref<64x128xi32, #tpu.memory_space<hbm>>) target(%dma_start3A_564 : memref<64x128xi32, #tpu.memory_space<vmem>>) target_semaphore(%arg28 : memref<!tpu.dma_semaphore, #tpu.memory_space<semaphore_mem>>)
      %dma_start3A_569 = arith.constant 1 : i32
      %dma_start3A_570 = arith.constant 20 : i32
      %dma_start3A_571 = arith.constant 0 : i32
      %dma_start3A_572 = tpu.memref_slice %arg8[%dma_start3A_570, %dma_start3A_571] : memref<84x128xi32, #tpu.memory_space<vmem>> -> memref<64x128xi32, #tpu.memory_space<vmem>>
      %dma_start3A_573 = arith.constant 0 : i32
      %dma_start3A_574 = arith.constant 0 : i32
      %dma_start3A_575 = tpu.memref_slice %arg4[%dma_start3A_569, %dma_start3A_573, %dma_start3A_574] : memref<2x64x128xi32, #tpu.memory_space<hbm>> -> memref<1x64x128xi32, #tpu.memory_space<hbm>>
      %dma_start3A_576 = tpu.memref_squeeze %dma_start3A_575 : memref<1x64x128xi32, #tpu.memory_space<hbm>> -> memref<64x128xi32, #tpu.memory_space<hbm>>
      %dma_start3A_577 = arith.constant 20 : i32
      %dma_start3A_578 = arith.constant 0 : i32
      %dma_start3A_579 = tpu.memref_slice %arg8[%dma_start3A_577, %dma_start3A_578] : memref<84x128xi32, #tpu.memory_space<vmem>> -> memref<64x128xi32, #tpu.memory_space<vmem>>
      %dma_start3A_580 = arith.constant 0 : i32
      %dma_start3A_581 = arith.constant 0 : i32
      %dma_start3A_582 = tpu.memref_slice %arg4[%dma_start3A_569, %dma_start3A_580, %dma_start3A_581] : memref<2x64x128xi32, #tpu.memory_space<hbm>> -> memref<1x64x128xi32, #tpu.memory_space<hbm>>
      %dma_start3A_583 = tpu.memref_squeeze %dma_start3A_582 : memref<1x64x128xi32, #tpu.memory_space<hbm>> -> memref<64x128xi32, #tpu.memory_space<hbm>>
      tpu.enqueue_dma source(%dma_start3A_583 : memref<64x128xi32, #tpu.memory_space<hbm>>) target(%dma_start3A_579 : memref<64x128xi32, #tpu.memory_space<vmem>>) target_semaphore(%arg29 : memref<!tpu.dma_semaphore, #tpu.memory_space<semaphore_mem>>)
    } else {
    }
    %dma_wait3A = arith.constant 0 : i32
    %dma_wait3A_21 = tpu.memref_slice %arg10[%mul3A_4, %dma_wait3A] : memref<10112x16xf32, #tpu.memory_space<vmem_shared>> -> memref<632x16xf32, #tpu.memory_space<vmem_shared>>
    %dma_wait3A_22 = arith.constant 0 : i32
    %dma_wait3A_23 = tpu.memref_slice %arg5[%mul3A_4, %dma_wait3A_22] : memref<10112x64xf32, #tpu.memory_space<hbm>> -> memref<632x16xf32, #tpu.memory_space<hbm>>
    tpu.wait_dma2 semaphore(%arg20 : memref<!tpu.dma_semaphore, #tpu.memory_space<semaphore_mem>>) src(%dma_wait3A_23 : memref<632x16xf32, #tpu.memory_space<hbm>>) dst(%dma_wait3A_21 : memref<632x16xf32, #tpu.memory_space<vmem_shared>>)
    %dma_wait3A_24 = arith.constant 0 : i32
    %dma_wait3A_25 = tpu.memref_slice %arg11[%mul3A_6, %dma_wait3A_24] : memref<10000x16xf32, #tpu.memory_space<vmem_shared>> -> memref<625x16xf32, #tpu.memory_space<vmem_shared>>
    %dma_wait3A_26 = arith.constant 0 : i32
    %dma_wait3A_27 = tpu.memref_slice %arg2[%mul3A_6, %dma_wait3A_26] : memref<10112x16xf32, #tpu.memory_space<hbm>> -> memref<625x16xf32, #tpu.memory_space<hbm>>
    tpu.wait_dma2 semaphore(%arg21 : memref<!tpu.dma_semaphore, #tpu.memory_space<semaphore_mem>>) src(%dma_wait3A_27 : memref<625x16xf32, #tpu.memory_space<hbm>>) dst(%dma_wait3A_25 : memref<625x16xf32, #tpu.memory_space<vmem_shared>>)
    %barrier3A = arith.constant 0 : index
    tpu.barrier barrier_id(%barrier3A)
    %dma_start3A_28 = arith.constant 0 : i32
    %dma_start3A_29 = arith.constant 0 : i32
    %dma_start3A_30 = arith.constant 0 : i32
    %dma_start3A_31 = arith.constant 0 : i32
    %dma_start3A_32 = tpu.memref_slice %arg9[%dma_start3A_29, %dma_start3A_30, %dma_start3A_31] : memref<8x128x16xf32, #tpu.memory_space<vmem>> -> memref<1x128x16xf32, #tpu.memory_space<vmem>>
    %dma_start3A_33 = tpu.memref_squeeze %dma_start3A_32 : memref<1x128x16xf32, #tpu.memory_space<vmem>> -> memref<128x16xf32, #tpu.memory_space<vmem>>
    %dma_start3A_34 = arith.constant 0 : i32
    %dma_start3A_35 = tpu.memref_slice %arg7[%dma_start3A_28, %dma_start3A_34] : memref<84x128xi32, #tpu.memory_space<vmem>> -> memref<1x128xi32, #tpu.memory_space<vmem>>
    %dma_start3A_36 = tpu.memref_squeeze %dma_start3A_35 : memref<1x128xi32, #tpu.memory_space<vmem>> -> memref<128xi32, #tpu.memory_space<vmem>>
    %dma_start3A_37 = arith.constant 0 : i32
    %dma_start3A_38 = arith.constant 0 : i32
    %dma_start3A_39 = tpu.memref_slice %arg11[%dma_start3A_37, %dma_start3A_38] : memref<10000x16xf32, #tpu.memory_space<vmem_shared>> -> memref<10000x16xf32, #tpu.memory_space<vmem_shared>>
    tpu.enqueue_indirect_dma source(%dma_start3A_39 : memref<10000x16xf32, #tpu.memory_space<vmem_shared>>) target(%dma_start3A_33 : memref<128x16xf32, #tpu.memory_space<vmem>>) offsets(%dma_start3A_36 : memref<128xi32, #tpu.memory_space<vmem>>) semaphore(%arg12 : memref<!tpu.dma_semaphore, #tpu.memory_space<semaphore_mem>>)
    %dma_start3A_40 = arith.constant 1 : i32
    %dma_start3A_41 = arith.constant 1 : i32
    %dma_start3A_42 = arith.constant 0 : i32
    %dma_start3A_43 = arith.constant 0 : i32
    %dma_start3A_44 = tpu.memref_slice %arg9[%dma_start3A_41, %dma_start3A_42, %dma_start3A_43] : memref<8x128x16xf32, #tpu.memory_space<vmem>> -> memref<1x128x16xf32, #tpu.memory_space<vmem>>
    %dma_start3A_45 = tpu.memref_squeeze %dma_start3A_44 : memref<1x128x16xf32, #tpu.memory_space<vmem>> -> memref<128x16xf32, #tpu.memory_space<vmem>>
    %dma_start3A_46 = arith.constant 0 : i32
    %dma_start3A_47 = tpu.memref_slice %arg7[%dma_start3A_40, %dma_start3A_46] : memref<84x128xi32, #tpu.memory_space<vmem>> -> memref<1x128xi32, #tpu.memory_space<vmem>>
    %dma_start3A_48 = tpu.memref_squeeze %dma_start3A_47 : memref<1x128xi32, #tpu.memory_space<vmem>> -> memref<128xi32, #tpu.memory_space<vmem>>
    %dma_start3A_49 = arith.constant 0 : i32
    %dma_start3A_50 = arith.constant 0 : i32
    %dma_start3A_51 = tpu.memref_slice %arg11[%dma_start3A_49, %dma_start3A_50] : memref<10000x16xf32, #tpu.memory_space<vmem_shared>> -> memref<10000x16xf32, #tpu.memory_space<vmem_shared>>
    tpu.enqueue_indirect_dma source(%dma_start3A_51 : memref<10000x16xf32, #tpu.memory_space<vmem_shared>>) target(%dma_start3A_45 : memref<128x16xf32, #tpu.memory_space<vmem>>) offsets(%dma_start3A_48 : memref<128xi32, #tpu.memory_space<vmem>>) semaphore(%arg13 : memref<!tpu.dma_semaphore, #tpu.memory_space<semaphore_mem>>)
    %dma_start3A_52 = arith.constant 2 : i32
    %dma_start3A_53 = arith.constant 2 : i32
    %dma_start3A_54 = arith.constant 0 : i32
    %dma_start3A_55 = arith.constant 0 : i32
    %dma_start3A_56 = tpu.memref_slice %arg9[%dma_start3A_53, %dma_start3A_54, %dma_start3A_55] : memref<8x128x16xf32, #tpu.memory_space<vmem>> -> memref<1x128x16xf32, #tpu.memory_space<vmem>>
    %dma_start3A_57 = tpu.memref_squeeze %dma_start3A_56 : memref<1x128x16xf32, #tpu.memory_space<vmem>> -> memref<128x16xf32, #tpu.memory_space<vmem>>
    %dma_start3A_58 = arith.constant 0 : i32
    %dma_start3A_59 = tpu.memref_slice %arg7[%dma_start3A_52, %dma_start3A_58] : memref<84x128xi32, #tpu.memory_space<vmem>> -> memref<1x128xi32, #tpu.memory_space<vmem>>
    %dma_start3A_60 = tpu.memref_squeeze %dma_start3A_59 : memref<1x128xi32, #tpu.memory_space<vmem>> -> memref<128xi32, #tpu.memory_space<vmem>>
    %dma_start3A_61 = arith.constant 0 : i32
    %dma_start3A_62 = arith.constant 0 : i32
    %dma_start3A_63 = tpu.memref_slice %arg11[%dma_start3A_61, %dma_start3A_62] : memref<10000x16xf32, #tpu.memory_space<vmem_shared>> -> memref<10000x16xf32, #tpu.memory_space<vmem_shared>>
    tpu.enqueue_indirect_dma source(%dma_start3A_63 : memref<10000x16xf32, #tpu.memory_space<vmem_shared>>) target(%dma_start3A_57 : memref<128x16xf32, #tpu.memory_space<vmem>>) offsets(%dma_start3A_60 : memref<128xi32, #tpu.memory_space<vmem>>) semaphore(%arg14 : memref<!tpu.dma_semaphore, #tpu.memory_space<semaphore_mem>>)
    %dma_start3A_64 = arith.constant 3 : i32
    %dma_start3A_65 = arith.constant 3 : i32
    %dma_start3A_66 = arith.constant 0 : i32
    %dma_start3A_67 = arith.constant 0 : i32
    %dma_start3A_68 = tpu.memref_slice %arg9[%dma_start3A_65, %dma_start3A_66, %dma_start3A_67] : memref<8x128x16xf32, #tpu.memory_space<vmem>> -> memref<1x128x16xf32, #tpu.memory_space<vmem>>
    %dma_start3A_69 = tpu.memref_squeeze %dma_start3A_68 : memref<1x128x16xf32, #tpu.memory_space<vmem>> -> memref<128x16xf32, #tpu.memory_space<vmem>>
    %dma_start3A_70 = arith.constant 0 : i32
    %dma_start3A_71 = tpu.memref_slice %arg7[%dma_start3A_64, %dma_start3A_70] : memref<84x128xi32, #tpu.memory_space<vmem>> -> memref<1x128xi32, #tpu.memory_space<vmem>>
    %dma_start3A_72 = tpu.memref_squeeze %dma_start3A_71 : memref<1x128xi32, #tpu.memory_space<vmem>> -> memref<128xi32, #tpu.memory_space<vmem>>
    %dma_start3A_73 = arith.constant 0 : i32
    %dma_start3A_74 = arith.constant 0 : i32
    %dma_start3A_75 = tpu.memref_slice %arg11[%dma_start3A_73, %dma_start3A_74] : memref<10000x16xf32, #tpu.memory_space<vmem_shared>> -> memref<10000x16xf32, #tpu.memory_space<vmem_shared>>
    tpu.enqueue_indirect_dma source(%dma_start3A_75 : memref<10000x16xf32, #tpu.memory_space<vmem_shared>>) target(%dma_start3A_69 : memref<128x16xf32, #tpu.memory_space<vmem>>) offsets(%dma_start3A_72 : memref<128xi32, #tpu.memory_space<vmem>>) semaphore(%arg15 : memref<!tpu.dma_semaphore, #tpu.memory_space<semaphore_mem>>)
    %dma_wait3A_76 = arith.constant 0 : i32
    %dma_wait3A_77 = arith.constant 0 : i32
    %dma_wait3A_78 = arith.constant 0 : i32
    %dma_wait3A_79 = arith.constant 0 : i32
    %dma_wait3A_80 = tpu.memref_slice %arg9[%dma_wait3A_77, %dma_wait3A_78, %dma_wait3A_79] : memref<8x128x16xf32, #tpu.memory_space<vmem>> -> memref<1x128x16xf32, #tpu.memory_space<vmem>>
    %dma_wait3A_81 = tpu.memref_squeeze %dma_wait3A_80 : memref<1x128x16xf32, #tpu.memory_space<vmem>> -> memref<128x16xf32, #tpu.memory_space<vmem>>
    %dma_wait3A_82 = arith.constant 0 : i32
    %dma_wait3A_83 = tpu.memref_slice %arg7[%dma_wait3A_76, %dma_wait3A_82] : memref<84x128xi32, #tpu.memory_space<vmem>> -> memref<1x128xi32, #tpu.memory_space<vmem>>
    %dma_wait3A_84 = tpu.memref_squeeze %dma_wait3A_83 : memref<1x128xi32, #tpu.memory_space<vmem>> -> memref<128xi32, #tpu.memory_space<vmem>>
    %dma_wait3A_85 = arith.constant 0 : i32
    %dma_wait3A_86 = arith.constant 0 : i32
    %dma_wait3A_87 = tpu.memref_slice %arg11[%dma_wait3A_85, %dma_wait3A_86] : memref<10000x16xf32, #tpu.memory_space<vmem_shared>> -> memref<10000x16xf32, #tpu.memory_space<vmem_shared>>
    tpu.wait_indirect_dma semaphore(%arg12 : memref<!tpu.dma_semaphore, #tpu.memory_space<semaphore_mem>>) src(%dma_wait3A_87 : memref<10000x16xf32, #tpu.memory_space<vmem_shared>>) dst(%dma_wait3A_81 : memref<128x16xf32, #tpu.memory_space<vmem>>)
    %dma_start3A_88 = arith.constant 0 : i32
    %dma_start3A_89 = arith.constant 0 : i32
    %dma_start3A_90 = arith.constant 0 : i32
    %dma_start3A_91 = arith.constant 0 : i32
    %dma_start3A_92 = tpu.memref_slice %arg9[%dma_start3A_88, %dma_start3A_90, %dma_start3A_91] : memref<8x128x16xf32, #tpu.memory_space<vmem>> -> memref<1x128x16xf32, #tpu.memory_space<vmem>>
    %dma_start3A_93 = tpu.memref_squeeze %dma_start3A_92 : memref<1x128x16xf32, #tpu.memory_space<vmem>> -> memref<128x16xf32, #tpu.memory_space<vmem>>
    %dma_start3A_94 = arith.constant 0 : i32
    %dma_start3A_95 = tpu.memref_slice %arg8[%dma_start3A_89, %dma_start3A_94] : memref<84x128xi32, #tpu.memory_space<vmem>> -> memref<1x128xi32, #tpu.memory_space<vmem>>
    %dma_start3A_96 = tpu.memref_squeeze %dma_start3A_95 : memref<1x128xi32, #tpu.memory_space<vmem>> -> memref<128xi32, #tpu.memory_space<vmem>>
    %dma_start3A_97 = arith.constant 0 : i32
    %dma_start3A_98 = arith.constant 0 : i32
    %dma_start3A_99 = tpu.memref_slice %arg10[%dma_start3A_97, %dma_start3A_98] : memref<10112x16xf32, #tpu.memory_space<vmem_shared>> -> memref<10112x16xf32, #tpu.memory_space<vmem_shared>>
    tpu.enqueue_indirect_dma source(%dma_start3A_93 : memref<128x16xf32, #tpu.memory_space<vmem>>) target(%dma_start3A_99 : memref<10112x16xf32, #tpu.memory_space<vmem_shared>>) offsets(%dma_start3A_96 : memref<128xi32, #tpu.memory_space<vmem>>) semaphore(%arg20 : memref<!tpu.dma_semaphore, #tpu.memory_space<semaphore_mem>>) {add = true}
    %dma_start3A_100 = arith.constant 4 : i32
    %dma_start3A_101 = arith.constant 4 : i32
    %dma_start3A_102 = arith.constant 0 : i32
    %dma_start3A_103 = arith.constant 0 : i32
    %dma_start3A_104 = tpu.memref_slice %arg9[%dma_start3A_101, %dma_start3A_102, %dma_start3A_103] : memref<8x128x16xf32, #tpu.memory_space<vmem>> -> memref<1x128x16xf32, #tpu.memory_space<vmem>>
    %dma_start3A_105 = tpu.memref_squeeze %dma_start3A_104 : memref<1x128x16xf32, #tpu.memory_space<vmem>> -> memref<128x16xf32, #tpu.memory_space<vmem>>
    %dma_start3A_106 = arith.constant 0 : i32
    %dma_start3A_107 = tpu.memref_slice %arg7[%dma_start3A_100, %dma_start3A_106] : memref<84x128xi32, #tpu.memory_space<vmem>> -> memref<1x128xi32, #tpu.memory_space<vmem>>
    %dma_start3A_108 = tpu.memref_squeeze %dma_start3A_107 : memref<1x128xi32, #tpu.memory_space<vmem>> -> memref<128xi32, #tpu.memory_space<vmem>>
    %dma_start3A_109 = arith.constant 0 : i32
    %dma_start3A_110 = arith.constant 0 : i32
    %dma_start3A_111 = tpu.memref_slice %arg11[%dma_start3A_109, %dma_start3A_110] : memref<10000x16xf32, #tpu.memory_space<vmem_shared>> -> memref<10000x16xf32, #tpu.memory_space<vmem_shared>>
    tpu.enqueue_indirect_dma source(%dma_start3A_111 : memref<10000x16xf32, #tpu.memory_space<vmem_shared>>) target(%dma_start3A_105 : memref<128x16xf32, #tpu.memory_space<vmem>>) offsets(%dma_start3A_108 : memref<128xi32, #tpu.memory_space<vmem>>) semaphore(%arg16 : memref<!tpu.dma_semaphore, #tpu.memory_space<semaphore_mem>>)
    %dma_wait3A_112 = arith.constant 0 : i32
    %dma_wait3A_113 = arith.constant 1 : i32
    %dma_wait3A_114 = arith.constant 0 : i32
    %dma_wait3A_115 = arith.constant 0 : i32
    %dma_wait3A_116 = tpu.memref_slice %arg9[%dma_wait3A_113, %dma_wait3A_114, %dma_wait3A_115] : memref<8x128x16xf32, #tpu.memory_space<vmem>> -> memref<1x128x16xf32, #tpu.memory_space<vmem>>
    %dma_wait3A_117 = tpu.memref_squeeze %dma_wait3A_116 : memref<1x128x16xf32, #tpu.memory_space<vmem>> -> memref<128x16xf32, #tpu.memory_space<vmem>>
    %dma_wait3A_118 = arith.constant 0 : i32
    %dma_wait3A_119 = tpu.memref_slice %arg7[%dma_wait3A_112, %dma_wait3A_118] : memref<84x128xi32, #tpu.memory_space<vmem>> -> memref<1x128xi32, #tpu.memory_space<vmem>>
    %dma_wait3A_120 = tpu.memref_squeeze %dma_wait3A_119 : memref<1x128xi32, #tpu.memory_space<vmem>> -> memref<128xi32, #tpu.memory_space<vmem>>
    %dma_wait3A_121 = arith.constant 0 : i32
    %dma_wait3A_122 = arith.constant 0 : i32
    %dma_wait3A_123 = tpu.memref_slice %arg11[%dma_wait3A_121, %dma_wait3A_122] : memref<10000x16xf32, #tpu.memory_space<vmem_shared>> -> memref<10000x16xf32, #tpu.memory_space<vmem_shared>>
    tpu.wait_indirect_dma semaphore(%arg13 : memref<!tpu.dma_semaphore, #tpu.memory_space<semaphore_mem>>) src(%dma_wait3A_123 : memref<10000x16xf32, #tpu.memory_space<vmem_shared>>) dst(%dma_wait3A_117 : memref<128x16xf32, #tpu.memory_space<vmem>>)
    %dma_start3A_124 = arith.constant 1 : i32
    %dma_start3A_125 = arith.constant 1 : i32
    %dma_start3A_126 = arith.constant 0 : i32
    %dma_start3A_127 = arith.constant 0 : i32
    %dma_start3A_128 = tpu.memref_slice %arg9[%dma_start3A_124, %dma_start3A_126, %dma_start3A_127] : memref<8x128x16xf32, #tpu.memory_space<vmem>> -> memref<1x128x16xf32, #tpu.memory_space<vmem>>
    %dma_start3A_129 = tpu.memref_squeeze %dma_start3A_128 : memref<1x128x16xf32, #tpu.memory_space<vmem>> -> memref<128x16xf32, #tpu.memory_space<vmem>>
    %dma_start3A_130 = arith.constant 0 : i32
    %dma_start3A_131 = tpu.memref_slice %arg8[%dma_start3A_125, %dma_start3A_130] : memref<84x128xi32, #tpu.memory_space<vmem>> -> memref<1x128xi32, #tpu.memory_space<vmem>>
    %dma_start3A_132 = tpu.memref_squeeze %dma_start3A_131 : memref<1x128xi32, #tpu.memory_space<vmem>> -> memref<128xi32, #tpu.memory_space<vmem>>
    %dma_start3A_133 = arith.constant 0 : i32
    %dma_start3A_134 = arith.constant 0 : i32
    %dma_start3A_135 = tpu.memref_slice %arg10[%dma_start3A_133, %dma_start3A_134] : memref<10112x16xf32, #tpu.memory_space<vmem_shared>> -> memref<10112x16xf32, #tpu.memory_space<vmem_shared>>
    tpu.enqueue_indirect_dma source(%dma_start3A_129 : memref<128x16xf32, #tpu.memory_space<vmem>>) target(%dma_start3A_135 : memref<10112x16xf32, #tpu.memory_space<vmem_shared>>) offsets(%dma_start3A_132 : memref<128xi32, #tpu.memory_space<vmem>>) semaphore(%arg21 : memref<!tpu.dma_semaphore, #tpu.memory_space<semaphore_mem>>) {add = true}
    %dma_start3A_136 = arith.constant 5 : i32
    %dma_start3A_137 = arith.constant 5 : i32
    %dma_start3A_138 = arith.constant 0 : i32
    %dma_start3A_139 = arith.constant 0 : i32
    %dma_start3A_140 = tpu.memref_slice %arg9[%dma_start3A_137, %dma_start3A_138, %dma_start3A_139] : memref<8x128x16xf32, #tpu.memory_space<vmem>> -> memref<1x128x16xf32, #tpu.memory_space<vmem>>
    %dma_start3A_141 = tpu.memref_squeeze %dma_start3A_140 : memref<1x128x16xf32, #tpu.memory_space<vmem>> -> memref<128x16xf32, #tpu.memory_space<vmem>>
    %dma_start3A_142 = arith.constant 0 : i32
    %dma_start3A_143 = tpu.memref_slice %arg7[%dma_start3A_136, %dma_start3A_142] : memref<84x128xi32, #tpu.memory_space<vmem>> -> memref<1x128xi32, #tpu.memory_space<vmem>>
    %dma_start3A_144 = tpu.memref_squeeze %dma_start3A_143 : memref<1x128xi32, #tpu.memory_space<vmem>> -> memref<128xi32, #tpu.memory_space<vmem>>
    %dma_start3A_145 = arith.constant 0 : i32
    %dma_start3A_146 = arith.constant 0 : i32
    %dma_start3A_147 = tpu.memref_slice %arg11[%dma_start3A_145, %dma_start3A_146] : memref<10000x16xf32, #tpu.memory_space<vmem_shared>> -> memref<10000x16xf32, #tpu.memory_space<vmem_shared>>
    tpu.enqueue_indirect_dma source(%dma_start3A_147 : memref<10000x16xf32, #tpu.memory_space<vmem_shared>>) target(%dma_start3A_141 : memref<128x16xf32, #tpu.memory_space<vmem>>) offsets(%dma_start3A_144 : memref<128xi32, #tpu.memory_space<vmem>>) semaphore(%arg17 : memref<!tpu.dma_semaphore, #tpu.memory_space<semaphore_mem>>)
    %dma_wait3A_148 = arith.constant 0 : i32
    %dma_wait3A_149 = arith.constant 2 : i32
    %dma_wait3A_150 = arith.constant 0 : i32
    %dma_wait3A_151 = arith.constant 0 : i32
    %dma_wait3A_152 = tpu.memref_slice %arg9[%dma_wait3A_149, %dma_wait3A_150, %dma_wait3A_151] : memref<8x128x16xf32, #tpu.memory_space<vmem>> -> memref<1x128x16xf32, #tpu.memory_space<vmem>>
    %dma_wait3A_153 = tpu.memref_squeeze %dma_wait3A_152 : memref<1x128x16xf32, #tpu.memory_space<vmem>> -> memref<128x16xf32, #tpu.memory_space<vmem>>
    %dma_wait3A_154 = arith.constant 0 : i32
    %dma_wait3A_155 = tpu.memref_slice %arg7[%dma_wait3A_148, %dma_wait3A_154] : memref<84x128xi32, #tpu.memory_space<vmem>> -> memref<1x128xi32, #tpu.memory_space<vmem>>
    %dma_wait3A_156 = tpu.memref_squeeze %dma_wait3A_155 : memref<1x128xi32, #tpu.memory_space<vmem>> -> memref<128xi32, #tpu.memory_space<vmem>>
    %dma_wait3A_157 = arith.constant 0 : i32
    %dma_wait3A_158 = arith.constant 0 : i32
    %dma_wait3A_159 = tpu.memref_slice %arg11[%dma_wait3A_157, %dma_wait3A_158] : memref<10000x16xf32, #tpu.memory_space<vmem_shared>> -> memref<10000x16xf32, #tpu.memory_space<vmem_shared>>
    tpu.wait_indirect_dma semaphore(%arg14 : memref<!tpu.dma_semaphore, #tpu.memory_space<semaphore_mem>>) src(%dma_wait3A_159 : memref<10000x16xf32, #tpu.memory_space<vmem_shared>>) dst(%dma_wait3A_153 : memref<128x16xf32, #tpu.memory_space<vmem>>)
    %dma_start3A_160 = arith.constant 2 : i32
    %dma_start3A_161 = arith.constant 2 : i32
    %dma_start3A_162 = arith.constant 0 : i32
    %dma_start3A_163 = arith.constant 0 : i32
    %dma_start3A_164 = tpu.memref_slice %arg9[%dma_start3A_160, %dma_start3A_162, %dma_start3A_163] : memref<8x128x16xf32, #tpu.memory_space<vmem>> -> memref<1x128x16xf32, #tpu.memory_space<vmem>>
    %dma_start3A_165 = tpu.memref_squeeze %dma_start3A_164 : memref<1x128x16xf32, #tpu.memory_space<vmem>> -> memref<128x16xf32, #tpu.memory_space<vmem>>
    %dma_start3A_166 = arith.constant 0 : i32
    %dma_start3A_167 = tpu.memref_slice %arg8[%dma_start3A_161, %dma_start3A_166] : memref<84x128xi32, #tpu.memory_space<vmem>> -> memref<1x128xi32, #tpu.memory_space<vmem>>
    %dma_start3A_168 = tpu.memref_squeeze %dma_start3A_167 : memref<1x128xi32, #tpu.memory_space<vmem>> -> memref<128xi32, #tpu.memory_space<vmem>>
    %dma_start3A_169 = arith.constant 0 : i32
    %dma_start3A_170 = arith.constant 0 : i32
    %dma_start3A_171 = tpu.memref_slice %arg10[%dma_start3A_169, %dma_start3A_170] : memref<10112x16xf32, #tpu.memory_space<vmem_shared>> -> memref<10112x16xf32, #tpu.memory_space<vmem_shared>>
    tpu.enqueue_indirect_dma source(%dma_start3A_165 : memref<128x16xf32, #tpu.memory_space<vmem>>) target(%dma_start3A_171 : memref<10112x16xf32, #tpu.memory_space<vmem_shared>>) offsets(%dma_start3A_168 : memref<128xi32, #tpu.memory_space<vmem>>) semaphore(%arg22 : memref<!tpu.dma_semaphore, #tpu.memory_space<semaphore_mem>>) {add = true}
    %dma_start3A_172 = arith.constant 6 : i32
    %dma_start3A_173 = arith.constant 6 : i32
    %dma_start3A_174 = arith.constant 0 : i32
    %dma_start3A_175 = arith.constant 0 : i32
    %dma_start3A_176 = tpu.memref_slice %arg9[%dma_start3A_173, %dma_start3A_174, %dma_start3A_175] : memref<8x128x16xf32, #tpu.memory_space<vmem>> -> memref<1x128x16xf32, #tpu.memory_space<vmem>>
    %dma_start3A_177 = tpu.memref_squeeze %dma_start3A_176 : memref<1x128x16xf32, #tpu.memory_space<vmem>> -> memref<128x16xf32, #tpu.memory_space<vmem>>
    %dma_start3A_178 = arith.constant 0 : i32
    %dma_start3A_179 = tpu.memref_slice %arg7[%dma_start3A_172, %dma_start3A_178] : memref<84x128xi32, #tpu.memory_space<vmem>> -> memref<1x128xi32, #tpu.memory_space<vmem>>
    %dma_start3A_180 = tpu.memref_squeeze %dma_start3A_179 : memref<1x128xi32, #tpu.memory_space<vmem>> -> memref<128xi32, #tpu.memory_space<vmem>>
    %dma_start3A_181 = arith.constant 0 : i32
    %dma_start3A_182 = arith.constant 0 : i32
    %dma_start3A_183 = tpu.memref_slice %arg11[%dma_start3A_181, %dma_start3A_182] : memref<10000x16xf32, #tpu.memory_space<vmem_shared>> -> memref<10000x16xf32, #tpu.memory_space<vmem_shared>>
    tpu.enqueue_indirect_dma source(%dma_start3A_183 : memref<10000x16xf32, #tpu.memory_space<vmem_shared>>) target(%dma_start3A_177 : memref<128x16xf32, #tpu.memory_space<vmem>>) offsets(%dma_start3A_180 : memref<128xi32, #tpu.memory_space<vmem>>) semaphore(%arg18 : memref<!tpu.dma_semaphore, #tpu.memory_space<semaphore_mem>>)
    %dma_wait3A_184 = arith.constant 0 : i32
    %dma_wait3A_185 = arith.constant 3 : i32
    %dma_wait3A_186 = arith.constant 0 : i32
    %dma_wait3A_187 = arith.constant 0 : i32
    %dma_wait3A_188 = tpu.memref_slice %arg9[%dma_wait3A_185, %dma_wait3A_186, %dma_wait3A_187] : memref<8x128x16xf32, #tpu.memory_space<vmem>> -> memref<1x128x16xf32, #tpu.memory_space<vmem>>
    %dma_wait3A_189 = tpu.memref_squeeze %dma_wait3A_188 : memref<1x128x16xf32, #tpu.memory_space<vmem>> -> memref<128x16xf32, #tpu.memory_space<vmem>>
    %dma_wait3A_190 = arith.constant 0 : i32
    %dma_wait3A_191 = tpu.memref_slice %arg7[%dma_wait3A_184, %dma_wait3A_190] : memref<84x128xi32, #tpu.memory_space<vmem>> -> memref<1x128xi32, #tpu.memory_space<vmem>>
    %dma_wait3A_192 = tpu.memref_squeeze %dma_wait3A_191 : memref<1x128xi32, #tpu.memory_space<vmem>> -> memref<128xi32, #tpu.memory_space<vmem>>
    %dma_wait3A_193 = arith.constant 0 : i32
    %dma_wait3A_194 = arith.constant 0 : i32
    %dma_wait3A_195 = tpu.memref_slice %arg11[%dma_wait3A_193, %dma_wait3A_194] : memref<10000x16xf32, #tpu.memory_space<vmem_shared>> -> memref<10000x16xf32, #tpu.memory_space<vmem_shared>>
    tpu.wait_indirect_dma semaphore(%arg15 : memref<!tpu.dma_semaphore, #tpu.memory_space<semaphore_mem>>) src(%dma_wait3A_195 : memref<10000x16xf32, #tpu.memory_space<vmem_shared>>) dst(%dma_wait3A_189 : memref<128x16xf32, #tpu.memory_space<vmem>>)
    %dma_start3A_196 = arith.constant 3 : i32
    %dma_start3A_197 = arith.constant 3 : i32
    %dma_start3A_198 = arith.constant 0 : i32
    %dma_start3A_199 = arith.constant 0 : i32
    %dma_start3A_200 = tpu.memref_slice %arg9[%dma_start3A_196, %dma_start3A_198, %dma_start3A_199] : memref<8x128x16xf32, #tpu.memory_space<vmem>> -> memref<1x128x16xf32, #tpu.memory_space<vmem>>
    %dma_start3A_201 = tpu.memref_squeeze %dma_start3A_200 : memref<1x128x16xf32, #tpu.memory_space<vmem>> -> memref<128x16xf32, #tpu.memory_space<vmem>>
    %dma_start3A_202 = arith.constant 0 : i32
    %dma_start3A_203 = tpu.memref_slice %arg8[%dma_start3A_197, %dma_start3A_202] : memref<84x128xi32, #tpu.memory_space<vmem>> -> memref<1x128xi32, #tpu.memory_space<vmem>>
    %dma_start3A_204 = tpu.memref_squeeze %dma_start3A_203 : memref<1x128xi32, #tpu.memory_space<vmem>> -> memref<128xi32, #tpu.memory_space<vmem>>
    %dma_start3A_205 = arith.constant 0 : i32
    %dma_start3A_206 = arith.constant 0 : i32
    %dma_start3A_207 = tpu.memref_slice %arg10[%dma_start3A_205, %dma_start3A_206] : memref<10112x16xf32, #tpu.memory_space<vmem_shared>> -> memref<10112x16xf32, #tpu.memory_space<vmem_shared>>
    tpu.enqueue_indirect_dma source(%dma_start3A_201 : memref<128x16xf32, #tpu.memory_space<vmem>>) target(%dma_start3A_207 : memref<10112x16xf32, #tpu.memory_space<vmem_shared>>) offsets(%dma_start3A_204 : memref<128xi32, #tpu.memory_space<vmem>>) semaphore(%arg23 : memref<!tpu.dma_semaphore, #tpu.memory_space<semaphore_mem>>) {add = true}
    %dma_start3A_208 = arith.constant 7 : i32
    %dma_start3A_209 = arith.constant 7 : i32
    %dma_start3A_210 = arith.constant 0 : i32
    %dma_start3A_211 = arith.constant 0 : i32
    %dma_start3A_212 = tpu.memref_slice %arg9[%dma_start3A_209, %dma_start3A_210, %dma_start3A_211] : memref<8x128x16xf32, #tpu.memory_space<vmem>> -> memref<1x128x16xf32, #tpu.memory_space<vmem>>
    %dma_start3A_213 = tpu.memref_squeeze %dma_start3A_212 : memref<1x128x16xf32, #tpu.memory_space<vmem>> -> memref<128x16xf32, #tpu.memory_space<vmem>>
    %dma_start3A_214 = arith.constant 0 : i32
    %dma_start3A_215 = tpu.memref_slice %arg7[%dma_start3A_208, %dma_start3A_214] : memref<84x128xi32, #tpu.memory_space<vmem>> -> memref<1x128xi32, #tpu.memory_space<vmem>>
    %dma_start3A_216 = tpu.memref_squeeze %dma_start3A_215 : memref<1x128xi32, #tpu.memory_space<vmem>> -> memref<128xi32, #tpu.memory_space<vmem>>
    %dma_start3A_217 = arith.constant 0 : i32
    %dma_start3A_218 = arith.constant 0 : i32
    %dma_start3A_219 = tpu.memref_slice %arg11[%dma_start3A_217, %dma_start3A_218] : memref<10000x16xf32, #tpu.memory_space<vmem_shared>> -> memref<10000x16xf32, #tpu.memory_space<vmem_shared>>
    tpu.enqueue_indirect_dma source(%dma_start3A_219 : memref<10000x16xf32, #tpu.memory_space<vmem_shared>>) target(%dma_start3A_213 : memref<128x16xf32, #tpu.memory_space<vmem>>) offsets(%dma_start3A_216 : memref<128xi32, #tpu.memory_space<vmem>>) semaphore(%arg19 : memref<!tpu.dma_semaphore, #tpu.memory_space<semaphore_mem>>)
    %dma_wait3A_220 = arith.constant 0 : i32
    %dma_wait3A_221 = arith.constant 4 : i32
    %dma_wait3A_222 = arith.constant 0 : i32
    %dma_wait3A_223 = arith.constant 0 : i32
    %dma_wait3A_224 = tpu.memref_slice %arg9[%dma_wait3A_221, %dma_wait3A_222, %dma_wait3A_223] : memref<8x128x16xf32, #tpu.memory_space<vmem>> -> memref<1x128x16xf32, #tpu.memory_space<vmem>>
    %dma_wait3A_225 = tpu.memref_squeeze %dma_wait3A_224 : memref<1x128x16xf32, #tpu.memory_space<vmem>> -> memref<128x16xf32, #tpu.memory_space<vmem>>
    %dma_wait3A_226 = arith.constant 0 : i32
    %dma_wait3A_227 = tpu.memref_slice %arg7[%dma_wait3A_220, %dma_wait3A_226] : memref<84x128xi32, #tpu.memory_space<vmem>> -> memref<1x128xi32, #tpu.memory_space<vmem>>
    %dma_wait3A_228 = tpu.memref_squeeze %dma_wait3A_227 : memref<1x128xi32, #tpu.memory_space<vmem>> -> memref<128xi32, #tpu.memory_space<vmem>>
    %dma_wait3A_229 = arith.constant 0 : i32
    %dma_wait3A_230 = arith.constant 0 : i32
    %dma_wait3A_231 = tpu.memref_slice %arg11[%dma_wait3A_229, %dma_wait3A_230] : memref<10000x16xf32, #tpu.memory_space<vmem_shared>> -> memref<10000x16xf32, #tpu.memory_space<vmem_shared>>
    tpu.wait_indirect_dma semaphore(%arg16 : memref<!tpu.dma_semaphore, #tpu.memory_space<semaphore_mem>>) src(%dma_wait3A_231 : memref<10000x16xf32, #tpu.memory_space<vmem_shared>>) dst(%dma_wait3A_225 : memref<128x16xf32, #tpu.memory_space<vmem>>)
    %dma_start3A_232 = arith.constant 4 : i32
    %dma_start3A_233 = arith.constant 4 : i32
    %dma_start3A_234 = arith.constant 0 : i32
    %dma_start3A_235 = arith.constant 0 : i32
    %dma_start3A_236 = tpu.memref_slice %arg9[%dma_start3A_232, %dma_start3A_234, %dma_start3A_235] : memref<8x128x16xf32, #tpu.memory_space<vmem>> -> memref<1x128x16xf32, #tpu.memory_space<vmem>>
    %dma_start3A_237 = tpu.memref_squeeze %dma_start3A_236 : memref<1x128x16xf32, #tpu.memory_space<vmem>> -> memref<128x16xf32, #tpu.memory_space<vmem>>
    %dma_start3A_238 = arith.constant 0 : i32
    %dma_start3A_239 = tpu.memref_slice %arg8[%dma_start3A_233, %dma_start3A_238] : memref<84x128xi32, #tpu.memory_space<vmem>> -> memref<1x128xi32, #tpu.memory_space<vmem>>
    %dma_start3A_240 = tpu.memref_squeeze %dma_start3A_239 : memref<1x128xi32, #tpu.memory_space<vmem>> -> memref<128xi32, #tpu.memory_space<vmem>>
    %dma_start3A_241 = arith.constant 0 : i32
    %dma_start3A_242 = arith.constant 0 : i32
    %dma_start3A_243 = tpu.memref_slice %arg10[%dma_start3A_241, %dma_start3A_242] : memref<10112x16xf32, #tpu.memory_space<vmem_shared>> -> memref<10112x16xf32, #tpu.memory_space<vmem_shared>>
    tpu.enqueue_indirect_dma source(%dma_start3A_237 : memref<128x16xf32, #tpu.memory_space<vmem>>) target(%dma_start3A_243 : memref<10112x16xf32, #tpu.memory_space<vmem_shared>>) offsets(%dma_start3A_240 : memref<128xi32, #tpu.memory_space<vmem>>) semaphore(%arg24 : memref<!tpu.dma_semaphore, #tpu.memory_space<semaphore_mem>>) {add = true}
    %dma_wait3A_244 = arith.constant 0 : i32
    %dma_wait3A_245 = arith.constant 0 : i32
    %dma_wait3A_246 = arith.constant 0 : i32
    %dma_wait3A_247 = arith.constant 0 : i32
    %dma_wait3A_248 = tpu.memref_slice %arg9[%dma_wait3A_244, %dma_wait3A_246, %dma_wait3A_247] : memref<8x128x16xf32, #tpu.memory_space<vmem>> -> memref<1x128x16xf32, #tpu.memory_space<vmem>>
    %dma_wait3A_249 = tpu.memref_squeeze %dma_wait3A_248 : memref<1x128x16xf32, #tpu.memory_space<vmem>> -> memref<128x16xf32, #tpu.memory_space<vmem>>
    %dma_wait3A_250 = arith.constant 0 : i32
    %dma_wait3A_251 = tpu.memref_slice %arg8[%dma_wait3A_245, %dma_wait3A_250] : memref<84x128xi32, #tpu.memory_space<vmem>> -> memref<1x128xi32, #tpu.memory_space<vmem>>
    %dma_wait3A_252 = tpu.memref_squeeze %dma_wait3A_251 : memref<1x128xi32, #tpu.memory_space<vmem>> -> memref<128xi32, #tpu.memory_space<vmem>>
    %dma_wait3A_253 = arith.constant 0 : i32
    %dma_wait3A_254 = arith.constant 0 : i32
    %dma_wait3A_255 = tpu.memref_slice %arg10[%dma_wait3A_253, %dma_wait3A_254] : memref<10112x16xf32, #tpu.memory_space<vmem_shared>> -> memref<10112x16xf32, #tpu.memory_space<vmem_shared>>
    tpu.wait_indirect_dma semaphore(%arg20 : memref<!tpu.dma_semaphore, #tpu.memory_space<semaphore_mem>>) src(%dma_wait3A_249 : memref<128x16xf32, #tpu.memory_space<vmem>>) dst(%dma_wait3A_255 : memref<10112x16xf32, #tpu.memory_space<vmem_shared>>)
    %dma_start3A_256 = arith.constant 8 : i32
    %dma_start3A_257 = arith.constant 0 : i32
    %dma_start3A_258 = arith.constant 0 : i32
    %dma_start3A_259 = arith.constant 0 : i32
    %dma_start3A_260 = tpu.memref_slice %arg9[%dma_start3A_257, %dma_start3A_258, %dma_start3A_259] : memref<8x128x16xf32, #tpu.memory_space<vmem>> -> memref<1x128x16xf32, #tpu.memory_space<vmem>>
    %dma_start3A_261 = tpu.memref_squeeze %dma_start3A_260 : memref<1x128x16xf32, #tpu.memory_space<vmem>> -> memref<128x16xf32, #tpu.memory_space<vmem>>
    %dma_start3A_262 = arith.constant 0 : i32
    %dma_start3A_263 = tpu.memref_slice %arg7[%dma_start3A_256, %dma_start3A_262] : memref<84x128xi32, #tpu.memory_space<vmem>> -> memref<1x128xi32, #tpu.memory_space<vmem>>
    %dma_start3A_264 = tpu.memref_squeeze %dma_start3A_263 : memref<1x128xi32, #tpu.memory_space<vmem>> -> memref<128xi32, #tpu.memory_space<vmem>>
    %dma_start3A_265 = arith.constant 0 : i32
    %dma_start3A_266 = arith.constant 0 : i32
    %dma_start3A_267 = tpu.memref_slice %arg11[%dma_start3A_265, %dma_start3A_266] : memref<10000x16xf32, #tpu.memory_space<vmem_shared>> -> memref<10000x16xf32, #tpu.memory_space<vmem_shared>>
    tpu.enqueue_indirect_dma source(%dma_start3A_267 : memref<10000x16xf32, #tpu.memory_space<vmem_shared>>) target(%dma_start3A_261 : memref<128x16xf32, #tpu.memory_space<vmem>>) offsets(%dma_start3A_264 : memref<128xi32, #tpu.memory_space<vmem>>) semaphore(%arg12 : memref<!tpu.dma_semaphore, #tpu.memory_space<semaphore_mem>>)
    %dma_wait3A_268 = arith.constant 0 : i32
    %dma_wait3A_269 = arith.constant 5 : i32
    %dma_wait3A_270 = arith.constant 0 : i32
    %dma_wait3A_271 = arith.constant 0 : i32
    %dma_wait3A_272 = tpu.memref_slice %arg9[%dma_wait3A_269, %dma_wait3A_270, %dma_wait3A_271] : memref<8x128x16xf32, #tpu.memory_space<vmem>> -> memref<1x128x16xf32, #tpu.memory_space<vmem>>
    %dma_wait3A_273 = tpu.memref_squeeze %dma_wait3A_272 : memref<1x128x16xf32, #tpu.memory_space<vmem>> -> memref<128x16xf32, #tpu.memory_space<vmem>>
    %dma_wait3A_274 = arith.constant 0 : i32
    %dma_wait3A_275 = tpu.memref_slice %arg7[%dma_wait3A_268, %dma_wait3A_274] : memref<84x128xi32, #tpu.memory_space<vmem>> -> memref<1x128xi32, #tpu.memory_space<vmem>>
    %dma_wait3A_276 = tpu.memref_squeeze %dma_wait3A_275 : memref<1x128xi32, #tpu.memory_space<vmem>> -> memref<128xi32, #tpu.memory_space<vmem>>
    %dma_wait3A_277 = arith.constant 0 : i32
    %dma_wait3A_278 = arith.constant 0 : i32
    %dma_wait3A_279 = tpu.memref_slice %arg11[%dma_wait3A_277, %dma_wait3A_278] : memref<10000x16xf32, #tpu.memory_space<vmem_shared>> -> memref<10000x16xf32, #tpu.memory_space<vmem_shared>>
    tpu.wait_indirect_dma semaphore(%arg17 : memref<!tpu.dma_semaphore, #tpu.memory_space<semaphore_mem>>) src(%dma_wait3A_279 : memref<10000x16xf32, #tpu.memory_space<vmem_shared>>) dst(%dma_wait3A_273 : memref<128x16xf32, #tpu.memory_space<vmem>>)
    %dma_start3A_280 = arith.constant 5 : i32
    %dma_start3A_281 = arith.constant 5 : i32
    %dma_start3A_282 = arith.constant 0 : i32
    %dma_start3A_283 = arith.constant 0 : i32
    %dma_start3A_284 = tpu.memref_slice %arg9[%dma_start3A_280, %dma_start3A_282, %dma_start3A_283] : memref<8x128x16xf32, #tpu.memory_space<vmem>> -> memref<1x128x16xf32, #tpu.memory_space<vmem>>
    %dma_start3A_285 = tpu.memref_squeeze %dma_start3A_284 : memref<1x128x16xf32, #tpu.memory_space<vmem>> -> memref<128x16xf32, #tpu.memory_space<vmem>>
    %dma_start3A_286 = arith.constant 0 : i32
    %dma_start3A_287 = tpu.memref_slice %arg8[%dma_start3A_281, %dma_start3A_286] : memref<84x128xi32, #tpu.memory_space<vmem>> -> memref<1x128xi32, #tpu.memory_space<vmem>>
    %dma_start3A_288 = tpu.memref_squeeze %dma_start3A_287 : memref<1x128xi32, #tpu.memory_space<vmem>> -> memref<128xi32, #tpu.memory_space<vmem>>
    %dma_start3A_289 = arith.constant 0 : i32
    %dma_start3A_290 = arith.constant 0 : i32
    %dma_start3A_291 = tpu.memref_slice %arg10[%dma_start3A_289, %dma_start3A_290] : memref<10112x16xf32, #tpu.memory_space<vmem_shared>> -> memref<10112x16xf32, #tpu.memory_space<vmem_shared>>
    tpu.enqueue_indirect_dma source(%dma_start3A_285 : memref<128x16xf32, #tpu.memory_space<vmem>>) target(%dma_start3A_291 : memref<10112x16xf32, #tpu.memory_space<vmem_shared>>) offsets(%dma_start3A_288 : memref<128xi32, #tpu.memory_space<vmem>>) semaphore(%arg25 : memref<!tpu.dma_semaphore, #tpu.memory_space<semaphore_mem>>) {add = true}
    %dma_wait3A_292 = arith.constant 1 : i32
    %dma_wait3A_293 = arith.constant 0 : i32
    %dma_wait3A_294 = arith.constant 0 : i32
    %dma_wait3A_295 = arith.constant 0 : i32
    %dma_wait3A_296 = tpu.memref_slice %arg9[%dma_wait3A_292, %dma_wait3A_294, %dma_wait3A_295] : memref<8x128x16xf32, #tpu.memory_space<vmem>> -> memref<1x128x16xf32, #tpu.memory_space<vmem>>
    %dma_wait3A_297 = tpu.memref_squeeze %dma_wait3A_296 : memref<1x128x16xf32, #tpu.memory_space<vmem>> -> memref<128x16xf32, #tpu.memory_space<vmem>>
    %dma_wait3A_298 = arith.constant 0 : i32
    %dma_wait3A_299 = tpu.memref_slice %arg8[%dma_wait3A_293, %dma_wait3A_298] : memref<84x128xi32, #tpu.memory_space<vmem>> -> memref<1x128xi32, #tpu.memory_space<vmem>>
    %dma_wait3A_300 = tpu.memref_squeeze %dma_wait3A_299 : memref<1x128xi32, #tpu.memory_space<vmem>> -> memref<128xi32, #tpu.memory_space<vmem>>
    %dma_wait3A_301 = arith.constant 0 : i32
    %dma_wait3A_302 = arith.constant 0 : i32
    %dma_wait3A_303 = tpu.memref_slice %arg10[%dma_wait3A_301, %dma_wait3A_302] : memref<10112x16xf32, #tpu.memory_space<vmem_shared>> -> memref<10112x16xf32, #tpu.memory_space<vmem_shared>>
    tpu.wait_indirect_dma semaphore(%arg21 : memref<!tpu.dma_semaphore, #tpu.memory_space<semaphore_mem>>) src(%dma_wait3A_297 : memref<128x16xf32, #tpu.memory_space<vmem>>) dst(%dma_wait3A_303 : memref<10112x16xf32, #tpu.memory_space<vmem_shared>>)
    %dma_start3A_304 = arith.constant 9 : i32
    %dma_start3A_305 = arith.constant 1 : i32
    %dma_start3A_306 = arith.constant 0 : i32
    %dma_start3A_307 = arith.constant 0 : i32
    %dma_start3A_308 = tpu.memref_slice %arg9[%dma_start3A_305, %dma_start3A_306, %dma_start3A_307] : memref<8x128x16xf32, #tpu.memory_space<vmem>> -> memref<1x128x16xf32, #tpu.memory_space<vmem>>
    %dma_start3A_309 = tpu.memref_squeeze %dma_start3A_308 : memref<1x128x16xf32, #tpu.memory_space<vmem>> -> memref<128x16xf32, #tpu.memory_space<vmem>>
    %dma_start3A_310 = arith.constant 0 : i32
    %dma_start3A_311 = tpu.memref_slice %arg7[%dma_start3A_304, %dma_start3A_310] : memref<84x128xi32, #tpu.memory_space<vmem>> -> memref<1x128xi32, #tpu.memory_space<vmem>>
    %dma_start3A_312 = tpu.memref_squeeze %dma_start3A_311 : memref<1x128xi32, #tpu.memory_space<vmem>> -> memref<128xi32, #tpu.memory_space<vmem>>
    %dma_start3A_313 = arith.constant 0 : i32
    %dma_start3A_314 = arith.constant 0 : i32
    %dma_start3A_315 = tpu.memref_slice %arg11[%dma_start3A_313, %dma_start3A_314] : memref<10000x16xf32, #tpu.memory_space<vmem_shared>> -> memref<10000x16xf32, #tpu.memory_space<vmem_shared>>
    tpu.enqueue_indirect_dma source(%dma_start3A_315 : memref<10000x16xf32, #tpu.memory_space<vmem_shared>>) target(%dma_start3A_309 : memref<128x16xf32, #tpu.memory_space<vmem>>) offsets(%dma_start3A_312 : memref<128xi32, #tpu.memory_space<vmem>>) semaphore(%arg13 : memref<!tpu.dma_semaphore, #tpu.memory_space<semaphore_mem>>)
    %dma_wait3A_316 = arith.constant 0 : i32
    %dma_wait3A_317 = arith.constant 6 : i32
    %dma_wait3A_318 = arith.constant 0 : i32
    %dma_wait3A_319 = arith.constant 0 : i32
    %dma_wait3A_320 = tpu.memref_slice %arg9[%dma_wait3A_317, %dma_wait3A_318, %dma_wait3A_319] : memref<8x128x16xf32, #tpu.memory_space<vmem>> -> memref<1x128x16xf32, #tpu.memory_space<vmem>>
    %dma_wait3A_321 = tpu.memref_squeeze %dma_wait3A_320 : memref<1x128x16xf32, #tpu.memory_space<vmem>> -> memref<128x16xf32, #tpu.memory_space<vmem>>
    %dma_wait3A_322 = arith.constant 0 : i32
    %dma_wait3A_323 = tpu.memref_slice %arg7[%dma_wait3A_316, %dma_wait3A_322] : memref<84x128xi32, #tpu.memory_space<vmem>> -> memref<1x128xi32, #tpu.memory_space<vmem>>
    %dma_wait3A_324 = tpu.memref_squeeze %dma_wait3A_323 : memref<1x128xi32, #tpu.memory_space<vmem>> -> memref<128xi32, #tpu.memory_space<vmem>>
    %dma_wait3A_325 = arith.constant 0 : i32
    %dma_wait3A_326 = arith.constant 0 : i32
    %dma_wait3A_327 = tpu.memref_slice %arg11[%dma_wait3A_325, %dma_wait3A_326] : memref<10000x16xf32, #tpu.memory_space<vmem_shared>> -> memref<10000x16xf32, #tpu.memory_space<vmem_shared>>
    tpu.wait_indirect_dma semaphore(%arg18 : memref<!tpu.dma_semaphore, #tpu.memory_space<semaphore_mem>>) src(%dma_wait3A_327 : memref<10000x16xf32, #tpu.memory_space<vmem_shared>>) dst(%dma_wait3A_321 : memref<128x16xf32, #tpu.memory_space<vmem>>)
    %dma_start3A_328 = arith.constant 6 : i32
    %dma_start3A_329 = arith.constant 6 : i32
    %dma_start3A_330 = arith.constant 0 : i32
    %dma_start3A_331 = arith.constant 0 : i32
    %dma_start3A_332 = tpu.memref_slice %arg9[%dma_start3A_328, %dma_start3A_330, %dma_start3A_331] : memref<8x128x16xf32, #tpu.memory_space<vmem>> -> memref<1x128x16xf32, #tpu.memory_space<vmem>>
    %dma_start3A_333 = tpu.memref_squeeze %dma_start3A_332 : memref<1x128x16xf32, #tpu.memory_space<vmem>> -> memref<128x16xf32, #tpu.memory_space<vmem>>
    %dma_start3A_334 = arith.constant 0 : i32
    %dma_start3A_335 = tpu.memref_slice %arg8[%dma_start3A_329, %dma_start3A_334] : memref<84x128xi32, #tpu.memory_space<vmem>> -> memref<1x128xi32, #tpu.memory_space<vmem>>
    %dma_start3A_336 = tpu.memref_squeeze %dma_start3A_335 : memref<1x128xi32, #tpu.memory_space<vmem>> -> memref<128xi32, #tpu.memory_space<vmem>>
    %dma_start3A_337 = arith.constant 0 : i32
    %dma_start3A_338 = arith.constant 0 : i32
    %dma_start3A_339 = tpu.memref_slice %arg10[%dma_start3A_337, %dma_start3A_338] : memref<10112x16xf32, #tpu.memory_space<vmem_shared>> -> memref<10112x16xf32, #tpu.memory_space<vmem_shared>>
    tpu.enqueue_indirect_dma source(%dma_start3A_333 : memref<128x16xf32, #tpu.memory_space<vmem>>) target(%dma_start3A_339 : memref<10112x16xf32, #tpu.memory_space<vmem_shared>>) offsets(%dma_start3A_336 : memref<128xi32, #tpu.memory_space<vmem>>) semaphore(%arg26 : memref<!tpu.dma_semaphore, #tpu.memory_space<semaphore_mem>>) {add = true}
    %dma_wait3A_340 = arith.constant 2 : i32
    %dma_wait3A_341 = arith.constant 0 : i32
    %dma_wait3A_342 = arith.constant 0 : i32
    %dma_wait3A_343 = arith.constant 0 : i32
    %dma_wait3A_344 = tpu.memref_slice %arg9[%dma_wait3A_340, %dma_wait3A_342, %dma_wait3A_343] : memref<8x128x16xf32, #tpu.memory_space<vmem>> -> memref<1x128x16xf32, #tpu.memory_space<vmem>>
    %dma_wait3A_345 = tpu.memref_squeeze %dma_wait3A_344 : memref<1x128x16xf32, #tpu.memory_space<vmem>> -> memref<128x16xf32, #tpu.memory_space<vmem>>
    %dma_wait3A_346 = arith.constant 0 : i32
    %dma_wait3A_347 = tpu.memref_slice %arg8[%dma_wait3A_341, %dma_wait3A_346] : memref<84x128xi32, #tpu.memory_space<vmem>> -> memref<1x128xi32, #tpu.memory_space<vmem>>
    %dma_wait3A_348 = tpu.memref_squeeze %dma_wait3A_347 : memref<1x128xi32, #tpu.memory_space<vmem>> -> memref<128xi32, #tpu.memory_space<vmem>>
    %dma_wait3A_349 = arith.constant 0 : i32
    %dma_wait3A_350 = arith.constant 0 : i32
    %dma_wait3A_351 = tpu.memref_slice %arg10[%dma_wait3A_349, %dma_wait3A_350] : memref<10112x16xf32, #tpu.memory_space<vmem_shared>> -> memref<10112x16xf32, #tpu.memory_space<vmem_shared>>
    tpu.wait_indirect_dma semaphore(%arg22 : memref<!tpu.dma_semaphore, #tpu.memory_space<semaphore_mem>>) src(%dma_wait3A_345 : memref<128x16xf32, #tpu.memory_space<vmem>>) dst(%dma_wait3A_351 : memref<10112x16xf32, #tpu.memory_space<vmem_shared>>)
    %dma_start3A_352 = arith.constant 10 : i32
    %dma_start3A_353 = arith.constant 2 : i32
    %dma_start3A_354 = arith.constant 0 : i32
    %dma_start3A_355 = arith.constant 0 : i32
    %dma_start3A_356 = tpu.memref_slice %arg9[%dma_start3A_353, %dma_start3A_354, %dma_start3A_355] : memref<8x128x16xf32, #tpu.memory_space<vmem>> -> memref<1x128x16xf32, #tpu.memory_space<vmem>>
    %dma_start3A_357 = tpu.memref_squeeze %dma_start3A_356 : memref<1x128x16xf32, #tpu.memory_space<vmem>> -> memref<128x16xf32, #tpu.memory_space<vmem>>
    %dma_start3A_358 = arith.constant 0 : i32
    %dma_start3A_359 = tpu.memref_slice %arg7[%dma_start3A_352, %dma_start3A_358] : memref<84x128xi32, #tpu.memory_space<vmem>> -> memref<1x128xi32, #tpu.memory_space<vmem>>
    %dma_start3A_360 = tpu.memref_squeeze %dma_start3A_359 : memref<1x128xi32, #tpu.memory_space<vmem>> -> memref<128xi32, #tpu.memory_space<vmem>>
    %dma_start3A_361 = arith.constant 0 : i32
    %dma_start3A_362 = arith.constant 0 : i32
    %dma_start3A_363 = tpu.memref_slice %arg11[%dma_start3A_361, %dma_start3A_362] : memref<10000x16xf32, #tpu.memory_space<vmem_shared>> -> memref<10000x16xf32, #tpu.memory_space<vmem_shared>>
    tpu.enqueue_indirect_dma source(%dma_start3A_363 : memref<10000x16xf32, #tpu.memory_space<vmem_shared>>) target(%dma_start3A_357 : memref<128x16xf32, #tpu.memory_space<vmem>>) offsets(%dma_start3A_360 : memref<128xi32, #tpu.memory_space<vmem>>) semaphore(%arg14 : memref<!tpu.dma_semaphore, #tpu.memory_space<semaphore_mem>>)
    %dma_wait3A_364 = arith.constant 0 : i32
    %dma_wait3A_365 = arith.constant 7 : i32
    %dma_wait3A_366 = arith.constant 0 : i32
    %dma_wait3A_367 = arith.constant 0 : i32
    %dma_wait3A_368 = tpu.memref_slice %arg9[%dma_wait3A_365, %dma_wait3A_366, %dma_wait3A_367] : memref<8x128x16xf32, #tpu.memory_space<vmem>> -> memref<1x128x16xf32, #tpu.memory_space<vmem>>
    %dma_wait3A_369 = tpu.memref_squeeze %dma_wait3A_368 : memref<1x128x16xf32, #tpu.memory_space<vmem>> -> memref<128x16xf32, #tpu.memory_space<vmem>>
    %dma_wait3A_370 = arith.constant 0 : i32
    %dma_wait3A_371 = tpu.memref_slice %arg7[%dma_wait3A_364, %dma_wait3A_370] : memref<84x128xi32, #tpu.memory_space<vmem>> -> memref<1x128xi32, #tpu.memory_space<vmem>>
    %dma_wait3A_372 = tpu.memref_squeeze %dma_wait3A_371 : memref<1x128xi32, #tpu.memory_space<vmem>> -> memref<128xi32, #tpu.memory_space<vmem>>
    %dma_wait3A_373 = arith.constant 0 : i32
    %dma_wait3A_374 = arith.constant 0 : i32
    %dma_wait3A_375 = tpu.memref_slice %arg11[%dma_wait3A_373, %dma_wait3A_374] : memref<10000x16xf32, #tpu.memory_space<vmem_shared>> -> memref<10000x16xf32, #tpu.memory_space<vmem_shared>>
    tpu.wait_indirect_dma semaphore(%arg19 : memref<!tpu.dma_semaphore, #tpu.memory_space<semaphore_mem>>) src(%dma_wait3A_375 : memref<10000x16xf32, #tpu.memory_space<vmem_shared>>) dst(%dma_wait3A_369 : memref<128x16xf32, #tpu.memory_space<vmem>>)
    %dma_start3A_376 = arith.constant 7 : i32
    %dma_start3A_377 = arith.constant 7 : i32
    %dma_start3A_378 = arith.constant 0 : i32
    %dma_start3A_379 = arith.constant 0 : i32
    %dma_start3A_380 = tpu.memref_slice %arg9[%dma_start3A_376, %dma_start3A_378, %dma_start3A_379] : memref<8x128x16xf32, #tpu.memory_space<vmem>> -> memref<1x128x16xf32, #tpu.memory_space<vmem>>
    %dma_start3A_381 = tpu.memref_squeeze %dma_start3A_380 : memref<1x128x16xf32, #tpu.memory_space<vmem>> -> memref<128x16xf32, #tpu.memory_space<vmem>>
    %dma_start3A_382 = arith.constant 0 : i32
    %dma_start3A_383 = tpu.memref_slice %arg8[%dma_start3A_377, %dma_start3A_382] : memref<84x128xi32, #tpu.memory_space<vmem>> -> memref<1x128xi32, #tpu.memory_space<vmem>>
    %dma_start3A_384 = tpu.memref_squeeze %dma_start3A_383 : memref<1x128xi32, #tpu.memory_space<vmem>> -> memref<128xi32, #tpu.memory_space<vmem>>
    %dma_start3A_385 = arith.constant 0 : i32
    %dma_start3A_386 = arith.constant 0 : i32
    %dma_start3A_387 = tpu.memref_slice %arg10[%dma_start3A_385, %dma_start3A_386] : memref<10112x16xf32, #tpu.memory_space<vmem_shared>> -> memref<10112x16xf32, #tpu.memory_space<vmem_shared>>
    tpu.enqueue_indirect_dma source(%dma_start3A_381 : memref<128x16xf32, #tpu.memory_space<vmem>>) target(%dma_start3A_387 : memref<10112x16xf32, #tpu.memory_space<vmem_shared>>) offsets(%dma_start3A_384 : memref<128xi32, #tpu.memory_space<vmem>>) semaphore(%arg27 : memref<!tpu.dma_semaphore, #tpu.memory_space<semaphore_mem>>) {add = true}
    %dma_wait3A_388 = arith.constant 3 : i32
    %dma_wait3A_389 = arith.constant 0 : i32
    %dma_wait3A_390 = arith.constant 0 : i32
    %dma_wait3A_391 = arith.constant 0 : i32
    %dma_wait3A_392 = tpu.memref_slice %arg9[%dma_wait3A_388, %dma_wait3A_390, %dma_wait3A_391] : memref<8x128x16xf32, #tpu.memory_space<vmem>> -> memref<1x128x16xf32, #tpu.memory_space<vmem>>
    %dma_wait3A_393 = tpu.memref_squeeze %dma_wait3A_392 : memref<1x128x16xf32, #tpu.memory_space<vmem>> -> memref<128x16xf32, #tpu.memory_space<vmem>>
    %dma_wait3A_394 = arith.constant 0 : i32
    %dma_wait3A_395 = tpu.memref_slice %arg8[%dma_wait3A_389, %dma_wait3A_394] : memref<84x128xi32, #tpu.memory_space<vmem>> -> memref<1x128xi32, #tpu.memory_space<vmem>>
    %dma_wait3A_396 = tpu.memref_squeeze %dma_wait3A_395 : memref<1x128xi32, #tpu.memory_space<vmem>> -> memref<128xi32, #tpu.memory_space<vmem>>
    %dma_wait3A_397 = arith.constant 0 : i32
    %dma_wait3A_398 = arith.constant 0 : i32
    %dma_wait3A_399 = tpu.memref_slice %arg10[%dma_wait3A_397, %dma_wait3A_398] : memref<10112x16xf32, #tpu.memory_space<vmem_shared>> -> memref<10112x16xf32, #tpu.memory_space<vmem_shared>>
    tpu.wait_indirect_dma semaphore(%arg23 : memref<!tpu.dma_semaphore, #tpu.memory_space<semaphore_mem>>) src(%dma_wait3A_393 : memref<128x16xf32, #tpu.memory_space<vmem>>) dst(%dma_wait3A_399 : memref<10112x16xf32, #tpu.memory_space<vmem_shared>>)
    %dma_start3A_400 = arith.constant 11 : i32
    %dma_start3A_401 = arith.constant 3 : i32
    %dma_start3A_402 = arith.constant 0 : i32
    %dma_start3A_403 = arith.constant 0 : i32
    %dma_start3A_404 = tpu.memref_slice %arg9[%dma_start3A_401, %dma_start3A_402, %dma_start3A_403] : memref<8x128x16xf32, #tpu.memory_space<vmem>> -> memref<1x128x16xf32, #tpu.memory_space<vmem>>
    %dma_start3A_405 = tpu.memref_squeeze %dma_start3A_404 : memref<1x128x16xf32, #tpu.memory_space<vmem>> -> memref<128x16xf32, #tpu.memory_space<vmem>>
    %dma_start3A_406 = arith.constant 0 : i32
    %dma_start3A_407 = tpu.memref_slice %arg7[%dma_start3A_400, %dma_start3A_406] : memref<84x128xi32, #tpu.memory_space<vmem>> -> memref<1x128xi32, #tpu.memory_space<vmem>>
    %dma_start3A_408 = tpu.memref_squeeze %dma_start3A_407 : memref<1x128xi32, #tpu.memory_space<vmem>> -> memref<128xi32, #tpu.memory_space<vmem>>
    %dma_start3A_409 = arith.constant 0 : i32
    %dma_start3A_410 = arith.constant 0 : i32
    %dma_start3A_411 = tpu.memref_slice %arg11[%dma_start3A_409, %dma_start3A_410] : memref<10000x16xf32, #tpu.memory_space<vmem_shared>> -> memref<10000x16xf32, #tpu.memory_space<vmem_shared>>
    tpu.enqueue_indirect_dma source(%dma_start3A_411 : memref<10000x16xf32, #tpu.memory_space<vmem_shared>>) target(%dma_start3A_405 : memref<128x16xf32, #tpu.memory_space<vmem>>) offsets(%dma_start3A_408 : memref<128xi32, #tpu.memory_space<vmem>>) semaphore(%arg15 : memref<!tpu.dma_semaphore, #tpu.memory_space<semaphore_mem>>)
    %lt3A_412 = arith.constant 31 : i32
    %lt3A_413 = arith.cmpi slt, %add3A, %lt3A_412 : i32
    %convert_element_type3A_414 = arith.extui %lt3A_413 : i1 to i32
    %cond3A_415 = arith.constant 0 : i32
    %cond3A_416 = arith.cmpi ne, %convert_element_type3A_414, %cond3A_415 : i32
    scf.if %cond3A_416 {
      %add3A_524 = arith.constant 16 : i32
      %add3A_525 = arith.addi %mul3A_2, %add3A_524 : i32
      %dma_wait3A_526 = arith.constant 0 : i32
      %dma_wait3A_527 = arith.constant 16 : i32
      %dma_wait3A_528 = arith.constant 0 : i32
      %dma_wait3A_529 = tpu.memref_slice %arg7[%dma_wait3A_527, %dma_wait3A_528] : memref<84x128xi32, #tpu.memory_space<vmem>> -> memref<68x128xi32, #tpu.memory_space<vmem>>
      %dma_wait3A_530 = arith.constant 0 : i32
      %dma_wait3A_531 = tpu.memref_slice %arg3[%dma_wait3A_526, %add3A_525, %dma_wait3A_530] : memref<2x2500x128xi32, #tpu.memory_space<hbm>> -> memref<1x68x128xi32, #tpu.memory_space<hbm>>
      %dma_wait3A_532 = tpu.memref_squeeze %dma_wait3A_531 : memref<1x68x128xi32, #tpu.memory_space<hbm>> -> memref<68x128xi32, #tpu.memory_space<hbm>>
      %dma_wait3A_533 = arith.constant 16 : i32
      %dma_wait3A_534 = arith.constant 0 : i32
      %dma_wait3A_535 = tpu.memref_slice %arg7[%dma_wait3A_533, %dma_wait3A_534] : memref<84x128xi32, #tpu.memory_space<vmem>> -> memref<68x128xi32, #tpu.memory_space<vmem>>
      %dma_wait3A_536 = arith.constant 0 : i32
      %dma_wait3A_537 = tpu.memref_slice %arg3[%dma_wait3A_526, %add3A_525, %dma_wait3A_536] : memref<2x2500x128xi32, #tpu.memory_space<hbm>> -> memref<1x68x128xi32, #tpu.memory_space<hbm>>
      %dma_wait3A_538 = tpu.memref_squeeze %dma_wait3A_537 : memref<1x68x128xi32, #tpu.memory_space<hbm>> -> memref<68x128xi32, #tpu.memory_space<hbm>>
      tpu.wait_dma2 semaphore(%arg28 : memref<!tpu.dma_semaphore, #tpu.memory_space<semaphore_mem>>) src(%dma_wait3A_538 : memref<68x128xi32, #tpu.memory_space<hbm>>) dst(%dma_wait3A_535 : memref<68x128xi32, #tpu.memory_space<vmem>>)
      %add3A_539 = arith.constant 16 : i32
      %add3A_540 = arith.addi %mul3A_2, %add3A_539 : i32
      %dma_wait3A_541 = arith.constant 1 : i32
      %dma_wait3A_542 = arith.constant 16 : i32
      %dma_wait3A_543 = arith.constant 0 : i32
      %dma_wait3A_544 = tpu.memref_slice %arg8[%dma_wait3A_542, %dma_wait3A_543] : memref<84x128xi32, #tpu.memory_space<vmem>> -> memref<68x128xi32, #tpu.memory_space<vmem>>
      %dma_wait3A_545 = arith.constant 0 : i32
      %dma_wait3A_546 = tpu.memref_slice %arg3[%dma_wait3A_541, %add3A_540, %dma_wait3A_545] : memref<2x2500x128xi32, #tpu.memory_space<hbm>> -> memref<1x68x128xi32, #tpu.memory_space<hbm>>
      %dma_wait3A_547 = tpu.memref_squeeze %dma_wait3A_546 : memref<1x68x128xi32, #tpu.memory_space<hbm>> -> memref<68x128xi32, #tpu.memory_space<hbm>>
      %dma_wait3A_548 = arith.constant 16 : i32
      %dma_wait3A_549 = arith.constant 0 : i32
      %dma_wait3A_550 = tpu.memref_slice %arg8[%dma_wait3A_548, %dma_wait3A_549] : memref<84x128xi32, #tpu.memory_space<vmem>> -> memref<68x128xi32, #tpu.memory_space<vmem>>
      %dma_wait3A_551 = arith.constant 0 : i32
      %dma_wait3A_552 = tpu.memref_slice %arg3[%dma_wait3A_541, %add3A_540, %dma_wait3A_551] : memref<2x2500x128xi32, #tpu.memory_space<hbm>> -> memref<1x68x128xi32, #tpu.memory_space<hbm>>
      %dma_wait3A_553 = tpu.memref_squeeze %dma_wait3A_552 : memref<1x68x128xi32, #tpu.memory_space<hbm>> -> memref<68x128xi32, #tpu.memory_space<hbm>>
      tpu.wait_dma2 semaphore(%arg29 : memref<!tpu.dma_semaphore, #tpu.memory_space<semaphore_mem>>) src(%dma_wait3A_553 : memref<68x128xi32, #tpu.memory_space<hbm>>) dst(%dma_wait3A_550 : memref<68x128xi32, #tpu.memory_space<vmem>>)
    } else {
    }
    %eq3A_417 = arith.constant 31 : i32
    %eq3A_418 = arith.cmpi eq, %add3A, %eq3A_417 : i32
    %convert_element_type3A_419 = arith.extui %eq3A_418 : i1 to i32
    %cond3A_420 = arith.constant 0 : i32
    %cond3A_421 = arith.cmpi ne, %convert_element_type3A_419, %cond3A_420 : i32
    scf.if %cond3A_421 {
      %add3A_524 = arith.constant 16 : i32
      %add3A_525 = arith.addi %mul3A_2, %add3A_524 : i32
      %dma_wait3A_526 = arith.constant 0 : i32
      %dma_wait3A_527 = arith.constant 16 : i32
      %dma_wait3A_528 = arith.constant 0 : i32
      %dma_wait3A_529 = tpu.memref_slice %arg7[%dma_wait3A_527, %dma_wait3A_528] : memref<84x128xi32, #tpu.memory_space<vmem>> -> memref<4x128xi32, #tpu.memory_space<vmem>>
      %dma_wait3A_530 = arith.constant 0 : i32
      %dma_wait3A_531 = tpu.memref_slice %arg3[%dma_wait3A_526, %add3A_525, %dma_wait3A_530] : memref<2x2500x128xi32, #tpu.memory_space<hbm>> -> memref<1x4x128xi32, #tpu.memory_space<hbm>>
      %dma_wait3A_532 = tpu.memref_squeeze %dma_wait3A_531 : memref<1x4x128xi32, #tpu.memory_space<hbm>> -> memref<4x128xi32, #tpu.memory_space<hbm>>
      %dma_wait3A_533 = arith.constant 16 : i32
      %dma_wait3A_534 = arith.constant 0 : i32
      %dma_wait3A_535 = tpu.memref_slice %arg7[%dma_wait3A_533, %dma_wait3A_534] : memref<84x128xi32, #tpu.memory_space<vmem>> -> memref<4x128xi32, #tpu.memory_space<vmem>>
      %dma_wait3A_536 = arith.constant 0 : i32
      %dma_wait3A_537 = tpu.memref_slice %arg3[%dma_wait3A_526, %add3A_525, %dma_wait3A_536] : memref<2x2500x128xi32, #tpu.memory_space<hbm>> -> memref<1x4x128xi32, #tpu.memory_space<hbm>>
      %dma_wait3A_538 = tpu.memref_squeeze %dma_wait3A_537 : memref<1x4x128xi32, #tpu.memory_space<hbm>> -> memref<4x128xi32, #tpu.memory_space<hbm>>
      tpu.wait_dma2 semaphore(%arg28 : memref<!tpu.dma_semaphore, #tpu.memory_space<semaphore_mem>>) src(%dma_wait3A_538 : memref<4x128xi32, #tpu.memory_space<hbm>>) dst(%dma_wait3A_535 : memref<4x128xi32, #tpu.memory_space<vmem>>)
      %add3A_539 = arith.constant 16 : i32
      %add3A_540 = arith.addi %mul3A_2, %add3A_539 : i32
      %dma_wait3A_541 = arith.constant 1 : i32
      %dma_wait3A_542 = arith.constant 16 : i32
      %dma_wait3A_543 = arith.constant 0 : i32
      %dma_wait3A_544 = tpu.memref_slice %arg8[%dma_wait3A_542, %dma_wait3A_543] : memref<84x128xi32, #tpu.memory_space<vmem>> -> memref<4x128xi32, #tpu.memory_space<vmem>>
      %dma_wait3A_545 = arith.constant 0 : i32
      %dma_wait3A_546 = tpu.memref_slice %arg3[%dma_wait3A_541, %add3A_540, %dma_wait3A_545] : memref<2x2500x128xi32, #tpu.memory_space<hbm>> -> memref<1x4x128xi32, #tpu.memory_space<hbm>>
      %dma_wait3A_547 = tpu.memref_squeeze %dma_wait3A_546 : memref<1x4x128xi32, #tpu.memory_space<hbm>> -> memref<4x128xi32, #tpu.memory_space<hbm>>
      %dma_wait3A_548 = arith.constant 16 : i32
      %dma_wait3A_549 = arith.constant 0 : i32
      %dma_wait3A_550 = tpu.memref_slice %arg8[%dma_wait3A_548, %dma_wait3A_549] : memref<84x128xi32, #tpu.memory_space<vmem>> -> memref<4x128xi32, #tpu.memory_space<vmem>>
      %dma_wait3A_551 = arith.constant 0 : i32
      %dma_wait3A_552 = tpu.memref_slice %arg3[%dma_wait3A_541, %add3A_540, %dma_wait3A_551] : memref<2x2500x128xi32, #tpu.memory_space<hbm>> -> memref<1x4x128xi32, #tpu.memory_space<hbm>>
      %dma_wait3A_553 = tpu.memref_squeeze %dma_wait3A_552 : memref<1x4x128xi32, #tpu.memory_space<hbm>> -> memref<4x128xi32, #tpu.memory_space<hbm>>
      tpu.wait_dma2 semaphore(%arg29 : memref<!tpu.dma_semaphore, #tpu.memory_space<semaphore_mem>>) src(%dma_wait3A_553 : memref<4x128xi32, #tpu.memory_space<hbm>>) dst(%dma_wait3A_550 : memref<4x128xi32, #tpu.memory_space<vmem>>)
      %dma_wait3A_554 = arith.constant 0 : i32
      %dma_wait3A_555 = arith.constant 20 : i32
      %dma_wait3A_556 = arith.constant 0 : i32
      %dma_wait3A_557 = tpu.memref_slice %arg7[%dma_wait3A_555, %dma_wait3A_556] : memref<84x128xi32, #tpu.memory_space<vmem>> -> memref<64x128xi32, #tpu.memory_space<vmem>>
      %dma_wait3A_558 = arith.constant 0 : i32
      %dma_wait3A_559 = arith.constant 0 : i32
      %dma_wait3A_560 = tpu.memref_slice %arg4[%dma_wait3A_554, %dma_wait3A_558, %dma_wait3A_559] : memref<2x64x128xi32, #tpu.memory_space<hbm>> -> memref<1x64x128xi32, #tpu.memory_space<hbm>>
      %dma_wait3A_561 = tpu.memref_squeeze %dma_wait3A_560 : memref<1x64x128xi32, #tpu.memory_space<hbm>> -> memref<64x128xi32, #tpu.memory_space<hbm>>
      %dma_wait3A_562 = arith.constant 20 : i32
      %dma_wait3A_563 = arith.constant 0 : i32
      %dma_wait3A_564 = tpu.memref_slice %arg7[%dma_wait3A_562, %dma_wait3A_563] : memref<84x128xi32, #tpu.memory_space<vmem>> -> memref<64x128xi32, #tpu.memory_space<vmem>>
      %dma_wait3A_565 = arith.constant 0 : i32
      %dma_wait3A_566 = arith.constant 0 : i32
      %dma_wait3A_567 = tpu.memref_slice %arg4[%dma_wait3A_554, %dma_wait3A_565, %dma_wait3A_566] : memref<2x64x128xi32, #tpu.memory_space<hbm>> -> memref<1x64x128xi32, #tpu.memory_space<hbm>>
      %dma_wait3A_568 = tpu.memref_squeeze %dma_wait3A_567 : memref<1x64x128xi32, #tpu.memory_space<hbm>> -> memref<64x128xi32, #tpu.memory_space<hbm>>
      tpu.wait_dma2 semaphore(%arg28 : memref<!tpu.dma_semaphore, #tpu.memory_space<semaphore_mem>>) src(%dma_wait3A_568 : memref<64x128xi32, #tpu.memory_space<hbm>>) dst(%dma_wait3A_564 : memref<64x128xi32, #tpu.memory_space<vmem>>)
      %dma_wait3A_569 = arith.constant 1 : i32
      %dma_wait3A_570 = arith.constant 20 : i32
      %dma_wait3A_571 = arith.constant 0 : i32
      %dma_wait3A_572 = tpu.memref_slice %arg8[%dma_wait3A_570, %dma_wait3A_571] : memref<84x128xi32, #tpu.memory_space<vmem>> -> memref<64x128xi32, #tpu.memory_space<vmem>>
      %dma_wait3A_573 = arith.constant 0 : i32
      %dma_wait3A_574 = arith.constant 0 : i32
      %dma_wait3A_575 = tpu.memref_slice %arg4[%dma_wait3A_569, %dma_wait3A_573, %dma_wait3A_574] : memref<2x64x128xi32, #tpu.memory_space<hbm>> -> memref<1x64x128xi32, #tpu.memory_space<hbm>>
      %dma_wait3A_576 = tpu.memref_squeeze %dma_wait3A_575 : memref<1x64x128xi32, #tpu.memory_space<hbm>> -> memref<64x128xi32, #tpu.memory_space<hbm>>
      %dma_wait3A_577 = arith.constant 20 : i32
      %dma_wait3A_578 = arith.constant 0 : i32
      %dma_wait3A_579 = tpu.memref_slice %arg8[%dma_wait3A_577, %dma_wait3A_578] : memref<84x128xi32, #tpu.memory_space<vmem>> -> memref<64x128xi32, #tpu.memory_space<vmem>>
      %dma_wait3A_580 = arith.constant 0 : i32
      %dma_wait3A_581 = arith.constant 0 : i32
      %dma_wait3A_582 = tpu.memref_slice %arg4[%dma_wait3A_569, %dma_wait3A_580, %dma_wait3A_581] : memref<2x64x128xi32, #tpu.memory_space<hbm>> -> memref<1x64x128xi32, #tpu.memory_space<hbm>>
      %dma_wait3A_583 = tpu.memref_squeeze %dma_wait3A_582 : memref<1x64x128xi32, #tpu.memory_space<hbm>> -> memref<64x128xi32, #tpu.memory_space<hbm>>
      tpu.wait_dma2 semaphore(%arg29 : memref<!tpu.dma_semaphore, #tpu.memory_space<semaphore_mem>>) src(%dma_wait3A_583 : memref<64x128xi32, #tpu.memory_space<hbm>>) dst(%dma_wait3A_579 : memref<64x128xi32, #tpu.memory_space<vmem>>)
    } else {
    }
    %scan3A = arith.constant 0 : i32
    %scan3A_422 = arith.constant 0 : i32
    %scan3A_423 = arith.constant 9 : i32
    %scan3A_424 = arith.addi %scan3A_422, %scan3A_423 : i32
    %scan3A_425 = arith.constant 1 : i32
    scf.for %scan3A_524 = %scan3A_422 to %scan3A_424 step %scan3A_425  : i32 {
      %mul3A_525 = arith.constant 8 : i32
      %mul3A_526 = arith.muli %mul3A_525, %scan3A_524 : i32
      %add3A_527 = arith.constant 8 : i32
      %add3A_528 = arith.addi %mul3A_526, %add3A_527 : i32
      %add3A_529 = arith.constant 0 : i32
      %add3A_530 = arith.addi %add3A_528, %add3A_529 : i32
      %dma_wait3A_531 = arith.constant 0 : i32
      %dma_wait3A_532 = arith.constant 0 : i32
      %dma_wait3A_533 = arith.constant 0 : i32
      %dma_wait3A_534 = arith.constant 0 : i32
      %dma_wait3A_535 = tpu.memref_slice %arg9[%dma_wait3A_532, %dma_wait3A_533, %dma_wait3A_534] : memref<8x128x16xf32, #tpu.memory_space<vmem>> -> memref<1x128x16xf32, #tpu.memory_space<vmem>>
      %dma_wait3A_536 = tpu.memref_squeeze %dma_wait3A_535 : memref<1x128x16xf32, #tpu.memory_space<vmem>> -> memref<128x16xf32, #tpu.memory_space<vmem>>
      %dma_wait3A_537 = arith.constant 0 : i32
      %dma_wait3A_538 = tpu.memref_slice %arg7[%dma_wait3A_531, %dma_wait3A_537] : memref<84x128xi32, #tpu.memory_space<vmem>> -> memref<1x128xi32, #tpu.memory_space<vmem>>
      %dma_wait3A_539 = tpu.memref_squeeze %dma_wait3A_538 : memref<1x128xi32, #tpu.memory_space<vmem>> -> memref<128xi32, #tpu.memory_space<vmem>>
      %dma_wait3A_540 = arith.constant 0 : i32
      %dma_wait3A_541 = arith.constant 0 : i32
      %dma_wait3A_542 = tpu.memref_slice %arg11[%dma_wait3A_540, %dma_wait3A_541] : memref<10000x16xf32, #tpu.memory_space<vmem_shared>> -> memref<10000x16xf32, #tpu.memory_space<vmem_shared>>
      tpu.wait_indirect_dma semaphore(%arg12 : memref<!tpu.dma_semaphore, #tpu.memory_space<semaphore_mem>>) src(%dma_wait3A_542 : memref<10000x16xf32, #tpu.memory_space<vmem_shared>>) dst(%dma_wait3A_536 : memref<128x16xf32, #tpu.memory_space<vmem>>)
      %dma_start3A_543 = arith.constant 0 : i32
      %dma_start3A_544 = arith.constant 0 : i32
      %dma_start3A_545 = arith.constant 0 : i32
      %dma_start3A_546 = tpu.memref_slice %arg9[%dma_start3A_543, %dma_start3A_544, %dma_start3A_545] : memref<8x128x16xf32, #tpu.memory_space<vmem>> -> memref<1x128x16xf32, #tpu.memory_space<vmem>>
      %dma_start3A_547 = tpu.memref_squeeze %dma_start3A_546 : memref<1x128x16xf32, #tpu.memory_space<vmem>> -> memref<128x16xf32, #tpu.memory_space<vmem>>
      %dma_start3A_548 = arith.constant 0 : i32
      %dma_start3A_549 = tpu.memref_slice %arg8[%add3A_530, %dma_start3A_548] : memref<84x128xi32, #tpu.memory_space<vmem>> -> memref<1x128xi32, #tpu.memory_space<vmem>>
      %dma_start3A_550 = tpu.memref_squeeze %dma_start3A_549 : memref<1x128xi32, #tpu.memory_space<vmem>> -> memref<128xi32, #tpu.memory_space<vmem>>
      %dma_start3A_551 = arith.constant 0 : i32
      %dma_start3A_552 = arith.constant 0 : i32
      %dma_start3A_553 = tpu.memref_slice %arg10[%dma_start3A_551, %dma_start3A_552] : memref<10112x16xf32, #tpu.memory_space<vmem_shared>> -> memref<10112x16xf32, #tpu.memory_space<vmem_shared>>
      tpu.enqueue_indirect_dma source(%dma_start3A_547 : memref<128x16xf32, #tpu.memory_space<vmem>>) target(%dma_start3A_553 : memref<10112x16xf32, #tpu.memory_space<vmem_shared>>) offsets(%dma_start3A_550 : memref<128xi32, #tpu.memory_space<vmem>>) semaphore(%arg20 : memref<!tpu.dma_semaphore, #tpu.memory_space<semaphore_mem>>) {add = true}
      %dma_wait3A_554 = arith.constant 4 : i32
      %dma_wait3A_555 = arith.constant 0 : i32
      %dma_wait3A_556 = arith.constant 0 : i32
      %dma_wait3A_557 = arith.constant 0 : i32
      %dma_wait3A_558 = tpu.memref_slice %arg9[%dma_wait3A_554, %dma_wait3A_556, %dma_wait3A_557] : memref<8x128x16xf32, #tpu.memory_space<vmem>> -> memref<1x128x16xf32, #tpu.memory_space<vmem>>
      %dma_wait3A_559 = tpu.memref_squeeze %dma_wait3A_558 : memref<1x128x16xf32, #tpu.memory_space<vmem>> -> memref<128x16xf32, #tpu.memory_space<vmem>>
      %dma_wait3A_560 = arith.constant 0 : i32
      %dma_wait3A_561 = tpu.memref_slice %arg8[%dma_wait3A_555, %dma_wait3A_560] : memref<84x128xi32, #tpu.memory_space<vmem>> -> memref<1x128xi32, #tpu.memory_space<vmem>>
      %dma_wait3A_562 = tpu.memref_squeeze %dma_wait3A_561 : memref<1x128xi32, #tpu.memory_space<vmem>> -> memref<128xi32, #tpu.memory_space<vmem>>
      %dma_wait3A_563 = arith.constant 0 : i32
      %dma_wait3A_564 = arith.constant 0 : i32
      %dma_wait3A_565 = tpu.memref_slice %arg10[%dma_wait3A_563, %dma_wait3A_564] : memref<10112x16xf32, #tpu.memory_space<vmem_shared>> -> memref<10112x16xf32, #tpu.memory_space<vmem_shared>>
      tpu.wait_indirect_dma semaphore(%arg24 : memref<!tpu.dma_semaphore, #tpu.memory_space<semaphore_mem>>) src(%dma_wait3A_559 : memref<128x16xf32, #tpu.memory_space<vmem>>) dst(%dma_wait3A_565 : memref<10112x16xf32, #tpu.memory_space<vmem_shared>>)
      %add3A_566 = arith.constant 4 : i32
      %add3A_567 = arith.addi %add3A_530, %add3A_566 : i32
      %dma_start3A_568 = arith.constant 4 : i32
      %dma_start3A_569 = arith.constant 0 : i32
      %dma_start3A_570 = arith.constant 0 : i32
      %dma_start3A_571 = tpu.memref_slice %arg9[%dma_start3A_568, %dma_start3A_569, %dma_start3A_570] : memref<8x128x16xf32, #tpu.memory_space<vmem>> -> memref<1x128x16xf32, #tpu.memory_space<vmem>>
      %dma_start3A_572 = tpu.memref_squeeze %dma_start3A_571 : memref<1x128x16xf32, #tpu.memory_space<vmem>> -> memref<128x16xf32, #tpu.memory_space<vmem>>
      %dma_start3A_573 = arith.constant 0 : i32
      %dma_start3A_574 = tpu.memref_slice %arg7[%add3A_567, %dma_start3A_573] : memref<84x128xi32, #tpu.memory_space<vmem>> -> memref<1x128xi32, #tpu.memory_space<vmem>>
      %dma_start3A_575 = tpu.memref_squeeze %dma_start3A_574 : memref<1x128xi32, #tpu.memory_space<vmem>> -> memref<128xi32, #tpu.memory_space<vmem>>
      %dma_start3A_576 = arith.constant 0 : i32
      %dma_start3A_577 = arith.constant 0 : i32
      %dma_start3A_578 = tpu.memref_slice %arg11[%dma_start3A_576, %dma_start3A_577] : memref<10000x16xf32, #tpu.memory_space<vmem_shared>> -> memref<10000x16xf32, #tpu.memory_space<vmem_shared>>
      tpu.enqueue_indirect_dma source(%dma_start3A_578 : memref<10000x16xf32, #tpu.memory_space<vmem_shared>>) target(%dma_start3A_572 : memref<128x16xf32, #tpu.memory_space<vmem>>) offsets(%dma_start3A_575 : memref<128xi32, #tpu.memory_space<vmem>>) semaphore(%arg16 : memref<!tpu.dma_semaphore, #tpu.memory_space<semaphore_mem>>)
      %mul3A_579 = arith.constant 8 : i32
      %mul3A_580 = arith.muli %mul3A_579, %scan3A_524 : i32
      %add3A_581 = arith.constant 8 : i32
      %add3A_582 = arith.addi %mul3A_580, %add3A_581 : i32
      %add3A_583 = arith.constant 1 : i32
      %add3A_584 = arith.addi %add3A_582, %add3A_583 : i32
      %dma_wait3A_585 = arith.constant 0 : i32
      %dma_wait3A_586 = arith.constant 1 : i32
      %dma_wait3A_587 = arith.constant 0 : i32
      %dma_wait3A_588 = arith.constant 0 : i32
      %dma_wait3A_589 = tpu.memref_slice %arg9[%dma_wait3A_586, %dma_wait3A_587, %dma_wait3A_588] : memref<8x128x16xf32, #tpu.memory_space<vmem>> -> memref<1x128x16xf32, #tpu.memory_space<vmem>>
      %dma_wait3A_590 = tpu.memref_squeeze %dma_wait3A_589 : memref<1x128x16xf32, #tpu.memory_space<vmem>> -> memref<128x16xf32, #tpu.memory_space<vmem>>
      %dma_wait3A_591 = arith.constant 0 : i32
      %dma_wait3A_592 = tpu.memref_slice %arg7[%dma_wait3A_585, %dma_wait3A_591] : memref<84x128xi32, #tpu.memory_space<vmem>> -> memref<1x128xi32, #tpu.memory_space<vmem>>
      %dma_wait3A_593 = tpu.memref_squeeze %dma_wait3A_592 : memref<1x128xi32, #tpu.memory_space<vmem>> -> memref<128xi32, #tpu.memory_space<vmem>>
      %dma_wait3A_594 = arith.constant 0 : i32
      %dma_wait3A_595 = arith.constant 0 : i32
      %dma_wait3A_596 = tpu.memref_slice %arg11[%dma_wait3A_594, %dma_wait3A_595] : memref<10000x16xf32, #tpu.memory_space<vmem_shared>> -> memref<10000x16xf32, #tpu.memory_space<vmem_shared>>
      tpu.wait_indirect_dma semaphore(%arg13 : memref<!tpu.dma_semaphore, #tpu.memory_space<semaphore_mem>>) src(%dma_wait3A_596 : memref<10000x16xf32, #tpu.memory_space<vmem_shared>>) dst(%dma_wait3A_590 : memref<128x16xf32, #tpu.memory_space<vmem>>)
      %dma_start3A_597 = arith.constant 1 : i32
      %dma_start3A_598 = arith.constant 0 : i32
      %dma_start3A_599 = arith.constant 0 : i32
      %dma_start3A_600 = tpu.memref_slice %arg9[%dma_start3A_597, %dma_start3A_598, %dma_start3A_599] : memref<8x128x16xf32, #tpu.memory_space<vmem>> -> memref<1x128x16xf32, #tpu.memory_space<vmem>>
      %dma_start3A_601 = tpu.memref_squeeze %dma_start3A_600 : memref<1x128x16xf32, #tpu.memory_space<vmem>> -> memref<128x16xf32, #tpu.memory_space<vmem>>
      %dma_start3A_602 = arith.constant 0 : i32
      %dma_start3A_603 = tpu.memref_slice %arg8[%add3A_584, %dma_start3A_602] : memref<84x128xi32, #tpu.memory_space<vmem>> -> memref<1x128xi32, #tpu.memory_space<vmem>>
      %dma_start3A_604 = tpu.memref_squeeze %dma_start3A_603 : memref<1x128xi32, #tpu.memory_space<vmem>> -> memref<128xi32, #tpu.memory_space<vmem>>
      %dma_start3A_605 = arith.constant 0 : i32
      %dma_start3A_606 = arith.constant 0 : i32
      %dma_start3A_607 = tpu.memref_slice %arg10[%dma_start3A_605, %dma_start3A_606] : memref<10112x16xf32, #tpu.memory_space<vmem_shared>> -> memref<10112x16xf32, #tpu.memory_space<vmem_shared>>
      tpu.enqueue_indirect_dma source(%dma_start3A_601 : memref<128x16xf32, #tpu.memory_space<vmem>>) target(%dma_start3A_607 : memref<10112x16xf32, #tpu.memory_space<vmem_shared>>) offsets(%dma_start3A_604 : memref<128xi32, #tpu.memory_space<vmem>>) semaphore(%arg21 : memref<!tpu.dma_semaphore, #tpu.memory_space<semaphore_mem>>) {add = true}
      %dma_wait3A_608 = arith.constant 5 : i32
      %dma_wait3A_609 = arith.constant 0 : i32
      %dma_wait3A_610 = arith.constant 0 : i32
      %dma_wait3A_611 = arith.constant 0 : i32
      %dma_wait3A_612 = tpu.memref_slice %arg9[%dma_wait3A_608, %dma_wait3A_610, %dma_wait3A_611] : memref<8x128x16xf32, #tpu.memory_space<vmem>> -> memref<1x128x16xf32, #tpu.memory_space<vmem>>
      %dma_wait3A_613 = tpu.memref_squeeze %dma_wait3A_612 : memref<1x128x16xf32, #tpu.memory_space<vmem>> -> memref<128x16xf32, #tpu.memory_space<vmem>>
      %dma_wait3A_614 = arith.constant 0 : i32
      %dma_wait3A_615 = tpu.memref_slice %arg8[%dma_wait3A_609, %dma_wait3A_614] : memref<84x128xi32, #tpu.memory_space<vmem>> -> memref<1x128xi32, #tpu.memory_space<vmem>>
      %dma_wait3A_616 = tpu.memref_squeeze %dma_wait3A_615 : memref<1x128xi32, #tpu.memory_space<vmem>> -> memref<128xi32, #tpu.memory_space<vmem>>
      %dma_wait3A_617 = arith.constant 0 : i32
      %dma_wait3A_618 = arith.constant 0 : i32
      %dma_wait3A_619 = tpu.memref_slice %arg10[%dma_wait3A_617, %dma_wait3A_618] : memref<10112x16xf32, #tpu.memory_space<vmem_shared>> -> memref<10112x16xf32, #tpu.memory_space<vmem_shared>>
      tpu.wait_indirect_dma semaphore(%arg25 : memref<!tpu.dma_semaphore, #tpu.memory_space<semaphore_mem>>) src(%dma_wait3A_613 : memref<128x16xf32, #tpu.memory_space<vmem>>) dst(%dma_wait3A_619 : memref<10112x16xf32, #tpu.memory_space<vmem_shared>>)
      %add3A_620 = arith.constant 4 : i32
      %add3A_621 = arith.addi %add3A_584, %add3A_620 : i32
      %dma_start3A_622 = arith.constant 5 : i32
      %dma_start3A_623 = arith.constant 0 : i32
      %dma_start3A_624 = arith.constant 0 : i32
      %dma_start3A_625 = tpu.memref_slice %arg9[%dma_start3A_622, %dma_start3A_623, %dma_start3A_624] : memref<8x128x16xf32, #tpu.memory_space<vmem>> -> memref<1x128x16xf32, #tpu.memory_space<vmem>>
      %dma_start3A_626 = tpu.memref_squeeze %dma_start3A_625 : memref<1x128x16xf32, #tpu.memory_space<vmem>> -> memref<128x16xf32, #tpu.memory_space<vmem>>
      %dma_start3A_627 = arith.constant 0 : i32
      %dma_start3A_628 = tpu.memref_slice %arg7[%add3A_621, %dma_start3A_627] : memref<84x128xi32, #tpu.memory_space<vmem>> -> memref<1x128xi32, #tpu.memory_space<vmem>>
      %dma_start3A_629 = tpu.memref_squeeze %dma_start3A_628 : memref<1x128xi32, #tpu.memory_space<vmem>> -> memref<128xi32, #tpu.memory_space<vmem>>
      %dma_start3A_630 = arith.constant 0 : i32
      %dma_start3A_631 = arith.constant 0 : i32
      %dma_start3A_632 = tpu.memref_slice %arg11[%dma_start3A_630, %dma_start3A_631] : memref<10000x16xf32, #tpu.memory_space<vmem_shared>> -> memref<10000x16xf32, #tpu.memory_space<vmem_shared>>
      tpu.enqueue_indirect_dma source(%dma_start3A_632 : memref<10000x16xf32, #tpu.memory_space<vmem_shared>>) target(%dma_start3A_626 : memref<128x16xf32, #tpu.memory_space<vmem>>) offsets(%dma_start3A_629 : memref<128xi32, #tpu.memory_space<vmem>>) semaphore(%arg17 : memref<!tpu.dma_semaphore, #tpu.memory_space<semaphore_mem>>)
      %mul3A_633 = arith.constant 8 : i32
      %mul3A_634 = arith.muli %mul3A_633, %scan3A_524 : i32
      %add3A_635 = arith.constant 8 : i32
      %add3A_636 = arith.addi %mul3A_634, %add3A_635 : i32
      %add3A_637 = arith.constant 2 : i32
      %add3A_638 = arith.addi %add3A_636, %add3A_637 : i32
      %dma_wait3A_639 = arith.constant 0 : i32
      %dma_wait3A_640 = arith.constant 2 : i32
      %dma_wait3A_641 = arith.constant 0 : i32
      %dma_wait3A_642 = arith.constant 0 : i32
      %dma_wait3A_643 = tpu.memref_slice %arg9[%dma_wait3A_640, %dma_wait3A_641, %dma_wait3A_642] : memref<8x128x16xf32, #tpu.memory_space<vmem>> -> memref<1x128x16xf32, #tpu.memory_space<vmem>>
      %dma_wait3A_644 = tpu.memref_squeeze %dma_wait3A_643 : memref<1x128x16xf32, #tpu.memory_space<vmem>> -> memref<128x16xf32, #tpu.memory_space<vmem>>
      %dma_wait3A_645 = arith.constant 0 : i32
      %dma_wait3A_646 = tpu.memref_slice %arg7[%dma_wait3A_639, %dma_wait3A_645] : memref<84x128xi32, #tpu.memory_space<vmem>> -> memref<1x128xi32, #tpu.memory_space<vmem>>
      %dma_wait3A_647 = tpu.memref_squeeze %dma_wait3A_646 : memref<1x128xi32, #tpu.memory_space<vmem>> -> memref<128xi32, #tpu.memory_space<vmem>>
      %dma_wait3A_648 = arith.constant 0 : i32
      %dma_wait3A_649 = arith.constant 0 : i32
      %dma_wait3A_650 = tpu.memref_slice %arg11[%dma_wait3A_648, %dma_wait3A_649] : memref<10000x16xf32, #tpu.memory_space<vmem_shared>> -> memref<10000x16xf32, #tpu.memory_space<vmem_shared>>
      tpu.wait_indirect_dma semaphore(%arg14 : memref<!tpu.dma_semaphore, #tpu.memory_space<semaphore_mem>>) src(%dma_wait3A_650 : memref<10000x16xf32, #tpu.memory_space<vmem_shared>>) dst(%dma_wait3A_644 : memref<128x16xf32, #tpu.memory_space<vmem>>)
      %dma_start3A_651 = arith.constant 2 : i32
      %dma_start3A_652 = arith.constant 0 : i32
      %dma_start3A_653 = arith.constant 0 : i32
      %dma_start3A_654 = tpu.memref_slice %arg9[%dma_start3A_651, %dma_start3A_652, %dma_start3A_653] : memref<8x128x16xf32, #tpu.memory_space<vmem>> -> memref<1x128x16xf32, #tpu.memory_space<vmem>>
      %dma_start3A_655 = tpu.memref_squeeze %dma_start3A_654 : memref<1x128x16xf32, #tpu.memory_space<vmem>> -> memref<128x16xf32, #tpu.memory_space<vmem>>
      %dma_start3A_656 = arith.constant 0 : i32
      %dma_start3A_657 = tpu.memref_slice %arg8[%add3A_638, %dma_start3A_656] : memref<84x128xi32, #tpu.memory_space<vmem>> -> memref<1x128xi32, #tpu.memory_space<vmem>>
      %dma_start3A_658 = tpu.memref_squeeze %dma_start3A_657 : memref<1x128xi32, #tpu.memory_space<vmem>> -> memref<128xi32, #tpu.memory_space<vmem>>
      %dma_start3A_659 = arith.constant 0 : i32
      %dma_start3A_660 = arith.constant 0 : i32
      %dma_start3A_661 = tpu.memref_slice %arg10[%dma_start3A_659, %dma_start3A_660] : memref<10112x16xf32, #tpu.memory_space<vmem_shared>> -> memref<10112x16xf32, #tpu.memory_space<vmem_shared>>
      tpu.enqueue_indirect_dma source(%dma_start3A_655 : memref<128x16xf32, #tpu.memory_space<vmem>>) target(%dma_start3A_661 : memref<10112x16xf32, #tpu.memory_space<vmem_shared>>) offsets(%dma_start3A_658 : memref<128xi32, #tpu.memory_space<vmem>>) semaphore(%arg22 : memref<!tpu.dma_semaphore, #tpu.memory_space<semaphore_mem>>) {add = true}
      %dma_wait3A_662 = arith.constant 6 : i32
      %dma_wait3A_663 = arith.constant 0 : i32
      %dma_wait3A_664 = arith.constant 0 : i32
      %dma_wait3A_665 = arith.constant 0 : i32
      %dma_wait3A_666 = tpu.memref_slice %arg9[%dma_wait3A_662, %dma_wait3A_664, %dma_wait3A_665] : memref<8x128x16xf32, #tpu.memory_space<vmem>> -> memref<1x128x16xf32, #tpu.memory_space<vmem>>
      %dma_wait3A_667 = tpu.memref_squeeze %dma_wait3A_666 : memref<1x128x16xf32, #tpu.memory_space<vmem>> -> memref<128x16xf32, #tpu.memory_space<vmem>>
      %dma_wait3A_668 = arith.constant 0 : i32
      %dma_wait3A_669 = tpu.memref_slice %arg8[%dma_wait3A_663, %dma_wait3A_668] : memref<84x128xi32, #tpu.memory_space<vmem>> -> memref<1x128xi32, #tpu.memory_space<vmem>>
      %dma_wait3A_670 = tpu.memref_squeeze %dma_wait3A_669 : memref<1x128xi32, #tpu.memory_space<vmem>> -> memref<128xi32, #tpu.memory_space<vmem>>
      %dma_wait3A_671 = arith.constant 0 : i32
      %dma_wait3A_672 = arith.constant 0 : i32
      %dma_wait3A_673 = tpu.memref_slice %arg10[%dma_wait3A_671, %dma_wait3A_672] : memref<10112x16xf32, #tpu.memory_space<vmem_shared>> -> memref<10112x16xf32, #tpu.memory_space<vmem_shared>>
      tpu.wait_indirect_dma semaphore(%arg26 : memref<!tpu.dma_semaphore, #tpu.memory_space<semaphore_mem>>) src(%dma_wait3A_667 : memref<128x16xf32, #tpu.memory_space<vmem>>) dst(%dma_wait3A_673 : memref<10112x16xf32, #tpu.memory_space<vmem_shared>>)
      %add3A_674 = arith.constant 4 : i32
      %add3A_675 = arith.addi %add3A_638, %add3A_674 : i32
      %dma_start3A_676 = arith.constant 6 : i32
      %dma_start3A_677 = arith.constant 0 : i32
      %dma_start3A_678 = arith.constant 0 : i32
      %dma_start3A_679 = tpu.memref_slice %arg9[%dma_start3A_676, %dma_start3A_677, %dma_start3A_678] : memref<8x128x16xf32, #tpu.memory_space<vmem>> -> memref<1x128x16xf32, #tpu.memory_space<vmem>>
      %dma_start3A_680 = tpu.memref_squeeze %dma_start3A_679 : memref<1x128x16xf32, #tpu.memory_space<vmem>> -> memref<128x16xf32, #tpu.memory_space<vmem>>
      %dma_start3A_681 = arith.constant 0 : i32
      %dma_start3A_682 = tpu.memref_slice %arg7[%add3A_675, %dma_start3A_681] : memref<84x128xi32, #tpu.memory_space<vmem>> -> memref<1x128xi32, #tpu.memory_space<vmem>>
      %dma_start3A_683 = tpu.memref_squeeze %dma_start3A_682 : memref<1x128xi32, #tpu.memory_space<vmem>> -> memref<128xi32, #tpu.memory_space<vmem>>
      %dma_start3A_684 = arith.constant 0 : i32
      %dma_start3A_685 = arith.constant 0 : i32
      %dma_start3A_686 = tpu.memref_slice %arg11[%dma_start3A_684, %dma_start3A_685] : memref<10000x16xf32, #tpu.memory_space<vmem_shared>> -> memref<10000x16xf32, #tpu.memory_space<vmem_shared>>
      tpu.enqueue_indirect_dma source(%dma_start3A_686 : memref<10000x16xf32, #tpu.memory_space<vmem_shared>>) target(%dma_start3A_680 : memref<128x16xf32, #tpu.memory_space<vmem>>) offsets(%dma_start3A_683 : memref<128xi32, #tpu.memory_space<vmem>>) semaphore(%arg18 : memref<!tpu.dma_semaphore, #tpu.memory_space<semaphore_mem>>)
      %mul3A_687 = arith.constant 8 : i32
      %mul3A_688 = arith.muli %mul3A_687, %scan3A_524 : i32
      %add3A_689 = arith.constant 8 : i32
      %add3A_690 = arith.addi %mul3A_688, %add3A_689 : i32
      %add3A_691 = arith.constant 3 : i32
      %add3A_692 = arith.addi %add3A_690, %add3A_691 : i32
      %dma_wait3A_693 = arith.constant 0 : i32
      %dma_wait3A_694 = arith.constant 3 : i32
      %dma_wait3A_695 = arith.constant 0 : i32
      %dma_wait3A_696 = arith.constant 0 : i32
      %dma_wait3A_697 = tpu.memref_slice %arg9[%dma_wait3A_694, %dma_wait3A_695, %dma_wait3A_696] : memref<8x128x16xf32, #tpu.memory_space<vmem>> -> memref<1x128x16xf32, #tpu.memory_space<vmem>>
      %dma_wait3A_698 = tpu.memref_squeeze %dma_wait3A_697 : memref<1x128x16xf32, #tpu.memory_space<vmem>> -> memref<128x16xf32, #tpu.memory_space<vmem>>
      %dma_wait3A_699 = arith.constant 0 : i32
      %dma_wait3A_700 = tpu.memref_slice %arg7[%dma_wait3A_693, %dma_wait3A_699] : memref<84x128xi32, #tpu.memory_space<vmem>> -> memref<1x128xi32, #tpu.memory_space<vmem>>
      %dma_wait3A_701 = tpu.memref_squeeze %dma_wait3A_700 : memref<1x128xi32, #tpu.memory_space<vmem>> -> memref<128xi32, #tpu.memory_space<vmem>>
      %dma_wait3A_702 = arith.constant 0 : i32
      %dma_wait3A_703 = arith.constant 0 : i32
      %dma_wait3A_704 = tpu.memref_slice %arg11[%dma_wait3A_702, %dma_wait3A_703] : memref<10000x16xf32, #tpu.memory_space<vmem_shared>> -> memref<10000x16xf32, #tpu.memory_space<vmem_shared>>
      tpu.wait_indirect_dma semaphore(%arg15 : memref<!tpu.dma_semaphore, #tpu.memory_space<semaphore_mem>>) src(%dma_wait3A_704 : memref<10000x16xf32, #tpu.memory_space<vmem_shared>>) dst(%dma_wait3A_698 : memref<128x16xf32, #tpu.memory_space<vmem>>)
      %dma_start3A_705 = arith.constant 3 : i32
      %dma_start3A_706 = arith.constant 0 : i32
      %dma_start3A_707 = arith.constant 0 : i32
      %dma_start3A_708 = tpu.memref_slice %arg9[%dma_start3A_705, %dma_start3A_706, %dma_start3A_707] : memref<8x128x16xf32, #tpu.memory_space<vmem>> -> memref<1x128x16xf32, #tpu.memory_space<vmem>>
      %dma_start3A_709 = tpu.memref_squeeze %dma_start3A_708 : memref<1x128x16xf32, #tpu.memory_space<vmem>> -> memref<128x16xf32, #tpu.memory_space<vmem>>
      %dma_start3A_710 = arith.constant 0 : i32
      %dma_start3A_711 = tpu.memref_slice %arg8[%add3A_692, %dma_start3A_710] : memref<84x128xi32, #tpu.memory_space<vmem>> -> memref<1x128xi32, #tpu.memory_space<vmem>>
      %dma_start3A_712 = tpu.memref_squeeze %dma_start3A_711 : memref<1x128xi32, #tpu.memory_space<vmem>> -> memref<128xi32, #tpu.memory_space<vmem>>
      %dma_start3A_713 = arith.constant 0 : i32
      %dma_start3A_714 = arith.constant 0 : i32
      %dma_start3A_715 = tpu.memref_slice %arg10[%dma_start3A_713, %dma_start3A_714] : memref<10112x16xf32, #tpu.memory_space<vmem_shared>> -> memref<10112x16xf32, #tpu.memory_space<vmem_shared>>
      tpu.enqueue_indirect_dma source(%dma_start3A_709 : memref<128x16xf32, #tpu.memory_space<vmem>>) target(%dma_start3A_715 : memref<10112x16xf32, #tpu.memory_space<vmem_shared>>) offsets(%dma_start3A_712 : memref<128xi32, #tpu.memory_space<vmem>>) semaphore(%arg23 : memref<!tpu.dma_semaphore, #tpu.memory_space<semaphore_mem>>) {add = true}
      %dma_wait3A_716 = arith.constant 7 : i32
      %dma_wait3A_717 = arith.constant 0 : i32
      %dma_wait3A_718 = arith.constant 0 : i32
      %dma_wait3A_719 = arith.constant 0 : i32
      %dma_wait3A_720 = tpu.memref_slice %arg9[%dma_wait3A_716, %dma_wait3A_718, %dma_wait3A_719] : memref<8x128x16xf32, #tpu.memory_space<vmem>> -> memref<1x128x16xf32, #tpu.memory_space<vmem>>
      %dma_wait3A_721 = tpu.memref_squeeze %dma_wait3A_720 : memref<1x128x16xf32, #tpu.memory_space<vmem>> -> memref<128x16xf32, #tpu.memory_space<vmem>>
      %dma_wait3A_722 = arith.constant 0 : i32
      %dma_wait3A_723 = tpu.memref_slice %arg8[%dma_wait3A_717, %dma_wait3A_722] : memref<84x128xi32, #tpu.memory_space<vmem>> -> memref<1x128xi32, #tpu.memory_space<vmem>>
      %dma_wait3A_724 = tpu.memref_squeeze %dma_wait3A_723 : memref<1x128xi32, #tpu.memory_space<vmem>> -> memref<128xi32, #tpu.memory_space<vmem>>
      %dma_wait3A_725 = arith.constant 0 : i32
      %dma_wait3A_726 = arith.constant 0 : i32
      %dma_wait3A_727 = tpu.memref_slice %arg10[%dma_wait3A_725, %dma_wait3A_726] : memref<10112x16xf32, #tpu.memory_space<vmem_shared>> -> memref<10112x16xf32, #tpu.memory_space<vmem_shared>>
      tpu.wait_indirect_dma semaphore(%arg27 : memref<!tpu.dma_semaphore, #tpu.memory_space<semaphore_mem>>) src(%dma_wait3A_721 : memref<128x16xf32, #tpu.memory_space<vmem>>) dst(%dma_wait3A_727 : memref<10112x16xf32, #tpu.memory_space<vmem_shared>>)
      %add3A_728 = arith.constant 4 : i32
      %add3A_729 = arith.addi %add3A_692, %add3A_728 : i32
      %dma_start3A_730 = arith.constant 7 : i32
      %dma_start3A_731 = arith.constant 0 : i32
      %dma_start3A_732 = arith.constant 0 : i32
      %dma_start3A_733 = tpu.memref_slice %arg9[%dma_start3A_730, %dma_start3A_731, %dma_start3A_732] : memref<8x128x16xf32, #tpu.memory_space<vmem>> -> memref<1x128x16xf32, #tpu.memory_space<vmem>>
      %dma_start3A_734 = tpu.memref_squeeze %dma_start3A_733 : memref<1x128x16xf32, #tpu.memory_space<vmem>> -> memref<128x16xf32, #tpu.memory_space<vmem>>
      %dma_start3A_735 = arith.constant 0 : i32
      %dma_start3A_736 = tpu.memref_slice %arg7[%add3A_729, %dma_start3A_735] : memref<84x128xi32, #tpu.memory_space<vmem>> -> memref<1x128xi32, #tpu.memory_space<vmem>>
      %dma_start3A_737 = tpu.memref_squeeze %dma_start3A_736 : memref<1x128xi32, #tpu.memory_space<vmem>> -> memref<128xi32, #tpu.memory_space<vmem>>
      %dma_start3A_738 = arith.constant 0 : i32
      %dma_start3A_739 = arith.constant 0 : i32
      %dma_start3A_740 = tpu.memref_slice %arg11[%dma_start3A_738, %dma_start3A_739] : memref<10000x16xf32, #tpu.memory_space<vmem_shared>> -> memref<10000x16xf32, #tpu.memory_space<vmem_shared>>
      tpu.enqueue_indirect_dma source(%dma_start3A_740 : memref<10000x16xf32, #tpu.memory_space<vmem_shared>>) target(%dma_start3A_734 : memref<128x16xf32, #tpu.memory_space<vmem>>) offsets(%dma_start3A_737 : memref<128xi32, #tpu.memory_space<vmem>>) semaphore(%arg19 : memref<!tpu.dma_semaphore, #tpu.memory_space<semaphore_mem>>)
      %mul3A_741 = arith.constant 8 : i32
      %mul3A_742 = arith.muli %mul3A_741, %scan3A_524 : i32
      %add3A_743 = arith.constant 8 : i32
      %add3A_744 = arith.addi %mul3A_742, %add3A_743 : i32
      %add3A_745 = arith.constant 4 : i32
      %add3A_746 = arith.addi %add3A_744, %add3A_745 : i32
      %dma_wait3A_747 = arith.constant 0 : i32
      %dma_wait3A_748 = arith.constant 4 : i32
      %dma_wait3A_749 = arith.constant 0 : i32
      %dma_wait3A_750 = arith.constant 0 : i32
      %dma_wait3A_751 = tpu.memref_slice %arg9[%dma_wait3A_748, %dma_wait3A_749, %dma_wait3A_750] : memref<8x128x16xf32, #tpu.memory_space<vmem>> -> memref<1x128x16xf32, #tpu.memory_space<vmem>>
      %dma_wait3A_752 = tpu.memref_squeeze %dma_wait3A_751 : memref<1x128x16xf32, #tpu.memory_space<vmem>> -> memref<128x16xf32, #tpu.memory_space<vmem>>
      %dma_wait3A_753 = arith.constant 0 : i32
      %dma_wait3A_754 = tpu.memref_slice %arg7[%dma_wait3A_747, %dma_wait3A_753] : memref<84x128xi32, #tpu.memory_space<vmem>> -> memref<1x128xi32, #tpu.memory_space<vmem>>
      %dma_wait3A_755 = tpu.memref_squeeze %dma_wait3A_754 : memref<1x128xi32, #tpu.memory_space<vmem>> -> memref<128xi32, #tpu.memory_space<vmem>>
      %dma_wait3A_756 = arith.constant 0 : i32
      %dma_wait3A_757 = arith.constant 0 : i32
      %dma_wait3A_758 = tpu.memref_slice %arg11[%dma_wait3A_756, %dma_wait3A_757] : memref<10000x16xf32, #tpu.memory_space<vmem_shared>> -> memref<10000x16xf32, #tpu.memory_space<vmem_shared>>
      tpu.wait_indirect_dma semaphore(%arg16 : memref<!tpu.dma_semaphore, #tpu.memory_space<semaphore_mem>>) src(%dma_wait3A_758 : memref<10000x16xf32, #tpu.memory_space<vmem_shared>>) dst(%dma_wait3A_752 : memref<128x16xf32, #tpu.memory_space<vmem>>)
      %dma_start3A_759 = arith.constant 4 : i32
      %dma_start3A_760 = arith.constant 0 : i32
      %dma_start3A_761 = arith.constant 0 : i32
      %dma_start3A_762 = tpu.memref_slice %arg9[%dma_start3A_759, %dma_start3A_760, %dma_start3A_761] : memref<8x128x16xf32, #tpu.memory_space<vmem>> -> memref<1x128x16xf32, #tpu.memory_space<vmem>>
      %dma_start3A_763 = tpu.memref_squeeze %dma_start3A_762 : memref<1x128x16xf32, #tpu.memory_space<vmem>> -> memref<128x16xf32, #tpu.memory_space<vmem>>
      %dma_start3A_764 = arith.constant 0 : i32
      %dma_start3A_765 = tpu.memref_slice %arg8[%add3A_746, %dma_start3A_764] : memref<84x128xi32, #tpu.memory_space<vmem>> -> memref<1x128xi32, #tpu.memory_space<vmem>>
      %dma_start3A_766 = tpu.memref_squeeze %dma_start3A_765 : memref<1x128xi32, #tpu.memory_space<vmem>> -> memref<128xi32, #tpu.memory_space<vmem>>
      %dma_start3A_767 = arith.constant 0 : i32
      %dma_start3A_768 = arith.constant 0 : i32
      %dma_start3A_769 = tpu.memref_slice %arg10[%dma_start3A_767, %dma_start3A_768] : memref<10112x16xf32, #tpu.memory_space<vmem_shared>> -> memref<10112x16xf32, #tpu.memory_space<vmem_shared>>
      tpu.enqueue_indirect_dma source(%dma_start3A_763 : memref<128x16xf32, #tpu.memory_space<vmem>>) target(%dma_start3A_769 : memref<10112x16xf32, #tpu.memory_space<vmem_shared>>) offsets(%dma_start3A_766 : memref<128xi32, #tpu.memory_space<vmem>>) semaphore(%arg24 : memref<!tpu.dma_semaphore, #tpu.memory_space<semaphore_mem>>) {add = true}
      %dma_wait3A_770 = arith.constant 0 : i32
      %dma_wait3A_771 = arith.constant 0 : i32
      %dma_wait3A_772 = arith.constant 0 : i32
      %dma_wait3A_773 = arith.constant 0 : i32
      %dma_wait3A_774 = tpu.memref_slice %arg9[%dma_wait3A_770, %dma_wait3A_772, %dma_wait3A_773] : memref<8x128x16xf32, #tpu.memory_space<vmem>> -> memref<1x128x16xf32, #tpu.memory_space<vmem>>
      %dma_wait3A_775 = tpu.memref_squeeze %dma_wait3A_774 : memref<1x128x16xf32, #tpu.memory_space<vmem>> -> memref<128x16xf32, #tpu.memory_space<vmem>>
      %dma_wait3A_776 = arith.constant 0 : i32
      %dma_wait3A_777 = tpu.memref_slice %arg8[%dma_wait3A_771, %dma_wait3A_776] : memref<84x128xi32, #tpu.memory_space<vmem>> -> memref<1x128xi32, #tpu.memory_space<vmem>>
      %dma_wait3A_778 = tpu.memref_squeeze %dma_wait3A_777 : memref<1x128xi32, #tpu.memory_space<vmem>> -> memref<128xi32, #tpu.memory_space<vmem>>
      %dma_wait3A_779 = arith.constant 0 : i32
      %dma_wait3A_780 = arith.constant 0 : i32
      %dma_wait3A_781 = tpu.memref_slice %arg10[%dma_wait3A_779, %dma_wait3A_780] : memref<10112x16xf32, #tpu.memory_space<vmem_shared>> -> memref<10112x16xf32, #tpu.memory_space<vmem_shared>>
      tpu.wait_indirect_dma semaphore(%arg20 : memref<!tpu.dma_semaphore, #tpu.memory_space<semaphore_mem>>) src(%dma_wait3A_775 : memref<128x16xf32, #tpu.memory_space<vmem>>) dst(%dma_wait3A_781 : memref<10112x16xf32, #tpu.memory_space<vmem_shared>>)
      %add3A_782 = arith.constant 4 : i32
      %add3A_783 = arith.addi %add3A_746, %add3A_782 : i32
      %dma_start3A_784 = arith.constant 0 : i32
      %dma_start3A_785 = arith.constant 0 : i32
      %dma_start3A_786 = arith.constant 0 : i32
      %dma_start3A_787 = tpu.memref_slice %arg9[%dma_start3A_784, %dma_start3A_785, %dma_start3A_786] : memref<8x128x16xf32, #tpu.memory_space<vmem>> -> memref<1x128x16xf32, #tpu.memory_space<vmem>>
      %dma_start3A_788 = tpu.memref_squeeze %dma_start3A_787 : memref<1x128x16xf32, #tpu.memory_space<vmem>> -> memref<128x16xf32, #tpu.memory_space<vmem>>
      %dma_start3A_789 = arith.constant 0 : i32
      %dma_start3A_790 = tpu.memref_slice %arg7[%add3A_783, %dma_start3A_789] : memref<84x128xi32, #tpu.memory_space<vmem>> -> memref<1x128xi32, #tpu.memory_space<vmem>>
      %dma_start3A_791 = tpu.memref_squeeze %dma_start3A_790 : memref<1x128xi32, #tpu.memory_space<vmem>> -> memref<128xi32, #tpu.memory_space<vmem>>
      %dma_start3A_792 = arith.constant 0 : i32
      %dma_start3A_793 = arith.constant 0 : i32
      %dma_start3A_794 = tpu.memref_slice %arg11[%dma_start3A_792, %dma_start3A_793] : memref<10000x16xf32, #tpu.memory_space<vmem_shared>> -> memref<10000x16xf32, #tpu.memory_space<vmem_shared>>
      tpu.enqueue_indirect_dma source(%dma_start3A_794 : memref<10000x16xf32, #tpu.memory_space<vmem_shared>>) target(%dma_start3A_788 : memref<128x16xf32, #tpu.memory_space<vmem>>) offsets(%dma_start3A_791 : memref<128xi32, #tpu.memory_space<vmem>>) semaphore(%arg12 : memref<!tpu.dma_semaphore, #tpu.memory_space<semaphore_mem>>)
      %mul3A_795 = arith.constant 8 : i32
      %mul3A_796 = arith.muli %mul3A_795, %scan3A_524 : i32
      %add3A_797 = arith.constant 8 : i32
      %add3A_798 = arith.addi %mul3A_796, %add3A_797 : i32
      %add3A_799 = arith.constant 5 : i32
      %add3A_800 = arith.addi %add3A_798, %add3A_799 : i32
      %dma_wait3A_801 = arith.constant 0 : i32
      %dma_wait3A_802 = arith.constant 5 : i32
      %dma_wait3A_803 = arith.constant 0 : i32
      %dma_wait3A_804 = arith.constant 0 : i32
      %dma_wait3A_805 = tpu.memref_slice %arg9[%dma_wait3A_802, %dma_wait3A_803, %dma_wait3A_804] : memref<8x128x16xf32, #tpu.memory_space<vmem>> -> memref<1x128x16xf32, #tpu.memory_space<vmem>>
      %dma_wait3A_806 = tpu.memref_squeeze %dma_wait3A_805 : memref<1x128x16xf32, #tpu.memory_space<vmem>> -> memref<128x16xf32, #tpu.memory_space<vmem>>
      %dma_wait3A_807 = arith.constant 0 : i32
      %dma_wait3A_808 = tpu.memref_slice %arg7[%dma_wait3A_801, %dma_wait3A_807] : memref<84x128xi32, #tpu.memory_space<vmem>> -> memref<1x128xi32, #tpu.memory_space<vmem>>
      %dma_wait3A_809 = tpu.memref_squeeze %dma_wait3A_808 : memref<1x128xi32, #tpu.memory_space<vmem>> -> memref<128xi32, #tpu.memory_space<vmem>>
      %dma_wait3A_810 = arith.constant 0 : i32
      %dma_wait3A_811 = arith.constant 0 : i32
      %dma_wait3A_812 = tpu.memref_slice %arg11[%dma_wait3A_810, %dma_wait3A_811] : memref<10000x16xf32, #tpu.memory_space<vmem_shared>> -> memref<10000x16xf32, #tpu.memory_space<vmem_shared>>
      tpu.wait_indirect_dma semaphore(%arg17 : memref<!tpu.dma_semaphore, #tpu.memory_space<semaphore_mem>>) src(%dma_wait3A_812 : memref<10000x16xf32, #tpu.memory_space<vmem_shared>>) dst(%dma_wait3A_806 : memref<128x16xf32, #tpu.memory_space<vmem>>)
      %dma_start3A_813 = arith.constant 5 : i32
      %dma_start3A_814 = arith.constant 0 : i32
      %dma_start3A_815 = arith.constant 0 : i32
      %dma_start3A_816 = tpu.memref_slice %arg9[%dma_start3A_813, %dma_start3A_814, %dma_start3A_815] : memref<8x128x16xf32, #tpu.memory_space<vmem>> -> memref<1x128x16xf32, #tpu.memory_space<vmem>>
      %dma_start3A_817 = tpu.memref_squeeze %dma_start3A_816 : memref<1x128x16xf32, #tpu.memory_space<vmem>> -> memref<128x16xf32, #tpu.memory_space<vmem>>
      %dma_start3A_818 = arith.constant 0 : i32
      %dma_start3A_819 = tpu.memref_slice %arg8[%add3A_800, %dma_start3A_818] : memref<84x128xi32, #tpu.memory_space<vmem>> -> memref<1x128xi32, #tpu.memory_space<vmem>>
      %dma_start3A_820 = tpu.memref_squeeze %dma_start3A_819 : memref<1x128xi32, #tpu.memory_space<vmem>> -> memref<128xi32, #tpu.memory_space<vmem>>
      %dma_start3A_821 = arith.constant 0 : i32
      %dma_start3A_822 = arith.constant 0 : i32
      %dma_start3A_823 = tpu.memref_slice %arg10[%dma_start3A_821, %dma_start3A_822] : memref<10112x16xf32, #tpu.memory_space<vmem_shared>> -> memref<10112x16xf32, #tpu.memory_space<vmem_shared>>
      tpu.enqueue_indirect_dma source(%dma_start3A_817 : memref<128x16xf32, #tpu.memory_space<vmem>>) target(%dma_start3A_823 : memref<10112x16xf32, #tpu.memory_space<vmem_shared>>) offsets(%dma_start3A_820 : memref<128xi32, #tpu.memory_space<vmem>>) semaphore(%arg25 : memref<!tpu.dma_semaphore, #tpu.memory_space<semaphore_mem>>) {add = true}
      %dma_wait3A_824 = arith.constant 1 : i32
      %dma_wait3A_825 = arith.constant 0 : i32
      %dma_wait3A_826 = arith.constant 0 : i32
      %dma_wait3A_827 = arith.constant 0 : i32
      %dma_wait3A_828 = tpu.memref_slice %arg9[%dma_wait3A_824, %dma_wait3A_826, %dma_wait3A_827] : memref<8x128x16xf32, #tpu.memory_space<vmem>> -> memref<1x128x16xf32, #tpu.memory_space<vmem>>
      %dma_wait3A_829 = tpu.memref_squeeze %dma_wait3A_828 : memref<1x128x16xf32, #tpu.memory_space<vmem>> -> memref<128x16xf32, #tpu.memory_space<vmem>>
      %dma_wait3A_830 = arith.constant 0 : i32
      %dma_wait3A_831 = tpu.memref_slice %arg8[%dma_wait3A_825, %dma_wait3A_830] : memref<84x128xi32, #tpu.memory_space<vmem>> -> memref<1x128xi32, #tpu.memory_space<vmem>>
      %dma_wait3A_832 = tpu.memref_squeeze %dma_wait3A_831 : memref<1x128xi32, #tpu.memory_space<vmem>> -> memref<128xi32, #tpu.memory_space<vmem>>
      %dma_wait3A_833 = arith.constant 0 : i32
      %dma_wait3A_834 = arith.constant 0 : i32
      %dma_wait3A_835 = tpu.memref_slice %arg10[%dma_wait3A_833, %dma_wait3A_834] : memref<10112x16xf32, #tpu.memory_space<vmem_shared>> -> memref<10112x16xf32, #tpu.memory_space<vmem_shared>>
      tpu.wait_indirect_dma semaphore(%arg21 : memref<!tpu.dma_semaphore, #tpu.memory_space<semaphore_mem>>) src(%dma_wait3A_829 : memref<128x16xf32, #tpu.memory_space<vmem>>) dst(%dma_wait3A_835 : memref<10112x16xf32, #tpu.memory_space<vmem_shared>>)
      %add3A_836 = arith.constant 4 : i32
      %add3A_837 = arith.addi %add3A_800, %add3A_836 : i32
      %dma_start3A_838 = arith.constant 1 : i32
      %dma_start3A_839 = arith.constant 0 : i32
      %dma_start3A_840 = arith.constant 0 : i32
      %dma_start3A_841 = tpu.memref_slice %arg9[%dma_start3A_838, %dma_start3A_839, %dma_start3A_840] : memref<8x128x16xf32, #tpu.memory_space<vmem>> -> memref<1x128x16xf32, #tpu.memory_space<vmem>>
      %dma_start3A_842 = tpu.memref_squeeze %dma_start3A_841 : memref<1x128x16xf32, #tpu.memory_space<vmem>> -> memref<128x16xf32, #tpu.memory_space<vmem>>
      %dma_start3A_843 = arith.constant 0 : i32
      %dma_start3A_844 = tpu.memref_slice %arg7[%add3A_837, %dma_start3A_843] : memref<84x128xi32, #tpu.memory_space<vmem>> -> memref<1x128xi32, #tpu.memory_space<vmem>>
      %dma_start3A_845 = tpu.memref_squeeze %dma_start3A_844 : memref<1x128xi32, #tpu.memory_space<vmem>> -> memref<128xi32, #tpu.memory_space<vmem>>
      %dma_start3A_846 = arith.constant 0 : i32
      %dma_start3A_847 = arith.constant 0 : i32
      %dma_start3A_848 = tpu.memref_slice %arg11[%dma_start3A_846, %dma_start3A_847] : memref<10000x16xf32, #tpu.memory_space<vmem_shared>> -> memref<10000x16xf32, #tpu.memory_space<vmem_shared>>
      tpu.enqueue_indirect_dma source(%dma_start3A_848 : memref<10000x16xf32, #tpu.memory_space<vmem_shared>>) target(%dma_start3A_842 : memref<128x16xf32, #tpu.memory_space<vmem>>) offsets(%dma_start3A_845 : memref<128xi32, #tpu.memory_space<vmem>>) semaphore(%arg13 : memref<!tpu.dma_semaphore, #tpu.memory_space<semaphore_mem>>)
      %mul3A_849 = arith.constant 8 : i32
      %mul3A_850 = arith.muli %mul3A_849, %scan3A_524 : i32
      %add3A_851 = arith.constant 8 : i32
      %add3A_852 = arith.addi %mul3A_850, %add3A_851 : i32
      %add3A_853 = arith.constant 6 : i32
      %add3A_854 = arith.addi %add3A_852, %add3A_853 : i32
      %dma_wait3A_855 = arith.constant 0 : i32
      %dma_wait3A_856 = arith.constant 6 : i32
      %dma_wait3A_857 = arith.constant 0 : i32
      %dma_wait3A_858 = arith.constant 0 : i32
      %dma_wait3A_859 = tpu.memref_slice %arg9[%dma_wait3A_856, %dma_wait3A_857, %dma_wait3A_858] : memref<8x128x16xf32, #tpu.memory_space<vmem>> -> memref<1x128x16xf32, #tpu.memory_space<vmem>>
      %dma_wait3A_860 = tpu.memref_squeeze %dma_wait3A_859 : memref<1x128x16xf32, #tpu.memory_space<vmem>> -> memref<128x16xf32, #tpu.memory_space<vmem>>
      %dma_wait3A_861 = arith.constant 0 : i32
      %dma_wait3A_862 = tpu.memref_slice %arg7[%dma_wait3A_855, %dma_wait3A_861] : memref<84x128xi32, #tpu.memory_space<vmem>> -> memref<1x128xi32, #tpu.memory_space<vmem>>
      %dma_wait3A_863 = tpu.memref_squeeze %dma_wait3A_862 : memref<1x128xi32, #tpu.memory_space<vmem>> -> memref<128xi32, #tpu.memory_space<vmem>>
      %dma_wait3A_864 = arith.constant 0 : i32
      %dma_wait3A_865 = arith.constant 0 : i32
      %dma_wait3A_866 = tpu.memref_slice %arg11[%dma_wait3A_864, %dma_wait3A_865] : memref<10000x16xf32, #tpu.memory_space<vmem_shared>> -> memref<10000x16xf32, #tpu.memory_space<vmem_shared>>
      tpu.wait_indirect_dma semaphore(%arg18 : memref<!tpu.dma_semaphore, #tpu.memory_space<semaphore_mem>>) src(%dma_wait3A_866 : memref<10000x16xf32, #tpu.memory_space<vmem_shared>>) dst(%dma_wait3A_860 : memref<128x16xf32, #tpu.memory_space<vmem>>)
      %dma_start3A_867 = arith.constant 6 : i32
      %dma_start3A_868 = arith.constant 0 : i32
      %dma_start3A_869 = arith.constant 0 : i32
      %dma_start3A_870 = tpu.memref_slice %arg9[%dma_start3A_867, %dma_start3A_868, %dma_start3A_869] : memref<8x128x16xf32, #tpu.memory_space<vmem>> -> memref<1x128x16xf32, #tpu.memory_space<vmem>>
      %dma_start3A_871 = tpu.memref_squeeze %dma_start3A_870 : memref<1x128x16xf32, #tpu.memory_space<vmem>> -> memref<128x16xf32, #tpu.memory_space<vmem>>
      %dma_start3A_872 = arith.constant 0 : i32
      %dma_start3A_873 = tpu.memref_slice %arg8[%add3A_854, %dma_start3A_872] : memref<84x128xi32, #tpu.memory_space<vmem>> -> memref<1x128xi32, #tpu.memory_space<vmem>>
      %dma_start3A_874 = tpu.memref_squeeze %dma_start3A_873 : memref<1x128xi32, #tpu.memory_space<vmem>> -> memref<128xi32, #tpu.memory_space<vmem>>
      %dma_start3A_875 = arith.constant 0 : i32
      %dma_start3A_876 = arith.constant 0 : i32
      %dma_start3A_877 = tpu.memref_slice %arg10[%dma_start3A_875, %dma_start3A_876] : memref<10112x16xf32, #tpu.memory_space<vmem_shared>> -> memref<10112x16xf32, #tpu.memory_space<vmem_shared>>
      tpu.enqueue_indirect_dma source(%dma_start3A_871 : memref<128x16xf32, #tpu.memory_space<vmem>>) target(%dma_start3A_877 : memref<10112x16xf32, #tpu.memory_space<vmem_shared>>) offsets(%dma_start3A_874 : memref<128xi32, #tpu.memory_space<vmem>>) semaphore(%arg26 : memref<!tpu.dma_semaphore, #tpu.memory_space<semaphore_mem>>) {add = true}
      %dma_wait3A_878 = arith.constant 2 : i32
      %dma_wait3A_879 = arith.constant 0 : i32
      %dma_wait3A_880 = arith.constant 0 : i32
      %dma_wait3A_881 = arith.constant 0 : i32
      %dma_wait3A_882 = tpu.memref_slice %arg9[%dma_wait3A_878, %dma_wait3A_880, %dma_wait3A_881] : memref<8x128x16xf32, #tpu.memory_space<vmem>> -> memref<1x128x16xf32, #tpu.memory_space<vmem>>
      %dma_wait3A_883 = tpu.memref_squeeze %dma_wait3A_882 : memref<1x128x16xf32, #tpu.memory_space<vmem>> -> memref<128x16xf32, #tpu.memory_space<vmem>>
      %dma_wait3A_884 = arith.constant 0 : i32
      %dma_wait3A_885 = tpu.memref_slice %arg8[%dma_wait3A_879, %dma_wait3A_884] : memref<84x128xi32, #tpu.memory_space<vmem>> -> memref<1x128xi32, #tpu.memory_space<vmem>>
      %dma_wait3A_886 = tpu.memref_squeeze %dma_wait3A_885 : memref<1x128xi32, #tpu.memory_space<vmem>> -> memref<128xi32, #tpu.memory_space<vmem>>
      %dma_wait3A_887 = arith.constant 0 : i32
      %dma_wait3A_888 = arith.constant 0 : i32
      %dma_wait3A_889 = tpu.memref_slice %arg10[%dma_wait3A_887, %dma_wait3A_888] : memref<10112x16xf32, #tpu.memory_space<vmem_shared>> -> memref<10112x16xf32, #tpu.memory_space<vmem_shared>>
      tpu.wait_indirect_dma semaphore(%arg22 : memref<!tpu.dma_semaphore, #tpu.memory_space<semaphore_mem>>) src(%dma_wait3A_883 : memref<128x16xf32, #tpu.memory_space<vmem>>) dst(%dma_wait3A_889 : memref<10112x16xf32, #tpu.memory_space<vmem_shared>>)
      %add3A_890 = arith.constant 4 : i32
      %add3A_891 = arith.addi %add3A_854, %add3A_890 : i32
      %dma_start3A_892 = arith.constant 2 : i32
      %dma_start3A_893 = arith.constant 0 : i32
      %dma_start3A_894 = arith.constant 0 : i32
      %dma_start3A_895 = tpu.memref_slice %arg9[%dma_start3A_892, %dma_start3A_893, %dma_start3A_894] : memref<8x128x16xf32, #tpu.memory_space<vmem>> -> memref<1x128x16xf32, #tpu.memory_space<vmem>>
      %dma_start3A_896 = tpu.memref_squeeze %dma_start3A_895 : memref<1x128x16xf32, #tpu.memory_space<vmem>> -> memref<128x16xf32, #tpu.memory_space<vmem>>
      %dma_start3A_897 = arith.constant 0 : i32
      %dma_start3A_898 = tpu.memref_slice %arg7[%add3A_891, %dma_start3A_897] : memref<84x128xi32, #tpu.memory_space<vmem>> -> memref<1x128xi32, #tpu.memory_space<vmem>>
      %dma_start3A_899 = tpu.memref_squeeze %dma_start3A_898 : memref<1x128xi32, #tpu.memory_space<vmem>> -> memref<128xi32, #tpu.memory_space<vmem>>
      %dma_start3A_900 = arith.constant 0 : i32
      %dma_start3A_901 = arith.constant 0 : i32
      %dma_start3A_902 = tpu.memref_slice %arg11[%dma_start3A_900, %dma_start3A_901] : memref<10000x16xf32, #tpu.memory_space<vmem_shared>> -> memref<10000x16xf32, #tpu.memory_space<vmem_shared>>
      tpu.enqueue_indirect_dma source(%dma_start3A_902 : memref<10000x16xf32, #tpu.memory_space<vmem_shared>>) target(%dma_start3A_896 : memref<128x16xf32, #tpu.memory_space<vmem>>) offsets(%dma_start3A_899 : memref<128xi32, #tpu.memory_space<vmem>>) semaphore(%arg14 : memref<!tpu.dma_semaphore, #tpu.memory_space<semaphore_mem>>)
      %mul3A_903 = arith.constant 8 : i32
      %mul3A_904 = arith.muli %mul3A_903, %scan3A_524 : i32
      %add3A_905 = arith.constant 8 : i32
      %add3A_906 = arith.addi %mul3A_904, %add3A_905 : i32
      %add3A_907 = arith.constant 7 : i32
      %add3A_908 = arith.addi %add3A_906, %add3A_907 : i32
      %dma_wait3A_909 = arith.constant 0 : i32
      %dma_wait3A_910 = arith.constant 7 : i32
      %dma_wait3A_911 = arith.constant 0 : i32
      %dma_wait3A_912 = arith.constant 0 : i32
      %dma_wait3A_913 = tpu.memref_slice %arg9[%dma_wait3A_910, %dma_wait3A_911, %dma_wait3A_912] : memref<8x128x16xf32, #tpu.memory_space<vmem>> -> memref<1x128x16xf32, #tpu.memory_space<vmem>>
      %dma_wait3A_914 = tpu.memref_squeeze %dma_wait3A_913 : memref<1x128x16xf32, #tpu.memory_space<vmem>> -> memref<128x16xf32, #tpu.memory_space<vmem>>
      %dma_wait3A_915 = arith.constant 0 : i32
      %dma_wait3A_916 = tpu.memref_slice %arg7[%dma_wait3A_909, %dma_wait3A_915] : memref<84x128xi32, #tpu.memory_space<vmem>> -> memref<1x128xi32, #tpu.memory_space<vmem>>
      %dma_wait3A_917 = tpu.memref_squeeze %dma_wait3A_916 : memref<1x128xi32, #tpu.memory_space<vmem>> -> memref<128xi32, #tpu.memory_space<vmem>>
      %dma_wait3A_918 = arith.constant 0 : i32
      %dma_wait3A_919 = arith.constant 0 : i32
      %dma_wait3A_920 = tpu.memref_slice %arg11[%dma_wait3A_918, %dma_wait3A_919] : memref<10000x16xf32, #tpu.memory_space<vmem_shared>> -> memref<10000x16xf32, #tpu.memory_space<vmem_shared>>
      tpu.wait_indirect_dma semaphore(%arg19 : memref<!tpu.dma_semaphore, #tpu.memory_space<semaphore_mem>>) src(%dma_wait3A_920 : memref<10000x16xf32, #tpu.memory_space<vmem_shared>>) dst(%dma_wait3A_914 : memref<128x16xf32, #tpu.memory_space<vmem>>)
      %dma_start3A_921 = arith.constant 7 : i32
      %dma_start3A_922 = arith.constant 0 : i32
      %dma_start3A_923 = arith.constant 0 : i32
      %dma_start3A_924 = tpu.memref_slice %arg9[%dma_start3A_921, %dma_start3A_922, %dma_start3A_923] : memref<8x128x16xf32, #tpu.memory_space<vmem>> -> memref<1x128x16xf32, #tpu.memory_space<vmem>>
      %dma_start3A_925 = tpu.memref_squeeze %dma_start3A_924 : memref<1x128x16xf32, #tpu.memory_space<vmem>> -> memref<128x16xf32, #tpu.memory_space<vmem>>
      %dma_start3A_926 = arith.constant 0 : i32
      %dma_start3A_927 = tpu.memref_slice %arg8[%add3A_908, %dma_start3A_926] : memref<84x128xi32, #tpu.memory_space<vmem>> -> memref<1x128xi32, #tpu.memory_space<vmem>>
      %dma_start3A_928 = tpu.memref_squeeze %dma_start3A_927 : memref<1x128xi32, #tpu.memory_space<vmem>> -> memref<128xi32, #tpu.memory_space<vmem>>
      %dma_start3A_929 = arith.constant 0 : i32
      %dma_start3A_930 = arith.constant 0 : i32
      %dma_start3A_931 = tpu.memref_slice %arg10[%dma_start3A_929, %dma_start3A_930] : memref<10112x16xf32, #tpu.memory_space<vmem_shared>> -> memref<10112x16xf32, #tpu.memory_space<vmem_shared>>
      tpu.enqueue_indirect_dma source(%dma_start3A_925 : memref<128x16xf32, #tpu.memory_space<vmem>>) target(%dma_start3A_931 : memref<10112x16xf32, #tpu.memory_space<vmem_shared>>) offsets(%dma_start3A_928 : memref<128xi32, #tpu.memory_space<vmem>>) semaphore(%arg27 : memref<!tpu.dma_semaphore, #tpu.memory_space<semaphore_mem>>) {add = true}
      %dma_wait3A_932 = arith.constant 3 : i32
      %dma_wait3A_933 = arith.constant 0 : i32
      %dma_wait3A_934 = arith.constant 0 : i32
      %dma_wait3A_935 = arith.constant 0 : i32
      %dma_wait3A_936 = tpu.memref_slice %arg9[%dma_wait3A_932, %dma_wait3A_934, %dma_wait3A_935] : memref<8x128x16xf32, #tpu.memory_space<vmem>> -> memref<1x128x16xf32, #tpu.memory_space<vmem>>
      %dma_wait3A_937 = tpu.memref_squeeze %dma_wait3A_936 : memref<1x128x16xf32, #tpu.memory_space<vmem>> -> memref<128x16xf32, #tpu.memory_space<vmem>>
      %dma_wait3A_938 = arith.constant 0 : i32
      %dma_wait3A_939 = tpu.memref_slice %arg8[%dma_wait3A_933, %dma_wait3A_938] : memref<84x128xi32, #tpu.memory_space<vmem>> -> memref<1x128xi32, #tpu.memory_space<vmem>>
      %dma_wait3A_940 = tpu.memref_squeeze %dma_wait3A_939 : memref<1x128xi32, #tpu.memory_space<vmem>> -> memref<128xi32, #tpu.memory_space<vmem>>
      %dma_wait3A_941 = arith.constant 0 : i32
      %dma_wait3A_942 = arith.constant 0 : i32
      %dma_wait3A_943 = tpu.memref_slice %arg10[%dma_wait3A_941, %dma_wait3A_942] : memref<10112x16xf32, #tpu.memory_space<vmem_shared>> -> memref<10112x16xf32, #tpu.memory_space<vmem_shared>>
      tpu.wait_indirect_dma semaphore(%arg23 : memref<!tpu.dma_semaphore, #tpu.memory_space<semaphore_mem>>) src(%dma_wait3A_937 : memref<128x16xf32, #tpu.memory_space<vmem>>) dst(%dma_wait3A_943 : memref<10112x16xf32, #tpu.memory_space<vmem_shared>>)
      %add3A_944 = arith.constant 4 : i32
      %add3A_945 = arith.addi %add3A_908, %add3A_944 : i32
      %dma_start3A_946 = arith.constant 3 : i32
      %dma_start3A_947 = arith.constant 0 : i32
      %dma_start3A_948 = arith.constant 0 : i32
      %dma_start3A_949 = tpu.memref_slice %arg9[%dma_start3A_946, %dma_start3A_947, %dma_start3A_948] : memref<8x128x16xf32, #tpu.memory_space<vmem>> -> memref<1x128x16xf32, #tpu.memory_space<vmem>>
      %dma_start3A_950 = tpu.memref_squeeze %dma_start3A_949 : memref<1x128x16xf32, #tpu.memory_space<vmem>> -> memref<128x16xf32, #tpu.memory_space<vmem>>
      %dma_start3A_951 = arith.constant 0 : i32
      %dma_start3A_952 = tpu.memref_slice %arg7[%add3A_945, %dma_start3A_951] : memref<84x128xi32, #tpu.memory_space<vmem>> -> memref<1x128xi32, #tpu.memory_space<vmem>>
      %dma_start3A_953 = tpu.memref_squeeze %dma_start3A_952 : memref<1x128xi32, #tpu.memory_space<vmem>> -> memref<128xi32, #tpu.memory_space<vmem>>
      %dma_start3A_954 = arith.constant 0 : i32
      %dma_start3A_955 = arith.constant 0 : i32
      %dma_start3A_956 = tpu.memref_slice %arg11[%dma_start3A_954, %dma_start3A_955] : memref<10000x16xf32, #tpu.memory_space<vmem_shared>> -> memref<10000x16xf32, #tpu.memory_space<vmem_shared>>
      tpu.enqueue_indirect_dma source(%dma_start3A_956 : memref<10000x16xf32, #tpu.memory_space<vmem_shared>>) target(%dma_start3A_950 : memref<128x16xf32, #tpu.memory_space<vmem>>) offsets(%dma_start3A_953 : memref<128xi32, #tpu.memory_space<vmem>>) semaphore(%arg15 : memref<!tpu.dma_semaphore, #tpu.memory_space<semaphore_mem>>)
    }
    %scan3A_426 = arith.constant 9 : i32
    %dma_wait3A_427 = arith.constant 0 : i32
    %dma_wait3A_428 = arith.constant 0 : i32
    %dma_wait3A_429 = arith.constant 0 : i32
    %dma_wait3A_430 = arith.constant 0 : i32
    %dma_wait3A_431 = tpu.memref_slice %arg9[%dma_wait3A_428, %dma_wait3A_429, %dma_wait3A_430] : memref<8x128x16xf32, #tpu.memory_space<vmem>> -> memref<1x128x16xf32, #tpu.memory_space<vmem>>
    %dma_wait3A_432 = tpu.memref_squeeze %dma_wait3A_431 : memref<1x128x16xf32, #tpu.memory_space<vmem>> -> memref<128x16xf32, #tpu.memory_space<vmem>>
    %dma_wait3A_433 = arith.constant 0 : i32
    %dma_wait3A_434 = tpu.memref_slice %arg7[%dma_wait3A_427, %dma_wait3A_433] : memref<84x128xi32, #tpu.memory_space<vmem>> -> memref<1x128xi32, #tpu.memory_space<vmem>>
    %dma_wait3A_435 = tpu.memref_squeeze %dma_wait3A_434 : memref<1x128xi32, #tpu.memory_space<vmem>> -> memref<128xi32, #tpu.memory_space<vmem>>
    %dma_wait3A_436 = arith.constant 0 : i32
    %dma_wait3A_437 = arith.constant 0 : i32
    %dma_wait3A_438 = tpu.memref_slice %arg11[%dma_wait3A_436, %dma_wait3A_437] : memref<10000x16xf32, #tpu.memory_space<vmem_shared>> -> memref<10000x16xf32, #tpu.memory_space<vmem_shared>>
    tpu.wait_indirect_dma semaphore(%arg12 : memref<!tpu.dma_semaphore, #tpu.memory_space<semaphore_mem>>) src(%dma_wait3A_438 : memref<10000x16xf32, #tpu.memory_space<vmem_shared>>) dst(%dma_wait3A_432 : memref<128x16xf32, #tpu.memory_space<vmem>>)
    %dma_wait3A_439 = arith.constant 0 : i32
    %dma_wait3A_440 = arith.constant 1 : i32
    %dma_wait3A_441 = arith.constant 0 : i32
    %dma_wait3A_442 = arith.constant 0 : i32
    %dma_wait3A_443 = tpu.memref_slice %arg9[%dma_wait3A_440, %dma_wait3A_441, %dma_wait3A_442] : memref<8x128x16xf32, #tpu.memory_space<vmem>> -> memref<1x128x16xf32, #tpu.memory_space<vmem>>
    %dma_wait3A_444 = tpu.memref_squeeze %dma_wait3A_443 : memref<1x128x16xf32, #tpu.memory_space<vmem>> -> memref<128x16xf32, #tpu.memory_space<vmem>>
    %dma_wait3A_445 = arith.constant 0 : i32
    %dma_wait3A_446 = tpu.memref_slice %arg7[%dma_wait3A_439, %dma_wait3A_445] : memref<84x128xi32, #tpu.memory_space<vmem>> -> memref<1x128xi32, #tpu.memory_space<vmem>>
    %dma_wait3A_447 = tpu.memref_squeeze %dma_wait3A_446 : memref<1x128xi32, #tpu.memory_space<vmem>> -> memref<128xi32, #tpu.memory_space<vmem>>
    %dma_wait3A_448 = arith.constant 0 : i32
    %dma_wait3A_449 = arith.constant 0 : i32
    %dma_wait3A_450 = tpu.memref_slice %arg11[%dma_wait3A_448, %dma_wait3A_449] : memref<10000x16xf32, #tpu.memory_space<vmem_shared>> -> memref<10000x16xf32, #tpu.memory_space<vmem_shared>>
    tpu.wait_indirect_dma semaphore(%arg13 : memref<!tpu.dma_semaphore, #tpu.memory_space<semaphore_mem>>) src(%dma_wait3A_450 : memref<10000x16xf32, #tpu.memory_space<vmem_shared>>) dst(%dma_wait3A_444 : memref<128x16xf32, #tpu.memory_space<vmem>>)
    %dma_wait3A_451 = arith.constant 0 : i32
    %dma_wait3A_452 = arith.constant 2 : i32
    %dma_wait3A_453 = arith.constant 0 : i32
    %dma_wait3A_454 = arith.constant 0 : i32
    %dma_wait3A_455 = tpu.memref_slice %arg9[%dma_wait3A_452, %dma_wait3A_453, %dma_wait3A_454] : memref<8x128x16xf32, #tpu.memory_space<vmem>> -> memref<1x128x16xf32, #tpu.memory_space<vmem>>
    %dma_wait3A_456 = tpu.memref_squeeze %dma_wait3A_455 : memref<1x128x16xf32, #tpu.memory_space<vmem>> -> memref<128x16xf32, #tpu.memory_space<vmem>>
    %dma_wait3A_457 = arith.constant 0 : i32
    %dma_wait3A_458 = tpu.memref_slice %arg7[%dma_wait3A_451, %dma_wait3A_457] : memref<84x128xi32, #tpu.memory_space<vmem>> -> memref<1x128xi32, #tpu.memory_space<vmem>>
    %dma_wait3A_459 = tpu.memref_squeeze %dma_wait3A_458 : memref<1x128xi32, #tpu.memory_space<vmem>> -> memref<128xi32, #tpu.memory_space<vmem>>
    %dma_wait3A_460 = arith.constant 0 : i32
    %dma_wait3A_461 = arith.constant 0 : i32
    %dma_wait3A_462 = tpu.memref_slice %arg11[%dma_wait3A_460, %dma_wait3A_461] : memref<10000x16xf32, #tpu.memory_space<vmem_shared>> -> memref<10000x16xf32, #tpu.memory_space<vmem_shared>>
    tpu.wait_indirect_dma semaphore(%arg14 : memref<!tpu.dma_semaphore, #tpu.memory_space<semaphore_mem>>) src(%dma_wait3A_462 : memref<10000x16xf32, #tpu.memory_space<vmem_shared>>) dst(%dma_wait3A_456 : memref<128x16xf32, #tpu.memory_space<vmem>>)
    %dma_wait3A_463 = arith.constant 0 : i32
    %dma_wait3A_464 = arith.constant 3 : i32
    %dma_wait3A_465 = arith.constant 0 : i32
    %dma_wait3A_466 = arith.constant 0 : i32
    %dma_wait3A_467 = tpu.memref_slice %arg9[%dma_wait3A_464, %dma_wait3A_465, %dma_wait3A_466] : memref<8x128x16xf32, #tpu.memory_space<vmem>> -> memref<1x128x16xf32, #tpu.memory_space<vmem>>
    %dma_wait3A_468 = tpu.memref_squeeze %dma_wait3A_467 : memref<1x128x16xf32, #tpu.memory_space<vmem>> -> memref<128x16xf32, #tpu.memory_space<vmem>>
    %dma_wait3A_469 = arith.constant 0 : i32
    %dma_wait3A_470 = tpu.memref_slice %arg7[%dma_wait3A_463, %dma_wait3A_469] : memref<84x128xi32, #tpu.memory_space<vmem>> -> memref<1x128xi32, #tpu.memory_space<vmem>>
    %dma_wait3A_471 = tpu.memref_squeeze %dma_wait3A_470 : memref<1x128xi32, #tpu.memory_space<vmem>> -> memref<128xi32, #tpu.memory_space<vmem>>
    %dma_wait3A_472 = arith.constant 0 : i32
    %dma_wait3A_473 = arith.constant 0 : i32
    %dma_wait3A_474 = tpu.memref_slice %arg11[%dma_wait3A_472, %dma_wait3A_473] : memref<10000x16xf32, #tpu.memory_space<vmem_shared>> -> memref<10000x16xf32, #tpu.memory_space<vmem_shared>>
    tpu.wait_indirect_dma semaphore(%arg15 : memref<!tpu.dma_semaphore, #tpu.memory_space<semaphore_mem>>) src(%dma_wait3A_474 : memref<10000x16xf32, #tpu.memory_space<vmem_shared>>) dst(%dma_wait3A_468 : memref<128x16xf32, #tpu.memory_space<vmem>>)
    %dma_wait3A_475 = arith.constant 4 : i32
    %dma_wait3A_476 = arith.constant 0 : i32
    %dma_wait3A_477 = arith.constant 0 : i32
    %dma_wait3A_478 = arith.constant 0 : i32
    %dma_wait3A_479 = tpu.memref_slice %arg9[%dma_wait3A_475, %dma_wait3A_477, %dma_wait3A_478] : memref<8x128x16xf32, #tpu.memory_space<vmem>> -> memref<1x128x16xf32, #tpu.memory_space<vmem>>
    %dma_wait3A_480 = tpu.memref_squeeze %dma_wait3A_479 : memref<1x128x16xf32, #tpu.memory_space<vmem>> -> memref<128x16xf32, #tpu.memory_space<vmem>>
    %dma_wait3A_481 = arith.constant 0 : i32
    %dma_wait3A_482 = tpu.memref_slice %arg8[%dma_wait3A_476, %dma_wait3A_481] : memref<84x128xi32, #tpu.memory_space<vmem>> -> memref<1x128xi32, #tpu.memory_space<vmem>>
    %dma_wait3A_483 = tpu.memref_squeeze %dma_wait3A_482 : memref<1x128xi32, #tpu.memory_space<vmem>> -> memref<128xi32, #tpu.memory_space<vmem>>
    %dma_wait3A_484 = arith.constant 0 : i32
    %dma_wait3A_485 = arith.constant 0 : i32
    %dma_wait3A_486 = tpu.memref_slice %arg10[%dma_wait3A_484, %dma_wait3A_485] : memref<10112x16xf32, #tpu.memory_space<vmem_shared>> -> memref<10112x16xf32, #tpu.memory_space<vmem_shared>>
    tpu.wait_indirect_dma semaphore(%arg24 : memref<!tpu.dma_semaphore, #tpu.memory_space<semaphore_mem>>) src(%dma_wait3A_480 : memref<128x16xf32, #tpu.memory_space<vmem>>) dst(%dma_wait3A_486 : memref<10112x16xf32, #tpu.memory_space<vmem_shared>>)
    %dma_wait3A_487 = arith.constant 5 : i32
    %dma_wait3A_488 = arith.constant 0 : i32
    %dma_wait3A_489 = arith.constant 0 : i32
    %dma_wait3A_490 = arith.constant 0 : i32
    %dma_wait3A_491 = tpu.memref_slice %arg9[%dma_wait3A_487, %dma_wait3A_489, %dma_wait3A_490] : memref<8x128x16xf32, #tpu.memory_space<vmem>> -> memref<1x128x16xf32, #tpu.memory_space<vmem>>
    %dma_wait3A_492 = tpu.memref_squeeze %dma_wait3A_491 : memref<1x128x16xf32, #tpu.memory_space<vmem>> -> memref<128x16xf32, #tpu.memory_space<vmem>>
    %dma_wait3A_493 = arith.constant 0 : i32
    %dma_wait3A_494 = tpu.memref_slice %arg8[%dma_wait3A_488, %dma_wait3A_493] : memref<84x128xi32, #tpu.memory_space<vmem>> -> memref<1x128xi32, #tpu.memory_space<vmem>>
    %dma_wait3A_495 = tpu.memref_squeeze %dma_wait3A_494 : memref<1x128xi32, #tpu.memory_space<vmem>> -> memref<128xi32, #tpu.memory_space<vmem>>
    %dma_wait3A_496 = arith.constant 0 : i32
    %dma_wait3A_497 = arith.constant 0 : i32
    %dma_wait3A_498 = tpu.memref_slice %arg10[%dma_wait3A_496, %dma_wait3A_497] : memref<10112x16xf32, #tpu.memory_space<vmem_shared>> -> memref<10112x16xf32, #tpu.memory_space<vmem_shared>>
    tpu.wait_indirect_dma semaphore(%arg25 : memref<!tpu.dma_semaphore, #tpu.memory_space<semaphore_mem>>) src(%dma_wait3A_492 : memref<128x16xf32, #tpu.memory_space<vmem>>) dst(%dma_wait3A_498 : memref<10112x16xf32, #tpu.memory_space<vmem_shared>>)
    %dma_wait3A_499 = arith.constant 6 : i32
    %dma_wait3A_500 = arith.constant 0 : i32
    %dma_wait3A_501 = arith.constant 0 : i32
    %dma_wait3A_502 = arith.constant 0 : i32
    %dma_wait3A_503 = tpu.memref_slice %arg9[%dma_wait3A_499, %dma_wait3A_501, %dma_wait3A_502] : memref<8x128x16xf32, #tpu.memory_space<vmem>> -> memref<1x128x16xf32, #tpu.memory_space<vmem>>
    %dma_wait3A_504 = tpu.memref_squeeze %dma_wait3A_503 : memref<1x128x16xf32, #tpu.memory_space<vmem>> -> memref<128x16xf32, #tpu.memory_space<vmem>>
    %dma_wait3A_505 = arith.constant 0 : i32
    %dma_wait3A_506 = tpu.memref_slice %arg8[%dma_wait3A_500, %dma_wait3A_505] : memref<84x128xi32, #tpu.memory_space<vmem>> -> memref<1x128xi32, #tpu.memory_space<vmem>>
    %dma_wait3A_507 = tpu.memref_squeeze %dma_wait3A_506 : memref<1x128xi32, #tpu.memory_space<vmem>> -> memref<128xi32, #tpu.memory_space<vmem>>
    %dma_wait3A_508 = arith.constant 0 : i32
    %dma_wait3A_509 = arith.constant 0 : i32
    %dma_wait3A_510 = tpu.memref_slice %arg10[%dma_wait3A_508, %dma_wait3A_509] : memref<10112x16xf32, #tpu.memory_space<vmem_shared>> -> memref<10112x16xf32, #tpu.memory_space<vmem_shared>>
    tpu.wait_indirect_dma semaphore(%arg26 : memref<!tpu.dma_semaphore, #tpu.memory_space<semaphore_mem>>) src(%dma_wait3A_504 : memref<128x16xf32, #tpu.memory_space<vmem>>) dst(%dma_wait3A_510 : memref<10112x16xf32, #tpu.memory_space<vmem_shared>>)
    %dma_wait3A_511 = arith.constant 7 : i32
    %dma_wait3A_512 = arith.constant 0 : i32
    %dma_wait3A_513 = arith.constant 0 : i32
    %dma_wait3A_514 = arith.constant 0 : i32
    %dma_wait3A_515 = tpu.memref_slice %arg9[%dma_wait3A_511, %dma_wait3A_513, %dma_wait3A_514] : memref<8x128x16xf32, #tpu.memory_space<vmem>> -> memref<1x128x16xf32, #tpu.memory_space<vmem>>
    %dma_wait3A_516 = tpu.memref_squeeze %dma_wait3A_515 : memref<1x128x16xf32, #tpu.memory_space<vmem>> -> memref<128x16xf32, #tpu.memory_space<vmem>>
    %dma_wait3A_517 = arith.constant 0 : i32
    %dma_wait3A_518 = tpu.memref_slice %arg8[%dma_wait3A_512, %dma_wait3A_517] : memref<84x128xi32, #tpu.memory_space<vmem>> -> memref<1x128xi32, #tpu.memory_space<vmem>>
    %dma_wait3A_519 = tpu.memref_squeeze %dma_wait3A_518 : memref<1x128xi32, #tpu.memory_space<vmem>> -> memref<128xi32, #tpu.memory_space<vmem>>
    %dma_wait3A_520 = arith.constant 0 : i32
    %dma_wait3A_521 = arith.constant 0 : i32
    %dma_wait3A_522 = tpu.memref_slice %arg10[%dma_wait3A_520, %dma_wait3A_521] : memref<10112x16xf32, #tpu.memory_space<vmem_shared>> -> memref<10112x16xf32, #tpu.memory_space<vmem_shared>>
    tpu.wait_indirect_dma semaphore(%arg27 : memref<!tpu.dma_semaphore, #tpu.memory_space<semaphore_mem>>) src(%dma_wait3A_516 : memref<128x16xf32, #tpu.memory_space<vmem>>) dst(%dma_wait3A_522 : memref<10112x16xf32, #tpu.memory_space<vmem_shared>>)
    %barrier3A_523 = arith.constant 0 : index
    tpu.barrier barrier_id(%barrier3A_523)
    "tpu.region"() ({
      %run_scoped3A_524 = tpu.sem_alloc : memref<!tpu.dma_semaphore, #tpu.memory_space<semaphore_mem>>
      %dma_start3A_525 = arith.constant 0 : i32
      %dma_start3A_526 = arith.constant 0 : i32
      %dma_start3A_527 = tpu.memref_slice %arg6[%arg0, %dma_start3A_525, %dma_start3A_526] : memref<2x10112x16xf32, #tpu.memory_space<hbm>> -> memref<1x10112x16xf32, #tpu.memory_space<hbm>>
      %dma_start3A_528 = tpu.memref_squeeze %dma_start3A_527 : memref<1x10112x16xf32, #tpu.memory_space<hbm>> -> memref<10112x16xf32, #tpu.memory_space<hbm>>
      %dma_start3A_529 = arith.constant 0 : i32
      %dma_start3A_530 = tpu.memref_slice %dma_start3A_528[%mul3A_4, %dma_start3A_529] : memref<10112x16xf32, #tpu.memory_space<hbm>> -> memref<632x16xf32, #tpu.memory_space<hbm>>
      %dma_start3A_531 = arith.constant 0 : i32
      %dma_start3A_532 = tpu.memref_slice %arg10[%mul3A_4, %dma_start3A_531] : memref<10112x16xf32, #tpu.memory_space<vmem_shared>> -> memref<632x16xf32, #tpu.memory_space<vmem_shared>>
      tpu.enqueue_dma source(%dma_start3A_532 : memref<632x16xf32, #tpu.memory_space<vmem_shared>>) target(%dma_start3A_530 : memref<632x16xf32, #tpu.memory_space<hbm>>) target_semaphore(%run_scoped3A_524 : memref<!tpu.dma_semaphore, #tpu.memory_space<semaphore_mem>>)
      %dma_wait3A_533 = arith.constant 0 : i32
      %dma_wait3A_534 = arith.constant 0 : i32
      %dma_wait3A_535 = tpu.memref_slice %arg6[%arg0, %dma_wait3A_533, %dma_wait3A_534] : memref<2x10112x16xf32, #tpu.memory_space<hbm>> -> memref<1x10112x16xf32, #tpu.memory_space<hbm>>
      %dma_wait3A_536 = tpu.memref_squeeze %dma_wait3A_535 : memref<1x10112x16xf32, #tpu.memory_space<hbm>> -> memref<10112x16xf32, #tpu.memory_space<hbm>>
      %dma_wait3A_537 = arith.constant 0 : i32
      %dma_wait3A_538 = tpu.memref_slice %dma_wait3A_536[%mul3A_4, %dma_wait3A_537] : memref<10112x16xf32, #tpu.memory_space<hbm>> -> memref<632x16xf32, #tpu.memory_space<hbm>>
      %dma_wait3A_539 = arith.constant 0 : i32
      %dma_wait3A_540 = tpu.memref_slice %arg10[%mul3A_4, %dma_wait3A_539] : memref<10112x16xf32, #tpu.memory_space<vmem_shared>> -> memref<632x16xf32, #tpu.memory_space<vmem_shared>>
      tpu.wait_dma2 semaphore(%run_scoped3A_524 : memref<!tpu.dma_semaphore, #tpu.memory_space<semaphore_mem>>) src(%dma_wait3A_540 : memref<632x16xf32, #tpu.memory_space<vmem_shared>>) dst(%dma_wait3A_538 : memref<632x16xf32, #tpu.memory_space<hbm>>)
      tpu.yield
    }) : () -> ()
    return
  }
}

module attributes {stable_mosaic.version = 14 : i64} {
  func.func @body(%arg0: i32, %arg1: memref<2000x128xf32, #tpu.memory_space<vmem>>, %arg2: memref<128x64xf32, #tpu.memory_space<vmem>>, %arg3: memref<2000x64xf32, #tpu.memory_space<vmem>>) attributes {dimension_semantics = [#tpu.dimension_semantics<arbitrary>], iteration_bounds = array<i64: 5>, scalar_prefetch = 0 : i64, scratch_operands = 0 : i64, tpu.core_type = #tpu.core_type<tc>, window_params = [{transform_indices = @transform_0, window_bounds = array<i64: 2000, 128>}, {pipeline_mode = #tpu.pipeline_mode<synchronous>, transform_indices = @transform_1, window_bounds = array<i64: 128, 64>}, {transform_indices = @transform_2, window_bounds = array<i64: 2000, 64>}]} {
    %get3A = arith.constant 0 : index
    %get3A_0 = arith.constant 0 : index
    %get3A_1 = vector.load %arg1[%get3A, %get3A_0] : memref<2000x128xf32, #tpu.memory_space<vmem>>, vector<2000x128xf32>
    %get3A_2 = arith.constant 0 : index
    %get3A_3 = arith.constant 0 : index
    %get3A_4 = vector.load %arg2[%get3A_2, %get3A_3] : memref<128x64xf32, #tpu.memory_space<vmem>>, vector<128x64xf32>
    %dot_general3A = arith.constant dense<0.000000e+00> : vector<2000x64xf32>
    %dot_general3A_5 = tpu.matmul %get3A_1, %get3A_4, %dot_general3A {dimension_numbers = #tpu.dot_dimension_numbers<[1], [0], [0], [1], [0, 0, 1, 1], [], []>, transpose_lhs_hint = false} : vector<2000x128xf32>, vector<128x64xf32>, vector<2000x64xf32> -> vector<2000x64xf32>
    %swap3A = arith.constant 0 : index
    %swap3A_6 = arith.constant 0 : index
    %swap3A_7 = vector.load %arg3[%swap3A, %swap3A_6] : memref<2000x64xf32, #tpu.memory_space<vmem>>, vector<2000x64xf32>
    tpu.vector_store %arg3[%swap3A, %swap3A_6], %dot_general3A_5 {strides = array<i32>} : memref<2000x64xf32, #tpu.memory_space<vmem>>, vector<2000x64xf32>,
    return
  }
  func.func @transform_0(%arg0: i32) -> (i32, i32) {
    %c0_i32 = arith.constant 0 : i32
    %c0_i32_0 = arith.constant 0 : i32
    return %arg0, %c0_i32 : i32, i32
  }
  func.func @transform_1(%arg0: i32) -> (i32, i32) {
    %c0_i32 = arith.constant 0 : i32
    %c0_i32_0 = arith.constant 0 : i32
    %c0_i32_1 = arith.constant 0 : i32
    return %c0_i32, %c0_i32_0 : i32, i32
  }
  func.func @transform_2(%arg0: i32) -> (i32, i32) {
    %c0_i32 = arith.constant 0 : i32
    %c0_i32_0 = arith.constant 0 : i32
    return %arg0, %c0_i32 : i32, i32
  }
}

module attributes {stable_mosaic.version = 14 : i64} {
  func.func @body(%arg0: i32, %arg1: memref<2x1264x128xf32, #tpu.memory_space<vmem>>, %arg2: memref<1x64xf32, #tpu.memory_space<vmem>>, %arg3: memref<128x64xf32, #tpu.memory_space<vmem>>, %arg4: memref<128x64xf32, #tpu.memory_space<vmem>>, %arg5: memref<1264x64xf32, #tpu.memory_space<vmem>>) attributes {dimension_semantics = [#tpu.dimension_semantics<arbitrary>], iteration_bounds = array<i64: 2>, scalar_prefetch = 0 : i64, scratch_operands = 0 : i64, tpu.core_type = #tpu.core_type<tc>, window_params = [{transform_indices = @transform_0, window_bounds = array<i64: 2, 1264, 128>}, {pipeline_mode = #tpu.pipeline_mode<synchronous>, transform_indices = @transform_1, window_bounds = array<i64: 1, 64>}, {pipeline_mode = #tpu.pipeline_mode<synchronous>, transform_indices = @transform_2, window_bounds = array<i64: 128, 64>}, {pipeline_mode = #tpu.pipeline_mode<synchronous>, transform_indices = @transform_3, window_bounds = array<i64: 128, 64>}, {transform_indices = @transform_4, window_bounds = array<i64: 1264, 64>}]} {
    %get3A = arith.constant 0 : index
    %get3A_0 = arith.constant 0 : index
    %get3A_1 = vector.load %arg2[%get3A, %get3A_0] : memref<1x64xf32, #tpu.memory_space<vmem>>, vector<1x32xf32>
    %tile3A = tpu.concatenate %get3A_1, %get3A_1, %get3A_1, %get3A_1 in 1 : vector<1x32xf32>, vector<1x32xf32>, vector<1x32xf32>, vector<1x32xf32> -> vector<1x128xf32>
    %get3A_2 = arith.constant 0 : index
    %get3A_3 = arith.constant 32 : index
    %get3A_4 = vector.load %arg2[%get3A_2, %get3A_3] : memref<1x64xf32, #tpu.memory_space<vmem>>, vector<1x32xf32>
    %tile3A_5 = tpu.concatenate %get3A_4, %get3A_4, %get3A_4, %get3A_4 in 1 : vector<1x32xf32>, vector<1x32xf32>, vector<1x32xf32>, vector<1x32xf32> -> vector<1x128xf32>
    %get3A_6 = arith.constant 0 : index
    %get3A_7 = arith.constant 0 : index
    %get3A_8 = arith.constant 0 : index
    %get3A_9 = vector.load %arg1[%get3A_6, %get3A_7, %get3A_8] : memref<2x1264x128xf32, #tpu.memory_space<vmem>>, vector<1x1264x128xf32>
    %get3A_10 = vector.shape_cast %get3A_9 : vector<1x1264x128xf32> to vector<1264x128xf32>
    %add3A = vector.broadcast %tile3A : vector<1x128xf32> to vector<1264x128xf32>
    %add3A_11 = arith.addf %get3A_10, %add3A : vector<1264x128xf32>
    %max3A = arith.constant 0.000000e+00 : f32
    %max3A_12 = vector.broadcast %max3A : f32 to vector<1264x128xf32>
    %max3A_13 = arith.maximumf %add3A_11, %max3A_12 : vector<1264x128xf32>
    %get3A_14 = arith.constant 1 : index
    %get3A_15 = arith.constant 0 : index
    %get3A_16 = arith.constant 0 : index
    %get3A_17 = vector.load %arg1[%get3A_14, %get3A_15, %get3A_16] : memref<2x1264x128xf32, #tpu.memory_space<vmem>>, vector<1x1264x128xf32>
    %get3A_18 = vector.shape_cast %get3A_17 : vector<1x1264x128xf32> to vector<1264x128xf32>
    %add3A_19 = vector.broadcast %tile3A_5 : vector<1x128xf32> to vector<1264x128xf32>
    %add3A_20 = arith.addf %get3A_18, %add3A_19 : vector<1264x128xf32>
    %max3A_21 = arith.constant 0.000000e+00 : f32
    %max3A_22 = vector.broadcast %max3A_21 : f32 to vector<1264x128xf32>
    %max3A_23 = arith.maximumf %add3A_20, %max3A_22 : vector<1264x128xf32>
    %get3A_24 = arith.constant 0 : index
    %get3A_25 = arith.constant 0 : index
    %get3A_26 = vector.load %arg3[%get3A_24, %get3A_25] : memref<128x64xf32, #tpu.memory_space<vmem>>, vector<128x64xf32>
    %dot_general3A = arith.constant dense<0.000000e+00> : vector<1264x64xf32>
    %dot_general3A_27 = tpu.matmul %max3A_13, %get3A_26, %dot_general3A {dimension_numbers = #tpu.dot_dimension_numbers<[1], [0], [0], [1], [0, 0, 1, 1], [], []>, transpose_lhs_hint = false} : vector<1264x128xf32>, vector<128x64xf32>, vector<1264x64xf32> -> vector<1264x64xf32>
    %get3A_28 = arith.constant 0 : index
    %get3A_29 = arith.constant 0 : index
    %get3A_30 = vector.load %arg4[%get3A_28, %get3A_29] : memref<128x64xf32, #tpu.memory_space<vmem>>, vector<128x64xf32>
    %dot_general3A_31 = arith.constant dense<0.000000e+00> : vector<1264x64xf32>
    %dot_general3A_32 = tpu.matmul %max3A_23, %get3A_30, %dot_general3A_31 {dimension_numbers = #tpu.dot_dimension_numbers<[1], [0], [0], [1], [0, 0, 1, 1], [], []>, transpose_lhs_hint = false} : vector<1264x128xf32>, vector<128x64xf32>, vector<1264x64xf32> -> vector<1264x64xf32>
    %add3A_33 = arith.addf %dot_general3A_27, %dot_general3A_32 : vector<1264x64xf32>
    %swap3A = arith.constant 0 : index
    %swap3A_34 = arith.constant 0 : index
    %swap3A_35 = vector.load %arg5[%swap3A, %swap3A_34] : memref<1264x64xf32, #tpu.memory_space<vmem>>, vector<1264x64xf32>
    tpu.vector_store %arg5[%swap3A, %swap3A_34], %add3A_33 {strides = array<i32>} : memref<1264x64xf32, #tpu.memory_space<vmem>>, vector<1264x64xf32>,
    return
  }
  func.func @transform_0(%arg0: i32) -> (i32, i32, i32) {
    %c0_i32 = arith.constant 0 : i32
    %c0_i32_0 = arith.constant 0 : i32
    %c0_i32_1 = arith.constant 0 : i32
    return %c0_i32, %arg0, %c0_i32_0 : i32, i32, i32
  }
  func.func @transform_1(%arg0: i32) -> (i32, i32) {
    %c0_i32 = arith.constant 0 : i32
    %c0_i32_0 = arith.constant 0 : i32
    %c0_i32_1 = arith.constant 0 : i32
    return %c0_i32, %c0_i32_0 : i32, i32
  }
  func.func @transform_2(%arg0: i32) -> (i32, i32) {
    %c0_i32 = arith.constant 0 : i32
    %c0_i32_0 = arith.constant 0 : i32
    %c0_i32_1 = arith.constant 0 : i32
    return %c0_i32, %c0_i32_0 : i32, i32
  }
  func.func @transform_3(%arg0: i32) -> (i32, i32) {
    %c0_i32 = arith.constant 0 : i32
    %c0_i32_0 = arith.constant 0 : i32
    %c0_i32_1 = arith.constant 0 : i32
    return %c0_i32, %c0_i32_0 : i32, i32
  }
  func.func @transform_4(%arg0: i32) -> (i32, i32) {
    %c0_i32 = arith.constant 0 : i32
    %c0_i32_0 = arith.constant 0 : i32
    return %arg0, %c0_i32 : i32, i32
  }
}

module attributes {stable_mosaic.version = 14 : i64} {
  func.func @body(%arg0: memref<2x1264x128xf32, #tpu.memory_space<vmem>>, %arg1: memref<1x16xf32, #tpu.memory_space<vmem>>, %arg2: memref<1x64xf32, #tpu.memory_space<vmem>>, %arg3: memref<64x16xf32, #tpu.memory_space<vmem>>, %arg4: memref<1x16xf32, #tpu.memory_space<vmem>>, %arg5: memref<4x32x16xf32, #tpu.memory_space<vmem>>, %arg6: memref<4x16xf32, #tpu.memory_space<vmem>>, %arg7: memref<4x16xf32, #tpu.memory_space<vmem>>, %arg8: memref<1x16xf32, #tpu.memory_space<vmem>>) attributes {dimension_semantics = [], scalar_prefetch = 0 : i64, scratch_operands = 0 : i64, tpu.core_type = #tpu.core_type<tc>} {
    %get3A = arith.constant 0 : index
    %get3A_0 = arith.constant 0 : index
    %get3A_1 = vector.load %arg1[%get3A, %get3A_0] : memref<1x16xf32, #tpu.memory_space<vmem>>, vector<1x16xf32>
    %tile3A = tpu.concatenate %get3A_1, %get3A_1, %get3A_1, %get3A_1, %get3A_1, %get3A_1, %get3A_1, %get3A_1 in 1 : vector<1x16xf32>, vector<1x16xf32>, vector<1x16xf32>, vector<1x16xf32>, vector<1x16xf32>, vector<1x16xf32>, vector<1x16xf32>, vector<1x16xf32> -> vector<1x128xf32>
    %get3A_2 = arith.constant 0 : index
    %get3A_3 = arith.constant 0 : index
    %get3A_4 = arith.constant 0 : index
    %get3A_5 = vector.load %arg0[%get3A_2, %get3A_3, %get3A_4] : memref<2x1264x128xf32, #tpu.memory_space<vmem>>, vector<1x1250x128xf32>
    %get3A_6 = vector.shape_cast %get3A_5 : vector<1x1250x128xf32> to vector<1250x128xf32>
    %get3A_7 = arith.constant 1 : index
    %get3A_8 = arith.constant 0 : index
    %get3A_9 = arith.constant 0 : index
    %get3A_10 = vector.load %arg0[%get3A_7, %get3A_8, %get3A_9] : memref<2x1264x128xf32, #tpu.memory_space<vmem>>, vector<1x1250x128xf32>
    %get3A_11 = vector.shape_cast %get3A_10 : vector<1x1250x128xf32> to vector<1250x128xf32>
    %add3A = arith.addf %get3A_6, %get3A_11 : vector<1250x128xf32>
    %add3A_12 = vector.broadcast %tile3A : vector<1x128xf32> to vector<1250x128xf32>
    %add3A_13 = arith.addf %add3A, %add3A_12 : vector<1250x128xf32>
    %max3A = arith.constant 0.000000e+00 : f32
    %max3A_14 = vector.broadcast %max3A : f32 to vector<1250x128xf32>
    %max3A_15 = arith.maximumf %add3A_13, %max3A_14 : vector<1250x128xf32>
    %reduce_sum3A = arith.constant dense<0.000000e+00> : vector<128xf32>
    %reduce_sum3A_16 = vector.multi_reduction <add>, %max3A_15, %reduce_sum3A [0] : vector<1250x128xf32> to vector<128xf32>
    %broadcast_in_dim3A = vector.shape_cast %reduce_sum3A_16 : vector<128xf32> to vector<1x128xf32>
    %slice3A = vector.extract_strided_slice %broadcast_in_dim3A {offsets = [0, 0], sizes = [1, 16], strides = [1, 1]} : vector<1x128xf32> to vector<1x16xf32>
    %slice3A_17 = vector.extract_strided_slice %broadcast_in_dim3A {offsets = [0, 16], sizes = [1, 16], strides = [1, 1]} : vector<1x128xf32> to vector<1x16xf32>
    %add3A_18 = arith.addf %slice3A, %slice3A_17 : vector<1x16xf32>
    %slice3A_19 = vector.extract_strided_slice %broadcast_in_dim3A {offsets = [0, 32], sizes = [1, 16], strides = [1, 1]} : vector<1x128xf32> to vector<1x16xf32>
    %add3A_20 = arith.addf %add3A_18, %slice3A_19 : vector<1x16xf32>
    %slice3A_21 = vector.extract_strided_slice %broadcast_in_dim3A {offsets = [0, 48], sizes = [1, 16], strides = [1, 1]} : vector<1x128xf32> to vector<1x16xf32>
    %add3A_22 = arith.addf %add3A_20, %slice3A_21 : vector<1x16xf32>
    %slice3A_23 = vector.extract_strided_slice %broadcast_in_dim3A {offsets = [0, 64], sizes = [1, 16], strides = [1, 1]} : vector<1x128xf32> to vector<1x16xf32>
    %add3A_24 = arith.addf %add3A_22, %slice3A_23 : vector<1x16xf32>
    %slice3A_25 = vector.extract_strided_slice %broadcast_in_dim3A {offsets = [0, 80], sizes = [1, 16], strides = [1, 1]} : vector<1x128xf32> to vector<1x16xf32>
    %add3A_26 = arith.addf %add3A_24, %slice3A_25 : vector<1x16xf32>
    %slice3A_27 = vector.extract_strided_slice %broadcast_in_dim3A {offsets = [0, 96], sizes = [1, 16], strides = [1, 1]} : vector<1x128xf32> to vector<1x16xf32>
    %add3A_28 = arith.addf %add3A_26, %slice3A_27 : vector<1x16xf32>
    %slice3A_29 = vector.extract_strided_slice %broadcast_in_dim3A {offsets = [0, 112], sizes = [1, 16], strides = [1, 1]} : vector<1x128xf32> to vector<1x16xf32>
    %add3A_30 = arith.addf %add3A_28, %slice3A_29 : vector<1x16xf32>
    %mul3A = arith.constant 9.99999974E-5 : f32
    %mul3A_31 = vector.broadcast %mul3A : f32 to vector<1x16xf32>
    %mul3A_32 = arith.mulf %add3A_30, %mul3A_31 : vector<1x16xf32>
    %gt3A = arith.constant 0.000000e+00 : f32
    %gt3A_33 = vector.broadcast %gt3A : f32 to vector<1x16xf32>
    %gt3A_34 = arith.cmpf ogt, %mul3A_32, %gt3A_33 : vector<1x16xf32>
    %exp3A = math.exp %mul3A_32 : vector<1x16xf32>
    %sub3A = arith.constant 1.000000e+00 : f32
    %sub3A_35 = vector.broadcast %sub3A : f32 to vector<1x16xf32>
    %sub3A_36 = arith.subf %exp3A, %sub3A_35 : vector<1x16xf32>
    %mul3A_37 = arith.constant 1.67326319 : f32
    %mul3A_38 = vector.broadcast %mul3A_37 : f32 to vector<1x16xf32>
    %mul3A_39 = arith.mulf %mul3A_38, %sub3A_36 : vector<1x16xf32>
    %select_n3A = arith.select %gt3A_34, %mul3A_32, %mul3A_39 : vector<1x16xi1>, vector<1x16xf32>
    %mul3A_40 = arith.constant 1.05070102 : f32
    %mul3A_41 = vector.broadcast %mul3A_40 : f32 to vector<1x16xf32>
    %mul3A_42 = arith.mulf %mul3A_41, %select_n3A : vector<1x16xf32>
    %get3A_43 = arith.constant 0 : index
    %get3A_44 = arith.constant 0 : index
    %get3A_45 = vector.load %arg2[%get3A_43, %get3A_44] : memref<1x64xf32, #tpu.memory_space<vmem>>, vector<1x64xf32>
    %get3A_46 = arith.constant 0 : index
    %get3A_47 = arith.constant 0 : index
    %get3A_48 = vector.load %arg3[%get3A_46, %get3A_47] : memref<64x16xf32, #tpu.memory_space<vmem>>, vector<64x16xf32>
    %dot_general3A = arith.constant dense<0.000000e+00> : vector<1x16xf32>
    %dot_general3A_49 = tpu.matmul %get3A_45, %get3A_48, %dot_general3A {dimension_numbers = #tpu.dot_dimension_numbers<[1], [0], [0], [1], [0, 0, 1, 1], [], []>, transpose_lhs_hint = false} : vector<1x64xf32>, vector<64x16xf32>, vector<1x16xf32> -> vector<1x16xf32>
    %get3A_50 = arith.constant 0 : index
    %get3A_51 = arith.constant 0 : index
    %get3A_52 = vector.load %arg4[%get3A_50, %get3A_51] : memref<1x16xf32, #tpu.memory_space<vmem>>, vector<1x16xf32>
    %add3A_53 = arith.addf %dot_general3A_49, %get3A_52 : vector<1x16xf32>
    %concatenate3A = tpu.concatenate %mul3A_42, %add3A_53 in 1 : vector<1x16xf32>, vector<1x16xf32> -> vector<1x32xf32>
    %get3A_54 = arith.constant 0 : index
    %get3A_55 = arith.constant 0 : index
    %get3A_56 = arith.constant 0 : index
    %get3A_57 = vector.load %arg5[%get3A_54, %get3A_55, %get3A_56] : memref<4x32x16xf32, #tpu.memory_space<vmem>>, vector<1x32x16xf32>
    %get3A_58 = vector.shape_cast %get3A_57 : vector<1x32x16xf32> to vector<32x16xf32>
    %dot_general3A_59 = arith.constant dense<0.000000e+00> : vector<1x16xf32>
    %dot_general3A_60 = tpu.matmul %concatenate3A, %get3A_58, %dot_general3A_59 {dimension_numbers = #tpu.dot_dimension_numbers<[1], [0], [0], [1], [0, 0, 1, 1], [], []>, transpose_lhs_hint = false} : vector<1x32xf32>, vector<32x16xf32>, vector<1x16xf32> -> vector<1x16xf32>
    %get3A_61 = arith.constant 0 : index
    %get3A_62 = arith.constant 0 : index
    %get3A_63 = vector.load %arg6[%get3A_61, %get3A_62] : memref<4x16xf32, #tpu.memory_space<vmem>>, vector<1x16xf32>
    %add3A_64 = arith.addf %dot_general3A_60, %get3A_63 : vector<1x16xf32>
    %get3A_65 = arith.constant 1 : index
    %get3A_66 = arith.constant 0 : index
    %get3A_67 = arith.constant 0 : index
    %get3A_68 = vector.load %arg5[%get3A_65, %get3A_66, %get3A_67] : memref<4x32x16xf32, #tpu.memory_space<vmem>>, vector<1x32x16xf32>
    %get3A_69 = vector.shape_cast %get3A_68 : vector<1x32x16xf32> to vector<32x16xf32>
    %dot_general3A_70 = arith.constant dense<0.000000e+00> : vector<1x16xf32>
    %dot_general3A_71 = tpu.matmul %concatenate3A, %get3A_69, %dot_general3A_70 {dimension_numbers = #tpu.dot_dimension_numbers<[1], [0], [0], [1], [0, 0, 1, 1], [], []>, transpose_lhs_hint = false} : vector<1x32xf32>, vector<32x16xf32>, vector<1x16xf32> -> vector<1x16xf32>
    %get3A_72 = arith.constant 1 : index
    %get3A_73 = arith.constant 0 : index
    %get3A_74 = vector.load %arg6[%get3A_72, %get3A_73] : memref<4x16xf32, #tpu.memory_space<vmem>>, vector<1x16xf32>
    %add3A_75 = arith.addf %dot_general3A_71, %get3A_74 : vector<1x16xf32>
    %get3A_76 = arith.constant 2 : index
    %get3A_77 = arith.constant 0 : index
    %get3A_78 = arith.constant 0 : index
    %get3A_79 = vector.load %arg5[%get3A_76, %get3A_77, %get3A_78] : memref<4x32x16xf32, #tpu.memory_space<vmem>>, vector<1x32x16xf32>
    %get3A_80 = vector.shape_cast %get3A_79 : vector<1x32x16xf32> to vector<32x16xf32>
    %dot_general3A_81 = arith.constant dense<0.000000e+00> : vector<1x16xf32>
    %dot_general3A_82 = tpu.matmul %concatenate3A, %get3A_80, %dot_general3A_81 {dimension_numbers = #tpu.dot_dimension_numbers<[1], [0], [0], [1], [0, 0, 1, 1], [], []>, transpose_lhs_hint = false} : vector<1x32xf32>, vector<32x16xf32>, vector<1x16xf32> -> vector<1x16xf32>
    %get3A_83 = arith.constant 2 : index
    %get3A_84 = arith.constant 0 : index
    %get3A_85 = vector.load %arg6[%get3A_83, %get3A_84] : memref<4x16xf32, #tpu.memory_space<vmem>>, vector<1x16xf32>
    %add3A_86 = arith.addf %dot_general3A_82, %get3A_85 : vector<1x16xf32>
    %get3A_87 = arith.constant 3 : index
    %get3A_88 = arith.constant 0 : index
    %get3A_89 = arith.constant 0 : index
    %get3A_90 = vector.load %arg5[%get3A_87, %get3A_88, %get3A_89] : memref<4x32x16xf32, #tpu.memory_space<vmem>>, vector<1x32x16xf32>
    %get3A_91 = vector.shape_cast %get3A_90 : vector<1x32x16xf32> to vector<32x16xf32>
    %dot_general3A_92 = arith.constant dense<0.000000e+00> : vector<1x16xf32>
    %dot_general3A_93 = tpu.matmul %concatenate3A, %get3A_91, %dot_general3A_92 {dimension_numbers = #tpu.dot_dimension_numbers<[1], [0], [0], [1], [0, 0, 1, 1], [], []>, transpose_lhs_hint = false} : vector<1x32xf32>, vector<32x16xf32>, vector<1x16xf32> -> vector<1x16xf32>
    %get3A_94 = arith.constant 3 : index
    %get3A_95 = arith.constant 0 : index
    %get3A_96 = vector.load %arg6[%get3A_94, %get3A_95] : memref<4x16xf32, #tpu.memory_space<vmem>>, vector<1x16xf32>
    %add3A_97 = arith.addf %dot_general3A_93, %get3A_96 : vector<1x16xf32>
    %concatenate3A_98 = tpu.concatenate %add3A_64, %add3A_75, %add3A_86, %add3A_97 in 0 : vector<1x16xf32>, vector<1x16xf32>, vector<1x16xf32>, vector<1x16xf32> -> vector<4x16xf32>
    %get3A_99 = arith.constant 0 : index
    %get3A_100 = arith.constant 0 : index
    %get3A_101 = vector.load %arg7[%get3A_99, %get3A_100] : memref<4x16xf32, #tpu.memory_space<vmem>>, vector<4x16xf32>
    %mul3A_102 = arith.mulf %concatenate3A_98, %get3A_101 : vector<4x16xf32>
    %reduce_sum3A_103 = arith.constant dense<0.000000e+00> : vector<4xf32>
    %reduce_sum3A_104 = vector.multi_reduction <add>, %mul3A_102, %reduce_sum3A_103 [1] : vector<4x16xf32> to vector<4xf32>
    %broadcast_in_dim3A_105 = vector.shape_cast %reduce_sum3A_104 : vector<4xf32> to vector<4x1xf32>
    %reduce_max3A = arith.constant dense<0xFF800000> : vector<1xf32>
    %reduce_max3A_106 = vector.multi_reduction <maximumf>, %broadcast_in_dim3A_105, %reduce_max3A [0] : vector<4x1xf32> to vector<1xf32>
    %broadcast_in_dim3A_107 = vector.shape_cast %reduce_max3A_106 : vector<1xf32> to vector<1x1xf32>
    %sub3A_108 = vector.broadcast %broadcast_in_dim3A_107 : vector<1x1xf32> to vector<4x1xf32>
    %sub3A_109 = arith.subf %broadcast_in_dim3A_105, %sub3A_108 : vector<4x1xf32>
    %exp3A_110 = math.exp %sub3A_109 : vector<4x1xf32>
    %reduce_sum3A_111 = arith.constant dense<0.000000e+00> : vector<1xf32>
    %reduce_sum3A_112 = vector.multi_reduction <add>, %exp3A_110, %reduce_sum3A_111 [0] : vector<4x1xf32> to vector<1xf32>
    %broadcast_in_dim3A_113 = vector.shape_cast %reduce_sum3A_112 : vector<1xf32> to vector<1x1xf32>
    %div3A = vector.broadcast %broadcast_in_dim3A_113 : vector<1x1xf32> to vector<4x1xf32>
    %div3A_114 = arith.divf %exp3A_110, %div3A : vector<4x1xf32>
    %mul3A_115 = vector.broadcast %div3A_114 : vector<4x1xf32> to vector<4x16xf32>
    %mul3A_116 = arith.mulf %mul3A_115, %concatenate3A_98 : vector<4x16xf32>
    %reduce_sum3A_117 = arith.constant dense<0.000000e+00> : vector<16xf32>
    %reduce_sum3A_118 = vector.multi_reduction <add>, %mul3A_116, %reduce_sum3A_117 [0] : vector<4x16xf32> to vector<16xf32>
    %broadcast_in_dim3A_119 = vector.shape_cast %reduce_sum3A_118 : vector<16xf32> to vector<1x16xf32>
    %reduce_max3A_120 = arith.constant dense<0xFF800000> : vector<1xf32>
    %reduce_max3A_121 = vector.multi_reduction <maximumf>, %broadcast_in_dim3A_119, %reduce_max3A_120 [1] : vector<1x16xf32> to vector<1xf32>
    %broadcast_in_dim3A_122 = vector.shape_cast %reduce_max3A_121 : vector<1xf32> to vector<1x1xf32>
    %sub3A_123 = vector.broadcast %broadcast_in_dim3A_122 : vector<1x1xf32> to vector<1x16xf32>
    %sub3A_124 = arith.subf %broadcast_in_dim3A_119, %sub3A_123 : vector<1x16xf32>
    %exp3A_125 = math.exp %sub3A_124 : vector<1x16xf32>
    %reduce_sum3A_126 = arith.constant dense<0.000000e+00> : vector<1xf32>
    %reduce_sum3A_127 = vector.multi_reduction <add>, %exp3A_125, %reduce_sum3A_126 [1] : vector<1x16xf32> to vector<1xf32>
    %broadcast_in_dim3A_128 = vector.shape_cast %reduce_sum3A_127 : vector<1xf32> to vector<1x1xf32>
    %log3A = math.log %broadcast_in_dim3A_128 : vector<1x1xf32>
    %add3A_129 = arith.addf %log3A, %broadcast_in_dim3A_122 : vector<1x1xf32>
    %sub3A_130 = vector.broadcast %add3A_129 : vector<1x1xf32> to vector<1x16xf32>
    %sub3A_131 = arith.subf %broadcast_in_dim3A_119, %sub3A_130 : vector<1x16xf32>
    %swap3A = arith.constant 0 : index
    %swap3A_132 = arith.constant 0 : index
    %swap3A_133 = vector.load %arg8[%swap3A, %swap3A_132] : memref<1x16xf32, #tpu.memory_space<vmem>>, vector<1x16xf32>
    tpu.vector_store %arg8[%swap3A, %swap3A_132], %sub3A_131 {strides = array<i32>} : memref<1x16xf32, #tpu.memory_space<vmem>>, vector<1x16xf32>,
    return
  }
}

</mosaic_0001>

<sc_bundles>
// kernel: kernel.10.cloned.1.call-start
scs
__scs_entry_jumppad:
0x0: {  	(pc) =	sbr.rel $0x88, $3  }
0x1: {  	(tag) =	ssettag $0x0;
	lr =	simm.s32 $0x1  }
0x2: {  	[smem:$0x3F95] =	sst lr;
	_ =	strace $0xD0000000  }
0x3: {  	_ = 	snop  }
0x4: {  	_ = 	snop  }
0x5: {  	_ = 	snop  }
0x6: {  	_ = 	snop  }
0x7: {  	_ = 	snop  }
__scs_overlays_trampoline_lowered:
0x8: {  	[smem:$0x3FA4] =	sst s0  }
0x9: {  	[smem:$0x3FA5] =	sst s1  }
0xa: {  	[smem:$0x3FA6] =	sst s2  }
0xb: {  	[smem:$0x3FA7] =	sst s3  }
0xc: {  	[smem:$0x3FA8] =	sst s4  }
0xd: {  	[smem:$0x3FA9] =	sst s5  }
0xe: {  	[smem:$0x3FAA] =	sst s6  }
0xf: {  	[smem:$0x3FAB] =	sst s7  }
0x10: {  	[smem:$0x3FAC] =	sst s8  }
0x11: {  	[smem:$0x3FAD] =	sst s9;
	s0 =	simm.s32 @!p0 $0x0  }
0x12: {  	s1 =	sld [smem:$0x3F93];
	s0 =	simm.s32 @p0 $0x1  }
0x13: {  	[smem:$0x3FAE] =	sst s0;
	s0 =	simm.s32 @!p1 $0x0  }
0x14: {  	s2 =	sld [smem:$0x3F92];
	s0 =	simm.s32 @p1 $0x1  }
0x15: {  	[smem:$0x3FAF] =	sst s0;
	s0 =	simm.s32 @!p2 $0x0  }
0x16: {  	s3 =	sld [smem:$0x3FDB];
	s0 =	simm.s32 @p2 $0x1  }
0x17: {  	s4 =	simm.s32 $0x1BF5;
	[smem:$0x3FB1] =	sst s0  }
0x18: {  	s0 =	sld [smem:$0x3F94];
	_ =	swait.ge [sflag:s4], $0x0  }
0x19: {  	s7 =	sld [smem:$0x3F95]  }
0x1a: {  	s8 =	sadd.s32 $0xFFFFE003, lr  }
0x1b: {  	s9 =	sadd.s32 $0xFFFFFEF7, lr;
	s5 =	simm.s32 $0xFFFFFFFF;
	p2 =	slt.u32 s8, $0xFFFFF086  }
0x1c: {  	p1 =	slt.u32 s9, $0xF7A;
	s5 =	simm.s32 @!p2 $0x0  }
0x1d: {  	s5 =	simm.s32 @p1 $0x1;
	p0 =	seq.s32 s7, s2  }
0x1e: {  	s7 =	smul.u32 @!p0 $0xF7A, s2;
	p2 =	seq.s32 @!p0 s5, $0x0  }
0x1f: {  	s9 =	smul.u32 $0xF7A, s1;
	s8 =	simm.s32 @!p0 $0x1BF5;
	p2 =	por !p2, p0  }
0x20: {  	[sflag:s8] =	ssyncset.s32 @!p0 $0xFFFFF086;
	s6 =	sadd.s32 @!p0 s3, s7;
	s7 =	simm.s32 @!p0 $0x108  }
0x21: {  	s3 =	sadd.s32 s3, s9;
	s6 =	sadd.s32 @!p0 $0x88, s6;
	s7 =	simm.s32 @p2 $0x1082  }
0x22: {  	[simem:s7], [sflag:s8] =	dma.local @!p0 [hbm:s6], $0xF7A  }
0x23: {  	s9 =	sor.u32 $0xD0000000, s2;
	s6 =	simm.s32 $0x108;
	_ =	swait.ge @!p0 [sflag:s8], $0x0  }
0x24: {  	s3 =	sadd.s32 $0x88, s3;
	s6 =	simm.s32 @!p1 $0x1082;
	[sflag:s4] =	ssyncset.s32 $0xFFFFF086  }
0x25: {  	[simem:s6], [sflag:s4] =	dma.local [hbm:s3], $0xF7A  }
0x26: {  	[smem:$0x3F95] =	sst s1;
	(tag) =	ssettag s2;
	_ =	strace s9  }
0x27: {  	s1 =	sld [smem:$0x3FA5]  }
0x28: {  	s2 =	sld [smem:$0x3FA6]  }
0x29: {  	s4 =	sld [smem:$0x3FA8]  }
0x2a: {  	p0 =	seq.s32 s5, $0x0;
	s5 =	sld [smem:$0x3FA9]  }
0x2b: {  	s6 =	sld [smem:$0x3FAA]  }
0x2c: {  	s7 =	sld [smem:$0x3FAB]  }
0x2d: {  	s3 =	simm.s32 $0x108;
	s8 =	sld [smem:$0x3FAC]  }
0x2e: {  	s3 =	simm.s32 @!p0 $0x1082;
	s9 =	sld [smem:$0x3FAD]  }
0x2f: {  	lr =	sadd.s32 s0, s3;
	s0 =	sld [smem:$0x3FA4]  }
0x30: {  	s3 =	sld [smem:$0x3FA7]  }
0x31: {  	[smem:$0x3FB0] =	sst s10  }
0x32: {  	s10 =	sld [smem:$0x3FAE];
	_ =	sdelay $0x3  }
0x33: {  	p0 =	seq.s32 s10, $0x1;
	s10 =	sld [smem:$0x3FB0];
	_ =	sdelay $0x3  }
0x34: {  	[smem:$0x3FB0] =	sst s10  }
0x35: {  	s10 =	sld [smem:$0x3FAF];
	_ =	sdelay $0x3  }
0x36: {  	p1 =	seq.s32 s10, $0x1;
	s10 =	sld [smem:$0x3FB0];
	_ =	sdelay $0x3  }
0x37: {  	[smem:$0x3FB0] =	sst s10  }
0x38: {  	s10 =	sld [smem:$0x3FB1]  }
0x39: {  	_ = 	snop;
	(pc) =	sbr.ind lr, $3  }
0x3a: {  	_ = 	snop  }
0x3b: {  	_ = 	snop  }
0x3c: {  	p2 =	seq.s32 s10, $0x1;
	s10 =	sld [smem:$0x3FB0]  }
0x3d: {  	_ =	shalt  }
0x3e: {  	_ =	shalt  }
0x3f: {  	_ =	shalt  }
0x40: {  	_ =	shalt  }
0x41: {  	_ =	shalt  }
0x42: {  	_ =	shalt  }
0x43: {  	_ =	shalt  }
0x44: {  	_ =	shalt  }
0x45: {  	_ =	shalt  }
0x46: {  	_ =	shalt  }
0x47: {  	_ =	shalt  }
0x48: {  	_ =	shalt  }
0x49: {  	_ =	shalt  }
0x4a: {  	_ =	shalt  }
0x4b: {  	_ =	shalt  }
0x4c: {  	_ =	shalt  }
0x4d: {  	_ =	shalt  }
0x4e: {  	_ =	shalt  }
0x4f: {  	_ =	shalt  }
0x50: {  	_ =	shalt  }
0x51: {  	_ =	shalt  }
0x52: {  	_ =	shalt  }
0x53: {  	_ =	shalt  }
0x54: {  	_ =	shalt  }
0x55: {  	_ =	shalt  }
0x56: {  	_ =	shalt  }
0x57: {  	_ =	shalt  }
0x58: {  	_ =	shalt  }
0x59: {  	_ =	shalt  }
0x5a: {  	_ =	shalt  }
0x5b: {  	_ =	shalt  }
0x5c: {  	_ =	shalt  }
0x5d: {  	_ =	shalt  }
0x5e: {  	_ =	shalt  }
0x5f: {  	_ =	shalt  }
0x60: {  	_ =	shalt  }
0x61: {  	_ =	shalt  }
0x62: {  	_ =	shalt  }
0x63: {  	_ =	shalt  }
0x64: {  	_ =	shalt  }
0x65: {  	_ =	shalt  }
0x66: {  	_ =	shalt  }
0x67: {  	_ =	shalt  }
0x68: {  	_ =	shalt  }
0x69: {  	_ =	shalt  }
0x6a: {  	_ =	shalt  }
0x6b: {  	_ =	shalt  }
0x6c: {  	_ =	shalt  }
0x6d: {  	_ =	shalt  }
0x6e: {  	_ =	shalt  }
0x6f: {  	_ =	shalt  }
0x70: {  	_ =	shalt  }
0x71: {  	_ =	shalt  }
0x72: {  	_ =	shalt  }
0x73: {  	_ =	shalt  }
0x74: {  	_ =	shalt  }
0x75: {  	_ =	shalt  }
0x76: {  	_ =	shalt  }
0x77: {  	_ =	shalt  }
0x78: {  	_ =	shalt  }
0x79: {  	_ =	shalt  }
0x7a: {  	_ =	shalt  }
0x7b: {  	_ =	shalt  }
0x7c: {  	_ =	shalt  }
0x7d: {  	_ =	shalt  }
0x7e: {  	_ =	shalt  }
0x7f: {  	_ =	shalt  }
0x80: {  	_ =	shalt  }
0x81: {  	_ =	shalt  }
0x82: {  	_ =	shalt  }
0x83: {  	_ =	shalt  }
0x84: {  	_ =	shalt  }
0x85: {  	_ =	shalt  }
0x86: {  	_ =	shalt  }
0x87: {  	_ =	shalt  }
.Lfunc_end0:
.L_simem_size_0:
called_computation.1_lowered:
.L_overlay_start_0:
0x88: {  	s2 =	sld [smem:$0x3FD9]  }
0x89: {  	s3 =	sld [smem:$0x3FFE];
	_ =	sdelay $0x1  }
0x8a: {  	s1 =	srdreg.scid  }
0x8b: {  	s0 =	sand.u32 $0x1, s1  }
0x8c: {  	s16 =	sshll.u32 s0, $0xA;
	s2 =	sadd.s32 s3, s2  }
0x8d: {  	s2 =	sadd.s32 s2, s16  }
0x8e: {  	[smem:$0x3FBC] =	sst s2  }
0x8f: {  	_ = 	snop  }
0x90: {  	(tm) =	ssettm $0x1  }
0x91: {  	s17 =	sld [smem:$0x3FFB];
	_ =	sdelay $0x3  }
0x92: {  	_ =	strace s17  }
0x93: {  	s2 =	sld [smem:$0x3FFC];
	_ =	sdelay $0x3  }
0x94: {  	_ =	strace s2  }
0x95: {  	s2 =	sld [smem:$0x3FFD];
	_ =	sdelay $0x3  }
0x96: {  	_ =	strace s2  }
0x97: {  	_ =	strace $0x8FFFFFFF  }
0x98: {  	s18 =	sld [smem:$0x3FDB];
	_ =	sdelay $0x1  }
0x99: {  	s19 =	simm.s32 $_scs_section_size  }
0x9a: {  	s4 =	simm.s32 $_size__tile_overlayer_lowered;
	s5 =	simm.s32 $_tile_overlayer_lowered  }
0x9b: {  	s22 =	simm.s32 $0x1BFF;
	s21 =	sshll.u32 s5, $0x1;
	s2 =	sadd.s32 s19, s18  }
0x9c: {  	s6 =	simm.s32 $0x0;
	s20 =	sshll.u32 s4, $0x1;
	s4 =	sadd.s32 s21, s2  }
0x9d: {  	[timem:s6], [sflag:s22] =	dma.local [hbm:s4], s20  }
0x9e: {  	_ =	swait.ge [sflag:s22], s20  }
0x9f: {  	s3 =	ssub.s32 $0x0, s20;
	[sflag:s22] =	ssyncset.done $0x0  }
0xa0: {  	[sflag:s22] =	ssyncadd.s32 s3;
	_ =	sdelay $0x1  }
0xa1: {  	s23 =	simm.s32 $0x1B8B  }
0xa2: {  	_ =	swait.ge [sflag:s23], $0x1  }
0xa3: {  	[sflag:s23] =	ssyncset.done $0x0  }
0xa4: {  	s25 =	simm.s32 $0x1B8E;
	s24 =	sld [smem:$0x3FFE];
	[sflag:s23] =	ssyncadd.s32 $0xFFFFFFFF  }
0xa5: {  	s26 =	simm.s32 $execute0_lowered;
	[smem:$0x3FD2] =	sst s25  }
0xa6: {  	s4 =	sshll.u32 s26, $0x1;
	_ =	strace $0x80000049;
	[dreg:$0x1] =	wrdreg $0xFFFFFFFF  }
0xa7: {  	s28 =	simm.s32 $_size_execute0_lowered;
	s2 =	sadd.s32 s2, s4;
	[dreg:$0x0] =	wrdreg $0x0  }
0xa8: {  	s4 =	sshll.u32 s28, $0x1;
	[dreg:$0x2] =	wrdreg s2  }
0xa9: {  	[dreg:$0x3] =	wrdreg s4  }
0xaa: {  	[dreg:$0x4] =	wrdreg $0xC0  }
0xab: {  	_ =	task [dreg:s6], $0x5FFFF  }
0xac: {  	[dreg:$0x1] =	wrdreg $0xFFFFFFFF  }
0xad: {  	[dreg:$0x0] =	wrdreg $0x60  }
0xae: {  	[dreg:$0x2] =	wrdreg s24  }
0xaf: {  	[dreg:$0x3] =	wrdreg $0x94000  }
0xb0: {  	[dreg:$0x4] =	wrdreg $0xBB800  }
0xb1: {  	[dreg:$0x5] =	wrdreg $0x9  }
0xb2: {  	_ =	task.clear_ibuf [dreg:s6], $0x6FFFF;
	_ =	strace $0x90000049  }
0xb3: {  	s29 =	simm.s32 $0x9;
	_ =	strace $0x8000004B  }
0xb4: {  	_ =	swait.ge [sflag:s29], $0x1  }
0xb5: {  	[sflag:s29] =	ssyncadd.s32 $0xFFFFFFFF  }
0xb6: {  	_ =	strace $0x9000004B  }
0xb7: {  	_ =	sfence  }
0xb8: {  	s30 =	sld [smem:$0x0];
	_ =	sdelay $0x2  }
0xb9: {  	s31 =	sshll.u32 s1, $0xD;
	s1 =	sshrl.u32 s1, $0x2  }
0xba: {  	s3 =	sand.u32 $0x4000, s31;
	s1 =	sadd.s32 s1, s30  }
0xbb: {  	s0 =	sor.u32 s3, s0;
	s1 =	sshll.u32 s1, $0x11  }
0xbc: {  	s0 =	sor.u32 s1, s0  }
0xbd: {  	s0 =	sadd.s32 $0x8F2B, s0  }
0xbe: {  	[sflag:s0] =	ssyncadd.remote.s32 $0x1  }
0xbf: {  	_ =	sfence.sel $0xFFFF  }
0xc0: {  	[dreg:$0x0] =	wrdreg $0xFFFFFFFF;
	(pc) =	sbr.abs _section_cstart, $3  }
0xc1: {  	[dreg:$0x1] =	wrdreg $0xFFFFFFFF  }
0xc2: {  	_ =	task.clear_ibuf [dreg:s6], $0x2FFFF;
	_ =	strace $0x9FFFFFFF  }
0xc3: {  	(tm) =	ssettm $0x7FFFFFFF  }
tec
execute0_lowered:
.L_overlay_start_1:
0x0: {  	(tag) =	ssettag $0x1  }
0x1: {  	s0 =	rddreg [dreg:$0x0]  }
0x2: {  	s2 =	rddreg [dreg:$0x1]  }
0x3: {  	s3 =	rddreg [dreg:$0x2];
	s12 =	stileid.u32  }
0x4: {  	s1 =	srdreg.scid;
	s6 =	simm.s32 $0x0;
	s28 =	simm.s32 $0xA  }
0x5: {  	s29 =	simm.s32 $0x80;
	s30 =	simm.s32 $0x5400;
	s31 =	simm.s32 $0x5C00  }
0x6: {  	s13 =	simm.s32 $0x6;
	s1 =	sand.u32 $0x1, s1;
	s5 =	smul.u32 $0x2710, s12  }
0x7: {  	s4 =	sshll.u32 s12, $0x1;
	[smem:$0x7FF] =	sst s6;
	s8 =	smul.u32 $0x13C0, s12  }
0x8: {  	s10 =	sadd.s32 $0x2A400, s0;
	s15 =	smul.u32 $0x2780, s12;
	s23 =	sshll.u32 s12, $0x6  }
0x9: {  	s21 =	sadd.s32 $0x1FE00, s0;
	s22 =	sadd.s32 $0x29A40, s0;
	s12 =	simm.s32 $0x5  }
0xa: {  	s4 =	sor.u32 s1, s4;
	_ =	strace $0x8000004A;
	[dreg:$0x4] =	wrdreg s10  }
0xb: {  	s9 =	smul.u32 $0x4F00, s1;
	s1 =	ssub.s32 $0x2, s1;
	[dreg:$0xd] =	wrdreg s21  }
0xc: {  	s17 =	sor.u32 $0x1C09, s23;
	[dreg:$0xe] =	wrdreg s22;
	s21 =	simm.s32 $0x8  }
0xd: {  	s10 =	simm.s32 $0x4;
	s22 =	simm.s32 $0xF;
	[dreg:$0x5] =	wrdreg s23  }
0xe: {  	s14 =	smul.u32 $0x2800, s4;
	s7 =	sshrl.u32 s5, $0x3;
	s8 =	sadd.s32 s8, s0  }
0xf: {  	s11 =	sshrl.u32 s1, $0x1;
	s16 =	sadd.s32 s15, s2;
	[dreg:$0x7] =	wrdreg s17  }
0x10: {  	s5 =	sadd.s32 s5, s3;
	s25 =	sshrl.u32 s15, $0x3;
	p0 =	seq.s32 s4, $0x1F  }
0x11: {  	s15 =	simm.s32 $0xB;
	s17 =	simm.s32 $0xD;
	s7 =	sadd.s32 s7, s0  }
0x12: {  	s9 =	sadd.s32 s9, s0;
	s1 =	ssub.s32 s1, s11;
	s8 =	sadd.s32 $0x2AC00, s8  }
0x13: {  	s26 =	sshrl.u32 s5, $0x3;
	s5 =	simm.s32 $0x7400;
	s11 =	simm.s32 $0x8C00  }
0x14: {  	s6 =	sshrl.u32 s14, $0x3;
	[dreg:$0x6] =	wrdreg s8;
	s7 =	sadd.s32 $0x2800, s7  }
0x15: {  	s24 =	sadd.s32 $0x7800, s9;
	s1 =	smax.u32 s1, $0x1;
	[dreg:$0x12] =	wrdreg s26  }
0x16: {  	s26 =	simm.s32 $0x9;
	s8 =	simm.s32 $0x3;
	s9 =	simm.s32 $0x8400  }
0x17: {  	s14 =	simm.s32 $0x7;
	s6 =	sadd.s32 s6, s0;
	[dreg:$0x8] =	wrdreg s7  }
0x18: {  	s0 =	sadd.s32 $0x2A800, s0;
	[dreg:$0x10] =	wrdreg s1;
	s1 =	simm.s32 $0x6400  }
0x19: {  	s7 =	simm.s32 $0x7C00;
	s18 =	sadd.s32 $0x16200, s6;
	[dreg:$0xf] =	wrdreg s0  }
0x1a: {  	s19 =	sadd.s32 $0x1FE40, s6;
	s20 =	sadd.s32 $0x16300, s6;
	[dreg:$0x9] =	wrdreg s18  }
0x1b: {  	s6 =	sadd.s32 $0x1FF40, s6;
	s0 =	sadd.s32 s25, s24;
	[dreg:$0xa] =	wrdreg s19  }
0x1c: {  	s25 =	simm.s32 $0xE;
	s24 =	simm.s32 $0x10;
	[dreg:$0xb] =	wrdreg s20  }
0x1d: {  	[dreg:$0xc] =	wrdreg s6;
	s18 =	sshrl.u32 s16, $0x3;
	s19 =	simm.s32 $0x1  }
0x1e: {  	s20 =	simm.s32 $0x2;
	[dreg:$0x13] =	wrdreg s0;
	s0 =	simm.s32 $0x6C00  }
0x1f: {  	s16 =	simm.s32 $0xC;
	s6 =	simm.s32 $0x0;
	[dreg:$0x11] =	wrdreg s18  }
.LBB2_1:
0x20: {  	[dreg:$0x14] =	wrdreg s6  }
0x21: {  	s4 =	rddreg [dreg:$0x6]  }
0x22: {  	s6 =	rddreg [dreg:$0x7]  }
0x23: {  	[spmem:s18@s20], [sflag:s6] =	dma.strided [hbm:s4@s21], $0x4F0, s19, $0x2   }
0x24: {  	s4 =	rddreg [dreg:$0x8]  }
0x25: {  	s23 =	sor.u32 $0x1C0A, s23;
	s18 =	rddreg [dreg:$0x12]  }
0x26: {  	[spmem:s18], [sflag:s23] =	dma.local [hbm:s4], $0x4E2  }
0x27: {  	s6 =	simm.s32 $0x0;
	s18 =	simm.s32 $0x13;
	s4 =	rddreg [dreg:$0x9]  }
0x28: {  	[tilespmem:s6], [sflag:$0x13] =	stream.linear.gather [hbm4b:s4+s6], $0x800, $0x38;
	[tilespmem:$0xE290] =	vst v63  }
0x29: {  	_ =	swait.ge [sflag:s18], $0x800  }
0x2a: {  	[sflag:s18] =	ssyncset.done $0x0  }
0x2b: {  	s23 =	simm.s32 $0x2A00;
	s4 =	rddreg [dreg:$0xa];
	[sflag:s18] =	ssyncadd.s32 $0xFFFFF800  }
0x2c: {  	[tilespmem:s23], [sflag:$0x13] =	stream.linear.gather [hbm4b:s4+s6], $0x800, $0x38;
	[tilespmem:$0xE290] =	vst v63  }
0x2d: {  	_ =	swait.ge [sflag:s18], $0x800  }
0x2e: {  	s6 =	simm.s32 @p0 $0x0;
	[sflag:s18] =	ssyncset.done $0x0  }
0x2f: {  	s4 =	rddreg [dreg:$0xd];
	[sflag:s18] =	ssyncadd.s32 $0xFFFFF800;
	s18 =	simm.s32 @p0 $0x800  }
0x30: {  	[tilespmem:s18], [sflag:$0x11] =	stream.linear.gather @p0 [hbm4b:s4+s6], $0x200, $0x38;
	[tilespmem:$0xE290] =	vst v63  }
0x31: {  	s18 =	simm.s32 @p0 $0x3200;
	s4 =	rddreg [dreg:$0xe]  }
0x32: {  	[tilespmem:s18], [sflag:$0x12] =	stream.linear.gather @p0 [hbm4b:s4+s6], $0x200, $0x38;
	[tilespmem:$0xE290] =	vst v63  }
0x33: {  	s18 =	simm.s32 @p0 $0xA00;
	s4 =	rddreg [dreg:$0x4]  }
0x34: {  	[tilespmem:s18], [sflag:$0x11] =	stream.linear.gather @p0 [hbm4b:s4+s6], $0x2000, $0x38;
	[tilespmem:$0xE290] =	vst v63  }
0x35: {  	s18 =	simm.s32 @p0 $0x3400;
	s4 =	rddreg [dreg:$0xf]  }
0x36: {  	[tilespmem:s18], [sflag:$0x12] =	stream.linear.gather @p0 [hbm4b:s4+s6], $0x2000, $0x38;
	[tilespmem:$0xE290] =	vst v63  }
0x37: {  	s6 =	simm.s32 @!p0 $0x0;
	s18 =	simm.s32 @!p0 $0x800;
	s4 =	rddreg [dreg:$0xb]  }
0x38: {  	[tilespmem:s18], [sflag:$0x11] =	stream.linear.gather @!p0 [hbm4b:s4+s6], $0x2200, $0x38;
	[tilespmem:$0xE290] =	vst v63  }
0x39: {  	s18 =	simm.s32 @!p0 $0x3200;
	s4 =	rddreg [dreg:$0xc]  }
0x3a: {  	[tilespmem:s18], [sflag:$0x12] =	stream.linear.gather @!p0 [hbm4b:s4+s6], $0x2200, $0x38;
	[tilespmem:$0xE290] =	vst v63  }
0x3b: {  	_ =	swait.ge [sflag:s26], $0x4F0  }
0x3c: {  	[sflag:s26] =	ssyncset.done $0x0  }
0x3d: {  	[sflag:s26] =	ssyncadd.s32 $0xFFFFFB10  }
0x3e: {  	_ =	swait.ge [sflag:s28], $0x4E2  }
0x3f: {  	[sflag:s28] =	ssyncset.done $0x0  }
0x40: {  	[sflag:s28] =	ssyncadd.s32 $0xFFFFFB1E  }
0x41: {  	s18 =	simm.s32 $0x0;
	[bflag:$0x0] =	sbarrier.arrive $0xFFFF  }
0x42: {  	[tilespmem:s30], [sflag:$0x1] =	stream.indirect.gather [spmem:s3], $0x10, s18, s29, $0xb8;
	[tilespmem:$0xE290] =	vst v63  }
0x43: {  	_ = 	snop  }
0x44: {  	[tilespmem:s31], [sflag:$0x2] =	stream.indirect.gather [spmem:s3], $0x10, s29, s29, $0xb8;
	[tilespmem:$0xE290] =	vst v63  }
0x45: {  	s6 =	simm.s32 $0x100  }
0x46: {  	[tilespmem:s1], [sflag:$0x3] =	stream.indirect.gather [spmem:s3], $0x10, s6, s29, $0xb8;
	[tilespmem:$0xE290] =	vst v63  }
0x47: {  	s18 =	simm.s32 $0x180  }
0x48: {  	[tilespmem:s0], [sflag:$0x4] =	stream.indirect.gather [spmem:s3], $0x10, s18, s29, $0xb8;
	[tilespmem:$0xE290] =	vst v63  }
0x49: {  	_ =	swait.ge [sflag:s19], $0x800  }
0x4a: {  	[sflag:s19] =	ssyncset.done $0x0  }
0x4b: {  	[sflag:s19] =	ssyncadd.s32 $0xFFFFF800  }
0x4c: {  	[spmem:s2] =	stream.indirect.scatter.add.f32 [tilespmem:s30], [sflag:$0x9], $0x10, s23, s29, $0xb8;
	[tilespmem:$0xE290] =	vst v63  }
0x4d: {  	s6 =	simm.s32 $0x200  }
0x4e: {  	[tilespmem:s5], [sflag:$0x5] =	stream.indirect.gather [spmem:s3], $0x10, s6, s29, $0xb8;
	[tilespmem:$0xE290] =	vst v63  }
0x4f: {  	_ =	swait.ge [sflag:s20], $0x800  }
0x50: {  	[sflag:s20] =	ssyncset.done $0x0  }
0x51: {  	s18 =	simm.s32 $0x2A80;
	[sflag:s20] =	ssyncadd.s32 $0xFFFFF800  }
0x52: {  	[spmem:s2] =	stream.indirect.scatter.add.f32 [tilespmem:s31], [sflag:$0xA], $0x10, s18, s29, $0xb8;
	[tilespmem:$0xE290] =	vst v63  }
0x53: {  	s23 =	simm.s32 $0x280  }
0x54: {  	[tilespmem:s7], [sflag:$0x6] =	stream.indirect.gather [spmem:s3], $0x10, s23, s29, $0xb8;
	[tilespmem:$0xE290] =	vst v63  }
0x55: {  	_ =	swait.ge [sflag:s8], $0x800  }
0x56: {  	[sflag:s8] =	ssyncset.done $0x0  }
0x57: {  	s6 =	simm.s32 $0x2B00;
	[sflag:s8] =	ssyncadd.s32 $0xFFFFF800  }
0x58: {  	[spmem:s2] =	stream.indirect.scatter.add.f32 [tilespmem:s1], [sflag:$0xB], $0x10, s6, s29, $0xb8;
	[tilespmem:$0xE290] =	vst v63  }
0x59: {  	s18 =	simm.s32 $0x300  }
0x5a: {  	[tilespmem:s9], [sflag:$0x7] =	stream.indirect.gather [spmem:s3], $0x10, s18, s29, $0xb8;
	[tilespmem:$0xE290] =	vst v63  }
0x5b: {  	_ =	swait.ge [sflag:s10], $0x800  }
0x5c: {  	[sflag:s10] =	ssyncset.done $0x0  }
0x5d: {  	s23 =	simm.s32 $0x2B80;
	[sflag:s10] =	ssyncadd.s32 $0xFFFFF800  }
0x5e: {  	[spmem:s2] =	stream.indirect.scatter.add.f32 [tilespmem:s0], [sflag:$0xC], $0x10, s23, s29, $0xb8;
	[tilespmem:$0xE290] =	vst v63  }
0x5f: {  	s6 =	simm.s32 $0x380  }
0x60: {  	[tilespmem:s11], [sflag:$0x8] =	stream.indirect.gather [spmem:s3], $0x10, s6, s29, $0xb8;
	[tilespmem:$0xE290] =	vst v63  }
0x61: {  	_ =	swait.ge [sflag:s12], $0x800  }
0x62: {  	[sflag:s12] =	ssyncset.done $0x0  }
0x63: {  	s18 =	simm.s32 $0x2C00;
	[sflag:s12] =	ssyncadd.s32 $0xFFFFF800  }
0x64: {  	[spmem:s2] =	stream.indirect.scatter.add.f32 [tilespmem:s5], [sflag:$0xD], $0x10, s18, s29, $0xb8;
	[tilespmem:$0xE290] =	vst v63  }
0x65: {  	_ =	swait.ge [sflag:s26], $0x800  }
0x66: {  	[sflag:s26] =	ssyncset.done $0x0  }
0x67: {  	s23 =	simm.s32 $0x400;
	[sflag:s26] =	ssyncadd.s32 $0xFFFFF800  }
0x68: {  	[tilespmem:s30], [sflag:$0x1] =	stream.indirect.gather [spmem:s3], $0x10, s23, s29, $0xb8;
	[tilespmem:$0xE290] =	vst v63  }
0x69: {  	_ =	swait.ge [sflag:s13], $0x800  }
0x6a: {  	[sflag:s13] =	ssyncset.done $0x0  }
0x6b: {  	s6 =	simm.s32 $0x2C80;
	[sflag:s13] =	ssyncadd.s32 $0xFFFFF800  }
0x6c: {  	[spmem:s2] =	stream.indirect.scatter.add.f32 [tilespmem:s7], [sflag:$0xE], $0x10, s6, s29, $0xb8;
	[tilespmem:$0xE290] =	vst v63  }
0x6d: {  	_ =	swait.ge [sflag:s28], $0x800  }
0x6e: {  	[sflag:s28] =	ssyncset.done $0x0  }
0x6f: {  	s18 =	simm.s32 $0x480;
	[sflag:s28] =	ssyncadd.s32 $0xFFFFF800  }
0x70: {  	[tilespmem:s31], [sflag:$0x2] =	stream.indirect.gather [spmem:s3], $0x10, s18, s29, $0xb8;
	[tilespmem:$0xE290] =	vst v63  }
0x71: {  	_ =	swait.ge [sflag:s14], $0x800  }
0x72: {  	[sflag:s14] =	ssyncset.done $0x0  }
0x73: {  	s23 =	simm.s32 $0x2D00;
	[sflag:s14] =	ssyncadd.s32 $0xFFFFF800  }
0x74: {  	[spmem:s2] =	stream.indirect.scatter.add.f32 [tilespmem:s9], [sflag:$0xF], $0x10, s23, s29, $0xb8;
	[tilespmem:$0xE290] =	vst v63  }
0x75: {  	_ =	swait.ge [sflag:s15], $0x800  }
0x76: {  	[sflag:s15] =	ssyncset.done $0x0  }
0x77: {  	s6 =	simm.s32 $0x500;
	[sflag:s15] =	ssyncadd.s32 $0xFFFFF800  }
0x78: {  	[tilespmem:s1], [sflag:$0x3] =	stream.indirect.gather [spmem:s3], $0x10, s6, s29, $0xb8;
	[tilespmem:$0xE290] =	vst v63  }
0x79: {  	_ =	swait.ge [sflag:s21], $0x800  }
0x7a: {  	[sflag:s21] =	ssyncset.done $0x0  }
0x7b: {  	s18 =	simm.s32 $0x2D80;
	[sflag:s21] =	ssyncadd.s32 $0xFFFFF800  }
0x7c: {  	[spmem:s2] =	stream.indirect.scatter.add.f32 [tilespmem:s11], [sflag:$0x10], $0x10, s18, s29, $0xb8;
	[tilespmem:$0xE290] =	vst v63  }
0x7d: {  	_ =	swait.ge [sflag:s16], $0x800  }
0x7e: {  	[sflag:s16] =	ssyncset.done $0x0  }
0x7f: {  	s23 =	simm.s32 $0x580;
	s6 =	simm.s32 @p0 $0x11;
	[sflag:s16] =	ssyncadd.s32 $0xFFFFF800  }
0x80: {  	[tilespmem:s0], [sflag:$0x4] =	stream.indirect.gather [spmem:s3], $0x10, s23, s29, $0xb8;
	[tilespmem:$0xE290] =	vst v63  }
0x81: {  	_ =	swait.ge @p0 [sflag:s6], $0x200  }
0x82: {  	[sflag:s6] =	ssyncset.done @p0 $0x0  }
0x83: {  	s18 =	simm.s32 @p0 $0x12;
	[sflag:s6] =	ssyncadd.s32 @p0 $0xFFFFFE00  }
0x84: {  	_ =	swait.ge @p0 [sflag:s18], $0x200  }
0x85: {  	[sflag:s18] =	ssyncset.done @p0 $0x0  }
0x86: {  	[sflag:s18] =	ssyncadd.s32 @p0 $0xFFFFFE00  }
0x87: {  	_ =	swait.ge @p0 [sflag:s6], $0x2000  }
0x88: {  	[sflag:s6] =	ssyncset.done @p0 $0x0  }
0x89: {  	[sflag:s6] =	ssyncadd.s32 @p0 $0xFFFFE000  }
0x8a: {  	_ =	swait.ge @p0 [sflag:s18], $0x2000  }
0x8b: {  	[sflag:s18] =	ssyncset.done @p0 $0x0  }
0x8c: {  	s6 =	simm.s32 @!p0 $0x11;
	[sflag:s18] =	ssyncadd.s32 @p0 $0xFFFFE000  }
0x8d: {  	_ =	swait.ge @!p0 [sflag:s6], $0x2200  }
0x8e: {  	[sflag:s6] =	ssyncset.done @!p0 $0x0  }
0x8f: {  	[sflag:s6] =	ssyncadd.s32 @!p0 $0xFFFFDE00;
	s6 =	simm.s32 @!p0 $0x12  }
0x90: {  	_ =	swait.ge @!p0 [sflag:s6], $0x2200  }
0x91: {  	[sflag:s6] =	ssyncset.done @!p0 $0x0  }
0x92: {  	[sflag:s6] =	ssyncadd.s32 @!p0 $0xFFFFDE00  }
0x93: {  	_ =	swait.ge [sflag:s19], $0x800  }
0x94: {  	[sflag:s19] =	ssyncset.done $0x0  }
0x95: {  	s4 =	simm.s32 $0x2E00;
	[sflag:s19] =	ssyncadd.s32 $0xFFFFF800  }
0x96: {  	[spmem:s2] =	stream.indirect.scatter.add.f32 [tilespmem:s30], [sflag:$0x9], $0x10, s4, s29, $0xb8;
	[tilespmem:$0xE290] =	vst v63  }
0x97: {  	_ =	swait.ge [sflag:s17], $0x800  }
0x98: {  	[sflag:s17] =	ssyncset.done $0x0  }
0x99: {  	s18 =	simm.s32 $0x600;
	[sflag:s17] =	ssyncadd.s32 $0xFFFFF800  }
0x9a: {  	[tilespmem:s5], [sflag:$0x5] =	stream.indirect.gather [spmem:s3], $0x10, s18, s29, $0xb8;
	[tilespmem:$0xE290] =	vst v63  }
0x9b: {  	_ =	swait.ge [sflag:s20], $0x800  }
0x9c: {  	[sflag:s20] =	ssyncset.done $0x0  }
0x9d: {  	s23 =	simm.s32 $0x2E80;
	[sflag:s20] =	ssyncadd.s32 $0xFFFFF800  }
0x9e: {  	[spmem:s2] =	stream.indirect.scatter.add.f32 [tilespmem:s31], [sflag:$0xA], $0x10, s23, s29, $0xb8;
	[tilespmem:$0xE290] =	vst v63  }
0x9f: {  	_ =	swait.ge [sflag:s25], $0x800  }
0xa0: {  	[sflag:s25] =	ssyncset.done $0x0  }
0xa1: {  	s4 =	simm.s32 $0x680;
	[sflag:s25] =	ssyncadd.s32 $0xFFFFF800  }
0xa2: {  	[tilespmem:s7], [sflag:$0x6] =	stream.indirect.gather [spmem:s3], $0x10, s4, s29, $0xb8;
	[tilespmem:$0xE290] =	vst v63  }
0xa3: {  	_ =	swait.ge [sflag:s8], $0x800  }
0xa4: {  	[sflag:s8] =	ssyncset.done $0x0  }
0xa5: {  	s18 =	simm.s32 $0x2F00;
	[sflag:s8] =	ssyncadd.s32 $0xFFFFF800  }
0xa6: {  	[spmem:s2] =	stream.indirect.scatter.add.f32 [tilespmem:s1], [sflag:$0xB], $0x10, s18, s29, $0xb8;
	[tilespmem:$0xE290] =	vst v63  }
0xa7: {  	_ =	swait.ge [sflag:s22], $0x800  }
0xa8: {  	[sflag:s22] =	ssyncset.done $0x0  }
0xa9: {  	s23 =	simm.s32 $0x700;
	[sflag:s22] =	ssyncadd.s32 $0xFFFFF800  }
0xaa: {  	[tilespmem:s9], [sflag:$0x7] =	stream.indirect.gather [spmem:s3], $0x10, s23, s29, $0xb8;
	[tilespmem:$0xE290] =	vst v63  }
0xab: {  	_ =	swait.ge [sflag:s10], $0x800  }
0xac: {  	[sflag:s10] =	ssyncset.done $0x0  }
0xad: {  	s4 =	simm.s32 $0x2F80;
	[sflag:s10] =	ssyncadd.s32 $0xFFFFF800  }
0xae: {  	[spmem:s2] =	stream.indirect.scatter.add.f32 [tilespmem:s0], [sflag:$0xC], $0x10, s4, s29, $0xb8;
	[tilespmem:$0xE290] =	vst v63  }
0xaf: {  	_ =	swait.ge [sflag:s24], $0x800  }
0xb0: {  	[sflag:s24] =	ssyncset.done $0x0  }
0xb1: {  	s18 =	simm.s32 $0x780;
	[sflag:s24] =	ssyncadd.s32 $0xFFFFF800  }
0xb2: {  	[tilespmem:s11], [sflag:$0x8] =	stream.indirect.gather [spmem:s3], $0x10, s18, s29, $0xb8;
	[tilespmem:$0xE290] =	vst v63  }
0xb3: {  	_ =	swait.ge [sflag:s12], $0x800  }
0xb4: {  	[sflag:s12] =	ssyncset.done $0x0  }
0xb5: {  	s23 =	simm.s32 $0x3000;
	[sflag:s12] =	ssyncadd.s32 $0xFFFFF800  }
0xb6: {  	[spmem:s2] =	stream.indirect.scatter.add.f32 [tilespmem:s5], [sflag:$0xD], $0x10, s23, s29, $0xb8;
	[tilespmem:$0xE290] =	vst v63  }
0xb7: {  	_ =	swait.ge [sflag:s26], $0x800  }
0xb8: {  	[sflag:s26] =	ssyncset.done $0x0  }
0xb9: {  	s4 =	simm.s32 $0x800;
	[sflag:s26] =	ssyncadd.s32 $0xFFFFF800  }
0xba: {  	[tilespmem:s30], [sflag:$0x1] =	stream.indirect.gather [spmem:s3], $0x10, s4, s29, $0xb8;
	[tilespmem:$0xE290] =	vst v63  }
0xbb: {  	_ =	swait.ge [sflag:s13], $0x800  }
0xbc: {  	[sflag:s13] =	ssyncset.done $0x0  }
0xbd: {  	s18 =	simm.s32 $0x3080;
	[sflag:s13] =	ssyncadd.s32 $0xFFFFF800  }
0xbe: {  	[spmem:s2] =	stream.indirect.scatter.add.f32 [tilespmem:s7], [sflag:$0xE], $0x10, s18, s29, $0xb8;
	[tilespmem:$0xE290] =	vst v63  }
0xbf: {  	_ =	swait.ge [sflag:s28], $0x800  }
0xc0: {  	[sflag:s28] =	ssyncset.done $0x0  }
0xc1: {  	s23 =	simm.s32 $0x880;
	[sflag:s28] =	ssyncadd.s32 $0xFFFFF800  }
0xc2: {  	[tilespmem:s31], [sflag:$0x2] =	stream.indirect.gather [spmem:s3], $0x10, s23, s29, $0xb8;
	[tilespmem:$0xE290] =	vst v63  }
0xc3: {  	_ =	swait.ge [sflag:s14], $0x800  }
0xc4: {  	[sflag:s14] =	ssyncset.done $0x0  }
0xc5: {  	s4 =	simm.s32 $0x3100;
	[sflag:s14] =	ssyncadd.s32 $0xFFFFF800  }
0xc6: {  	[spmem:s2] =	stream.indirect.scatter.add.f32 [tilespmem:s9], [sflag:$0xF], $0x10, s4, s29, $0xb8;
	[tilespmem:$0xE290] =	vst v63  }
0xc7: {  	_ =	swait.ge [sflag:s15], $0x800  }
0xc8: {  	[sflag:s15] =	ssyncset.done $0x0  }
0xc9: {  	s18 =	simm.s32 $0x900;
	[sflag:s15] =	ssyncadd.s32 $0xFFFFF800  }
0xca: {  	[tilespmem:s1], [sflag:$0x3] =	stream.indirect.gather [spmem:s3], $0x10, s18, s29, $0xb8;
	[tilespmem:$0xE290] =	vst v63  }
0xcb: {  	_ =	swait.ge [sflag:s21], $0x800  }
0xcc: {  	[sflag:s21] =	ssyncset.done $0x0  }
0xcd: {  	s23 =	simm.s32 $0x3180;
	[sflag:s21] =	ssyncadd.s32 $0xFFFFF800  }
0xce: {  	[spmem:s2] =	stream.indirect.scatter.add.f32 [tilespmem:s11], [sflag:$0x10], $0x10, s23, s29, $0xb8;
	[tilespmem:$0xE290] =	vst v63  }
0xcf: {  	_ =	swait.ge [sflag:s16], $0x800  }
0xd0: {  	[sflag:s16] =	ssyncset.done $0x0  }
0xd1: {  	s6 =	simm.s32 $0x1000;
	s18 =	simm.s32 $0x980;
	[sflag:s16] =	ssyncadd.s32 $0xFFFFF800  }
.LBB2_2:
0xd2: {  	[tilespmem:s0], [sflag:$0x4] =	stream.indirect.gather [spmem:s3], $0x10, s18, s29, $0xb8;
	[tilespmem:$0xE290] =	vst v63  }
0xd3: {  	s18 =	smov.u32 s6  }
0xd4: {  	p1 =	sne.s32 s6, $0x8000;
	s6 =	sadd.s32 $0x1000, s6;
	_ =	swait.ge [sflag:s19], $0x800  }
0xd5: {  	s18 =	sshra.s32 s18, $0x2;
	[sflag:s19] =	ssyncset.done $0x0  }
0xd6: {  	s23 =	sadd.s32 $0x2E00, s18;
	[sflag:s19] =	ssyncadd.s32 $0xFFFFF800  }
0xd7: {  	[spmem:s2] =	stream.indirect.scatter.add.f32 [tilespmem:s30], [sflag:$0x9], $0x10, s23, s29, $0xb8;
	[tilespmem:$0xE290] =	vst v63  }
0xd8: {  	_ =	swait.ge [sflag:s17], $0x800  }
0xd9: {  	[sflag:s17] =	ssyncset.done $0x0  }
0xda: {  	s23 =	sadd.s32 $0x600, s18;
	[sflag:s17] =	ssyncadd.s32 $0xFFFFF800  }
0xdb: {  	[tilespmem:s5], [sflag:$0x5] =	stream.indirect.gather [spmem:s3], $0x10, s23, s29, $0xb8;
	[tilespmem:$0xE290] =	vst v63  }
0xdc: {  	_ =	swait.ge [sflag:s20], $0x800  }
0xdd: {  	[sflag:s20] =	ssyncset.done $0x0  }
0xde: {  	s23 =	sadd.s32 $0x2E80, s18;
	[sflag:s20] =	ssyncadd.s32 $0xFFFFF800  }
0xdf: {  	[spmem:s2] =	stream.indirect.scatter.add.f32 [tilespmem:s31], [sflag:$0xA], $0x10, s23, s29, $0xb8;
	[tilespmem:$0xE290] =	vst v63  }
0xe0: {  	_ =	swait.ge [sflag:s25], $0x800  }
0xe1: {  	[sflag:s25] =	ssyncset.done $0x0  }
0xe2: {  	s23 =	sadd.s32 $0x680, s18;
	[sflag:s25] =	ssyncadd.s32 $0xFFFFF800  }
0xe3: {  	[tilespmem:s7], [sflag:$0x6] =	stream.indirect.gather [spmem:s3], $0x10, s23, s29, $0xb8;
	[tilespmem:$0xE290] =	vst v63  }
0xe4: {  	_ =	swait.ge [sflag:s8], $0x800  }
0xe5: {  	[sflag:s8] =	ssyncset.done $0x0  }
0xe6: {  	s23 =	sadd.s32 $0x2F00, s18;
	[sflag:s8] =	ssyncadd.s32 $0xFFFFF800  }
0xe7: {  	[spmem:s2] =	stream.indirect.scatter.add.f32 [tilespmem:s1], [sflag:$0xB], $0x10, s23, s29, $0xb8;
	[tilespmem:$0xE290] =	vst v63  }
0xe8: {  	_ =	swait.ge [sflag:s22], $0x800  }
0xe9: {  	[sflag:s22] =	ssyncset.done $0x0  }
0xea: {  	s23 =	sadd.s32 $0x700, s18;
	[sflag:s22] =	ssyncadd.s32 $0xFFFFF800  }
0xeb: {  	[tilespmem:s9], [sflag:$0x7] =	stream.indirect.gather [spmem:s3], $0x10, s23, s29, $0xb8;
	[tilespmem:$0xE290] =	vst v63  }
0xec: {  	_ =	swait.ge [sflag:s10], $0x800  }
0xed: {  	[sflag:s10] =	ssyncset.done $0x0  }
0xee: {  	s23 =	sadd.s32 $0x2F80, s18;
	[sflag:s10] =	ssyncadd.s32 $0xFFFFF800  }
0xef: {  	[spmem:s2] =	stream.indirect.scatter.add.f32 [tilespmem:s0], [sflag:$0xC], $0x10, s23, s29, $0xb8;
	[tilespmem:$0xE290] =	vst v63  }
0xf0: {  	_ =	swait.ge [sflag:s24], $0x800  }
0xf1: {  	[sflag:s24] =	ssyncset.done $0x0  }
0xf2: {  	s23 =	sadd.s32 $0x780, s18;
	[sflag:s24] =	ssyncadd.s32 $0xFFFFF800  }
0xf3: {  	[tilespmem:s11], [sflag:$0x8] =	stream.indirect.gather [spmem:s3], $0x10, s23, s29, $0xb8;
	[tilespmem:$0xE290] =	vst v63  }
0xf4: {  	_ =	swait.ge [sflag:s12], $0x800  }
0xf5: {  	[sflag:s12] =	ssyncset.done $0x0  }
0xf6: {  	s23 =	sadd.s32 $0x3000, s18;
	[sflag:s12] =	ssyncadd.s32 $0xFFFFF800  }
0xf7: {  	[spmem:s2] =	stream.indirect.scatter.add.f32 [tilespmem:s5], [sflag:$0xD], $0x10, s23, s29, $0xb8;
	[tilespmem:$0xE290] =	vst v63  }
0xf8: {  	_ =	swait.ge [sflag:s26], $0x800  }
0xf9: {  	[sflag:s26] =	ssyncset.done $0x0  }
0xfa: {  	s23 =	sadd.s32 $0x800, s18;
	[sflag:s26] =	ssyncadd.s32 $0xFFFFF800  }
0xfb: {  	[tilespmem:s30], [sflag:$0x1] =	stream.indirect.gather [spmem:s3], $0x10, s23, s29, $0xb8;
	[tilespmem:$0xE290] =	vst v63  }
0xfc: {  	_ =	swait.ge [sflag:s13], $0x800  }
0xfd: {  	[sflag:s13] =	ssyncset.done $0x0  }
0xfe: {  	s23 =	sadd.s32 $0x3080, s18;
	[sflag:s13] =	ssyncadd.s32 $0xFFFFF800  }
0xff: {  	[spmem:s2] =	stream.indirect.scatter.add.f32 [tilespmem:s7], [sflag:$0xE], $0x10, s23, s29, $0xb8;
	[tilespmem:$0xE290] =	vst v63  }
0x100: {  	_ =	swait.ge [sflag:s28], $0x800  }
0x101: {  	[sflag:s28] =	ssyncset.done $0x0  }
0x102: {  	s23 =	sadd.s32 $0x880, s18;
	[sflag:s28] =	ssyncadd.s32 $0xFFFFF800  }
0x103: {  	[tilespmem:s31], [sflag:$0x2] =	stream.indirect.gather [spmem:s3], $0x10, s23, s29, $0xb8;
	[tilespmem:$0xE290] =	vst v63  }
0x104: {  	_ =	swait.ge [sflag:s14], $0x800  }
0x105: {  	[sflag:s14] =	ssyncset.done $0x0  }
0x106: {  	s23 =	sadd.s32 $0x3100, s18;
	[sflag:s14] =	ssyncadd.s32 $0xFFFFF800  }
0x107: {  	[spmem:s2] =	stream.indirect.scatter.add.f32 [tilespmem:s9], [sflag:$0xF], $0x10, s23, s29, $0xb8;
	[tilespmem:$0xE290] =	vst v63  }
0x108: {  	_ =	swait.ge [sflag:s15], $0x800  }
0x109: {  	[sflag:s15] =	ssyncset.done $0x0  }
0x10a: {  	s23 =	sadd.s32 $0x900, s18;
	[sflag:s15] =	ssyncadd.s32 $0xFFFFF800  }
0x10b: {  	[tilespmem:s1], [sflag:$0x3] =	stream.indirect.gather [spmem:s3], $0x10, s23, s29, $0xb8;
	[tilespmem:$0xE290] =	vst v63  }
0x10c: {  	_ =	swait.ge [sflag:s21], $0x800  }
0x10d: {  	[sflag:s21] =	ssyncset.done $0x0  }
.Ltmp0:
0x10e: {  	s23 =	sadd.s32 $0x3180, s18;
	[sflag:s21] =	ssyncadd.s32 $0xFFFFF800;
	(pc) =	sbr.rel @p1 .LBB2_2-.Ltmp0, $4  }
0x10f: {  	[spmem:s2] =	stream.indirect.scatter.add.f32 [tilespmem:s11], [sflag:$0x10], $0x10, s23, s29, $0xb8;
	[tilespmem:$0xE290] =	vst v63  }
0x110: {  	_ =	swait.ge [sflag:s16], $0x800  }
0x111: {  	[sflag:s16] =	ssyncset.done $0x0  }
0x112: {  	s18 =	sadd.s32 $0x980, s18;
	[sflag:s16] =	ssyncadd.s32 $0xFFFFF800  }
0x113: {  	[tilespmem:s0], [sflag:$0x4] =	stream.indirect.gather [spmem:s3], $0x10, s18, s29, $0xb8;
	[tilespmem:$0xE290] =	vst v63  }
0x114: {  	_ =	swait.ge [sflag:s19], $0x800  }
0x115: {  	[sflag:s19] =	ssyncset.done $0x0  }
0x116: {  	[sflag:s19] =	ssyncadd.s32 $0xFFFFF800  }
0x117: {  	_ =	swait.ge [sflag:s20], $0x800  }
0x118: {  	[sflag:s20] =	ssyncset.done $0x0  }
0x119: {  	[sflag:s20] =	ssyncadd.s32 $0xFFFFF800  }
0x11a: {  	_ =	swait.ge [sflag:s8], $0x800  }
0x11b: {  	[sflag:s8] =	ssyncset.done $0x0  }
0x11c: {  	[sflag:s8] =	ssyncadd.s32 $0xFFFFF800  }
0x11d: {  	_ =	swait.ge [sflag:s10], $0x800  }
0x11e: {  	[sflag:s10] =	ssyncset.done $0x0  }
0x11f: {  	[sflag:s10] =	ssyncadd.s32 $0xFFFFF800  }
0x120: {  	_ =	swait.ge [sflag:s17], $0x800  }
0x121: {  	[sflag:s17] =	ssyncset.done $0x0  }
0x122: {  	[sflag:s17] =	ssyncadd.s32 $0xFFFFF800  }
0x123: {  	_ =	swait.ge [sflag:s25], $0x800  }
0x124: {  	[sflag:s25] =	ssyncset.done $0x0  }
0x125: {  	[sflag:s25] =	ssyncadd.s32 $0xFFFFF800  }
0x126: {  	_ =	swait.ge [sflag:s22], $0x800  }
0x127: {  	[sflag:s22] =	ssyncset.done $0x0  }
0x128: {  	[sflag:s22] =	ssyncadd.s32 $0xFFFFF800  }
0x129: {  	_ =	swait.ge [sflag:s24], $0x800  }
0x12a: {  	[sflag:s24] =	ssyncset.done $0x0  }
0x12b: {  	[sflag:s24] =	ssyncadd.s32 $0xFFFFF800  }
0x12c: {  	[bflag:$0x0] =	sbarrier.arrive $0xFFFF  }
0x12d: {  	s23 =	rddreg [dreg:$0x5]  }
0x12e: {  	s18 =	rddreg [dreg:$0x11]  }
0x12f: {  	s4 =	rddreg [dreg:$0x13];
	s6 =	sor.u32 $0x1C13, s23  }
0x130: {  	[hbm:s4], [sflag:s6] =	dma.local [spmem:s18], $0x4F0  }
0x131: {  	s4 =	simm.s32 $0x13  }
0x132: {  	_ =	swait.ge [sflag:s4], $0x4F0  }
0x133: {  	s6 =	rddreg [dreg:$0x14]  }
0x134: {  	[sflag:s4] =	ssyncset.done $0x0;
	s4 =	rddreg [dreg:$0x10];
	s6 =	sadd.s32 $0x1, s6  }
0x135: {  	p1 =	sne.s32 s6, s4  }
.Ltmp1:
0x136: {  	_ = 	snop;
	(pc) =	sbr.rel @p1 .LBB2_1-.Ltmp1, $3  }
0x137: {  	_ =	sdelay $0x1  }
0x138: {  	s4 =	simm.s32 $0x13  }
0x139: {  	[sflag:s4] =	ssyncadd.s32 $0xFFFFFB10  }
0x13a: {  	_ =	sfence.sel $0x180000  }
0x13b: {  	[bflag:$0x0] =	sbarrier.arrive $0xFFFF  }
0x13c: {  	_ =	strace $0x9000004A  }
0x13d: {  	s0 =	stileid.u32;
	[bflag:$0x2] =	sbarrier.arrive $0xFFFF  }
0x13e: {  	p0 =	sne.s32 s0, $0x0;
	s0 =	rddreg [dreg:$0x3]  }
0x13f: {  	s0 =	sadd.s32 @!p0 $0x100000, s0  }
0x140: {  	[sflag:s0] =	ssyncadd.tile.s32 @!p0 $0x1;
	_ =	shalt  }
.Lfunc_end2:
_tile_overlayer_lowered:
.L_overlay_start_2:
0x141: {  	(tag) =	ssettag $0x2  }
0x142: {  	s0 =	rddreg [dreg:$0x0];
	s2 =	stileid.u32  }
0x143: {  	s1 =	rddreg [dreg:$0x1];
	p0 =	sne.s32 s2, $0x0  }
0x144: {  	s3 =	rddreg [dreg:$0x2];
	[bflag:$0x3] =	sbarrier.arrive $0xFFFF;
	s2 =	simm.s32 @!p0 $0x1C13  }
0x145: {  	[timem:s3], [sflag:s2] =	dma.local @!p0 [hbm:s0], s1  }
0x146: {  	s0 =	simm.s32 @!p0 $0x13  }
0x147: {  	_ =	swait.ge @!p0 [sflag:s0], s1  }
0x148: {  	s1 =	ssub.s32 @!p0 $0x0, s1;
	[sflag:s0] =	ssyncset.done @!p0 $0x0  }
0x149: {  	[sflag:s0] =	ssyncadd.s32 @!p0 s1  }
0x14a: {  	[bflag:$0x3] =	sbarrier.arrive $0xFFFF  }
0x14b: {  	_ =	shalt  }

// kernel: kernel.7.cloned.1.call-start
scs
__scs_entry_jumppad:
0x0: {  	(pc) =	sbr.rel $0x88, $3  }
0x1: {  	(tag) =	ssettag $0x0;
	lr =	simm.s32 $0x1  }
0x2: {  	[smem:$0x3F95] =	sst lr;
	_ =	strace $0xD0000000  }
0x3: {  	_ = 	snop  }
0x4: {  	_ = 	snop  }
0x5: {  	_ = 	snop  }
0x6: {  	_ = 	snop  }
0x7: {  	_ = 	snop  }
__scs_overlays_trampoline_lowered:
0x8: {  	[smem:$0x3FA4] =	sst s0  }
0x9: {  	[smem:$0x3FA5] =	sst s1  }
0xa: {  	[smem:$0x3FA6] =	sst s2  }
0xb: {  	[smem:$0x3FA7] =	sst s3  }
0xc: {  	[smem:$0x3FA8] =	sst s4  }
0xd: {  	[smem:$0x3FA9] =	sst s5  }
0xe: {  	[smem:$0x3FAA] =	sst s6  }
0xf: {  	[smem:$0x3FAB] =	sst s7  }
0x10: {  	[smem:$0x3FAC] =	sst s8  }
0x11: {  	[smem:$0x3FAD] =	sst s9;
	s0 =	simm.s32 @!p0 $0x0  }
0x12: {  	s1 =	sld [smem:$0x3F93];
	s0 =	simm.s32 @p0 $0x1  }
0x13: {  	[smem:$0x3FAE] =	sst s0;
	s0 =	simm.s32 @!p1 $0x0  }
0x14: {  	s2 =	sld [smem:$0x3F92];
	s0 =	simm.s32 @p1 $0x1  }
0x15: {  	[smem:$0x3FAF] =	sst s0;
	s0 =	simm.s32 @!p2 $0x0  }
0x16: {  	s3 =	sld [smem:$0x3FDB];
	s0 =	simm.s32 @p2 $0x1  }
0x17: {  	s4 =	simm.s32 $0x1BF5;
	[smem:$0x3FB1] =	sst s0  }
0x18: {  	s0 =	sld [smem:$0x3F94];
	_ =	swait.ge [sflag:s4], $0x0  }
0x19: {  	s7 =	sld [smem:$0x3F95]  }
0x1a: {  	s8 =	sadd.s32 $0xFFFFE003, lr  }
0x1b: {  	s9 =	sadd.s32 $0xFFFFFEF7, lr;
	s5 =	simm.s32 $0xFFFFFFFF;
	p2 =	slt.u32 s8, $0xFFFFF086  }
0x1c: {  	p1 =	slt.u32 s9, $0xF7A;
	s5 =	simm.s32 @!p2 $0x0  }
0x1d: {  	s5 =	simm.s32 @p1 $0x1;
	p0 =	seq.s32 s7, s2  }
0x1e: {  	s7 =	smul.u32 @!p0 $0xF7A, s2;
	p2 =	seq.s32 @!p0 s5, $0x0  }
0x1f: {  	s9 =	smul.u32 $0xF7A, s1;
	s8 =	simm.s32 @!p0 $0x1BF5;
	p2 =	por !p2, p0  }
0x20: {  	[sflag:s8] =	ssyncset.s32 @!p0 $0xFFFFF086;
	s6 =	sadd.s32 @!p0 s3, s7;
	s7 =	simm.s32 @!p0 $0x108  }
0x21: {  	s3 =	sadd.s32 s3, s9;
	s6 =	sadd.s32 @!p0 $0x88, s6;
	s7 =	simm.s32 @p2 $0x1082  }
0x22: {  	[simem:s7], [sflag:s8] =	dma.local @!p0 [hbm:s6], $0xF7A  }
0x23: {  	s9 =	sor.u32 $0xD0000000, s2;
	s6 =	simm.s32 $0x108;
	_ =	swait.ge @!p0 [sflag:s8], $0x0  }
0x24: {  	s3 =	sadd.s32 $0x88, s3;
	s6 =	simm.s32 @!p1 $0x1082;
	[sflag:s4] =	ssyncset.s32 $0xFFFFF086  }
0x25: {  	[simem:s6], [sflag:s4] =	dma.local [hbm:s3], $0xF7A  }
0x26: {  	[smem:$0x3F95] =	sst s1;
	(tag) =	ssettag s2;
	_ =	strace s9  }
0x27: {  	s1 =	sld [smem:$0x3FA5]  }
0x28: {  	s2 =	sld [smem:$0x3FA6]  }
0x29: {  	s4 =	sld [smem:$0x3FA8]  }
0x2a: {  	p0 =	seq.s32 s5, $0x0;
	s5 =	sld [smem:$0x3FA9]  }
0x2b: {  	s6 =	sld [smem:$0x3FAA]  }
0x2c: {  	s7 =	sld [smem:$0x3FAB]  }
0x2d: {  	s3 =	simm.s32 $0x108;
	s8 =	sld [smem:$0x3FAC]  }
0x2e: {  	s3 =	simm.s32 @!p0 $0x1082;
	s9 =	sld [smem:$0x3FAD]  }
0x2f: {  	lr =	sadd.s32 s0, s3;
	s0 =	sld [smem:$0x3FA4]  }
0x30: {  	s3 =	sld [smem:$0x3FA7]  }
0x31: {  	[smem:$0x3FB0] =	sst s10  }
0x32: {  	s10 =	sld [smem:$0x3FAE];
	_ =	sdelay $0x3  }
0x33: {  	p0 =	seq.s32 s10, $0x1;
	s10 =	sld [smem:$0x3FB0];
	_ =	sdelay $0x3  }
0x34: {  	[smem:$0x3FB0] =	sst s10  }
0x35: {  	s10 =	sld [smem:$0x3FAF];
	_ =	sdelay $0x3  }
0x36: {  	p1 =	seq.s32 s10, $0x1;
	s10 =	sld [smem:$0x3FB0];
	_ =	sdelay $0x3  }
0x37: {  	[smem:$0x3FB0] =	sst s10  }
0x38: {  	s10 =	sld [smem:$0x3FB1]  }
0x39: {  	_ = 	snop;
	(pc) =	sbr.ind lr, $3  }
0x3a: {  	_ = 	snop  }
0x3b: {  	_ = 	snop  }
0x3c: {  	p2 =	seq.s32 s10, $0x1;
	s10 =	sld [smem:$0x3FB0]  }
0x3d: {  	_ =	shalt  }
0x3e: {  	_ =	shalt  }
0x3f: {  	_ =	shalt  }
0x40: {  	_ =	shalt  }
0x41: {  	_ =	shalt  }
0x42: {  	_ =	shalt  }
0x43: {  	_ =	shalt  }
0x44: {  	_ =	shalt  }
0x45: {  	_ =	shalt  }
0x46: {  	_ =	shalt  }
0x47: {  	_ =	shalt  }
0x48: {  	_ =	shalt  }
0x49: {  	_ =	shalt  }
0x4a: {  	_ =	shalt  }
0x4b: {  	_ =	shalt  }
0x4c: {  	_ =	shalt  }
0x4d: {  	_ =	shalt  }
0x4e: {  	_ =	shalt  }
0x4f: {  	_ =	shalt  }
0x50: {  	_ =	shalt  }
0x51: {  	_ =	shalt  }
0x52: {  	_ =	shalt  }
0x53: {  	_ =	shalt  }
0x54: {  	_ =	shalt  }
0x55: {  	_ =	shalt  }
0x56: {  	_ =	shalt  }
0x57: {  	_ =	shalt  }
0x58: {  	_ =	shalt  }
0x59: {  	_ =	shalt  }
0x5a: {  	_ =	shalt  }
0x5b: {  	_ =	shalt  }
0x5c: {  	_ =	shalt  }
0x5d: {  	_ =	shalt  }
0x5e: {  	_ =	shalt  }
0x5f: {  	_ =	shalt  }
0x60: {  	_ =	shalt  }
0x61: {  	_ =	shalt  }
0x62: {  	_ =	shalt  }
0x63: {  	_ =	shalt  }
0x64: {  	_ =	shalt  }
0x65: {  	_ =	shalt  }
0x66: {  	_ =	shalt  }
0x67: {  	_ =	shalt  }
0x68: {  	_ =	shalt  }
0x69: {  	_ =	shalt  }
0x6a: {  	_ =	shalt  }
0x6b: {  	_ =	shalt  }
0x6c: {  	_ =	shalt  }
0x6d: {  	_ =	shalt  }
0x6e: {  	_ =	shalt  }
0x6f: {  	_ =	shalt  }
0x70: {  	_ =	shalt  }
0x71: {  	_ =	shalt  }
0x72: {  	_ =	shalt  }
0x73: {  	_ =	shalt  }
0x74: {  	_ =	shalt  }
0x75: {  	_ =	shalt  }
0x76: {  	_ =	shalt  }
0x77: {  	_ =	shalt  }
0x78: {  	_ =	shalt  }
0x79: {  	_ =	shalt  }
0x7a: {  	_ =	shalt  }
0x7b: {  	_ =	shalt  }
0x7c: {  	_ =	shalt  }
0x7d: {  	_ =	shalt  }
0x7e: {  	_ =	shalt  }
0x7f: {  	_ =	shalt  }
0x80: {  	_ =	shalt  }
0x81: {  	_ =	shalt  }
0x82: {  	_ =	shalt  }
0x83: {  	_ =	shalt  }
0x84: {  	_ =	shalt  }
0x85: {  	_ =	shalt  }
0x86: {  	_ =	shalt  }
0x87: {  	_ =	shalt  }
.Lfunc_end0:
.L_simem_size_0:
called_computation_lowered:
.L_overlay_start_0:
0x88: {  	s2 =	sld [smem:$0x3FD9]  }
0x89: {  	s3 =	sld [smem:$0x3FFE];
	_ =	sdelay $0x1  }
0x8a: {  	s1 =	srdreg.scid  }
0x8b: {  	s0 =	sand.u32 $0x1, s1  }
0x8c: {  	s16 =	sshll.u32 s0, $0xA;
	s2 =	sadd.s32 s3, s2  }
0x8d: {  	s2 =	sadd.s32 s2, s16  }
0x8e: {  	[smem:$0x3FBC] =	sst s2  }
0x8f: {  	_ = 	snop  }
0x90: {  	(tm) =	ssettm $0x1  }
0x91: {  	s17 =	sld [smem:$0x3FFB];
	_ =	sdelay $0x3  }
0x92: {  	_ =	strace s17  }
0x93: {  	s2 =	sld [smem:$0x3FFC];
	_ =	sdelay $0x3  }
0x94: {  	_ =	strace s2  }
0x95: {  	s2 =	sld [smem:$0x3FFD];
	_ =	sdelay $0x3  }
0x96: {  	_ =	strace s2  }
0x97: {  	_ =	strace $0x8FFFFFFF  }
0x98: {  	s18 =	sld [smem:$0x3FDB];
	_ =	sdelay $0x1  }
0x99: {  	s19 =	simm.s32 $_scs_section_size  }
0x9a: {  	s4 =	simm.s32 $_size__tile_overlayer_lowered;
	s5 =	simm.s32 $_tile_overlayer_lowered  }
0x9b: {  	s22 =	simm.s32 $0x1BFF;
	s21 =	sshll.u32 s5, $0x1;
	s2 =	sadd.s32 s19, s18  }
0x9c: {  	s6 =	simm.s32 $0x0;
	s20 =	sshll.u32 s4, $0x1;
	s4 =	sadd.s32 s21, s2  }
0x9d: {  	[timem:s6], [sflag:s22] =	dma.local [hbm:s4], s20  }
0x9e: {  	_ =	swait.ge [sflag:s22], s20  }
0x9f: {  	s3 =	ssub.s32 $0x0, s20;
	[sflag:s22] =	ssyncset.done $0x0  }
0xa0: {  	[sflag:s22] =	ssyncadd.s32 s3;
	_ =	sdelay $0x1  }
0xa1: {  	s23 =	simm.s32 $0x1B8B  }
0xa2: {  	_ =	swait.ge [sflag:s23], $0x1  }
0xa3: {  	[sflag:s23] =	ssyncset.done $0x0  }
0xa4: {  	s25 =	simm.s32 $0x1B8E;
	s24 =	sld [smem:$0x3FFE];
	[sflag:s23] =	ssyncadd.s32 $0xFFFFFFFF  }
0xa5: {  	s26 =	simm.s32 $execute0_lowered;
	[smem:$0x3FD2] =	sst s25  }
0xa6: {  	s4 =	sshll.u32 s26, $0x1;
	_ =	strace $0x80000046;
	[dreg:$0x1] =	wrdreg $0xFFFFFFFF  }
0xa7: {  	s28 =	simm.s32 $_size_execute0_lowered;
	s2 =	sadd.s32 s2, s4;
	[dreg:$0x0] =	wrdreg $0x0  }
0xa8: {  	s4 =	sshll.u32 s28, $0x1;
	[dreg:$0x2] =	wrdreg s2  }
0xa9: {  	[dreg:$0x3] =	wrdreg s4  }
0xaa: {  	[dreg:$0x4] =	wrdreg $0xC0  }
0xab: {  	_ =	task [dreg:s6], $0x5FFFF  }
0xac: {  	[dreg:$0x1] =	wrdreg $0xFFFFFFFF  }
0xad: {  	[dreg:$0x0] =	wrdreg $0x60  }
0xae: {  	[dreg:$0x2] =	wrdreg s24  }
0xaf: {  	[dreg:$0x3] =	wrdreg $0x124000  }
0xb0: {  	[dreg:$0x4] =	wrdreg $0x173000  }
0xb1: {  	[dreg:$0x5] =	wrdreg $0x9  }
0xb2: {  	_ =	task.clear_ibuf [dreg:s6], $0x6FFFF;
	_ =	strace $0x90000046  }
0xb3: {  	s29 =	simm.s32 $0x9;
	_ =	strace $0x80000048  }
0xb4: {  	_ =	swait.ge [sflag:s29], $0x1  }
0xb5: {  	[sflag:s29] =	ssyncadd.s32 $0xFFFFFFFF  }
0xb6: {  	_ =	strace $0x90000048  }
0xb7: {  	_ =	sfence  }
0xb8: {  	s30 =	sld [smem:$0x0];
	_ =	sdelay $0x2  }
0xb9: {  	s31 =	sshll.u32 s1, $0xD;
	s1 =	sshrl.u32 s1, $0x2  }
0xba: {  	s3 =	sand.u32 $0x4000, s31;
	s1 =	sadd.s32 s1, s30  }
0xbb: {  	s0 =	sor.u32 s3, s0;
	s1 =	sshll.u32 s1, $0x11  }
0xbc: {  	s0 =	sor.u32 s1, s0  }
0xbd: {  	s0 =	sadd.s32 $0x8F2B, s0  }
0xbe: {  	[sflag:s0] =	ssyncadd.remote.s32 $0x1  }
0xbf: {  	_ =	sfence.sel $0xFFFF  }
0xc0: {  	[dreg:$0x0] =	wrdreg $0xFFFFFFFF;
	(pc) =	sbr.abs _section_cstart, $3  }
0xc1: {  	[dreg:$0x1] =	wrdreg $0xFFFFFFFF  }
0xc2: {  	_ =	task.clear_ibuf [dreg:s6], $0x2FFFF;
	_ =	strace $0x9FFFFFFF  }
0xc3: {  	(tm) =	ssettm $0x7FFFFFFF  }
tec
execute0_lowered:
.L_overlay_start_1:
0x0: {  	(tag) =	ssettag $0x1  }
0x1: {  	s0 =	rddreg [dreg:$0x0]  }
0x2: {  	s2 =	rddreg [dreg:$0x1]  }
0x3: {  	s3 =	rddreg [dreg:$0x2]  }
0x4: {  	s1 =	srdreg.scid;
	s11 =	stileid.u32  }
0x5: {  	s5 =	simm.s32 $0x0;
	s28 =	simm.s32 $0x9;
	s4 =	smul.u32 $0x9C40, s11  }
0x6: {  	s29 =	simm.s32 $0xA;
	s30 =	simm.s32 $0x80;
	s6 =	smul.u32 $0x5000, s11  }
0x7: {  	s31 =	simm.s32 $0xA400;
	s1 =	sand.u32 $0x1, s1;
	s12 =	smul.u32 $0x13C0, s11  }
0x8: {  	[smem:$0x7FF] =	sst s5;
	s8 =	sadd.s32 $0x29C00, s0;
	s13 =	smul.u32 $0x4F00, s11  }
0x9: {  	s21 =	sadd.s32 $0x1F900, s0;
	s22 =	sadd.s32 $0x29540, s0;
	p0 =	seq.s32 s11, $0xF  }
0xa: {  	s9 =	sshll.u32 s1, $0x5;
	_ =	strace $0x80000047;
	[dreg:$0x4] =	wrdreg s8  }
0xb: {  	s7 =	smul.u32 $0x9E00, s1;
	s1 =	ssub.s32 $0x2, s1;
	[dreg:$0xd] =	wrdreg s21  }
0xc: {  	[dreg:$0xe] =	wrdreg s22;
	s21 =	simm.s32 $0x8;
	s8 =	simm.s32 $0x2  }
0xd: {  	s22 =	simm.s32 $0xE;
	s4 =	sor.u32 s9, s4;
	s10 =	sshrl.u32 s6, $0x3  }
0xe: {  	s6 =	sadd.s32 s12, s0;
	s9 =	sshrl.u32 s1, $0x1;
	s14 =	sadd.s32 s13, s2  }
0xf: {  	s12 =	sshll.u32 s11, $0x6;
	s24 =	sshrl.u32 s13, $0x3;
	s13 =	simm.s32 $0x5  }
0x10: {  	s4 =	sshrl.u32 s4, $0x3;
	s5 =	sadd.s32 s10, s0;
	s10 =	smul.u32 $0x13880, s11  }
0x11: {  	s7 =	sadd.s32 s7, s0;
	s1 =	ssub.s32 s1, s9;
	s6 =	sadd.s32 $0x2AC00, s6  }
0x12: {  	s16 =	sor.u32 $0x1C09, s12;
	[dreg:$0x6] =	wrdreg s12;
	s25 =	sor.u32 $0x1C0A, s12  }
0x13: {  	s9 =	simm.s32 $0xF400;
	s11 =	simm.s32 $0x10400;
	[dreg:$0x5] =	wrdreg s6  }
0x14: {  	s12 =	simm.s32 $0x11400;
	s4 =	sadd.s32 s4, s0;
	[dreg:$0x7] =	wrdreg s16  }
0x15: {  	s17 =	sadd.s32 $0x16200, s5;
	s18 =	sadd.s32 $0x1FE40, s5;
	[dreg:$0x12] =	wrdreg s25  }
0x16: {  	s19 =	sadd.s32 $0x16300, s5;
	s20 =	sadd.s32 $0x1FF40, s5;
	[dreg:$0x9] =	wrdreg s17  }
0x17: {  	s0 =	sadd.s32 $0x2A000, s0;
	s23 =	sadd.s32 $0x3E800, s7;
	[dreg:$0xa] =	wrdreg s18  }
0x18: {  	s1 =	smax.u32 s1, $0x1;
	s5 =	simm.s32 $0xD400;
	[dreg:$0xb] =	wrdreg s19  }
0x19: {  	s16 =	simm.s32 $0xB;
	s25 =	simm.s32 $0x0;
	[dreg:$0xc] =	wrdreg s20  }
0x1a: {  	s15 =	sshrl.u32 s10, $0x2;
	s4 =	sadd.s32 $0x2800, s4;
	[dreg:$0xf] =	wrdreg s0  }
0x1b: {  	[dreg:$0x10] =	wrdreg s1;
	s18 =	sshrl.u32 s14, $0x3;
	s19 =	simm.s32 $0x1  }
0x1c: {  	s20 =	simm.s32 $0x4;
	s0 =	sadd.s32 s24, s23;
	s1 =	simm.s32 $0xC400  }
0x1d: {  	s10 =	simm.s32 $0x3;
	s14 =	simm.s32 $0x6;
	s17 =	simm.s32 $0xC  }
0x1e: {  	s23 =	simm.s32 $0xF;
	s24 =	simm.s32 $0x10;
	[dreg:$0x8] =	wrdreg s4  }
0x1f: {  	s6 =	sadd.s32 s15, s3;
	[dreg:$0x14] =	wrdreg s0;
	s0 =	simm.s32 $0xB400  }
0x20: {  	s15 =	simm.s32 $0x7;
	[dreg:$0x11] =	wrdreg s18;
	s26 =	sshrl.u32 s6, $0x3  }
0x21: {  	s6 =	simm.s32 $0xE400;
	[dreg:$0x13] =	wrdreg s26;
	s26 =	simm.s32 $0xD  }
.LBB2_1:
0x22: {  	[dreg:$0x15] =	wrdreg s25  }
0x23: {  	s4 =	rddreg [dreg:$0x5]  }
0x24: {  	s7 =	rddreg [dreg:$0x7]  }
0x25: {  	[spmem:s18@s20], [sflag:s7] =	dma.strided [hbm:s4@s21], $0x9E0, s19, $0x4   }
0x26: {  	s4 =	rddreg [dreg:$0x8]  }
0x27: {  	s7 =	rddreg [dreg:$0x12]  }
0x28: {  	s18 =	rddreg [dreg:$0x13]  }
0x29: {  	[spmem:s18@s20], [sflag:s7] =	dma.strided [hbm:s4@s21], $0x9C4, s19, $0x4   }
0x2a: {  	s25 =	simm.s32 $0x13;
	s18 =	simm.s32 $0x0;
	s4 =	rddreg [dreg:$0x9]  }
0x2b: {  	[tilespmem:s18], [sflag:$0x13] =	stream.linear.gather [hbm4b:s4+s18], $0x800, $0x38;
	[tilespmem:$0x1C120] =	vst v63  }
0x2c: {  	_ =	swait.ge [sflag:s25], $0x800  }
0x2d: {  	[sflag:s25] =	ssyncset.done $0x0  }
0x2e: {  	s7 =	simm.s32 $0x5200;
	s4 =	rddreg [dreg:$0xa];
	[sflag:s25] =	ssyncadd.s32 $0xFFFFF800  }
0x2f: {  	[tilespmem:s7], [sflag:$0x13] =	stream.linear.gather [hbm4b:s4+s18], $0x800, $0x38;
	[tilespmem:$0x1C120] =	vst v63  }
0x30: {  	_ =	swait.ge [sflag:s25], $0x800  }
0x31: {  	s4 =	simm.s32 @p0 $0x0;
	[sflag:s25] =	ssyncset.done $0x0  }
0x32: {  	s18 =	simm.s32 @p0 $0x800;
	s7 =	rddreg [dreg:$0xd];
	[sflag:s25] =	ssyncadd.s32 $0xFFFFF800  }
0x33: {  	[tilespmem:s18], [sflag:$0x11] =	stream.linear.gather @p0 [hbm4b:s7+s4], $0x2A00, $0x38;
	[tilespmem:$0x1C120] =	vst v63  }
0x34: {  	s18 =	simm.s32 @p0 $0x5A00;
	s7 =	rddreg [dreg:$0xe]  }
0x35: {  	[tilespmem:s18], [sflag:$0x12] =	stream.linear.gather @p0 [hbm4b:s7+s4], $0x2A00, $0x38;
	[tilespmem:$0x1C120] =	vst v63  }
0x36: {  	s18 =	simm.s32 @p0 $0x3200;
	s7 =	rddreg [dreg:$0x4]  }
0x37: {  	[tilespmem:s18], [sflag:$0x11] =	stream.linear.gather @p0 [hbm4b:s7+s4], $0x2000, $0x38;
	[tilespmem:$0x1C120] =	vst v63  }
0x38: {  	s18 =	simm.s32 @p0 $0x8400;
	s7 =	rddreg [dreg:$0xf]  }
0x39: {  	[tilespmem:s18], [sflag:$0x12] =	stream.linear.gather @p0 [hbm4b:s7+s4], $0x2000, $0x38;
	[tilespmem:$0x1C120] =	vst v63  }
0x3a: {  	s4 =	simm.s32 @!p0 $0x0;
	s18 =	simm.s32 @!p0 $0x800;
	s7 =	rddreg [dreg:$0xb]  }
0x3b: {  	[tilespmem:s18], [sflag:$0x11] =	stream.linear.gather @!p0 [hbm4b:s7+s4], $0x4A00, $0x38;
	[tilespmem:$0x1C120] =	vst v63  }
0x3c: {  	s18 =	simm.s32 @!p0 $0x5A00;
	s7 =	rddreg [dreg:$0xc]  }
0x3d: {  	[tilespmem:s18], [sflag:$0x12] =	stream.linear.gather @!p0 [hbm4b:s7+s4], $0x4A00, $0x38;
	[tilespmem:$0x1C120] =	vst v63  }
0x3e: {  	_ =	swait.ge [sflag:s28], $0x9E0  }
0x3f: {  	[sflag:s28] =	ssyncset.done $0x0  }
0x40: {  	[sflag:s28] =	ssyncadd.s32 $0xFFFFF620  }
0x41: {  	_ =	swait.ge [sflag:s29], $0x9C4  }
0x42: {  	[sflag:s29] =	ssyncset.done $0x0  }
0x43: {  	[sflag:s29] =	ssyncadd.s32 $0xFFFFF63C  }
0x44: {  	s25 =	simm.s32 $0x0;
	[bflag:$0x0] =	sbarrier.arrive $0xFFFF  }
0x45: {  	[tilespmem:s31], [sflag:$0x1] =	stream.indirect.gather [spmem:s3], $0x20, s25, s30, $0xb8;
	[tilespmem:$0x1C120] =	vst v63  }
0x46: {  	_ = 	snop  }
0x47: {  	[tilespmem:s0], [sflag:$0x2] =	stream.indirect.gather [spmem:s3], $0x20, s30, s30, $0xb8;
	[tilespmem:$0x1C120] =	vst v63  }
0x48: {  	s7 =	simm.s32 $0x100  }
0x49: {  	[tilespmem:s1], [sflag:$0x3] =	stream.indirect.gather [spmem:s3], $0x20, s7, s30, $0xb8;
	[tilespmem:$0x1C120] =	vst v63  }
0x4a: {  	s18 =	simm.s32 $0x180  }
0x4b: {  	[tilespmem:s5], [sflag:$0x4] =	stream.indirect.gather [spmem:s3], $0x20, s18, s30, $0xb8;
	[tilespmem:$0x1C120] =	vst v63  }
0x4c: {  	_ =	swait.ge [sflag:s19], $0x1000  }
0x4d: {  	[sflag:s19] =	ssyncset.done $0x0  }
0x4e: {  	s25 =	simm.s32 $0x5200;
	[sflag:s19] =	ssyncadd.s32 $0xFFFFF000  }
0x4f: {  	[spmem:s2] =	stream.indirect.scatter.add.f32 [tilespmem:s31], [sflag:$0x9], $0x20, s25, s30, $0xb8;
	[tilespmem:$0x1C120] =	vst v63  }
0x50: {  	s7 =	simm.s32 $0x200  }
0x51: {  	[tilespmem:s6], [sflag:$0x5] =	stream.indirect.gather [spmem:s3], $0x20, s7, s30, $0xb8;
	[tilespmem:$0x1C120] =	vst v63  }
0x52: {  	_ =	swait.ge [sflag:s8], $0x1000  }
0x53: {  	[sflag:s8] =	ssyncset.done $0x0  }
0x54: {  	s18 =	simm.s32 $0x5280;
	[sflag:s8] =	ssyncadd.s32 $0xFFFFF000  }
0x55: {  	[spmem:s2] =	stream.indirect.scatter.add.f32 [tilespmem:s0], [sflag:$0xA], $0x20, s18, s30, $0xb8;
	[tilespmem:$0x1C120] =	vst v63  }
0x56: {  	s25 =	simm.s32 $0x280  }
0x57: {  	[tilespmem:s9], [sflag:$0x6] =	stream.indirect.gather [spmem:s3], $0x20, s25, s30, $0xb8;
	[tilespmem:$0x1C120] =	vst v63  }
0x58: {  	_ =	swait.ge [sflag:s10], $0x1000  }
0x59: {  	[sflag:s10] =	ssyncset.done $0x0  }
0x5a: {  	s7 =	simm.s32 $0x5300;
	[sflag:s10] =	ssyncadd.s32 $0xFFFFF000  }
0x5b: {  	[spmem:s2] =	stream.indirect.scatter.add.f32 [tilespmem:s1], [sflag:$0xB], $0x20, s7, s30, $0xb8;
	[tilespmem:$0x1C120] =	vst v63  }
0x5c: {  	s18 =	simm.s32 $0x300  }
0x5d: {  	[tilespmem:s11], [sflag:$0x7] =	stream.indirect.gather [spmem:s3], $0x20, s18, s30, $0xb8;
	[tilespmem:$0x1C120] =	vst v63  }
0x5e: {  	_ =	swait.ge [sflag:s20], $0x1000  }
0x5f: {  	[sflag:s20] =	ssyncset.done $0x0  }
0x60: {  	s25 =	simm.s32 $0x5380;
	[sflag:s20] =	ssyncadd.s32 $0xFFFFF000  }
0x61: {  	[spmem:s2] =	stream.indirect.scatter.add.f32 [tilespmem:s5], [sflag:$0xC], $0x20, s25, s30, $0xb8;
	[tilespmem:$0x1C120] =	vst v63  }
0x62: {  	s7 =	simm.s32 $0x380  }
0x63: {  	[tilespmem:s12], [sflag:$0x8] =	stream.indirect.gather [spmem:s3], $0x20, s7, s30, $0xb8;
	[tilespmem:$0x1C120] =	vst v63  }
0x64: {  	_ =	swait.ge [sflag:s13], $0x1000  }
0x65: {  	[sflag:s13] =	ssyncset.done $0x0  }
0x66: {  	s18 =	simm.s32 $0x5400;
	[sflag:s13] =	ssyncadd.s32 $0xFFFFF000  }
0x67: {  	[spmem:s2] =	stream.indirect.scatter.add.f32 [tilespmem:s6], [sflag:$0xD], $0x20, s18, s30, $0xb8;
	[tilespmem:$0x1C120] =	vst v63  }
0x68: {  	_ =	swait.ge [sflag:s28], $0x1000  }
0x69: {  	[sflag:s28] =	ssyncset.done $0x0  }
0x6a: {  	s25 =	simm.s32 $0x400;
	[sflag:s28] =	ssyncadd.s32 $0xFFFFF000  }
0x6b: {  	[tilespmem:s31], [sflag:$0x1] =	stream.indirect.gather [spmem:s3], $0x20, s25, s30, $0xb8;
	[tilespmem:$0x1C120] =	vst v63  }
0x6c: {  	_ =	swait.ge [sflag:s14], $0x1000  }
0x6d: {  	[sflag:s14] =	ssyncset.done $0x0  }
0x6e: {  	s7 =	simm.s32 $0x5480;
	[sflag:s14] =	ssyncadd.s32 $0xFFFFF000  }
0x6f: {  	[spmem:s2] =	stream.indirect.scatter.add.f32 [tilespmem:s9], [sflag:$0xE], $0x20, s7, s30, $0xb8;
	[tilespmem:$0x1C120] =	vst v63  }
0x70: {  	_ =	swait.ge [sflag:s29], $0x1000  }
0x71: {  	[sflag:s29] =	ssyncset.done $0x0  }
0x72: {  	s18 =	simm.s32 $0x480;
	[sflag:s29] =	ssyncadd.s32 $0xFFFFF000  }
0x73: {  	[tilespmem:s0], [sflag:$0x2] =	stream.indirect.gather [spmem:s3], $0x20, s18, s30, $0xb8;
	[tilespmem:$0x1C120] =	vst v63  }
0x74: {  	_ =	swait.ge [sflag:s15], $0x1000  }
0x75: {  	[sflag:s15] =	ssyncset.done $0x0  }
0x76: {  	s25 =	simm.s32 $0x5500;
	[sflag:s15] =	ssyncadd.s32 $0xFFFFF000  }
0x77: {  	[spmem:s2] =	stream.indirect.scatter.add.f32 [tilespmem:s11], [sflag:$0xF], $0x20, s25, s30, $0xb8;
	[tilespmem:$0x1C120] =	vst v63  }
0x78: {  	_ =	swait.ge [sflag:s16], $0x1000  }
0x79: {  	[sflag:s16] =	ssyncset.done $0x0  }
0x7a: {  	s7 =	simm.s32 $0x500;
	[sflag:s16] =	ssyncadd.s32 $0xFFFFF000  }
0x7b: {  	[tilespmem:s1], [sflag:$0x3] =	stream.indirect.gather [spmem:s3], $0x20, s7, s30, $0xb8;
	[tilespmem:$0x1C120] =	vst v63  }
0x7c: {  	_ =	swait.ge [sflag:s21], $0x1000  }
0x7d: {  	[sflag:s21] =	ssyncset.done $0x0  }
0x7e: {  	s18 =	simm.s32 $0x5580;
	[sflag:s21] =	ssyncadd.s32 $0xFFFFF000  }
0x7f: {  	[spmem:s2] =	stream.indirect.scatter.add.f32 [tilespmem:s12], [sflag:$0x10], $0x20, s18, s30, $0xb8;
	[tilespmem:$0x1C120] =	vst v63  }
0x80: {  	_ =	swait.ge [sflag:s17], $0x1000  }
0x81: {  	[sflag:s17] =	ssyncset.done $0x0  }
0x82: {  	s4 =	simm.s32 @p0 $0x11;
	s25 =	simm.s32 $0x580;
	[sflag:s17] =	ssyncadd.s32 $0xFFFFF000  }
0x83: {  	[tilespmem:s5], [sflag:$0x4] =	stream.indirect.gather [spmem:s3], $0x20, s25, s30, $0xb8;
	[tilespmem:$0x1C120] =	vst v63  }
0x84: {  	_ =	swait.ge @p0 [sflag:s4], $0x2A00  }
0x85: {  	[sflag:s4] =	ssyncset.done @p0 $0x0  }
0x86: {  	s18 =	simm.s32 @p0 $0x12;
	[sflag:s4] =	ssyncadd.s32 @p0 $0xFFFFD600  }
0x87: {  	_ =	swait.ge @p0 [sflag:s18], $0x2A00  }
0x88: {  	[sflag:s18] =	ssyncset.done @p0 $0x0  }
0x89: {  	[sflag:s18] =	ssyncadd.s32 @p0 $0xFFFFD600  }
0x8a: {  	_ =	swait.ge @p0 [sflag:s4], $0x2000  }
0x8b: {  	[sflag:s4] =	ssyncset.done @p0 $0x0  }
0x8c: {  	[sflag:s4] =	ssyncadd.s32 @p0 $0xFFFFE000  }
0x8d: {  	_ =	swait.ge @p0 [sflag:s18], $0x2000  }
0x8e: {  	[sflag:s18] =	ssyncset.done @p0 $0x0  }
0x8f: {  	s4 =	simm.s32 @!p0 $0x11;
	[sflag:s18] =	ssyncadd.s32 @p0 $0xFFFFE000  }
0x90: {  	_ =	swait.ge @!p0 [sflag:s4], $0x4A00  }
0x91: {  	[sflag:s4] =	ssyncset.done @!p0 $0x0  }
0x92: {  	[sflag:s4] =	ssyncadd.s32 @!p0 $0xFFFFB600;
	s4 =	simm.s32 @!p0 $0x12  }
0x93: {  	_ =	swait.ge @!p0 [sflag:s4], $0x4A00  }
0x94: {  	[sflag:s4] =	ssyncset.done @!p0 $0x0  }
0x95: {  	[sflag:s4] =	ssyncadd.s32 @!p0 $0xFFFFB600  }
0x96: {  	_ =	swait.ge [sflag:s19], $0x1000  }
0x97: {  	[sflag:s19] =	ssyncset.done $0x0  }
0x98: {  	s7 =	simm.s32 $0x5600;
	[sflag:s19] =	ssyncadd.s32 $0xFFFFF000  }
0x99: {  	[spmem:s2] =	stream.indirect.scatter.add.f32 [tilespmem:s31], [sflag:$0x9], $0x20, s7, s30, $0xb8;
	[tilespmem:$0x1C120] =	vst v63  }
0x9a: {  	_ =	swait.ge [sflag:s26], $0x1000  }
0x9b: {  	[sflag:s26] =	ssyncset.done $0x0  }
0x9c: {  	s18 =	simm.s32 $0x600;
	[sflag:s26] =	ssyncadd.s32 $0xFFFFF000  }
0x9d: {  	[tilespmem:s6], [sflag:$0x5] =	stream.indirect.gather [spmem:s3], $0x20, s18, s30, $0xb8;
	[tilespmem:$0x1C120] =	vst v63  }
0x9e: {  	_ =	swait.ge [sflag:s8], $0x1000  }
0x9f: {  	[sflag:s8] =	ssyncset.done $0x0  }
0xa0: {  	s25 =	simm.s32 $0x5680;
	[sflag:s8] =	ssyncadd.s32 $0xFFFFF000  }
0xa1: {  	[spmem:s2] =	stream.indirect.scatter.add.f32 [tilespmem:s0], [sflag:$0xA], $0x20, s25, s30, $0xb8;
	[tilespmem:$0x1C120] =	vst v63  }
0xa2: {  	_ =	swait.ge [sflag:s22], $0x1000  }
0xa3: {  	[sflag:s22] =	ssyncset.done $0x0  }
0xa4: {  	s7 =	simm.s32 $0x680;
	[sflag:s22] =	ssyncadd.s32 $0xFFFFF000  }
0xa5: {  	[tilespmem:s9], [sflag:$0x6] =	stream.indirect.gather [spmem:s3], $0x20, s7, s30, $0xb8;
	[tilespmem:$0x1C120] =	vst v63  }
0xa6: {  	_ =	swait.ge [sflag:s10], $0x1000  }
0xa7: {  	[sflag:s10] =	ssyncset.done $0x0  }
0xa8: {  	s18 =	simm.s32 $0x5700;
	[sflag:s10] =	ssyncadd.s32 $0xFFFFF000  }
0xa9: {  	[spmem:s2] =	stream.indirect.scatter.add.f32 [tilespmem:s1], [sflag:$0xB], $0x20, s18, s30, $0xb8;
	[tilespmem:$0x1C120] =	vst v63  }
0xaa: {  	_ =	swait.ge [sflag:s23], $0x1000  }
0xab: {  	[sflag:s23] =	ssyncset.done $0x0  }
0xac: {  	s25 =	simm.s32 $0x700;
	[sflag:s23] =	ssyncadd.s32 $0xFFFFF000  }
0xad: {  	[tilespmem:s11], [sflag:$0x7] =	stream.indirect.gather [spmem:s3], $0x20, s25, s30, $0xb8;
	[tilespmem:$0x1C120] =	vst v63  }
0xae: {  	_ =	swait.ge [sflag:s20], $0x1000  }
0xaf: {  	[sflag:s20] =	ssyncset.done $0x0  }
0xb0: {  	s7 =	simm.s32 $0x5780;
	[sflag:s20] =	ssyncadd.s32 $0xFFFFF000  }
0xb1: {  	[spmem:s2] =	stream.indirect.scatter.add.f32 [tilespmem:s5], [sflag:$0xC], $0x20, s7, s30, $0xb8;
	[tilespmem:$0x1C120] =	vst v63  }
0xb2: {  	_ =	swait.ge [sflag:s24], $0x1000  }
0xb3: {  	[sflag:s24] =	ssyncset.done $0x0  }
0xb4: {  	s18 =	simm.s32 $0x780;
	[sflag:s24] =	ssyncadd.s32 $0xFFFFF000  }
0xb5: {  	[tilespmem:s12], [sflag:$0x8] =	stream.indirect.gather [spmem:s3], $0x20, s18, s30, $0xb8;
	[tilespmem:$0x1C120] =	vst v63  }
0xb6: {  	_ =	swait.ge [sflag:s13], $0x1000  }
0xb7: {  	[sflag:s13] =	ssyncset.done $0x0  }
0xb8: {  	s25 =	simm.s32 $0x5800;
	[sflag:s13] =	ssyncadd.s32 $0xFFFFF000  }
0xb9: {  	[spmem:s2] =	stream.indirect.scatter.add.f32 [tilespmem:s6], [sflag:$0xD], $0x20, s25, s30, $0xb8;
	[tilespmem:$0x1C120] =	vst v63  }
0xba: {  	_ =	swait.ge [sflag:s28], $0x1000  }
0xbb: {  	[sflag:s28] =	ssyncset.done $0x0  }
0xbc: {  	s7 =	simm.s32 $0x800;
	[sflag:s28] =	ssyncadd.s32 $0xFFFFF000  }
0xbd: {  	[tilespmem:s31], [sflag:$0x1] =	stream.indirect.gather [spmem:s3], $0x20, s7, s30, $0xb8;
	[tilespmem:$0x1C120] =	vst v63  }
0xbe: {  	_ =	swait.ge [sflag:s14], $0x1000  }
0xbf: {  	[sflag:s14] =	ssyncset.done $0x0  }
0xc0: {  	s18 =	simm.s32 $0x5880;
	[sflag:s14] =	ssyncadd.s32 $0xFFFFF000  }
0xc1: {  	[spmem:s2] =	stream.indirect.scatter.add.f32 [tilespmem:s9], [sflag:$0xE], $0x20, s18, s30, $0xb8;
	[tilespmem:$0x1C120] =	vst v63  }
0xc2: {  	_ =	swait.ge [sflag:s29], $0x1000  }
0xc3: {  	[sflag:s29] =	ssyncset.done $0x0  }
0xc4: {  	s25 =	simm.s32 $0x880;
	[sflag:s29] =	ssyncadd.s32 $0xFFFFF000  }
0xc5: {  	[tilespmem:s0], [sflag:$0x2] =	stream.indirect.gather [spmem:s3], $0x20, s25, s30, $0xb8;
	[tilespmem:$0x1C120] =	vst v63  }
0xc6: {  	_ =	swait.ge [sflag:s15], $0x1000  }
0xc7: {  	[sflag:s15] =	ssyncset.done $0x0  }
0xc8: {  	s7 =	simm.s32 $0x5900;
	[sflag:s15] =	ssyncadd.s32 $0xFFFFF000  }
0xc9: {  	[spmem:s2] =	stream.indirect.scatter.add.f32 [tilespmem:s11], [sflag:$0xF], $0x20, s7, s30, $0xb8;
	[tilespmem:$0x1C120] =	vst v63  }
0xca: {  	_ =	swait.ge [sflag:s16], $0x1000  }
0xcb: {  	[sflag:s16] =	ssyncset.done $0x0  }
0xcc: {  	s18 =	simm.s32 $0x900;
	[sflag:s16] =	ssyncadd.s32 $0xFFFFF000  }
0xcd: {  	[tilespmem:s1], [sflag:$0x3] =	stream.indirect.gather [spmem:s3], $0x20, s18, s30, $0xb8;
	[tilespmem:$0x1C120] =	vst v63  }
0xce: {  	_ =	swait.ge [sflag:s21], $0x1000  }
0xcf: {  	[sflag:s21] =	ssyncset.done $0x0  }
0xd0: {  	s25 =	simm.s32 $0x5980;
	[sflag:s21] =	ssyncadd.s32 $0xFFFFF000  }
0xd1: {  	[spmem:s2] =	stream.indirect.scatter.add.f32 [tilespmem:s12], [sflag:$0x10], $0x20, s25, s30, $0xb8;
	[tilespmem:$0x1C120] =	vst v63  }
0xd2: {  	_ =	swait.ge [sflag:s17], $0x1000  }
0xd3: {  	[sflag:s17] =	ssyncset.done $0x0  }
0xd4: {  	s4 =	simm.s32 $0x1000;
	s18 =	simm.s32 $0x980;
	[sflag:s17] =	ssyncadd.s32 $0xFFFFF000  }
.LBB2_2:
0xd5: {  	[tilespmem:s5], [sflag:$0x4] =	stream.indirect.gather [spmem:s3], $0x20, s18, s30, $0xb8;
	[tilespmem:$0x1C120] =	vst v63  }
0xd6: {  	s18 =	smov.u32 s4  }
0xd7: {  	p1 =	sne.s32 s4, $0x12000;
	s4 =	sadd.s32 $0x1000, s4;
	_ =	swait.ge [sflag:s19], $0x1000  }
0xd8: {  	s18 =	sshra.s32 s18, $0x2;
	[sflag:s19] =	ssyncset.done $0x0  }
0xd9: {  	s25 =	sadd.s32 $0x5600, s18;
	[sflag:s19] =	ssyncadd.s32 $0xFFFFF000  }
0xda: {  	[spmem:s2] =	stream.indirect.scatter.add.f32 [tilespmem:s31], [sflag:$0x9], $0x20, s25, s30, $0xb8;
	[tilespmem:$0x1C120] =	vst v63  }
0xdb: {  	_ =	swait.ge [sflag:s26], $0x1000  }
0xdc: {  	[sflag:s26] =	ssyncset.done $0x0  }
0xdd: {  	s25 =	sadd.s32 $0x600, s18;
	[sflag:s26] =	ssyncadd.s32 $0xFFFFF000  }
0xde: {  	[tilespmem:s6], [sflag:$0x5] =	stream.indirect.gather [spmem:s3], $0x20, s25, s30, $0xb8;
	[tilespmem:$0x1C120] =	vst v63  }
0xdf: {  	_ =	swait.ge [sflag:s8], $0x1000  }
0xe0: {  	[sflag:s8] =	ssyncset.done $0x0  }
0xe1: {  	s25 =	sadd.s32 $0x5680, s18;
	[sflag:s8] =	ssyncadd.s32 $0xFFFFF000  }
0xe2: {  	[spmem:s2] =	stream.indirect.scatter.add.f32 [tilespmem:s0], [sflag:$0xA], $0x20, s25, s30, $0xb8;
	[tilespmem:$0x1C120] =	vst v63  }
0xe3: {  	_ =	swait.ge [sflag:s22], $0x1000  }
0xe4: {  	[sflag:s22] =	ssyncset.done $0x0  }
0xe5: {  	s25 =	sadd.s32 $0x680, s18;
	[sflag:s22] =	ssyncadd.s32 $0xFFFFF000  }
0xe6: {  	[tilespmem:s9], [sflag:$0x6] =	stream.indirect.gather [spmem:s3], $0x20, s25, s30, $0xb8;
	[tilespmem:$0x1C120] =	vst v63  }
0xe7: {  	_ =	swait.ge [sflag:s10], $0x1000  }
0xe8: {  	[sflag:s10] =	ssyncset.done $0x0  }
0xe9: {  	s25 =	sadd.s32 $0x5700, s18;
	[sflag:s10] =	ssyncadd.s32 $0xFFFFF000  }
0xea: {  	[spmem:s2] =	stream.indirect.scatter.add.f32 [tilespmem:s1], [sflag:$0xB], $0x20, s25, s30, $0xb8;
	[tilespmem:$0x1C120] =	vst v63  }
0xeb: {  	_ =	swait.ge [sflag:s23], $0x1000  }
0xec: {  	[sflag:s23] =	ssyncset.done $0x0  }
0xed: {  	s25 =	sadd.s32 $0x700, s18;
	[sflag:s23] =	ssyncadd.s32 $0xFFFFF000  }
0xee: {  	[tilespmem:s11], [sflag:$0x7] =	stream.indirect.gather [spmem:s3], $0x20, s25, s30, $0xb8;
	[tilespmem:$0x1C120] =	vst v63  }
0xef: {  	_ =	swait.ge [sflag:s20], $0x1000  }
0xf0: {  	[sflag:s20] =	ssyncset.done $0x0  }
0xf1: {  	s25 =	sadd.s32 $0x5780, s18;
	[sflag:s20] =	ssyncadd.s32 $0xFFFFF000  }
0xf2: {  	[spmem:s2] =	stream.indirect.scatter.add.f32 [tilespmem:s5], [sflag:$0xC], $0x20, s25, s30, $0xb8;
	[tilespmem:$0x1C120] =	vst v63  }
0xf3: {  	_ =	swait.ge [sflag:s24], $0x1000  }
0xf4: {  	[sflag:s24] =	ssyncset.done $0x0  }
0xf5: {  	s25 =	sadd.s32 $0x780, s18;
	[sflag:s24] =	ssyncadd.s32 $0xFFFFF000  }
0xf6: {  	[tilespmem:s12], [sflag:$0x8] =	stream.indirect.gather [spmem:s3], $0x20, s25, s30, $0xb8;
	[tilespmem:$0x1C120] =	vst v63  }
0xf7: {  	_ =	swait.ge [sflag:s13], $0x1000  }
0xf8: {  	[sflag:s13] =	ssyncset.done $0x0  }
0xf9: {  	s25 =	sadd.s32 $0x5800, s18;
	[sflag:s13] =	ssyncadd.s32 $0xFFFFF000  }
0xfa: {  	[spmem:s2] =	stream.indirect.scatter.add.f32 [tilespmem:s6], [sflag:$0xD], $0x20, s25, s30, $0xb8;
	[tilespmem:$0x1C120] =	vst v63  }
0xfb: {  	_ =	swait.ge [sflag:s28], $0x1000  }
0xfc: {  	[sflag:s28] =	ssyncset.done $0x0  }
0xfd: {  	s25 =	sadd.s32 $0x800, s18;
	[sflag:s28] =	ssyncadd.s32 $0xFFFFF000  }
0xfe: {  	[tilespmem:s31], [sflag:$0x1] =	stream.indirect.gather [spmem:s3], $0x20, s25, s30, $0xb8;
	[tilespmem:$0x1C120] =	vst v63  }
0xff: {  	_ =	swait.ge [sflag:s14], $0x1000  }
0x100: {  	[sflag:s14] =	ssyncset.done $0x0  }
0x101: {  	s25 =	sadd.s32 $0x5880, s18;
	[sflag:s14] =	ssyncadd.s32 $0xFFFFF000  }
0x102: {  	[spmem:s2] =	stream.indirect.scatter.add.f32 [tilespmem:s9], [sflag:$0xE], $0x20, s25, s30, $0xb8;
	[tilespmem:$0x1C120] =	vst v63  }
0x103: {  	_ =	swait.ge [sflag:s29], $0x1000  }
0x104: {  	[sflag:s29] =	ssyncset.done $0x0  }
0x105: {  	s25 =	sadd.s32 $0x880, s18;
	[sflag:s29] =	ssyncadd.s32 $0xFFFFF000  }
0x106: {  	[tilespmem:s0], [sflag:$0x2] =	stream.indirect.gather [spmem:s3], $0x20, s25, s30, $0xb8;
	[tilespmem:$0x1C120] =	vst v63  }
0x107: {  	_ =	swait.ge [sflag:s15], $0x1000  }
0x108: {  	[sflag:s15] =	ssyncset.done $0x0  }
0x109: {  	s25 =	sadd.s32 $0x5900, s18;
	[sflag:s15] =	ssyncadd.s32 $0xFFFFF000  }
0x10a: {  	[spmem:s2] =	stream.indirect.scatter.add.f32 [tilespmem:s11], [sflag:$0xF], $0x20, s25, s30, $0xb8;
	[tilespmem:$0x1C120] =	vst v63  }
0x10b: {  	_ =	swait.ge [sflag:s16], $0x1000  }
0x10c: {  	[sflag:s16] =	ssyncset.done $0x0  }
0x10d: {  	s25 =	sadd.s32 $0x900, s18;
	[sflag:s16] =	ssyncadd.s32 $0xFFFFF000  }
0x10e: {  	[tilespmem:s1], [sflag:$0x3] =	stream.indirect.gather [spmem:s3], $0x20, s25, s30, $0xb8;
	[tilespmem:$0x1C120] =	vst v63  }
0x10f: {  	_ =	swait.ge [sflag:s21], $0x1000  }
0x110: {  	[sflag:s21] =	ssyncset.done $0x0  }
.Ltmp0:
0x111: {  	s25 =	sadd.s32 $0x5980, s18;
	[sflag:s21] =	ssyncadd.s32 $0xFFFFF000;
	(pc) =	sbr.rel @p1 .LBB2_2-.Ltmp0, $4  }
0x112: {  	[spmem:s2] =	stream.indirect.scatter.add.f32 [tilespmem:s12], [sflag:$0x10], $0x20, s25, s30, $0xb8;
	[tilespmem:$0x1C120] =	vst v63  }
0x113: {  	_ =	swait.ge [sflag:s17], $0x1000  }
0x114: {  	[sflag:s17] =	ssyncset.done $0x0  }
0x115: {  	s18 =	sadd.s32 $0x980, s18;
	[sflag:s17] =	ssyncadd.s32 $0xFFFFF000  }
0x116: {  	[tilespmem:s5], [sflag:$0x4] =	stream.indirect.gather [spmem:s3], $0x20, s18, s30, $0xb8;
	[tilespmem:$0x1C120] =	vst v63  }
0x117: {  	_ =	swait.ge [sflag:s19], $0x1000  }
0x118: {  	[sflag:s19] =	ssyncset.done $0x0  }
0x119: {  	[sflag:s19] =	ssyncadd.s32 $0xFFFFF000  }
0x11a: {  	_ =	swait.ge [sflag:s8], $0x1000  }
0x11b: {  	[sflag:s8] =	ssyncset.done $0x0  }
0x11c: {  	[sflag:s8] =	ssyncadd.s32 $0xFFFFF000  }
0x11d: {  	_ =	swait.ge [sflag:s10], $0x1000  }
0x11e: {  	[sflag:s10] =	ssyncset.done $0x0  }
0x11f: {  	[sflag:s10] =	ssyncadd.s32 $0xFFFFF000  }
0x120: {  	_ =	swait.ge [sflag:s20], $0x1000  }
0x121: {  	[sflag:s20] =	ssyncset.done $0x0  }
0x122: {  	[sflag:s20] =	ssyncadd.s32 $0xFFFFF000  }
0x123: {  	_ =	swait.ge [sflag:s26], $0x1000  }
0x124: {  	[sflag:s26] =	ssyncset.done $0x0  }
0x125: {  	[sflag:s26] =	ssyncadd.s32 $0xFFFFF000  }
0x126: {  	_ =	swait.ge [sflag:s22], $0x1000  }
0x127: {  	[sflag:s22] =	ssyncset.done $0x0  }
0x128: {  	[sflag:s22] =	ssyncadd.s32 $0xFFFFF000  }
0x129: {  	_ =	swait.ge [sflag:s23], $0x1000  }
0x12a: {  	[sflag:s23] =	ssyncset.done $0x0  }
0x12b: {  	[sflag:s23] =	ssyncadd.s32 $0xFFFFF000  }
0x12c: {  	_ =	swait.ge [sflag:s24], $0x1000  }
0x12d: {  	[sflag:s24] =	ssyncset.done $0x0  }
0x12e: {  	[sflag:s24] =	ssyncadd.s32 $0xFFFFF000  }
0x12f: {  	[bflag:$0x0] =	sbarrier.arrive $0xFFFF  }
0x130: {  	s4 =	rddreg [dreg:$0x6]  }
0x131: {  	s18 =	rddreg [dreg:$0x11]  }
0x132: {  	s7 =	rddreg [dreg:$0x14];
	s4 =	sor.u32 $0x1C13, s4  }
0x133: {  	[hbm:s7], [sflag:s4] =	dma.local [spmem:s18], $0x9E0  }
0x134: {  	s7 =	simm.s32 $0x13  }
0x135: {  	_ =	swait.ge [sflag:s7], $0x9E0  }
0x136: {  	s25 =	rddreg [dreg:$0x15]  }
0x137: {  	s4 =	rddreg [dreg:$0x10];
	s25 =	sadd.s32 $0x1, s25  }
0x138: {  	p1 =	sne.s32 s25, s4  }
.Ltmp1:
0x139: {  	_ = 	snop;
	(pc) =	sbr.rel @p1 .LBB2_1-.Ltmp1, $3  }
0x13a: {  	_ =	sdelay $0x1  }
0x13b: {  	[sflag:s7] =	ssyncset.done $0x0  }
0x13c: {  	[sflag:s7] =	ssyncadd.s32 $0xFFFFF620  }
0x13d: {  	_ =	sfence.sel $0x180000  }
0x13e: {  	[bflag:$0x0] =	sbarrier.arrive $0xFFFF  }
0x13f: {  	_ =	strace $0x90000047  }
0x140: {  	s0 =	stileid.u32;
	[bflag:$0x2] =	sbarrier.arrive $0xFFFF  }
0x141: {  	p0 =	sne.s32 s0, $0x0;
	s0 =	rddreg [dreg:$0x3]  }
0x142: {  	s0 =	sadd.s32 @!p0 $0x100000, s0  }
0x143: {  	[sflag:s0] =	ssyncadd.tile.s32 @!p0 $0x1;
	_ =	shalt  }
.Lfunc_end2:
_tile_overlayer_lowered:
.L_overlay_start_2:
0x144: {  	(tag) =	ssettag $0x2  }
0x145: {  	s0 =	rddreg [dreg:$0x0];
	s2 =	stileid.u32  }
0x146: {  	s1 =	rddreg [dreg:$0x1];
	p0 =	sne.s32 s2, $0x0  }
0x147: {  	s3 =	rddreg [dreg:$0x2];
	[bflag:$0x3] =	sbarrier.arrive $0xFFFF;
	s2 =	simm.s32 @!p0 $0x1C13  }
0x148: {  	[timem:s3], [sflag:s2] =	dma.local @!p0 [hbm:s0], s1  }
0x149: {  	s0 =	simm.s32 @!p0 $0x13  }
0x14a: {  	_ =	swait.ge @!p0 [sflag:s0], s1  }
0x14b: {  	s1 =	ssub.s32 @!p0 $0x0, s1;
	[sflag:s0] =	ssyncset.done @!p0 $0x0  }
0x14c: {  	[sflag:s0] =	ssyncadd.s32 @!p0 s1  }
0x14d: {  	[bflag:$0x3] =	sbarrier.arrive $0xFFFF  }
0x14e: {  	_ =	shalt  }

</sc_bundles>
